<compile_context>
chip_gen: v7x
topology: tpu7x:2x2x1
jax: 0.10.2.dev20260603
libtpu: 0.0.44.dev20260713+nightly
codegen_flags: <defaults>
</compile_context>

<pallas_src>
import functools

import jax
import jax.numpy as jnp
from jax import lax
from jax.experimental import pallas as pl
from jax.experimental.pallas import tpu as pltpu
from jax.experimental.pallas import tpu_sc as plsc

_NC = 2
_NS = 16
_CH = 80
_NP = 10240
_ZR = 16
_W = 128
_PB = 125


@functools.lru_cache(maxsize=None)
def _make_sc_aggregate(e, feature_split):
    rows_per_tile = _NP // _NS
    nworkers = _NS if feature_split else _NC * _NS
    chunks_per_tile = e // _CH // nworkers
    nphases = chunks_per_tile // _PB
    assert rows_per_tile % _ZR == 0 and chunks_per_tile % _PB == 0

    mesh = plsc.VectorSubcoreMesh(
        core_axis_name="c", subcore_axis_name="s",
        num_cores=_NC, num_subcores=_NS)

    @functools.partial(
        pl.kernel,
        out_type=jax.ShapeDtypeStruct((2 * _NP, _W), jnp.float32),
        mesh=mesh,
        scratch_types=[
            pltpu.VMEM((_PB, _CH), jnp.int32),
            pltpu.VMEM((_PB, _CH), jnp.int32),
            pltpu.VMEM((_CH, _W), jnp.float32),
            pltpu.VMEM((_ZR, _W), jnp.float32),
            pltpu.VMEM_SHARED((_NP, _W), jnp.float32),
            pltpu.SemaphoreType.DMA,
        ],
    )
    def agg_kernel(h_hbm, idx_hbm, out_hbm,
                   src_v, dst_v, rows_v, zero_v, acc_sh, sem):
        c = lax.axis_index("c")
        s = lax.axis_index("s")

        def _zz(i, carry):
            zero_v[i // (_W // 16), pl.ds((i % (_W // 16)) * 16, 16)] = (
                jnp.zeros((16,), jnp.float32))
            return carry
        lax.fori_loop(0, _ZR * (_W // 16), _zz, 0)
        for k in range(rows_per_tile // _ZR):
            pltpu.sync_copy(
                zero_v,
                acc_sh.at[pl.ds(s * rows_per_tile + k * _ZR, _ZR)])

        wid = c * _NS + s
        dstb = s if feature_split else wid
        plsc.subcore_barrier()

        def _edge_chunk(j, carry):
            pltpu.async_copy(h_hbm.at[src_v.at[j]], rows_v, sem).wait()
            pltpu.sync_copy(rows_v, acc_sh.at[dst_v.at[j]], add=True)
            return carry

        for p in range(nphases):
            pltpu.sync_copy(idx_hbm.at[wid * nphases + p], src_v)
            pltpu.sync_copy(
                idx_hbm.at[32 * nphases + dstb * nphases + p], dst_v)
            lax.fori_loop(0, _PB, _edge_chunk, 0)

        plsc.subcore_barrier()
        pltpu.sync_copy(
            acc_sh.at[pl.ds(s * rows_per_tile, rows_per_tile)],
            out_hbm.at[pl.ds(c * _NP + s * rows_per_tile, rows_per_tile)])

    return agg_kernel


def _pack_idx(src_blocks, dst_blocks):
    used = jnp.concatenate([
        src_blocks.reshape(-1, _PB, _CH), dst_blocks.reshape(-1, _PB, _CH)],
        axis=0)
    nblocks = (2 * 1024 * 1024 + 128 * 1024) // (_PB * _CH) + 1
    return jnp.pad(used, ((0, nblocks - used.shape[0]), (0, 0), (0, 0)))


def _mlp_body(n, din, hdim, first, split_out,
              hin_ref, agg_ref, eps_ref, w1_ref, b1_ref, g1_ref, bt1_ref,
              w2_ref, b2_ref, g2_ref, bt2_ref, out_ref):
    one_p_eps = 1.0 + eps_ref[0, 0]
    if first:
        u = (one_p_eps * hin_ref[...]
             + agg_ref[:n, :] + agg_ref[_NP:_NP + n, :])
        z = (jnp.dot(u, w1_ref[...], preferred_element_type=jnp.float32)
             + b1_ref[...])
    else:
        hw = din // 2
        ua = one_p_eps * hin_ref[:n, :] + agg_ref[:n, :]
        ub = (one_p_eps * hin_ref[_NP:_NP + n, :]
              + agg_ref[_NP:_NP + n, :])
        w1 = w1_ref[...]
        z = (jnp.dot(ua, w1[:hw, :], preferred_element_type=jnp.float32)
             + jnp.dot(ub, w1[hw:, :], preferred_element_type=jnp.float32)
             + b1_ref[...])

    def _bn_relu(z, g_ref, bt_ref):
        m = jnp.mean(z, axis=0, keepdims=True)
        v = jnp.mean(z * z, axis=0, keepdims=True) - m * m
        return jnp.maximum(
            g_ref[...] * (z - m) * lax.rsqrt(v + 1e-5) + bt_ref[...], 0.0)

    a = _bn_relu(z, g1_ref, bt1_ref)
    z2 = (jnp.dot(a, w2_ref[...], preferred_element_type=jnp.float32)
          + b2_ref[...])
    y = _bn_relu(z2, g2_ref, bt2_ref)
    if split_out:
        out_ref[:n, :] = y[:, :hdim // 2]
        out_ref[_NP:_NP + n, :] = y[:, hdim // 2:]
    else:
        out_ref[...] = y


@functools.lru_cache(maxsize=None)
def _make_mlp(n, din, hdim, first, split_out):
    out_shape = (2 * _NP, hdim // 2) if split_out else (n, hdim)
    vmem = pl.BlockSpec(memory_space=pltpu.VMEM)
    smem = pl.BlockSpec(memory_space=pltpu.SMEM)
    return pl.pallas_call(
        functools.partial(_mlp_body, n, din, hdim, first, split_out),
        out_shape=jax.ShapeDtypeStruct(out_shape, jnp.float32),
        in_specs=[vmem, vmem, smem] + [vmem] * 8,
        out_specs=vmem,
    )


def _layer(h_split, hin, idx, e, n, din, hdim, first, split_out,
           eps, w1, b1, g1, bt1, w2, b2, g2, bt2):
    agg = _make_sc_aggregate(e, not first)(h_split, idx)
    r = lambda v: v.reshape(1, -1)
    return _make_mlp(n, din, hdim, first, split_out)(
        hin, agg, eps.reshape(1, 1), w1, r(b1), r(g1), r(bt1),
        w2, r(b2), r(g2), r(bt2))


def kernel(x, edge_index,
           l1_W1, l1_b1, l1_g1, l1_bt1, l1_W2, l1_b2, l1_g2, l1_bt2, l1_eps,
           l2_W1, l2_b1, l2_g1, l2_bt1, l2_W2, l2_b2, l2_g2, l2_bt2, l2_eps,
           l3_W1, l3_b1, l3_g1, l3_bt1, l3_W2, l3_b2, l3_g2, l3_bt2, l3_eps):
    n, d = x.shape
    e = edge_index.shape[1]
    hdim = l1_W1.shape[1]
    src = edge_index[0]
    dst = edge_index[1]
    idx_a = _pack_idx(
        src.reshape(2 * _NS, e // _CH // (2 * _NS), _CH),
        dst.reshape(2 * _NS, e // _CH // (2 * _NS), _CH))
    idx_b = _pack_idx(
        jnp.stack([src, src + _NP]).reshape(2 * _NS, e // _CH // _NS, _CH),
        dst.reshape(_NS, e // _CH // _NS, _CH))

    h1 = _layer(x, x, idx_a, e, n, d, hdim, True, True,
                l1_eps, l1_W1, l1_b1, l1_g1, l1_bt1,
                l1_W2, l1_b2, l1_g2, l1_bt2)
    h2 = _layer(h1, h1, idx_b, e, n, hdim, hdim, False, True,
                l2_eps, l2_W1, l2_b1, l2_g1, l2_bt1,
                l2_W2, l2_b2, l2_g2, l2_bt2)
    return _layer(h2, h2, idx_b, e, n, hdim, hdim, False, False,
                  l3_eps, l3_W1, l3_b1, l3_g1, l3_bt1,
                  l3_W2, l3_b2, l3_g2, l3_bt2)

# --- scband reference (transcript-rebuilt; emitter-appended) ---
"""Pipeline reference for scband-feature-model-34815004902082 (READ-ONLY COPY).

The authoritative reference and input builder live on the scoring server;
editing this copy changes nothing except your own understanding.
"""

import jax, jax.numpy as jnp
import numpy as np

N = 10000
E = 320000
D = 128
H = 256

def _bn(x, g, b):
    m = jnp.mean(x, axis=0)
    v = jnp.var(x, axis=0)
    return g * (x - m) / jnp.sqrt(v + 1e-5) + b

def _gin(x, src, dst, eps, W1, b1, g1, bt1, W2, b2, g2, bt2):
    agg = jnp.zeros_like(x).at[dst].add(x[src])
    h = (1.0 + eps) * x + agg
    h = h @ W1 + b1
    h = jax.nn.relu(_bn(h, g1, bt1))
    h = h @ W2 + b2
    h = jax.nn.relu(_bn(h, g2, bt2))
    return h

def _make_params(key):
    p = {}
    i = 0
    for li, din in [(1, D), (2, H), (3, H)]:
        s1 = 1.0 / np.sqrt(din)
        s2 = 1.0 / np.sqrt(H)
        p['l%d_W1' % li] = jax.random.uniform(jax.random.fold_in(key, i), (din, H), minval=-s1, maxval=s1, dtype=jnp.float32); i += 1
        p['l%d_b1' % li] = jax.random.uniform(jax.random.fold_in(key, i), (H,), minval=-s1, maxval=s1, dtype=jnp.float32); i += 1
        p['l%d_g1' % li] = jnp.ones((H,), dtype=jnp.float32)
        p['l%d_bt1' % li] = jnp.zeros((H,), dtype=jnp.float32)
        p['l%d_W2' % li] = jax.random.uniform(jax.random.fold_in(key, i), (H, H), minval=-s2, maxval=s2, dtype=jnp.float32); i += 1
        p['l%d_b2' % li] = jax.random.uniform(jax.random.fold_in(key, i), (H,), minval=-s2, maxval=s2, dtype=jnp.float32); i += 1
        p['l%d_g2' % li] = jnp.ones((H,), dtype=jnp.float32)
        p['l%d_bt2' % li] = jnp.zeros((H,), dtype=jnp.float32)
        p['l%d_eps' % li] = jnp.zeros((), dtype=jnp.float32)
    return p

def setup_inputs(seed: int = 0):
    key = jax.random.key(seed)
    inp = {}
    inp['x'] = jax.random.normal(jax.random.fold_in(key, 100), (N, D), dtype=jnp.float32)
    inp['edge_index'] = jax.random.randint(jax.random.fold_in(key, 101), (2, E), 0, N, dtype=jnp.int32)
    inp.update(_make_params(key))
    return inp

def reference(x, edge_index, l1_W1, l1_b1, l1_g1, l1_bt1, l1_W2, l1_b2, l1_g2, l1_bt2, l1_eps, l2_W1, l2_b1, l2_g1, l2_bt1, l2_W2, l2_b2, l2_g2, l2_bt2, l2_eps, l3_W1, l3_b1, l3_g1, l3_bt1, l3_W2, l3_b2, l3_g2, l3_bt2, l3_eps):
    src = edge_index[0]
    dst = edge_index[1]
    h = _gin(x, src, dst, l1_eps, l1_W1, l1_b1, l1_g1, l1_bt1, l1_W2, l1_b2, l1_g2, l1_bt2)
    h = _gin(h, src, dst, l2_eps, l2_W1, l2_b1, l2_g1, l2_bt1, l2_W2, l2_b2, l2_g2, l2_bt2)
    h = _gin(h, src, dst, l3_eps, l3_W1, l3_b1, l3_g1, l3_bt1, l3_W2, l3_b2, l3_g2, l3_bt2)
    return h

if __name__ == "__main__":
    import jax
    _d = setup_inputs()
    print(jax.jit(kernel)(*tuple(_d.values())))

</pallas_src>

<mosaic_0001>
#map = affine_map<(d0, d1) -> (0, 0)>
#map1 = affine_map<(d0, d1) -> (0, 0, 0)>
module attributes {stable_mosaic.version = 14 : i64} {
  func.func @agg_kernel(%arg0: i32, %arg1: i32, %arg2: memref<20480x128xf32, #tpu.memory_space<hbm>>, %arg3: memref<223x125x80xi32, #tpu.memory_space<hbm>>, %arg4: memref<20480x128xf32, #tpu.memory_space<hbm>>, %arg5: memref<125x80xi32, #tpu.memory_space<vmem>>, %arg6: memref<125x80xi32, #tpu.memory_space<vmem>>, %arg7: memref<80x128xf32, #tpu.memory_space<vmem>>, %arg8: memref<16x128xf32, #tpu.memory_space<vmem>>, %arg9: memref<10240x128xf32, #tpu.memory_space<vmem_shared>>, %arg10: memref<!tpu.dma_semaphore, #tpu.memory_space<semaphore_mem>>) attributes {dimension_semantics = [#tpu.dimension_semantics<core_parallel>, #tpu.dimension_semantics<subcore_parallel>], iteration_bounds = array<i64: 2, 16>, scalar_prefetch = 0 : i64, scratch_operands = 6 : i64, tpu.core_type = #tpu.core_type<sc_vector_subcore>, window_params = [{transform_indices = #map}, {transform_indices = #map1}, {transform_indices = #map}]} {
    %scan3A = arith.constant 0 : i32
    %scan3A_0 = arith.constant 0 : i32
    %scan3A_1 = arith.constant 128 : i32
    %scan3A_2 = arith.addi %scan3A_0, %scan3A_1 : i32
    %scan3A_3 = arith.constant 1 : i32
    scf.for %scan3A_206 = %scan3A_0 to %scan3A_2 step %scan3A_3  : i32 {
      %broadcast_in_dim3A = arith.constant 0.000000e+00 : f32
      %broadcast_in_dim3A_207 = vector.broadcast %broadcast_in_dim3A : f32 to vector<16xf32>
      %jit3A = arith.constant 8 : i32
      %div3A = arith.divsi %scan3A_206, %jit3A : i32
      %sign3A = arith.constant 0 : i32
      %sign3A_208 = arith.cmpi sgt, %scan3A_206, %sign3A : i32
      %sign3A_209 = arith.extui %sign3A_208 : i1 to i32
      %sign3A_210 = arith.constant 0 : i32
      %sign3A_211 = arith.cmpi slt, %scan3A_206, %sign3A_210 : i32
      %sign3A_212 = arith.extui %sign3A_211 : i1 to i32
      %sign3A_213 = arith.subi %sign3A_209, %sign3A_212 : i32
      %sign3A_214 = arith.constant 0 : i32
      %sign3A_215 = arith.cmpi sgt, %jit3A, %sign3A_214 : i32
      %sign3A_216 = arith.extui %sign3A_215 : i1 to i32
      %sign3A_217 = arith.constant 0 : i32
      %sign3A_218 = arith.cmpi slt, %jit3A, %sign3A_217 : i32
      %sign3A_219 = arith.extui %sign3A_218 : i1 to i32
      %sign3A_220 = arith.subi %sign3A_216, %sign3A_219 : i32
      %ne3A = arith.cmpi ne, %sign3A_213, %sign3A_220 : i32
      %rem3A = arith.remsi %scan3A_206, %jit3A : i32
      %ne3A_221 = arith.constant 0 : i32
      %ne3A_222 = arith.cmpi ne, %rem3A, %ne3A_221 : i32
      %and3A = arith.andi %ne3A, %ne3A_222 : i1
      %sub3A = arith.constant 1 : i32
      %sub3A_223 = arith.subi %div3A, %sub3A : i32
      %select_n3A = arith.select %and3A, %sub3A_223, %div3A : i32
      %jit3A_224 = arith.constant 8 : i32
      %eq3A = arith.constant 0 : i32
      %eq3A_225 = arith.cmpi eq, %jit3A_224, %eq3A : i32
      %jit3A_226 = arith.constant 1 : i32
      %select_n3A_227 = arith.select %eq3A_225, %jit3A_226, %jit3A_224 : i32
      %rem3A_228 = arith.remsi %scan3A_206, %select_n3A_227 : i32
      %ne3A_229 = arith.constant 0 : i32
      %ne3A_230 = arith.cmpi ne, %rem3A_228, %ne3A_229 : i32
      %lt3A = arith.constant 0 : i32
      %lt3A_231 = arith.cmpi slt, %rem3A_228, %lt3A : i32
      %lt3A_232 = arith.constant 0 : i32
      %lt3A_233 = arith.cmpi slt, %select_n3A_227, %lt3A_232 : i32
      %ne3A_234 = arith.xori %lt3A_231, %lt3A_233 : i1
      %and3A_235 = arith.andi %ne3A_234, %ne3A_230 : i1
      %add3A_236 = arith.addi %rem3A_228, %select_n3A_227 : i32
      %select_n3A_237 = arith.select %and3A_235, %add3A_236, %rem3A_228 : i32
      %mul3A_238 = arith.constant 16 : i32
      %mul3A_239 = arith.muli %select_n3A_237, %mul3A_238 : i32
      %swap3A = arith.index_cast %select_n3A : i32 to index
      %swap3A_240 = arith.index_cast %mul3A_239 : i32 to index
      %swap3A_241 = tpu.vector_load %arg8[%swap3A, %swap3A_240] {strides = array<i32>} : memref<16x128xf32, #tpu.memory_space<vmem>>, vector<1x16xf32>,
      %swap3A_242 = vector.shape_cast %swap3A_241 : vector<1x16xf32> to vector<16xf32>
      %swap3A_243 = vector.shape_cast %broadcast_in_dim3A_207 : vector<16xf32> to vector<1x16xf32>
      tpu.vector_store %arg8[%swap3A, %swap3A_240], %swap3A_243 {strides = array<i32>} : memref<16x128xf32, #tpu.memory_space<vmem>>, vector<1x16xf32>,
    }
    %scan3A_4 = arith.constant 128 : i32
    %mul3A = arith.constant 640 : i32
    %mul3A_5 = arith.muli %arg1, %mul3A : i32
    %add3A = arith.constant 0 : i32
    %add3A_6 = arith.addi %mul3A_5, %add3A : i32
    "tpu.region"() ({
      %run_scoped3A = tpu.sem_alloc : memref<!tpu.dma_semaphore, #tpu.memory_space<semaphore_mem>>
      %dma_start3A = arith.constant 0 : i32
      %dma_start3A_206 = tpu.memref_slice %arg9[%add3A_6, %dma_start3A] : memref<10240x128xf32, #tpu.memory_space<vmem_shared>> -> memref<16x128xf32, #tpu.memory_space<vmem_shared>>
      %dma_start3A_207 = arith.constant 0 : i32
      %dma_start3A_208 = tpu.memref_slice %arg9[%add3A_6, %dma_start3A_207] : memref<10240x128xf32, #tpu.memory_space<vmem_shared>> -> memref<16x128xf32, #tpu.memory_space<vmem_shared>>
      tpu.enqueue_dma source(%arg8 : memref<16x128xf32, #tpu.memory_space<vmem>>) target(%dma_start3A_208 : memref<16x128xf32, #tpu.memory_space<vmem_shared>>) target_semaphore(%run_scoped3A : memref<!tpu.dma_semaphore, #tpu.memory_space<semaphore_mem>>)
      %dma_wait3A = arith.constant 0 : i32
      %dma_wait3A_209 = tpu.memref_slice %arg9[%add3A_6, %dma_wait3A] : memref<10240x128xf32, #tpu.memory_space<vmem_shared>> -> memref<16x128xf32, #tpu.memory_space<vmem_shared>>
      %dma_wait3A_210 = arith.constant 0 : i32
      %dma_wait3A_211 = tpu.memref_slice %arg9[%add3A_6, %dma_wait3A_210] : memref<10240x128xf32, #tpu.memory_space<vmem_shared>> -> memref<16x128xf32, #tpu.memory_space<vmem_shared>>
      tpu.wait_dma2 semaphore(%run_scoped3A : memref<!tpu.dma_semaphore, #tpu.memory_space<semaphore_mem>>) src(%arg8 : memref<16x128xf32, #tpu.memory_space<vmem>>) dst(%dma_wait3A_211 : memref<16x128xf32, #tpu.memory_space<vmem_shared>>)
      tpu.yield
    }) : () -> ()
    %mul3A_7 = arith.constant 640 : i32
    %mul3A_8 = arith.muli %arg1, %mul3A_7 : i32
    %add3A_9 = arith.constant 16 : i32
    %add3A_10 = arith.addi %mul3A_8, %add3A_9 : i32
    "tpu.region"() ({
      %run_scoped3A = tpu.sem_alloc : memref<!tpu.dma_semaphore, #tpu.memory_space<semaphore_mem>>
      %dma_start3A = arith.constant 0 : i32
      %dma_start3A_206 = tpu.memref_slice %arg9[%add3A_10, %dma_start3A] : memref<10240x128xf32, #tpu.memory_space<vmem_shared>> -> memref<16x128xf32, #tpu.memory_space<vmem_shared>>
      %dma_start3A_207 = arith.constant 0 : i32
      %dma_start3A_208 = tpu.memref_slice %arg9[%add3A_10, %dma_start3A_207] : memref<10240x128xf32, #tpu.memory_space<vmem_shared>> -> memref<16x128xf32, #tpu.memory_space<vmem_shared>>
      tpu.enqueue_dma source(%arg8 : memref<16x128xf32, #tpu.memory_space<vmem>>) target(%dma_start3A_208 : memref<16x128xf32, #tpu.memory_space<vmem_shared>>) target_semaphore(%run_scoped3A : memref<!tpu.dma_semaphore, #tpu.memory_space<semaphore_mem>>)
      %dma_wait3A = arith.constant 0 : i32
      %dma_wait3A_209 = tpu.memref_slice %arg9[%add3A_10, %dma_wait3A] : memref<10240x128xf32, #tpu.memory_space<vmem_shared>> -> memref<16x128xf32, #tpu.memory_space<vmem_shared>>
      %dma_wait3A_210 = arith.constant 0 : i32
      %dma_wait3A_211 = tpu.memref_slice %arg9[%add3A_10, %dma_wait3A_210] : memref<10240x128xf32, #tpu.memory_space<vmem_shared>> -> memref<16x128xf32, #tpu.memory_space<vmem_shared>>
      tpu.wait_dma2 semaphore(%run_scoped3A : memref<!tpu.dma_semaphore, #tpu.memory_space<semaphore_mem>>) src(%arg8 : memref<16x128xf32, #tpu.memory_space<vmem>>) dst(%dma_wait3A_211 : memref<16x128xf32, #tpu.memory_space<vmem_shared>>)
      tpu.yield
    }) : () -> ()
    %mul3A_11 = arith.constant 640 : i32
    %mul3A_12 = arith.muli %arg1, %mul3A_11 : i32
    %add3A_13 = arith.constant 32 : i32
    %add3A_14 = arith.addi %mul3A_12, %add3A_13 : i32
    "tpu.region"() ({
      %run_scoped3A = tpu.sem_alloc : memref<!tpu.dma_semaphore, #tpu.memory_space<semaphore_mem>>
      %dma_start3A = arith.constant 0 : i32
      %dma_start3A_206 = tpu.memref_slice %arg9[%add3A_14, %dma_start3A] : memref<10240x128xf32, #tpu.memory_space<vmem_shared>> -> memref<16x128xf32, #tpu.memory_space<vmem_shared>>
      %dma_start3A_207 = arith.constant 0 : i32
      %dma_start3A_208 = tpu.memref_slice %arg9[%add3A_14, %dma_start3A_207] : memref<10240x128xf32, #tpu.memory_space<vmem_shared>> -> memref<16x128xf32, #tpu.memory_space<vmem_shared>>
      tpu.enqueue_dma source(%arg8 : memref<16x128xf32, #tpu.memory_space<vmem>>) target(%dma_start3A_208 : memref<16x128xf32, #tpu.memory_space<vmem_shared>>) target_semaphore(%run_scoped3A : memref<!tpu.dma_semaphore, #tpu.memory_space<semaphore_mem>>)
      %dma_wait3A = arith.constant 0 : i32
      %dma_wait3A_209 = tpu.memref_slice %arg9[%add3A_14, %dma_wait3A] : memref<10240x128xf32, #tpu.memory_space<vmem_shared>> -> memref<16x128xf32, #tpu.memory_space<vmem_shared>>
      %dma_wait3A_210 = arith.constant 0 : i32
      %dma_wait3A_211 = tpu.memref_slice %arg9[%add3A_14, %dma_wait3A_210] : memref<10240x128xf32, #tpu.memory_space<vmem_shared>> -> memref<16x128xf32, #tpu.memory_space<vmem_shared>>
      tpu.wait_dma2 semaphore(%run_scoped3A : memref<!tpu.dma_semaphore, #tpu.memory_space<semaphore_mem>>) src(%arg8 : memref<16x128xf32, #tpu.memory_space<vmem>>) dst(%dma_wait3A_211 : memref<16x128xf32, #tpu.memory_space<vmem_shared>>)
      tpu.yield
    }) : () -> ()
    %mul3A_15 = arith.constant 640 : i32
    %mul3A_16 = arith.muli %arg1, %mul3A_15 : i32
    %add3A_17 = arith.constant 48 : i32
    %add3A_18 = arith.addi %mul3A_16, %add3A_17 : i32
    "tpu.region"() ({
      %run_scoped3A = tpu.sem_alloc : memref<!tpu.dma_semaphore, #tpu.memory_space<semaphore_mem>>
      %dma_start3A = arith.constant 0 : i32
      %dma_start3A_206 = tpu.memref_slice %arg9[%add3A_18, %dma_start3A] : memref<10240x128xf32, #tpu.memory_space<vmem_shared>> -> memref<16x128xf32, #tpu.memory_space<vmem_shared>>
      %dma_start3A_207 = arith.constant 0 : i32
      %dma_start3A_208 = tpu.memref_slice %arg9[%add3A_18, %dma_start3A_207] : memref<10240x128xf32, #tpu.memory_space<vmem_shared>> -> memref<16x128xf32, #tpu.memory_space<vmem_shared>>
      tpu.enqueue_dma source(%arg8 : memref<16x128xf32, #tpu.memory_space<vmem>>) target(%dma_start3A_208 : memref<16x128xf32, #tpu.memory_space<vmem_shared>>) target_semaphore(%run_scoped3A : memref<!tpu.dma_semaphore, #tpu.memory_space<semaphore_mem>>)
      %dma_wait3A = arith.constant 0 : i32
      %dma_wait3A_209 = tpu.memref_slice %arg9[%add3A_18, %dma_wait3A] : memref<10240x128xf32, #tpu.memory_space<vmem_shared>> -> memref<16x128xf32, #tpu.memory_space<vmem_shared>>
      %dma_wait3A_210 = arith.constant 0 : i32
      %dma_wait3A_211 = tpu.memref_slice %arg9[%add3A_18, %dma_wait3A_210] : memref<10240x128xf32, #tpu.memory_space<vmem_shared>> -> memref<16x128xf32, #tpu.memory_space<vmem_shared>>
      tpu.wait_dma2 semaphore(%run_scoped3A : memref<!tpu.dma_semaphore, #tpu.memory_space<semaphore_mem>>) src(%arg8 : memref<16x128xf32, #tpu.memory_space<vmem>>) dst(%dma_wait3A_211 : memref<16x128xf32, #tpu.memory_space<vmem_shared>>)
      tpu.yield
    }) : () -> ()
    %mul3A_19 = arith.constant 640 : i32
    %mul3A_20 = arith.muli %arg1, %mul3A_19 : i32
    %add3A_21 = arith.constant 64 : i32
    %add3A_22 = arith.addi %mul3A_20, %add3A_21 : i32
    "tpu.region"() ({
      %run_scoped3A = tpu.sem_alloc : memref<!tpu.dma_semaphore, #tpu.memory_space<semaphore_mem>>
      %dma_start3A = arith.constant 0 : i32
      %dma_start3A_206 = tpu.memref_slice %arg9[%add3A_22, %dma_start3A] : memref<10240x128xf32, #tpu.memory_space<vmem_shared>> -> memref<16x128xf32, #tpu.memory_space<vmem_shared>>
      %dma_start3A_207 = arith.constant 0 : i32
      %dma_start3A_208 = tpu.memref_slice %arg9[%add3A_22, %dma_start3A_207] : memref<10240x128xf32, #tpu.memory_space<vmem_shared>> -> memref<16x128xf32, #tpu.memory_space<vmem_shared>>
      tpu.enqueue_dma source(%arg8 : memref<16x128xf32, #tpu.memory_space<vmem>>) target(%dma_start3A_208 : memref<16x128xf32, #tpu.memory_space<vmem_shared>>) target_semaphore(%run_scoped3A : memref<!tpu.dma_semaphore, #tpu.memory_space<semaphore_mem>>)
      %dma_wait3A = arith.constant 0 : i32
      %dma_wait3A_209 = tpu.memref_slice %arg9[%add3A_22, %dma_wait3A] : memref<10240x128xf32, #tpu.memory_space<vmem_shared>> -> memref<16x128xf32, #tpu.memory_space<vmem_shared>>
      %dma_wait3A_210 = arith.constant 0 : i32
      %dma_wait3A_211 = tpu.memref_slice %arg9[%add3A_22, %dma_wait3A_210] : memref<10240x128xf32, #tpu.memory_space<vmem_shared>> -> memref<16x128xf32, #tpu.memory_space<vmem_shared>>
      tpu.wait_dma2 semaphore(%run_scoped3A : memref<!tpu.dma_semaphore, #tpu.memory_space<semaphore_mem>>) src(%arg8 : memref<16x128xf32, #tpu.memory_space<vmem>>) dst(%dma_wait3A_211 : memref<16x128xf32, #tpu.memory_space<vmem_shared>>)
      tpu.yield
    }) : () -> ()
    %mul3A_23 = arith.constant 640 : i32
    %mul3A_24 = arith.muli %arg1, %mul3A_23 : i32
    %add3A_25 = arith.constant 80 : i32
    %add3A_26 = arith.addi %mul3A_24, %add3A_25 : i32
    "tpu.region"() ({
      %run_scoped3A = tpu.sem_alloc : memref<!tpu.dma_semaphore, #tpu.memory_space<semaphore_mem>>
      %dma_start3A = arith.constant 0 : i32
      %dma_start3A_206 = tpu.memref_slice %arg9[%add3A_26, %dma_start3A] : memref<10240x128xf32, #tpu.memory_space<vmem_shared>> -> memref<16x128xf32, #tpu.memory_space<vmem_shared>>
      %dma_start3A_207 = arith.constant 0 : i32
      %dma_start3A_208 = tpu.memref_slice %arg9[%add3A_26, %dma_start3A_207] : memref<10240x128xf32, #tpu.memory_space<vmem_shared>> -> memref<16x128xf32, #tpu.memory_space<vmem_shared>>
      tpu.enqueue_dma source(%arg8 : memref<16x128xf32, #tpu.memory_space<vmem>>) target(%dma_start3A_208 : memref<16x128xf32, #tpu.memory_space<vmem_shared>>) target_semaphore(%run_scoped3A : memref<!tpu.dma_semaphore, #tpu.memory_space<semaphore_mem>>)
      %dma_wait3A = arith.constant 0 : i32
      %dma_wait3A_209 = tpu.memref_slice %arg9[%add3A_26, %dma_wait3A] : memref<10240x128xf32, #tpu.memory_space<vmem_shared>> -> memref<16x128xf32, #tpu.memory_space<vmem_shared>>
      %dma_wait3A_210 = arith.constant 0 : i32
      %dma_wait3A_211 = tpu.memref_slice %arg9[%add3A_26, %dma_wait3A_210] : memref<10240x128xf32, #tpu.memory_space<vmem_shared>> -> memref<16x128xf32, #tpu.memory_space<vmem_shared>>
      tpu.wait_dma2 semaphore(%run_scoped3A : memref<!tpu.dma_semaphore, #tpu.memory_space<semaphore_mem>>) src(%arg8 : memref<16x128xf32, #tpu.memory_space<vmem>>) dst(%dma_wait3A_211 : memref<16x128xf32, #tpu.memory_space<vmem_shared>>)
      tpu.yield
    }) : () -> ()
    %mul3A_27 = arith.constant 640 : i32
    %mul3A_28 = arith.muli %arg1, %mul3A_27 : i32
    %add3A_29 = arith.constant 96 : i32
    %add3A_30 = arith.addi %mul3A_28, %add3A_29 : i32
    "tpu.region"() ({
      %run_scoped3A = tpu.sem_alloc : memref<!tpu.dma_semaphore, #tpu.memory_space<semaphore_mem>>
      %dma_start3A = arith.constant 0 : i32
      %dma_start3A_206 = tpu.memref_slice %arg9[%add3A_30, %dma_start3A] : memref<10240x128xf32, #tpu.memory_space<vmem_shared>> -> memref<16x128xf32, #tpu.memory_space<vmem_shared>>
      %dma_start3A_207 = arith.constant 0 : i32
      %dma_start3A_208 = tpu.memref_slice %arg9[%add3A_30, %dma_start3A_207] : memref<10240x128xf32, #tpu.memory_space<vmem_shared>> -> memref<16x128xf32, #tpu.memory_space<vmem_shared>>
      tpu.enqueue_dma source(%arg8 : memref<16x128xf32, #tpu.memory_space<vmem>>) target(%dma_start3A_208 : memref<16x128xf32, #tpu.memory_space<vmem_shared>>) target_semaphore(%run_scoped3A : memref<!tpu.dma_semaphore, #tpu.memory_space<semaphore_mem>>)
      %dma_wait3A = arith.constant 0 : i32
      %dma_wait3A_209 = tpu.memref_slice %arg9[%add3A_30, %dma_wait3A] : memref<10240x128xf32, #tpu.memory_space<vmem_shared>> -> memref<16x128xf32, #tpu.memory_space<vmem_shared>>
      %dma_wait3A_210 = arith.constant 0 : i32
      %dma_wait3A_211 = tpu.memref_slice %arg9[%add3A_30, %dma_wait3A_210] : memref<10240x128xf32, #tpu.memory_space<vmem_shared>> -> memref<16x128xf32, #tpu.memory_space<vmem_shared>>
      tpu.wait_dma2 semaphore(%run_scoped3A : memref<!tpu.dma_semaphore, #tpu.memory_space<semaphore_mem>>) src(%arg8 : memref<16x128xf32, #tpu.memory_space<vmem>>) dst(%dma_wait3A_211 : memref<16x128xf32, #tpu.memory_space<vmem_shared>>)
      tpu.yield
    }) : () -> ()
    %mul3A_31 = arith.constant 640 : i32
    %mul3A_32 = arith.muli %arg1, %mul3A_31 : i32
    %add3A_33 = arith.constant 112 : i32
    %add3A_34 = arith.addi %mul3A_32, %add3A_33 : i32
    "tpu.region"() ({
      %run_scoped3A = tpu.sem_alloc : memref<!tpu.dma_semaphore, #tpu.memory_space<semaphore_mem>>
      %dma_start3A = arith.constant 0 : i32
      %dma_start3A_206 = tpu.memref_slice %arg9[%add3A_34, %dma_start3A] : memref<10240x128xf32, #tpu.memory_space<vmem_shared>> -> memref<16x128xf32, #tpu.memory_space<vmem_shared>>
      %dma_start3A_207 = arith.constant 0 : i32
      %dma_start3A_208 = tpu.memref_slice %arg9[%add3A_34, %dma_start3A_207] : memref<10240x128xf32, #tpu.memory_space<vmem_shared>> -> memref<16x128xf32, #tpu.memory_space<vmem_shared>>
      tpu.enqueue_dma source(%arg8 : memref<16x128xf32, #tpu.memory_space<vmem>>) target(%dma_start3A_208 : memref<16x128xf32, #tpu.memory_space<vmem_shared>>) target_semaphore(%run_scoped3A : memref<!tpu.dma_semaphore, #tpu.memory_space<semaphore_mem>>)
      %dma_wait3A = arith.constant 0 : i32
      %dma_wait3A_209 = tpu.memref_slice %arg9[%add3A_34, %dma_wait3A] : memref<10240x128xf32, #tpu.memory_space<vmem_shared>> -> memref<16x128xf32, #tpu.memory_space<vmem_shared>>
      %dma_wait3A_210 = arith.constant 0 : i32
      %dma_wait3A_211 = tpu.memref_slice %arg9[%add3A_34, %dma_wait3A_210] : memref<10240x128xf32, #tpu.memory_space<vmem_shared>> -> memref<16x128xf32, #tpu.memory_space<vmem_shared>>
      tpu.wait_dma2 semaphore(%run_scoped3A : memref<!tpu.dma_semaphore, #tpu.memory_space<semaphore_mem>>) src(%arg8 : memref<16x128xf32, #tpu.memory_space<vmem>>) dst(%dma_wait3A_211 : memref<16x128xf32, #tpu.memory_space<vmem_shared>>)
      tpu.yield
    }) : () -> ()
    %mul3A_35 = arith.constant 640 : i32
    %mul3A_36 = arith.muli %arg1, %mul3A_35 : i32
    %add3A_37 = arith.constant 128 : i32
    %add3A_38 = arith.addi %mul3A_36, %add3A_37 : i32
    "tpu.region"() ({
      %run_scoped3A = tpu.sem_alloc : memref<!tpu.dma_semaphore, #tpu.memory_space<semaphore_mem>>
      %dma_start3A = arith.constant 0 : i32
      %dma_start3A_206 = tpu.memref_slice %arg9[%add3A_38, %dma_start3A] : memref<10240x128xf32, #tpu.memory_space<vmem_shared>> -> memref<16x128xf32, #tpu.memory_space<vmem_shared>>
      %dma_start3A_207 = arith.constant 0 : i32
      %dma_start3A_208 = tpu.memref_slice %arg9[%add3A_38, %dma_start3A_207] : memref<10240x128xf32, #tpu.memory_space<vmem_shared>> -> memref<16x128xf32, #tpu.memory_space<vmem_shared>>
      tpu.enqueue_dma source(%arg8 : memref<16x128xf32, #tpu.memory_space<vmem>>) target(%dma_start3A_208 : memref<16x128xf32, #tpu.memory_space<vmem_shared>>) target_semaphore(%run_scoped3A : memref<!tpu.dma_semaphore, #tpu.memory_space<semaphore_mem>>)
      %dma_wait3A = arith.constant 0 : i32
      %dma_wait3A_209 = tpu.memref_slice %arg9[%add3A_38, %dma_wait3A] : memref<10240x128xf32, #tpu.memory_space<vmem_shared>> -> memref<16x128xf32, #tpu.memory_space<vmem_shared>>
      %dma_wait3A_210 = arith.constant 0 : i32
      %dma_wait3A_211 = tpu.memref_slice %arg9[%add3A_38, %dma_wait3A_210] : memref<10240x128xf32, #tpu.memory_space<vmem_shared>> -> memref<16x128xf32, #tpu.memory_space<vmem_shared>>
      tpu.wait_dma2 semaphore(%run_scoped3A : memref<!tpu.dma_semaphore, #tpu.memory_space<semaphore_mem>>) src(%arg8 : memref<16x128xf32, #tpu.memory_space<vmem>>) dst(%dma_wait3A_211 : memref<16x128xf32, #tpu.memory_space<vmem_shared>>)
      tpu.yield
    }) : () -> ()
    %mul3A_39 = arith.constant 640 : i32
    %mul3A_40 = arith.muli %arg1, %mul3A_39 : i32
    %add3A_41 = arith.constant 144 : i32
    %add3A_42 = arith.addi %mul3A_40, %add3A_41 : i32
    "tpu.region"() ({
      %run_scoped3A = tpu.sem_alloc : memref<!tpu.dma_semaphore, #tpu.memory_space<semaphore_mem>>
      %dma_start3A = arith.constant 0 : i32
      %dma_start3A_206 = tpu.memref_slice %arg9[%add3A_42, %dma_start3A] : memref<10240x128xf32, #tpu.memory_space<vmem_shared>> -> memref<16x128xf32, #tpu.memory_space<vmem_shared>>
      %dma_start3A_207 = arith.constant 0 : i32
      %dma_start3A_208 = tpu.memref_slice %arg9[%add3A_42, %dma_start3A_207] : memref<10240x128xf32, #tpu.memory_space<vmem_shared>> -> memref<16x128xf32, #tpu.memory_space<vmem_shared>>
      tpu.enqueue_dma source(%arg8 : memref<16x128xf32, #tpu.memory_space<vmem>>) target(%dma_start3A_208 : memref<16x128xf32, #tpu.memory_space<vmem_shared>>) target_semaphore(%run_scoped3A : memref<!tpu.dma_semaphore, #tpu.memory_space<semaphore_mem>>)
      %dma_wait3A = arith.constant 0 : i32
      %dma_wait3A_209 = tpu.memref_slice %arg9[%add3A_42, %dma_wait3A] : memref<10240x128xf32, #tpu.memory_space<vmem_shared>> -> memref<16x128xf32, #tpu.memory_space<vmem_shared>>
      %dma_wait3A_210 = arith.constant 0 : i32
      %dma_wait3A_211 = tpu.memref_slice %arg9[%add3A_42, %dma_wait3A_210] : memref<10240x128xf32, #tpu.memory_space<vmem_shared>> -> memref<16x128xf32, #tpu.memory_space<vmem_shared>>
      tpu.wait_dma2 semaphore(%run_scoped3A : memref<!tpu.dma_semaphore, #tpu.memory_space<semaphore_mem>>) src(%arg8 : memref<16x128xf32, #tpu.memory_space<vmem>>) dst(%dma_wait3A_211 : memref<16x128xf32, #tpu.memory_space<vmem_shared>>)
      tpu.yield
    }) : () -> ()
    %mul3A_43 = arith.constant 640 : i32
    %mul3A_44 = arith.muli %arg1, %mul3A_43 : i32
    %add3A_45 = arith.constant 160 : i32
    %add3A_46 = arith.addi %mul3A_44, %add3A_45 : i32
    "tpu.region"() ({
      %run_scoped3A = tpu.sem_alloc : memref<!tpu.dma_semaphore, #tpu.memory_space<semaphore_mem>>
      %dma_start3A = arith.constant 0 : i32
      %dma_start3A_206 = tpu.memref_slice %arg9[%add3A_46, %dma_start3A] : memref<10240x128xf32, #tpu.memory_space<vmem_shared>> -> memref<16x128xf32, #tpu.memory_space<vmem_shared>>
      %dma_start3A_207 = arith.constant 0 : i32
      %dma_start3A_208 = tpu.memref_slice %arg9[%add3A_46, %dma_start3A_207] : memref<10240x128xf32, #tpu.memory_space<vmem_shared>> -> memref<16x128xf32, #tpu.memory_space<vmem_shared>>
      tpu.enqueue_dma source(%arg8 : memref<16x128xf32, #tpu.memory_space<vmem>>) target(%dma_start3A_208 : memref<16x128xf32, #tpu.memory_space<vmem_shared>>) target_semaphore(%run_scoped3A : memref<!tpu.dma_semaphore, #tpu.memory_space<semaphore_mem>>)
      %dma_wait3A = arith.constant 0 : i32
      %dma_wait3A_209 = tpu.memref_slice %arg9[%add3A_46, %dma_wait3A] : memref<10240x128xf32, #tpu.memory_space<vmem_shared>> -> memref<16x128xf32, #tpu.memory_space<vmem_shared>>
      %dma_wait3A_210 = arith.constant 0 : i32
      %dma_wait3A_211 = tpu.memref_slice %arg9[%add3A_46, %dma_wait3A_210] : memref<10240x128xf32, #tpu.memory_space<vmem_shared>> -> memref<16x128xf32, #tpu.memory_space<vmem_shared>>
      tpu.wait_dma2 semaphore(%run_scoped3A : memref<!tpu.dma_semaphore, #tpu.memory_space<semaphore_mem>>) src(%arg8 : memref<16x128xf32, #tpu.memory_space<vmem>>) dst(%dma_wait3A_211 : memref<16x128xf32, #tpu.memory_space<vmem_shared>>)
      tpu.yield
    }) : () -> ()
    %mul3A_47 = arith.constant 640 : i32
    %mul3A_48 = arith.muli %arg1, %mul3A_47 : i32
    %add3A_49 = arith.constant 176 : i32
    %add3A_50 = arith.addi %mul3A_48, %add3A_49 : i32
    "tpu.region"() ({
      %run_scoped3A = tpu.sem_alloc : memref<!tpu.dma_semaphore, #tpu.memory_space<semaphore_mem>>
      %dma_start3A = arith.constant 0 : i32
      %dma_start3A_206 = tpu.memref_slice %arg9[%add3A_50, %dma_start3A] : memref<10240x128xf32, #tpu.memory_space<vmem_shared>> -> memref<16x128xf32, #tpu.memory_space<vmem_shared>>
      %dma_start3A_207 = arith.constant 0 : i32
      %dma_start3A_208 = tpu.memref_slice %arg9[%add3A_50, %dma_start3A_207] : memref<10240x128xf32, #tpu.memory_space<vmem_shared>> -> memref<16x128xf32, #tpu.memory_space<vmem_shared>>
      tpu.enqueue_dma source(%arg8 : memref<16x128xf32, #tpu.memory_space<vmem>>) target(%dma_start3A_208 : memref<16x128xf32, #tpu.memory_space<vmem_shared>>) target_semaphore(%run_scoped3A : memref<!tpu.dma_semaphore, #tpu.memory_space<semaphore_mem>>)
      %dma_wait3A = arith.constant 0 : i32
      %dma_wait3A_209 = tpu.memref_slice %arg9[%add3A_50, %dma_wait3A] : memref<10240x128xf32, #tpu.memory_space<vmem_shared>> -> memref<16x128xf32, #tpu.memory_space<vmem_shared>>
      %dma_wait3A_210 = arith.constant 0 : i32
      %dma_wait3A_211 = tpu.memref_slice %arg9[%add3A_50, %dma_wait3A_210] : memref<10240x128xf32, #tpu.memory_space<vmem_shared>> -> memref<16x128xf32, #tpu.memory_space<vmem_shared>>
      tpu.wait_dma2 semaphore(%run_scoped3A : memref<!tpu.dma_semaphore, #tpu.memory_space<semaphore_mem>>) src(%arg8 : memref<16x128xf32, #tpu.memory_space<vmem>>) dst(%dma_wait3A_211 : memref<16x128xf32, #tpu.memory_space<vmem_shared>>)
      tpu.yield
    }) : () -> ()
    %mul3A_51 = arith.constant 640 : i32
    %mul3A_52 = arith.muli %arg1, %mul3A_51 : i32
    %add3A_53 = arith.constant 192 : i32
    %add3A_54 = arith.addi %mul3A_52, %add3A_53 : i32
    "tpu.region"() ({
      %run_scoped3A = tpu.sem_alloc : memref<!tpu.dma_semaphore, #tpu.memory_space<semaphore_mem>>
      %dma_start3A = arith.constant 0 : i32
      %dma_start3A_206 = tpu.memref_slice %arg9[%add3A_54, %dma_start3A] : memref<10240x128xf32, #tpu.memory_space<vmem_shared>> -> memref<16x128xf32, #tpu.memory_space<vmem_shared>>
      %dma_start3A_207 = arith.constant 0 : i32
      %dma_start3A_208 = tpu.memref_slice %arg9[%add3A_54, %dma_start3A_207] : memref<10240x128xf32, #tpu.memory_space<vmem_shared>> -> memref<16x128xf32, #tpu.memory_space<vmem_shared>>
      tpu.enqueue_dma source(%arg8 : memref<16x128xf32, #tpu.memory_space<vmem>>) target(%dma_start3A_208 : memref<16x128xf32, #tpu.memory_space<vmem_shared>>) target_semaphore(%run_scoped3A : memref<!tpu.dma_semaphore, #tpu.memory_space<semaphore_mem>>)
      %dma_wait3A = arith.constant 0 : i32
      %dma_wait3A_209 = tpu.memref_slice %arg9[%add3A_54, %dma_wait3A] : memref<10240x128xf32, #tpu.memory_space<vmem_shared>> -> memref<16x128xf32, #tpu.memory_space<vmem_shared>>
      %dma_wait3A_210 = arith.constant 0 : i32
      %dma_wait3A_211 = tpu.memref_slice %arg9[%add3A_54, %dma_wait3A_210] : memref<10240x128xf32, #tpu.memory_space<vmem_shared>> -> memref<16x128xf32, #tpu.memory_space<vmem_shared>>
      tpu.wait_dma2 semaphore(%run_scoped3A : memref<!tpu.dma_semaphore, #tpu.memory_space<semaphore_mem>>) src(%arg8 : memref<16x128xf32, #tpu.memory_space<vmem>>) dst(%dma_wait3A_211 : memref<16x128xf32, #tpu.memory_space<vmem_shared>>)
      tpu.yield
    }) : () -> ()
    %mul3A_55 = arith.constant 640 : i32
    %mul3A_56 = arith.muli %arg1, %mul3A_55 : i32
    %add3A_57 = arith.constant 208 : i32
    %add3A_58 = arith.addi %mul3A_56, %add3A_57 : i32
    "tpu.region"() ({
      %run_scoped3A = tpu.sem_alloc : memref<!tpu.dma_semaphore, #tpu.memory_space<semaphore_mem>>
      %dma_start3A = arith.constant 0 : i32
      %dma_start3A_206 = tpu.memref_slice %arg9[%add3A_58, %dma_start3A] : memref<10240x128xf32, #tpu.memory_space<vmem_shared>> -> memref<16x128xf32, #tpu.memory_space<vmem_shared>>
      %dma_start3A_207 = arith.constant 0 : i32
      %dma_start3A_208 = tpu.memref_slice %arg9[%add3A_58, %dma_start3A_207] : memref<10240x128xf32, #tpu.memory_space<vmem_shared>> -> memref<16x128xf32, #tpu.memory_space<vmem_shared>>
      tpu.enqueue_dma source(%arg8 : memref<16x128xf32, #tpu.memory_space<vmem>>) target(%dma_start3A_208 : memref<16x128xf32, #tpu.memory_space<vmem_shared>>) target_semaphore(%run_scoped3A : memref<!tpu.dma_semaphore, #tpu.memory_space<semaphore_mem>>)
      %dma_wait3A = arith.constant 0 : i32
      %dma_wait3A_209 = tpu.memref_slice %arg9[%add3A_58, %dma_wait3A] : memref<10240x128xf32, #tpu.memory_space<vmem_shared>> -> memref<16x128xf32, #tpu.memory_space<vmem_shared>>
      %dma_wait3A_210 = arith.constant 0 : i32
      %dma_wait3A_211 = tpu.memref_slice %arg9[%add3A_58, %dma_wait3A_210] : memref<10240x128xf32, #tpu.memory_space<vmem_shared>> -> memref<16x128xf32, #tpu.memory_space<vmem_shared>>
      tpu.wait_dma2 semaphore(%run_scoped3A : memref<!tpu.dma_semaphore, #tpu.memory_space<semaphore_mem>>) src(%arg8 : memref<16x128xf32, #tpu.memory_space<vmem>>) dst(%dma_wait3A_211 : memref<16x128xf32, #tpu.memory_space<vmem_shared>>)
      tpu.yield
    }) : () -> ()
    %mul3A_59 = arith.constant 640 : i32
    %mul3A_60 = arith.muli %arg1, %mul3A_59 : i32
    %add3A_61 = arith.constant 224 : i32
    %add3A_62 = arith.addi %mul3A_60, %add3A_61 : i32
    "tpu.region"() ({
      %run_scoped3A = tpu.sem_alloc : memref<!tpu.dma_semaphore, #tpu.memory_space<semaphore_mem>>
      %dma_start3A = arith.constant 0 : i32
      %dma_start3A_206 = tpu.memref_slice %arg9[%add3A_62, %dma_start3A] : memref<10240x128xf32, #tpu.memory_space<vmem_shared>> -> memref<16x128xf32, #tpu.memory_space<vmem_shared>>
      %dma_start3A_207 = arith.constant 0 : i32
      %dma_start3A_208 = tpu.memref_slice %arg9[%add3A_62, %dma_start3A_207] : memref<10240x128xf32, #tpu.memory_space<vmem_shared>> -> memref<16x128xf32, #tpu.memory_space<vmem_shared>>
      tpu.enqueue_dma source(%arg8 : memref<16x128xf32, #tpu.memory_space<vmem>>) target(%dma_start3A_208 : memref<16x128xf32, #tpu.memory_space<vmem_shared>>) target_semaphore(%run_scoped3A : memref<!tpu.dma_semaphore, #tpu.memory_space<semaphore_mem>>)
      %dma_wait3A = arith.constant 0 : i32
      %dma_wait3A_209 = tpu.memref_slice %arg9[%add3A_62, %dma_wait3A] : memref<10240x128xf32, #tpu.memory_space<vmem_shared>> -> memref<16x128xf32, #tpu.memory_space<vmem_shared>>
      %dma_wait3A_210 = arith.constant 0 : i32
      %dma_wait3A_211 = tpu.memref_slice %arg9[%add3A_62, %dma_wait3A_210] : memref<10240x128xf32, #tpu.memory_space<vmem_shared>> -> memref<16x128xf32, #tpu.memory_space<vmem_shared>>
      tpu.wait_dma2 semaphore(%run_scoped3A : memref<!tpu.dma_semaphore, #tpu.memory_space<semaphore_mem>>) src(%arg8 : memref<16x128xf32, #tpu.memory_space<vmem>>) dst(%dma_wait3A_211 : memref<16x128xf32, #tpu.memory_space<vmem_shared>>)
      tpu.yield
    }) : () -> ()
    %mul3A_63 = arith.constant 640 : i32
    %mul3A_64 = arith.muli %arg1, %mul3A_63 : i32
    %add3A_65 = arith.constant 240 : i32
    %add3A_66 = arith.addi %mul3A_64, %add3A_65 : i32
    "tpu.region"() ({
      %run_scoped3A = tpu.sem_alloc : memref<!tpu.dma_semaphore, #tpu.memory_space<semaphore_mem>>
      %dma_start3A = arith.constant 0 : i32
      %dma_start3A_206 = tpu.memref_slice %arg9[%add3A_66, %dma_start3A] : memref<10240x128xf32, #tpu.memory_space<vmem_shared>> -> memref<16x128xf32, #tpu.memory_space<vmem_shared>>
      %dma_start3A_207 = arith.constant 0 : i32
      %dma_start3A_208 = tpu.memref_slice %arg9[%add3A_66, %dma_start3A_207] : memref<10240x128xf32, #tpu.memory_space<vmem_shared>> -> memref<16x128xf32, #tpu.memory_space<vmem_shared>>
      tpu.enqueue_dma source(%arg8 : memref<16x128xf32, #tpu.memory_space<vmem>>) target(%dma_start3A_208 : memref<16x128xf32, #tpu.memory_space<vmem_shared>>) target_semaphore(%run_scoped3A : memref<!tpu.dma_semaphore, #tpu.memory_space<semaphore_mem>>)
      %dma_wait3A = arith.constant 0 : i32
      %dma_wait3A_209 = tpu.memref_slice %arg9[%add3A_66, %dma_wait3A] : memref<10240x128xf32, #tpu.memory_space<vmem_shared>> -> memref<16x128xf32, #tpu.memory_space<vmem_shared>>
      %dma_wait3A_210 = arith.constant 0 : i32
      %dma_wait3A_211 = tpu.memref_slice %arg9[%add3A_66, %dma_wait3A_210] : memref<10240x128xf32, #tpu.memory_space<vmem_shared>> -> memref<16x128xf32, #tpu.memory_space<vmem_shared>>
      tpu.wait_dma2 semaphore(%run_scoped3A : memref<!tpu.dma_semaphore, #tpu.memory_space<semaphore_mem>>) src(%arg8 : memref<16x128xf32, #tpu.memory_space<vmem>>) dst(%dma_wait3A_211 : memref<16x128xf32, #tpu.memory_space<vmem_shared>>)
      tpu.yield
    }) : () -> ()
    %mul3A_67 = arith.constant 640 : i32
    %mul3A_68 = arith.muli %arg1, %mul3A_67 : i32
    %add3A_69 = arith.constant 256 : i32
    %add3A_70 = arith.addi %mul3A_68, %add3A_69 : i32
    "tpu.region"() ({
      %run_scoped3A = tpu.sem_alloc : memref<!tpu.dma_semaphore, #tpu.memory_space<semaphore_mem>>
      %dma_start3A = arith.constant 0 : i32
      %dma_start3A_206 = tpu.memref_slice %arg9[%add3A_70, %dma_start3A] : memref<10240x128xf32, #tpu.memory_space<vmem_shared>> -> memref<16x128xf32, #tpu.memory_space<vmem_shared>>
      %dma_start3A_207 = arith.constant 0 : i32
      %dma_start3A_208 = tpu.memref_slice %arg9[%add3A_70, %dma_start3A_207] : memref<10240x128xf32, #tpu.memory_space<vmem_shared>> -> memref<16x128xf32, #tpu.memory_space<vmem_shared>>
      tpu.enqueue_dma source(%arg8 : memref<16x128xf32, #tpu.memory_space<vmem>>) target(%dma_start3A_208 : memref<16x128xf32, #tpu.memory_space<vmem_shared>>) target_semaphore(%run_scoped3A : memref<!tpu.dma_semaphore, #tpu.memory_space<semaphore_mem>>)
      %dma_wait3A = arith.constant 0 : i32
      %dma_wait3A_209 = tpu.memref_slice %arg9[%add3A_70, %dma_wait3A] : memref<10240x128xf32, #tpu.memory_space<vmem_shared>> -> memref<16x128xf32, #tpu.memory_space<vmem_shared>>
      %dma_wait3A_210 = arith.constant 0 : i32
      %dma_wait3A_211 = tpu.memref_slice %arg9[%add3A_70, %dma_wait3A_210] : memref<10240x128xf32, #tpu.memory_space<vmem_shared>> -> memref<16x128xf32, #tpu.memory_space<vmem_shared>>
      tpu.wait_dma2 semaphore(%run_scoped3A : memref<!tpu.dma_semaphore, #tpu.memory_space<semaphore_mem>>) src(%arg8 : memref<16x128xf32, #tpu.memory_space<vmem>>) dst(%dma_wait3A_211 : memref<16x128xf32, #tpu.memory_space<vmem_shared>>)
      tpu.yield
    }) : () -> ()
    %mul3A_71 = arith.constant 640 : i32
    %mul3A_72 = arith.muli %arg1, %mul3A_71 : i32
    %add3A_73 = arith.constant 272 : i32
    %add3A_74 = arith.addi %mul3A_72, %add3A_73 : i32
    "tpu.region"() ({
      %run_scoped3A = tpu.sem_alloc : memref<!tpu.dma_semaphore, #tpu.memory_space<semaphore_mem>>
      %dma_start3A = arith.constant 0 : i32
      %dma_start3A_206 = tpu.memref_slice %arg9[%add3A_74, %dma_start3A] : memref<10240x128xf32, #tpu.memory_space<vmem_shared>> -> memref<16x128xf32, #tpu.memory_space<vmem_shared>>
      %dma_start3A_207 = arith.constant 0 : i32
      %dma_start3A_208 = tpu.memref_slice %arg9[%add3A_74, %dma_start3A_207] : memref<10240x128xf32, #tpu.memory_space<vmem_shared>> -> memref<16x128xf32, #tpu.memory_space<vmem_shared>>
      tpu.enqueue_dma source(%arg8 : memref<16x128xf32, #tpu.memory_space<vmem>>) target(%dma_start3A_208 : memref<16x128xf32, #tpu.memory_space<vmem_shared>>) target_semaphore(%run_scoped3A : memref<!tpu.dma_semaphore, #tpu.memory_space<semaphore_mem>>)
      %dma_wait3A = arith.constant 0 : i32
      %dma_wait3A_209 = tpu.memref_slice %arg9[%add3A_74, %dma_wait3A] : memref<10240x128xf32, #tpu.memory_space<vmem_shared>> -> memref<16x128xf32, #tpu.memory_space<vmem_shared>>
      %dma_wait3A_210 = arith.constant 0 : i32
      %dma_wait3A_211 = tpu.memref_slice %arg9[%add3A_74, %dma_wait3A_210] : memref<10240x128xf32, #tpu.memory_space<vmem_shared>> -> memref<16x128xf32, #tpu.memory_space<vmem_shared>>
      tpu.wait_dma2 semaphore(%run_scoped3A : memref<!tpu.dma_semaphore, #tpu.memory_space<semaphore_mem>>) src(%arg8 : memref<16x128xf32, #tpu.memory_space<vmem>>) dst(%dma_wait3A_211 : memref<16x128xf32, #tpu.memory_space<vmem_shared>>)
      tpu.yield
    }) : () -> ()
    %mul3A_75 = arith.constant 640 : i32
    %mul3A_76 = arith.muli %arg1, %mul3A_75 : i32
    %add3A_77 = arith.constant 288 : i32
    %add3A_78 = arith.addi %mul3A_76, %add3A_77 : i32
    "tpu.region"() ({
      %run_scoped3A = tpu.sem_alloc : memref<!tpu.dma_semaphore, #tpu.memory_space<semaphore_mem>>
      %dma_start3A = arith.constant 0 : i32
      %dma_start3A_206 = tpu.memref_slice %arg9[%add3A_78, %dma_start3A] : memref<10240x128xf32, #tpu.memory_space<vmem_shared>> -> memref<16x128xf32, #tpu.memory_space<vmem_shared>>
      %dma_start3A_207 = arith.constant 0 : i32
      %dma_start3A_208 = tpu.memref_slice %arg9[%add3A_78, %dma_start3A_207] : memref<10240x128xf32, #tpu.memory_space<vmem_shared>> -> memref<16x128xf32, #tpu.memory_space<vmem_shared>>
      tpu.enqueue_dma source(%arg8 : memref<16x128xf32, #tpu.memory_space<vmem>>) target(%dma_start3A_208 : memref<16x128xf32, #tpu.memory_space<vmem_shared>>) target_semaphore(%run_scoped3A : memref<!tpu.dma_semaphore, #tpu.memory_space<semaphore_mem>>)
      %dma_wait3A = arith.constant 0 : i32
      %dma_wait3A_209 = tpu.memref_slice %arg9[%add3A_78, %dma_wait3A] : memref<10240x128xf32, #tpu.memory_space<vmem_shared>> -> memref<16x128xf32, #tpu.memory_space<vmem_shared>>
      %dma_wait3A_210 = arith.constant 0 : i32
      %dma_wait3A_211 = tpu.memref_slice %arg9[%add3A_78, %dma_wait3A_210] : memref<10240x128xf32, #tpu.memory_space<vmem_shared>> -> memref<16x128xf32, #tpu.memory_space<vmem_shared>>
      tpu.wait_dma2 semaphore(%run_scoped3A : memref<!tpu.dma_semaphore, #tpu.memory_space<semaphore_mem>>) src(%arg8 : memref<16x128xf32, #tpu.memory_space<vmem>>) dst(%dma_wait3A_211 : memref<16x128xf32, #tpu.memory_space<vmem_shared>>)
      tpu.yield
    }) : () -> ()
    %mul3A_79 = arith.constant 640 : i32
    %mul3A_80 = arith.muli %arg1, %mul3A_79 : i32
    %add3A_81 = arith.constant 304 : i32
    %add3A_82 = arith.addi %mul3A_80, %add3A_81 : i32
    "tpu.region"() ({
      %run_scoped3A = tpu.sem_alloc : memref<!tpu.dma_semaphore, #tpu.memory_space<semaphore_mem>>
      %dma_start3A = arith.constant 0 : i32
      %dma_start3A_206 = tpu.memref_slice %arg9[%add3A_82, %dma_start3A] : memref<10240x128xf32, #tpu.memory_space<vmem_shared>> -> memref<16x128xf32, #tpu.memory_space<vmem_shared>>
      %dma_start3A_207 = arith.constant 0 : i32
      %dma_start3A_208 = tpu.memref_slice %arg9[%add3A_82, %dma_start3A_207] : memref<10240x128xf32, #tpu.memory_space<vmem_shared>> -> memref<16x128xf32, #tpu.memory_space<vmem_shared>>
      tpu.enqueue_dma source(%arg8 : memref<16x128xf32, #tpu.memory_space<vmem>>) target(%dma_start3A_208 : memref<16x128xf32, #tpu.memory_space<vmem_shared>>) target_semaphore(%run_scoped3A : memref<!tpu.dma_semaphore, #tpu.memory_space<semaphore_mem>>)
      %dma_wait3A = arith.constant 0 : i32
      %dma_wait3A_209 = tpu.memref_slice %arg9[%add3A_82, %dma_wait3A] : memref<10240x128xf32, #tpu.memory_space<vmem_shared>> -> memref<16x128xf32, #tpu.memory_space<vmem_shared>>
      %dma_wait3A_210 = arith.constant 0 : i32
      %dma_wait3A_211 = tpu.memref_slice %arg9[%add3A_82, %dma_wait3A_210] : memref<10240x128xf32, #tpu.memory_space<vmem_shared>> -> memref<16x128xf32, #tpu.memory_space<vmem_shared>>
      tpu.wait_dma2 semaphore(%run_scoped3A : memref<!tpu.dma_semaphore, #tpu.memory_space<semaphore_mem>>) src(%arg8 : memref<16x128xf32, #tpu.memory_space<vmem>>) dst(%dma_wait3A_211 : memref<16x128xf32, #tpu.memory_space<vmem_shared>>)
      tpu.yield
    }) : () -> ()
    %mul3A_83 = arith.constant 640 : i32
    %mul3A_84 = arith.muli %arg1, %mul3A_83 : i32
    %add3A_85 = arith.constant 320 : i32
    %add3A_86 = arith.addi %mul3A_84, %add3A_85 : i32
    "tpu.region"() ({
      %run_scoped3A = tpu.sem_alloc : memref<!tpu.dma_semaphore, #tpu.memory_space<semaphore_mem>>
      %dma_start3A = arith.constant 0 : i32
      %dma_start3A_206 = tpu.memref_slice %arg9[%add3A_86, %dma_start3A] : memref<10240x128xf32, #tpu.memory_space<vmem_shared>> -> memref<16x128xf32, #tpu.memory_space<vmem_shared>>
      %dma_start3A_207 = arith.constant 0 : i32
      %dma_start3A_208 = tpu.memref_slice %arg9[%add3A_86, %dma_start3A_207] : memref<10240x128xf32, #tpu.memory_space<vmem_shared>> -> memref<16x128xf32, #tpu.memory_space<vmem_shared>>
      tpu.enqueue_dma source(%arg8 : memref<16x128xf32, #tpu.memory_space<vmem>>) target(%dma_start3A_208 : memref<16x128xf32, #tpu.memory_space<vmem_shared>>) target_semaphore(%run_scoped3A : memref<!tpu.dma_semaphore, #tpu.memory_space<semaphore_mem>>)
      %dma_wait3A = arith.constant 0 : i32
      %dma_wait3A_209 = tpu.memref_slice %arg9[%add3A_86, %dma_wait3A] : memref<10240x128xf32, #tpu.memory_space<vmem_shared>> -> memref<16x128xf32, #tpu.memory_space<vmem_shared>>
      %dma_wait3A_210 = arith.constant 0 : i32
      %dma_wait3A_211 = tpu.memref_slice %arg9[%add3A_86, %dma_wait3A_210] : memref<10240x128xf32, #tpu.memory_space<vmem_shared>> -> memref<16x128xf32, #tpu.memory_space<vmem_shared>>
      tpu.wait_dma2 semaphore(%run_scoped3A : memref<!tpu.dma_semaphore, #tpu.memory_space<semaphore_mem>>) src(%arg8 : memref<16x128xf32, #tpu.memory_space<vmem>>) dst(%dma_wait3A_211 : memref<16x128xf32, #tpu.memory_space<vmem_shared>>)
      tpu.yield
    }) : () -> ()
    %mul3A_87 = arith.constant 640 : i32
    %mul3A_88 = arith.muli %arg1, %mul3A_87 : i32
    %add3A_89 = arith.constant 336 : i32
    %add3A_90 = arith.addi %mul3A_88, %add3A_89 : i32
    "tpu.region"() ({
      %run_scoped3A = tpu.sem_alloc : memref<!tpu.dma_semaphore, #tpu.memory_space<semaphore_mem>>
      %dma_start3A = arith.constant 0 : i32
      %dma_start3A_206 = tpu.memref_slice %arg9[%add3A_90, %dma_start3A] : memref<10240x128xf32, #tpu.memory_space<vmem_shared>> -> memref<16x128xf32, #tpu.memory_space<vmem_shared>>
      %dma_start3A_207 = arith.constant 0 : i32
      %dma_start3A_208 = tpu.memref_slice %arg9[%add3A_90, %dma_start3A_207] : memref<10240x128xf32, #tpu.memory_space<vmem_shared>> -> memref<16x128xf32, #tpu.memory_space<vmem_shared>>
      tpu.enqueue_dma source(%arg8 : memref<16x128xf32, #tpu.memory_space<vmem>>) target(%dma_start3A_208 : memref<16x128xf32, #tpu.memory_space<vmem_shared>>) target_semaphore(%run_scoped3A : memref<!tpu.dma_semaphore, #tpu.memory_space<semaphore_mem>>)
      %dma_wait3A = arith.constant 0 : i32
      %dma_wait3A_209 = tpu.memref_slice %arg9[%add3A_90, %dma_wait3A] : memref<10240x128xf32, #tpu.memory_space<vmem_shared>> -> memref<16x128xf32, #tpu.memory_space<vmem_shared>>
      %dma_wait3A_210 = arith.constant 0 : i32
      %dma_wait3A_211 = tpu.memref_slice %arg9[%add3A_90, %dma_wait3A_210] : memref<10240x128xf32, #tpu.memory_space<vmem_shared>> -> memref<16x128xf32, #tpu.memory_space<vmem_shared>>
      tpu.wait_dma2 semaphore(%run_scoped3A : memref<!tpu.dma_semaphore, #tpu.memory_space<semaphore_mem>>) src(%arg8 : memref<16x128xf32, #tpu.memory_space<vmem>>) dst(%dma_wait3A_211 : memref<16x128xf32, #tpu.memory_space<vmem_shared>>)
      tpu.yield
    }) : () -> ()
    %mul3A_91 = arith.constant 640 : i32
    %mul3A_92 = arith.muli %arg1, %mul3A_91 : i32
    %add3A_93 = arith.constant 352 : i32
    %add3A_94 = arith.addi %mul3A_92, %add3A_93 : i32
    "tpu.region"() ({
      %run_scoped3A = tpu.sem_alloc : memref<!tpu.dma_semaphore, #tpu.memory_space<semaphore_mem>>
      %dma_start3A = arith.constant 0 : i32
      %dma_start3A_206 = tpu.memref_slice %arg9[%add3A_94, %dma_start3A] : memref<10240x128xf32, #tpu.memory_space<vmem_shared>> -> memref<16x128xf32, #tpu.memory_space<vmem_shared>>
      %dma_start3A_207 = arith.constant 0 : i32
      %dma_start3A_208 = tpu.memref_slice %arg9[%add3A_94, %dma_start3A_207] : memref<10240x128xf32, #tpu.memory_space<vmem_shared>> -> memref<16x128xf32, #tpu.memory_space<vmem_shared>>
      tpu.enqueue_dma source(%arg8 : memref<16x128xf32, #tpu.memory_space<vmem>>) target(%dma_start3A_208 : memref<16x128xf32, #tpu.memory_space<vmem_shared>>) target_semaphore(%run_scoped3A : memref<!tpu.dma_semaphore, #tpu.memory_space<semaphore_mem>>)
      %dma_wait3A = arith.constant 0 : i32
      %dma_wait3A_209 = tpu.memref_slice %arg9[%add3A_94, %dma_wait3A] : memref<10240x128xf32, #tpu.memory_space<vmem_shared>> -> memref<16x128xf32, #tpu.memory_space<vmem_shared>>
      %dma_wait3A_210 = arith.constant 0 : i32
      %dma_wait3A_211 = tpu.memref_slice %arg9[%add3A_94, %dma_wait3A_210] : memref<10240x128xf32, #tpu.memory_space<vmem_shared>> -> memref<16x128xf32, #tpu.memory_space<vmem_shared>>
      tpu.wait_dma2 semaphore(%run_scoped3A : memref<!tpu.dma_semaphore, #tpu.memory_space<semaphore_mem>>) src(%arg8 : memref<16x128xf32, #tpu.memory_space<vmem>>) dst(%dma_wait3A_211 : memref<16x128xf32, #tpu.memory_space<vmem_shared>>)
      tpu.yield
    }) : () -> ()
    %mul3A_95 = arith.constant 640 : i32
    %mul3A_96 = arith.muli %arg1, %mul3A_95 : i32
    %add3A_97 = arith.constant 368 : i32
    %add3A_98 = arith.addi %mul3A_96, %add3A_97 : i32
    "tpu.region"() ({
      %run_scoped3A = tpu.sem_alloc : memref<!tpu.dma_semaphore, #tpu.memory_space<semaphore_mem>>
      %dma_start3A = arith.constant 0 : i32
      %dma_start3A_206 = tpu.memref_slice %arg9[%add3A_98, %dma_start3A] : memref<10240x128xf32, #tpu.memory_space<vmem_shared>> -> memref<16x128xf32, #tpu.memory_space<vmem_shared>>
      %dma_start3A_207 = arith.constant 0 : i32
      %dma_start3A_208 = tpu.memref_slice %arg9[%add3A_98, %dma_start3A_207] : memref<10240x128xf32, #tpu.memory_space<vmem_shared>> -> memref<16x128xf32, #tpu.memory_space<vmem_shared>>
      tpu.enqueue_dma source(%arg8 : memref<16x128xf32, #tpu.memory_space<vmem>>) target(%dma_start3A_208 : memref<16x128xf32, #tpu.memory_space<vmem_shared>>) target_semaphore(%run_scoped3A : memref<!tpu.dma_semaphore, #tpu.memory_space<semaphore_mem>>)
      %dma_wait3A = arith.constant 0 : i32
      %dma_wait3A_209 = tpu.memref_slice %arg9[%add3A_98, %dma_wait3A] : memref<10240x128xf32, #tpu.memory_space<vmem_shared>> -> memref<16x128xf32, #tpu.memory_space<vmem_shared>>
      %dma_wait3A_210 = arith.constant 0 : i32
      %dma_wait3A_211 = tpu.memref_slice %arg9[%add3A_98, %dma_wait3A_210] : memref<10240x128xf32, #tpu.memory_space<vmem_shared>> -> memref<16x128xf32, #tpu.memory_space<vmem_shared>>
      tpu.wait_dma2 semaphore(%run_scoped3A : memref<!tpu.dma_semaphore, #tpu.memory_space<semaphore_mem>>) src(%arg8 : memref<16x128xf32, #tpu.memory_space<vmem>>) dst(%dma_wait3A_211 : memref<16x128xf32, #tpu.memory_space<vmem_shared>>)
      tpu.yield
    }) : () -> ()
    %mul3A_99 = arith.constant 640 : i32
    %mul3A_100 = arith.muli %arg1, %mul3A_99 : i32
    %add3A_101 = arith.constant 384 : i32
    %add3A_102 = arith.addi %mul3A_100, %add3A_101 : i32
    "tpu.region"() ({
      %run_scoped3A = tpu.sem_alloc : memref<!tpu.dma_semaphore, #tpu.memory_space<semaphore_mem>>
      %dma_start3A = arith.constant 0 : i32
      %dma_start3A_206 = tpu.memref_slice %arg9[%add3A_102, %dma_start3A] : memref<10240x128xf32, #tpu.memory_space<vmem_shared>> -> memref<16x128xf32, #tpu.memory_space<vmem_shared>>
      %dma_start3A_207 = arith.constant 0 : i32
      %dma_start3A_208 = tpu.memref_slice %arg9[%add3A_102, %dma_start3A_207] : memref<10240x128xf32, #tpu.memory_space<vmem_shared>> -> memref<16x128xf32, #tpu.memory_space<vmem_shared>>
      tpu.enqueue_dma source(%arg8 : memref<16x128xf32, #tpu.memory_space<vmem>>) target(%dma_start3A_208 : memref<16x128xf32, #tpu.memory_space<vmem_shared>>) target_semaphore(%run_scoped3A : memref<!tpu.dma_semaphore, #tpu.memory_space<semaphore_mem>>)
      %dma_wait3A = arith.constant 0 : i32
      %dma_wait3A_209 = tpu.memref_slice %arg9[%add3A_102, %dma_wait3A] : memref<10240x128xf32, #tpu.memory_space<vmem_shared>> -> memref<16x128xf32, #tpu.memory_space<vmem_shared>>
      %dma_wait3A_210 = arith.constant 0 : i32
      %dma_wait3A_211 = tpu.memref_slice %arg9[%add3A_102, %dma_wait3A_210] : memref<10240x128xf32, #tpu.memory_space<vmem_shared>> -> memref<16x128xf32, #tpu.memory_space<vmem_shared>>
      tpu.wait_dma2 semaphore(%run_scoped3A : memref<!tpu.dma_semaphore, #tpu.memory_space<semaphore_mem>>) src(%arg8 : memref<16x128xf32, #tpu.memory_space<vmem>>) dst(%dma_wait3A_211 : memref<16x128xf32, #tpu.memory_space<vmem_shared>>)
      tpu.yield
    }) : () -> ()
    %mul3A_103 = arith.constant 640 : i32
    %mul3A_104 = arith.muli %arg1, %mul3A_103 : i32
    %add3A_105 = arith.constant 400 : i32
    %add3A_106 = arith.addi %mul3A_104, %add3A_105 : i32
    "tpu.region"() ({
      %run_scoped3A = tpu.sem_alloc : memref<!tpu.dma_semaphore, #tpu.memory_space<semaphore_mem>>
      %dma_start3A = arith.constant 0 : i32
      %dma_start3A_206 = tpu.memref_slice %arg9[%add3A_106, %dma_start3A] : memref<10240x128xf32, #tpu.memory_space<vmem_shared>> -> memref<16x128xf32, #tpu.memory_space<vmem_shared>>
      %dma_start3A_207 = arith.constant 0 : i32
      %dma_start3A_208 = tpu.memref_slice %arg9[%add3A_106, %dma_start3A_207] : memref<10240x128xf32, #tpu.memory_space<vmem_shared>> -> memref<16x128xf32, #tpu.memory_space<vmem_shared>>
      tpu.enqueue_dma source(%arg8 : memref<16x128xf32, #tpu.memory_space<vmem>>) target(%dma_start3A_208 : memref<16x128xf32, #tpu.memory_space<vmem_shared>>) target_semaphore(%run_scoped3A : memref<!tpu.dma_semaphore, #tpu.memory_space<semaphore_mem>>)
      %dma_wait3A = arith.constant 0 : i32
      %dma_wait3A_209 = tpu.memref_slice %arg9[%add3A_106, %dma_wait3A] : memref<10240x128xf32, #tpu.memory_space<vmem_shared>> -> memref<16x128xf32, #tpu.memory_space<vmem_shared>>
      %dma_wait3A_210 = arith.constant 0 : i32
      %dma_wait3A_211 = tpu.memref_slice %arg9[%add3A_106, %dma_wait3A_210] : memref<10240x128xf32, #tpu.memory_space<vmem_shared>> -> memref<16x128xf32, #tpu.memory_space<vmem_shared>>
      tpu.wait_dma2 semaphore(%run_scoped3A : memref<!tpu.dma_semaphore, #tpu.memory_space<semaphore_mem>>) src(%arg8 : memref<16x128xf32, #tpu.memory_space<vmem>>) dst(%dma_wait3A_211 : memref<16x128xf32, #tpu.memory_space<vmem_shared>>)
      tpu.yield
    }) : () -> ()
    %mul3A_107 = arith.constant 640 : i32
    %mul3A_108 = arith.muli %arg1, %mul3A_107 : i32
    %add3A_109 = arith.constant 416 : i32
    %add3A_110 = arith.addi %mul3A_108, %add3A_109 : i32
    "tpu.region"() ({
      %run_scoped3A = tpu.sem_alloc : memref<!tpu.dma_semaphore, #tpu.memory_space<semaphore_mem>>
      %dma_start3A = arith.constant 0 : i32
      %dma_start3A_206 = tpu.memref_slice %arg9[%add3A_110, %dma_start3A] : memref<10240x128xf32, #tpu.memory_space<vmem_shared>> -> memref<16x128xf32, #tpu.memory_space<vmem_shared>>
      %dma_start3A_207 = arith.constant 0 : i32
      %dma_start3A_208 = tpu.memref_slice %arg9[%add3A_110, %dma_start3A_207] : memref<10240x128xf32, #tpu.memory_space<vmem_shared>> -> memref<16x128xf32, #tpu.memory_space<vmem_shared>>
      tpu.enqueue_dma source(%arg8 : memref<16x128xf32, #tpu.memory_space<vmem>>) target(%dma_start3A_208 : memref<16x128xf32, #tpu.memory_space<vmem_shared>>) target_semaphore(%run_scoped3A : memref<!tpu.dma_semaphore, #tpu.memory_space<semaphore_mem>>)
      %dma_wait3A = arith.constant 0 : i32
      %dma_wait3A_209 = tpu.memref_slice %arg9[%add3A_110, %dma_wait3A] : memref<10240x128xf32, #tpu.memory_space<vmem_shared>> -> memref<16x128xf32, #tpu.memory_space<vmem_shared>>
      %dma_wait3A_210 = arith.constant 0 : i32
      %dma_wait3A_211 = tpu.memref_slice %arg9[%add3A_110, %dma_wait3A_210] : memref<10240x128xf32, #tpu.memory_space<vmem_shared>> -> memref<16x128xf32, #tpu.memory_space<vmem_shared>>
      tpu.wait_dma2 semaphore(%run_scoped3A : memref<!tpu.dma_semaphore, #tpu.memory_space<semaphore_mem>>) src(%arg8 : memref<16x128xf32, #tpu.memory_space<vmem>>) dst(%dma_wait3A_211 : memref<16x128xf32, #tpu.memory_space<vmem_shared>>)
      tpu.yield
    }) : () -> ()
    %mul3A_111 = arith.constant 640 : i32
    %mul3A_112 = arith.muli %arg1, %mul3A_111 : i32
    %add3A_113 = arith.constant 432 : i32
    %add3A_114 = arith.addi %mul3A_112, %add3A_113 : i32
    "tpu.region"() ({
      %run_scoped3A = tpu.sem_alloc : memref<!tpu.dma_semaphore, #tpu.memory_space<semaphore_mem>>
      %dma_start3A = arith.constant 0 : i32
      %dma_start3A_206 = tpu.memref_slice %arg9[%add3A_114, %dma_start3A] : memref<10240x128xf32, #tpu.memory_space<vmem_shared>> -> memref<16x128xf32, #tpu.memory_space<vmem_shared>>
      %dma_start3A_207 = arith.constant 0 : i32
      %dma_start3A_208 = tpu.memref_slice %arg9[%add3A_114, %dma_start3A_207] : memref<10240x128xf32, #tpu.memory_space<vmem_shared>> -> memref<16x128xf32, #tpu.memory_space<vmem_shared>>
      tpu.enqueue_dma source(%arg8 : memref<16x128xf32, #tpu.memory_space<vmem>>) target(%dma_start3A_208 : memref<16x128xf32, #tpu.memory_space<vmem_shared>>) target_semaphore(%run_scoped3A : memref<!tpu.dma_semaphore, #tpu.memory_space<semaphore_mem>>)
      %dma_wait3A = arith.constant 0 : i32
      %dma_wait3A_209 = tpu.memref_slice %arg9[%add3A_114, %dma_wait3A] : memref<10240x128xf32, #tpu.memory_space<vmem_shared>> -> memref<16x128xf32, #tpu.memory_space<vmem_shared>>
      %dma_wait3A_210 = arith.constant 0 : i32
      %dma_wait3A_211 = tpu.memref_slice %arg9[%add3A_114, %dma_wait3A_210] : memref<10240x128xf32, #tpu.memory_space<vmem_shared>> -> memref<16x128xf32, #tpu.memory_space<vmem_shared>>
      tpu.wait_dma2 semaphore(%run_scoped3A : memref<!tpu.dma_semaphore, #tpu.memory_space<semaphore_mem>>) src(%arg8 : memref<16x128xf32, #tpu.memory_space<vmem>>) dst(%dma_wait3A_211 : memref<16x128xf32, #tpu.memory_space<vmem_shared>>)
      tpu.yield
    }) : () -> ()
    %mul3A_115 = arith.constant 640 : i32
    %mul3A_116 = arith.muli %arg1, %mul3A_115 : i32
    %add3A_117 = arith.constant 448 : i32
    %add3A_118 = arith.addi %mul3A_116, %add3A_117 : i32
    "tpu.region"() ({
      %run_scoped3A = tpu.sem_alloc : memref<!tpu.dma_semaphore, #tpu.memory_space<semaphore_mem>>
      %dma_start3A = arith.constant 0 : i32
      %dma_start3A_206 = tpu.memref_slice %arg9[%add3A_118, %dma_start3A] : memref<10240x128xf32, #tpu.memory_space<vmem_shared>> -> memref<16x128xf32, #tpu.memory_space<vmem_shared>>
      %dma_start3A_207 = arith.constant 0 : i32
      %dma_start3A_208 = tpu.memref_slice %arg9[%add3A_118, %dma_start3A_207] : memref<10240x128xf32, #tpu.memory_space<vmem_shared>> -> memref<16x128xf32, #tpu.memory_space<vmem_shared>>
      tpu.enqueue_dma source(%arg8 : memref<16x128xf32, #tpu.memory_space<vmem>>) target(%dma_start3A_208 : memref<16x128xf32, #tpu.memory_space<vmem_shared>>) target_semaphore(%run_scoped3A : memref<!tpu.dma_semaphore, #tpu.memory_space<semaphore_mem>>)
      %dma_wait3A = arith.constant 0 : i32
      %dma_wait3A_209 = tpu.memref_slice %arg9[%add3A_118, %dma_wait3A] : memref<10240x128xf32, #tpu.memory_space<vmem_shared>> -> memref<16x128xf32, #tpu.memory_space<vmem_shared>>
      %dma_wait3A_210 = arith.constant 0 : i32
      %dma_wait3A_211 = tpu.memref_slice %arg9[%add3A_118, %dma_wait3A_210] : memref<10240x128xf32, #tpu.memory_space<vmem_shared>> -> memref<16x128xf32, #tpu.memory_space<vmem_shared>>
      tpu.wait_dma2 semaphore(%run_scoped3A : memref<!tpu.dma_semaphore, #tpu.memory_space<semaphore_mem>>) src(%arg8 : memref<16x128xf32, #tpu.memory_space<vmem>>) dst(%dma_wait3A_211 : memref<16x128xf32, #tpu.memory_space<vmem_shared>>)
      tpu.yield
    }) : () -> ()
    %mul3A_119 = arith.constant 640 : i32
    %mul3A_120 = arith.muli %arg1, %mul3A_119 : i32
    %add3A_121 = arith.constant 464 : i32
    %add3A_122 = arith.addi %mul3A_120, %add3A_121 : i32
    "tpu.region"() ({
      %run_scoped3A = tpu.sem_alloc : memref<!tpu.dma_semaphore, #tpu.memory_space<semaphore_mem>>
      %dma_start3A = arith.constant 0 : i32
      %dma_start3A_206 = tpu.memref_slice %arg9[%add3A_122, %dma_start3A] : memref<10240x128xf32, #tpu.memory_space<vmem_shared>> -> memref<16x128xf32, #tpu.memory_space<vmem_shared>>
      %dma_start3A_207 = arith.constant 0 : i32
      %dma_start3A_208 = tpu.memref_slice %arg9[%add3A_122, %dma_start3A_207] : memref<10240x128xf32, #tpu.memory_space<vmem_shared>> -> memref<16x128xf32, #tpu.memory_space<vmem_shared>>
      tpu.enqueue_dma source(%arg8 : memref<16x128xf32, #tpu.memory_space<vmem>>) target(%dma_start3A_208 : memref<16x128xf32, #tpu.memory_space<vmem_shared>>) target_semaphore(%run_scoped3A : memref<!tpu.dma_semaphore, #tpu.memory_space<semaphore_mem>>)
      %dma_wait3A = arith.constant 0 : i32
      %dma_wait3A_209 = tpu.memref_slice %arg9[%add3A_122, %dma_wait3A] : memref<10240x128xf32, #tpu.memory_space<vmem_shared>> -> memref<16x128xf32, #tpu.memory_space<vmem_shared>>
      %dma_wait3A_210 = arith.constant 0 : i32
      %dma_wait3A_211 = tpu.memref_slice %arg9[%add3A_122, %dma_wait3A_210] : memref<10240x128xf32, #tpu.memory_space<vmem_shared>> -> memref<16x128xf32, #tpu.memory_space<vmem_shared>>
      tpu.wait_dma2 semaphore(%run_scoped3A : memref<!tpu.dma_semaphore, #tpu.memory_space<semaphore_mem>>) src(%arg8 : memref<16x128xf32, #tpu.memory_space<vmem>>) dst(%dma_wait3A_211 : memref<16x128xf32, #tpu.memory_space<vmem_shared>>)
      tpu.yield
    }) : () -> ()
    %mul3A_123 = arith.constant 640 : i32
    %mul3A_124 = arith.muli %arg1, %mul3A_123 : i32
    %add3A_125 = arith.constant 480 : i32
    %add3A_126 = arith.addi %mul3A_124, %add3A_125 : i32
    "tpu.region"() ({
      %run_scoped3A = tpu.sem_alloc : memref<!tpu.dma_semaphore, #tpu.memory_space<semaphore_mem>>
      %dma_start3A = arith.constant 0 : i32
      %dma_start3A_206 = tpu.memref_slice %arg9[%add3A_126, %dma_start3A] : memref<10240x128xf32, #tpu.memory_space<vmem_shared>> -> memref<16x128xf32, #tpu.memory_space<vmem_shared>>
      %dma_start3A_207 = arith.constant 0 : i32
      %dma_start3A_208 = tpu.memref_slice %arg9[%add3A_126, %dma_start3A_207] : memref<10240x128xf32, #tpu.memory_space<vmem_shared>> -> memref<16x128xf32, #tpu.memory_space<vmem_shared>>
      tpu.enqueue_dma source(%arg8 : memref<16x128xf32, #tpu.memory_space<vmem>>) target(%dma_start3A_208 : memref<16x128xf32, #tpu.memory_space<vmem_shared>>) target_semaphore(%run_scoped3A : memref<!tpu.dma_semaphore, #tpu.memory_space<semaphore_mem>>)
      %dma_wait3A = arith.constant 0 : i32
      %dma_wait3A_209 = tpu.memref_slice %arg9[%add3A_126, %dma_wait3A] : memref<10240x128xf32, #tpu.memory_space<vmem_shared>> -> memref<16x128xf32, #tpu.memory_space<vmem_shared>>
      %dma_wait3A_210 = arith.constant 0 : i32
      %dma_wait3A_211 = tpu.memref_slice %arg9[%add3A_126, %dma_wait3A_210] : memref<10240x128xf32, #tpu.memory_space<vmem_shared>> -> memref<16x128xf32, #tpu.memory_space<vmem_shared>>
      tpu.wait_dma2 semaphore(%run_scoped3A : memref<!tpu.dma_semaphore, #tpu.memory_space<semaphore_mem>>) src(%arg8 : memref<16x128xf32, #tpu.memory_space<vmem>>) dst(%dma_wait3A_211 : memref<16x128xf32, #tpu.memory_space<vmem_shared>>)
      tpu.yield
    }) : () -> ()
    %mul3A_127 = arith.constant 640 : i32
    %mul3A_128 = arith.muli %arg1, %mul3A_127 : i32
    %add3A_129 = arith.constant 496 : i32
    %add3A_130 = arith.addi %mul3A_128, %add3A_129 : i32
    "tpu.region"() ({
      %run_scoped3A = tpu.sem_alloc : memref<!tpu.dma_semaphore, #tpu.memory_space<semaphore_mem>>
      %dma_start3A = arith.constant 0 : i32
      %dma_start3A_206 = tpu.memref_slice %arg9[%add3A_130, %dma_start3A] : memref<10240x128xf32, #tpu.memory_space<vmem_shared>> -> memref<16x128xf32, #tpu.memory_space<vmem_shared>>
      %dma_start3A_207 = arith.constant 0 : i32
      %dma_start3A_208 = tpu.memref_slice %arg9[%add3A_130, %dma_start3A_207] : memref<10240x128xf32, #tpu.memory_space<vmem_shared>> -> memref<16x128xf32, #tpu.memory_space<vmem_shared>>
      tpu.enqueue_dma source(%arg8 : memref<16x128xf32, #tpu.memory_space<vmem>>) target(%dma_start3A_208 : memref<16x128xf32, #tpu.memory_space<vmem_shared>>) target_semaphore(%run_scoped3A : memref<!tpu.dma_semaphore, #tpu.memory_space<semaphore_mem>>)
      %dma_wait3A = arith.constant 0 : i32
      %dma_wait3A_209 = tpu.memref_slice %arg9[%add3A_130, %dma_wait3A] : memref<10240x128xf32, #tpu.memory_space<vmem_shared>> -> memref<16x128xf32, #tpu.memory_space<vmem_shared>>
      %dma_wait3A_210 = arith.constant 0 : i32
      %dma_wait3A_211 = tpu.memref_slice %arg9[%add3A_130, %dma_wait3A_210] : memref<10240x128xf32, #tpu.memory_space<vmem_shared>> -> memref<16x128xf32, #tpu.memory_space<vmem_shared>>
      tpu.wait_dma2 semaphore(%run_scoped3A : memref<!tpu.dma_semaphore, #tpu.memory_space<semaphore_mem>>) src(%arg8 : memref<16x128xf32, #tpu.memory_space<vmem>>) dst(%dma_wait3A_211 : memref<16x128xf32, #tpu.memory_space<vmem_shared>>)
      tpu.yield
    }) : () -> ()
    %mul3A_131 = arith.constant 640 : i32
    %mul3A_132 = arith.muli %arg1, %mul3A_131 : i32
    %add3A_133 = arith.constant 512 : i32
    %add3A_134 = arith.addi %mul3A_132, %add3A_133 : i32
    "tpu.region"() ({
      %run_scoped3A = tpu.sem_alloc : memref<!tpu.dma_semaphore, #tpu.memory_space<semaphore_mem>>
      %dma_start3A = arith.constant 0 : i32
      %dma_start3A_206 = tpu.memref_slice %arg9[%add3A_134, %dma_start3A] : memref<10240x128xf32, #tpu.memory_space<vmem_shared>> -> memref<16x128xf32, #tpu.memory_space<vmem_shared>>
      %dma_start3A_207 = arith.constant 0 : i32
      %dma_start3A_208 = tpu.memref_slice %arg9[%add3A_134, %dma_start3A_207] : memref<10240x128xf32, #tpu.memory_space<vmem_shared>> -> memref<16x128xf32, #tpu.memory_space<vmem_shared>>
      tpu.enqueue_dma source(%arg8 : memref<16x128xf32, #tpu.memory_space<vmem>>) target(%dma_start3A_208 : memref<16x128xf32, #tpu.memory_space<vmem_shared>>) target_semaphore(%run_scoped3A : memref<!tpu.dma_semaphore, #tpu.memory_space<semaphore_mem>>)
      %dma_wait3A = arith.constant 0 : i32
      %dma_wait3A_209 = tpu.memref_slice %arg9[%add3A_134, %dma_wait3A] : memref<10240x128xf32, #tpu.memory_space<vmem_shared>> -> memref<16x128xf32, #tpu.memory_space<vmem_shared>>
      %dma_wait3A_210 = arith.constant 0 : i32
      %dma_wait3A_211 = tpu.memref_slice %arg9[%add3A_134, %dma_wait3A_210] : memref<10240x128xf32, #tpu.memory_space<vmem_shared>> -> memref<16x128xf32, #tpu.memory_space<vmem_shared>>
      tpu.wait_dma2 semaphore(%run_scoped3A : memref<!tpu.dma_semaphore, #tpu.memory_space<semaphore_mem>>) src(%arg8 : memref<16x128xf32, #tpu.memory_space<vmem>>) dst(%dma_wait3A_211 : memref<16x128xf32, #tpu.memory_space<vmem_shared>>)
      tpu.yield
    }) : () -> ()
    %mul3A_135 = arith.constant 640 : i32
    %mul3A_136 = arith.muli %arg1, %mul3A_135 : i32
    %add3A_137 = arith.constant 528 : i32
    %add3A_138 = arith.addi %mul3A_136, %add3A_137 : i32
    "tpu.region"() ({
      %run_scoped3A = tpu.sem_alloc : memref<!tpu.dma_semaphore, #tpu.memory_space<semaphore_mem>>
      %dma_start3A = arith.constant 0 : i32
      %dma_start3A_206 = tpu.memref_slice %arg9[%add3A_138, %dma_start3A] : memref<10240x128xf32, #tpu.memory_space<vmem_shared>> -> memref<16x128xf32, #tpu.memory_space<vmem_shared>>
      %dma_start3A_207 = arith.constant 0 : i32
      %dma_start3A_208 = tpu.memref_slice %arg9[%add3A_138, %dma_start3A_207] : memref<10240x128xf32, #tpu.memory_space<vmem_shared>> -> memref<16x128xf32, #tpu.memory_space<vmem_shared>>
      tpu.enqueue_dma source(%arg8 : memref<16x128xf32, #tpu.memory_space<vmem>>) target(%dma_start3A_208 : memref<16x128xf32, #tpu.memory_space<vmem_shared>>) target_semaphore(%run_scoped3A : memref<!tpu.dma_semaphore, #tpu.memory_space<semaphore_mem>>)
      %dma_wait3A = arith.constant 0 : i32
      %dma_wait3A_209 = tpu.memref_slice %arg9[%add3A_138, %dma_wait3A] : memref<10240x128xf32, #tpu.memory_space<vmem_shared>> -> memref<16x128xf32, #tpu.memory_space<vmem_shared>>
      %dma_wait3A_210 = arith.constant 0 : i32
      %dma_wait3A_211 = tpu.memref_slice %arg9[%add3A_138, %dma_wait3A_210] : memref<10240x128xf32, #tpu.memory_space<vmem_shared>> -> memref<16x128xf32, #tpu.memory_space<vmem_shared>>
      tpu.wait_dma2 semaphore(%run_scoped3A : memref<!tpu.dma_semaphore, #tpu.memory_space<semaphore_mem>>) src(%arg8 : memref<16x128xf32, #tpu.memory_space<vmem>>) dst(%dma_wait3A_211 : memref<16x128xf32, #tpu.memory_space<vmem_shared>>)
      tpu.yield
    }) : () -> ()
    %mul3A_139 = arith.constant 640 : i32
    %mul3A_140 = arith.muli %arg1, %mul3A_139 : i32
    %add3A_141 = arith.constant 544 : i32
    %add3A_142 = arith.addi %mul3A_140, %add3A_141 : i32
    "tpu.region"() ({
      %run_scoped3A = tpu.sem_alloc : memref<!tpu.dma_semaphore, #tpu.memory_space<semaphore_mem>>
      %dma_start3A = arith.constant 0 : i32
      %dma_start3A_206 = tpu.memref_slice %arg9[%add3A_142, %dma_start3A] : memref<10240x128xf32, #tpu.memory_space<vmem_shared>> -> memref<16x128xf32, #tpu.memory_space<vmem_shared>>
      %dma_start3A_207 = arith.constant 0 : i32
      %dma_start3A_208 = tpu.memref_slice %arg9[%add3A_142, %dma_start3A_207] : memref<10240x128xf32, #tpu.memory_space<vmem_shared>> -> memref<16x128xf32, #tpu.memory_space<vmem_shared>>
      tpu.enqueue_dma source(%arg8 : memref<16x128xf32, #tpu.memory_space<vmem>>) target(%dma_start3A_208 : memref<16x128xf32, #tpu.memory_space<vmem_shared>>) target_semaphore(%run_scoped3A : memref<!tpu.dma_semaphore, #tpu.memory_space<semaphore_mem>>)
      %dma_wait3A = arith.constant 0 : i32
      %dma_wait3A_209 = tpu.memref_slice %arg9[%add3A_142, %dma_wait3A] : memref<10240x128xf32, #tpu.memory_space<vmem_shared>> -> memref<16x128xf32, #tpu.memory_space<vmem_shared>>
      %dma_wait3A_210 = arith.constant 0 : i32
      %dma_wait3A_211 = tpu.memref_slice %arg9[%add3A_142, %dma_wait3A_210] : memref<10240x128xf32, #tpu.memory_space<vmem_shared>> -> memref<16x128xf32, #tpu.memory_space<vmem_shared>>
      tpu.wait_dma2 semaphore(%run_scoped3A : memref<!tpu.dma_semaphore, #tpu.memory_space<semaphore_mem>>) src(%arg8 : memref<16x128xf32, #tpu.memory_space<vmem>>) dst(%dma_wait3A_211 : memref<16x128xf32, #tpu.memory_space<vmem_shared>>)
      tpu.yield
    }) : () -> ()
    %mul3A_143 = arith.constant 640 : i32
    %mul3A_144 = arith.muli %arg1, %mul3A_143 : i32
    %add3A_145 = arith.constant 560 : i32
    %add3A_146 = arith.addi %mul3A_144, %add3A_145 : i32
    "tpu.region"() ({
      %run_scoped3A = tpu.sem_alloc : memref<!tpu.dma_semaphore, #tpu.memory_space<semaphore_mem>>
      %dma_start3A = arith.constant 0 : i32
      %dma_start3A_206 = tpu.memref_slice %arg9[%add3A_146, %dma_start3A] : memref<10240x128xf32, #tpu.memory_space<vmem_shared>> -> memref<16x128xf32, #tpu.memory_space<vmem_shared>>
      %dma_start3A_207 = arith.constant 0 : i32
      %dma_start3A_208 = tpu.memref_slice %arg9[%add3A_146, %dma_start3A_207] : memref<10240x128xf32, #tpu.memory_space<vmem_shared>> -> memref<16x128xf32, #tpu.memory_space<vmem_shared>>
      tpu.enqueue_dma source(%arg8 : memref<16x128xf32, #tpu.memory_space<vmem>>) target(%dma_start3A_208 : memref<16x128xf32, #tpu.memory_space<vmem_shared>>) target_semaphore(%run_scoped3A : memref<!tpu.dma_semaphore, #tpu.memory_space<semaphore_mem>>)
      %dma_wait3A = arith.constant 0 : i32
      %dma_wait3A_209 = tpu.memref_slice %arg9[%add3A_146, %dma_wait3A] : memref<10240x128xf32, #tpu.memory_space<vmem_shared>> -> memref<16x128xf32, #tpu.memory_space<vmem_shared>>
      %dma_wait3A_210 = arith.constant 0 : i32
      %dma_wait3A_211 = tpu.memref_slice %arg9[%add3A_146, %dma_wait3A_210] : memref<10240x128xf32, #tpu.memory_space<vmem_shared>> -> memref<16x128xf32, #tpu.memory_space<vmem_shared>>
      tpu.wait_dma2 semaphore(%run_scoped3A : memref<!tpu.dma_semaphore, #tpu.memory_space<semaphore_mem>>) src(%arg8 : memref<16x128xf32, #tpu.memory_space<vmem>>) dst(%dma_wait3A_211 : memref<16x128xf32, #tpu.memory_space<vmem_shared>>)
      tpu.yield
    }) : () -> ()
    %mul3A_147 = arith.constant 640 : i32
    %mul3A_148 = arith.muli %arg1, %mul3A_147 : i32
    %add3A_149 = arith.constant 576 : i32
    %add3A_150 = arith.addi %mul3A_148, %add3A_149 : i32
    "tpu.region"() ({
      %run_scoped3A = tpu.sem_alloc : memref<!tpu.dma_semaphore, #tpu.memory_space<semaphore_mem>>
      %dma_start3A = arith.constant 0 : i32
      %dma_start3A_206 = tpu.memref_slice %arg9[%add3A_150, %dma_start3A] : memref<10240x128xf32, #tpu.memory_space<vmem_shared>> -> memref<16x128xf32, #tpu.memory_space<vmem_shared>>
      %dma_start3A_207 = arith.constant 0 : i32
      %dma_start3A_208 = tpu.memref_slice %arg9[%add3A_150, %dma_start3A_207] : memref<10240x128xf32, #tpu.memory_space<vmem_shared>> -> memref<16x128xf32, #tpu.memory_space<vmem_shared>>
      tpu.enqueue_dma source(%arg8 : memref<16x128xf32, #tpu.memory_space<vmem>>) target(%dma_start3A_208 : memref<16x128xf32, #tpu.memory_space<vmem_shared>>) target_semaphore(%run_scoped3A : memref<!tpu.dma_semaphore, #tpu.memory_space<semaphore_mem>>)
      %dma_wait3A = arith.constant 0 : i32
      %dma_wait3A_209 = tpu.memref_slice %arg9[%add3A_150, %dma_wait3A] : memref<10240x128xf32, #tpu.memory_space<vmem_shared>> -> memref<16x128xf32, #tpu.memory_space<vmem_shared>>
      %dma_wait3A_210 = arith.constant 0 : i32
      %dma_wait3A_211 = tpu.memref_slice %arg9[%add3A_150, %dma_wait3A_210] : memref<10240x128xf32, #tpu.memory_space<vmem_shared>> -> memref<16x128xf32, #tpu.memory_space<vmem_shared>>
      tpu.wait_dma2 semaphore(%run_scoped3A : memref<!tpu.dma_semaphore, #tpu.memory_space<semaphore_mem>>) src(%arg8 : memref<16x128xf32, #tpu.memory_space<vmem>>) dst(%dma_wait3A_211 : memref<16x128xf32, #tpu.memory_space<vmem_shared>>)
      tpu.yield
    }) : () -> ()
    %mul3A_151 = arith.constant 640 : i32
    %mul3A_152 = arith.muli %arg1, %mul3A_151 : i32
    %add3A_153 = arith.constant 592 : i32
    %add3A_154 = arith.addi %mul3A_152, %add3A_153 : i32
    "tpu.region"() ({
      %run_scoped3A = tpu.sem_alloc : memref<!tpu.dma_semaphore, #tpu.memory_space<semaphore_mem>>
      %dma_start3A = arith.constant 0 : i32
      %dma_start3A_206 = tpu.memref_slice %arg9[%add3A_154, %dma_start3A] : memref<10240x128xf32, #tpu.memory_space<vmem_shared>> -> memref<16x128xf32, #tpu.memory_space<vmem_shared>>
      %dma_start3A_207 = arith.constant 0 : i32
      %dma_start3A_208 = tpu.memref_slice %arg9[%add3A_154, %dma_start3A_207] : memref<10240x128xf32, #tpu.memory_space<vmem_shared>> -> memref<16x128xf32, #tpu.memory_space<vmem_shared>>
      tpu.enqueue_dma source(%arg8 : memref<16x128xf32, #tpu.memory_space<vmem>>) target(%dma_start3A_208 : memref<16x128xf32, #tpu.memory_space<vmem_shared>>) target_semaphore(%run_scoped3A : memref<!tpu.dma_semaphore, #tpu.memory_space<semaphore_mem>>)
      %dma_wait3A = arith.constant 0 : i32
      %dma_wait3A_209 = tpu.memref_slice %arg9[%add3A_154, %dma_wait3A] : memref<10240x128xf32, #tpu.memory_space<vmem_shared>> -> memref<16x128xf32, #tpu.memory_space<vmem_shared>>
      %dma_wait3A_210 = arith.constant 0 : i32
      %dma_wait3A_211 = tpu.memref_slice %arg9[%add3A_154, %dma_wait3A_210] : memref<10240x128xf32, #tpu.memory_space<vmem_shared>> -> memref<16x128xf32, #tpu.memory_space<vmem_shared>>
      tpu.wait_dma2 semaphore(%run_scoped3A : memref<!tpu.dma_semaphore, #tpu.memory_space<semaphore_mem>>) src(%arg8 : memref<16x128xf32, #tpu.memory_space<vmem>>) dst(%dma_wait3A_211 : memref<16x128xf32, #tpu.memory_space<vmem_shared>>)
      tpu.yield
    }) : () -> ()
    %mul3A_155 = arith.constant 640 : i32
    %mul3A_156 = arith.muli %arg1, %mul3A_155 : i32
    %add3A_157 = arith.constant 608 : i32
    %add3A_158 = arith.addi %mul3A_156, %add3A_157 : i32
    "tpu.region"() ({
      %run_scoped3A = tpu.sem_alloc : memref<!tpu.dma_semaphore, #tpu.memory_space<semaphore_mem>>
      %dma_start3A = arith.constant 0 : i32
      %dma_start3A_206 = tpu.memref_slice %arg9[%add3A_158, %dma_start3A] : memref<10240x128xf32, #tpu.memory_space<vmem_shared>> -> memref<16x128xf32, #tpu.memory_space<vmem_shared>>
      %dma_start3A_207 = arith.constant 0 : i32
      %dma_start3A_208 = tpu.memref_slice %arg9[%add3A_158, %dma_start3A_207] : memref<10240x128xf32, #tpu.memory_space<vmem_shared>> -> memref<16x128xf32, #tpu.memory_space<vmem_shared>>
      tpu.enqueue_dma source(%arg8 : memref<16x128xf32, #tpu.memory_space<vmem>>) target(%dma_start3A_208 : memref<16x128xf32, #tpu.memory_space<vmem_shared>>) target_semaphore(%run_scoped3A : memref<!tpu.dma_semaphore, #tpu.memory_space<semaphore_mem>>)
      %dma_wait3A = arith.constant 0 : i32
      %dma_wait3A_209 = tpu.memref_slice %arg9[%add3A_158, %dma_wait3A] : memref<10240x128xf32, #tpu.memory_space<vmem_shared>> -> memref<16x128xf32, #tpu.memory_space<vmem_shared>>
      %dma_wait3A_210 = arith.constant 0 : i32
      %dma_wait3A_211 = tpu.memref_slice %arg9[%add3A_158, %dma_wait3A_210] : memref<10240x128xf32, #tpu.memory_space<vmem_shared>> -> memref<16x128xf32, #tpu.memory_space<vmem_shared>>
      tpu.wait_dma2 semaphore(%run_scoped3A : memref<!tpu.dma_semaphore, #tpu.memory_space<semaphore_mem>>) src(%arg8 : memref<16x128xf32, #tpu.memory_space<vmem>>) dst(%dma_wait3A_211 : memref<16x128xf32, #tpu.memory_space<vmem_shared>>)
      tpu.yield
    }) : () -> ()
    %mul3A_159 = arith.constant 640 : i32
    %mul3A_160 = arith.muli %arg1, %mul3A_159 : i32
    %add3A_161 = arith.constant 624 : i32
    %add3A_162 = arith.addi %mul3A_160, %add3A_161 : i32
    "tpu.region"() ({
      %run_scoped3A = tpu.sem_alloc : memref<!tpu.dma_semaphore, #tpu.memory_space<semaphore_mem>>
      %dma_start3A = arith.constant 0 : i32
      %dma_start3A_206 = tpu.memref_slice %arg9[%add3A_162, %dma_start3A] : memref<10240x128xf32, #tpu.memory_space<vmem_shared>> -> memref<16x128xf32, #tpu.memory_space<vmem_shared>>
      %dma_start3A_207 = arith.constant 0 : i32
      %dma_start3A_208 = tpu.memref_slice %arg9[%add3A_162, %dma_start3A_207] : memref<10240x128xf32, #tpu.memory_space<vmem_shared>> -> memref<16x128xf32, #tpu.memory_space<vmem_shared>>
      tpu.enqueue_dma source(%arg8 : memref<16x128xf32, #tpu.memory_space<vmem>>) target(%dma_start3A_208 : memref<16x128xf32, #tpu.memory_space<vmem_shared>>) target_semaphore(%run_scoped3A : memref<!tpu.dma_semaphore, #tpu.memory_space<semaphore_mem>>)
      %dma_wait3A = arith.constant 0 : i32
      %dma_wait3A_209 = tpu.memref_slice %arg9[%add3A_162, %dma_wait3A] : memref<10240x128xf32, #tpu.memory_space<vmem_shared>> -> memref<16x128xf32, #tpu.memory_space<vmem_shared>>
      %dma_wait3A_210 = arith.constant 0 : i32
      %dma_wait3A_211 = tpu.memref_slice %arg9[%add3A_162, %dma_wait3A_210] : memref<10240x128xf32, #tpu.memory_space<vmem_shared>> -> memref<16x128xf32, #tpu.memory_space<vmem_shared>>
      tpu.wait_dma2 semaphore(%run_scoped3A : memref<!tpu.dma_semaphore, #tpu.memory_space<semaphore_mem>>) src(%arg8 : memref<16x128xf32, #tpu.memory_space<vmem>>) dst(%dma_wait3A_211 : memref<16x128xf32, #tpu.memory_space<vmem_shared>>)
      tpu.yield
    }) : () -> ()
    %mul3A_163 = arith.constant 16 : i32
    %mul3A_164 = arith.muli %arg0, %mul3A_163 : i32
    %add3A_165 = arith.addi %mul3A_164, %arg1 : i32
    %barrier3A = arith.constant 0 : index
    tpu.barrier barrier_id(%barrier3A)
    %mul3A_166 = arith.constant 2 : i32
    %mul3A_167 = arith.muli %add3A_165, %mul3A_166 : i32
    %add3A_168 = arith.constant 0 : i32
    %add3A_169 = arith.addi %mul3A_167, %add3A_168 : i32
    "tpu.region"() ({
      %run_scoped3A = tpu.sem_alloc : memref<!tpu.dma_semaphore, #tpu.memory_space<semaphore_mem>>
      %dma_start3A = arith.constant 0 : i32
      %dma_start3A_206 = arith.constant 0 : i32
      %dma_start3A_207 = tpu.memref_slice %arg3[%add3A_169, %dma_start3A, %dma_start3A_206] : memref<223x125x80xi32, #tpu.memory_space<hbm>> -> memref<1x125x80xi32, #tpu.memory_space<hbm>>
      %dma_start3A_208 = tpu.memref_squeeze %dma_start3A_207 : memref<1x125x80xi32, #tpu.memory_space<hbm>> -> memref<125x80xi32, #tpu.memory_space<hbm>>
      %dma_start3A_209 = arith.constant 0 : i32
      %dma_start3A_210 = arith.constant 0 : i32
      %dma_start3A_211 = tpu.memref_slice %arg3[%add3A_169, %dma_start3A_209, %dma_start3A_210] : memref<223x125x80xi32, #tpu.memory_space<hbm>> -> memref<1x125x80xi32, #tpu.memory_space<hbm>>
      %dma_start3A_212 = tpu.memref_squeeze %dma_start3A_211 : memref<1x125x80xi32, #tpu.memory_space<hbm>> -> memref<125x80xi32, #tpu.memory_space<hbm>>
      tpu.enqueue_dma source(%dma_start3A_212 : memref<125x80xi32, #tpu.memory_space<hbm>>) target(%arg5 : memref<125x80xi32, #tpu.memory_space<vmem>>) target_semaphore(%run_scoped3A : memref<!tpu.dma_semaphore, #tpu.memory_space<semaphore_mem>>)
      %dma_wait3A = arith.constant 0 : i32
      %dma_wait3A_213 = arith.constant 0 : i32
      %dma_wait3A_214 = tpu.memref_slice %arg3[%add3A_169, %dma_wait3A, %dma_wait3A_213] : memref<223x125x80xi32, #tpu.memory_space<hbm>> -> memref<1x125x80xi32, #tpu.memory_space<hbm>>
      %dma_wait3A_215 = tpu.memref_squeeze %dma_wait3A_214 : memref<1x125x80xi32, #tpu.memory_space<hbm>> -> memref<125x80xi32, #tpu.memory_space<hbm>>
      %dma_wait3A_216 = arith.constant 0 : i32
      %dma_wait3A_217 = arith.constant 0 : i32
      %dma_wait3A_218 = tpu.memref_slice %arg3[%add3A_169, %dma_wait3A_216, %dma_wait3A_217] : memref<223x125x80xi32, #tpu.memory_space<hbm>> -> memref<1x125x80xi32, #tpu.memory_space<hbm>>
      %dma_wait3A_219 = tpu.memref_squeeze %dma_wait3A_218 : memref<1x125x80xi32, #tpu.memory_space<hbm>> -> memref<125x80xi32, #tpu.memory_space<hbm>>
      tpu.wait_dma2 semaphore(%run_scoped3A : memref<!tpu.dma_semaphore, #tpu.memory_space<semaphore_mem>>) src(%dma_wait3A_219 : memref<125x80xi32, #tpu.memory_space<hbm>>) dst(%arg5 : memref<125x80xi32, #tpu.memory_space<vmem>>)
      tpu.yield
    }) : () -> ()
    %mul3A_170 = arith.constant 2 : i32
    %mul3A_171 = arith.muli %arg1, %mul3A_170 : i32
    %add3A_172 = arith.constant 64 : i32
    %add3A_173 = arith.addi %add3A_172, %mul3A_171 : i32
    %add3A_174 = arith.constant 0 : i32
    %add3A_175 = arith.addi %add3A_173, %add3A_174 : i32
    "tpu.region"() ({
      %run_scoped3A = tpu.sem_alloc : memref<!tpu.dma_semaphore, #tpu.memory_space<semaphore_mem>>
      %dma_start3A = arith.constant 0 : i32
      %dma_start3A_206 = arith.constant 0 : i32
      %dma_start3A_207 = tpu.memref_slice %arg3[%add3A_175, %dma_start3A, %dma_start3A_206] : memref<223x125x80xi32, #tpu.memory_space<hbm>> -> memref<1x125x80xi32, #tpu.memory_space<hbm>>
      %dma_start3A_208 = tpu.memref_squeeze %dma_start3A_207 : memref<1x125x80xi32, #tpu.memory_space<hbm>> -> memref<125x80xi32, #tpu.memory_space<hbm>>
      %dma_start3A_209 = arith.constant 0 : i32
      %dma_start3A_210 = arith.constant 0 : i32
      %dma_start3A_211 = tpu.memref_slice %arg3[%add3A_175, %dma_start3A_209, %dma_start3A_210] : memref<223x125x80xi32, #tpu.memory_space<hbm>> -> memref<1x125x80xi32, #tpu.memory_space<hbm>>
      %dma_start3A_212 = tpu.memref_squeeze %dma_start3A_211 : memref<1x125x80xi32, #tpu.memory_space<hbm>> -> memref<125x80xi32, #tpu.memory_space<hbm>>
      tpu.enqueue_dma source(%dma_start3A_212 : memref<125x80xi32, #tpu.memory_space<hbm>>) target(%arg6 : memref<125x80xi32, #tpu.memory_space<vmem>>) target_semaphore(%run_scoped3A : memref<!tpu.dma_semaphore, #tpu.memory_space<semaphore_mem>>)
      %dma_wait3A = arith.constant 0 : i32
      %dma_wait3A_213 = arith.constant 0 : i32
      %dma_wait3A_214 = tpu.memref_slice %arg3[%add3A_175, %dma_wait3A, %dma_wait3A_213] : memref<223x125x80xi32, #tpu.memory_space<hbm>> -> memref<1x125x80xi32, #tpu.memory_space<hbm>>
      %dma_wait3A_215 = tpu.memref_squeeze %dma_wait3A_214 : memref<1x125x80xi32, #tpu.memory_space<hbm>> -> memref<125x80xi32, #tpu.memory_space<hbm>>
      %dma_wait3A_216 = arith.constant 0 : i32
      %dma_wait3A_217 = arith.constant 0 : i32
      %dma_wait3A_218 = tpu.memref_slice %arg3[%add3A_175, %dma_wait3A_216, %dma_wait3A_217] : memref<223x125x80xi32, #tpu.memory_space<hbm>> -> memref<1x125x80xi32, #tpu.memory_space<hbm>>
      %dma_wait3A_219 = tpu.memref_squeeze %dma_wait3A_218 : memref<1x125x80xi32, #tpu.memory_space<hbm>> -> memref<125x80xi32, #tpu.memory_space<hbm>>
      tpu.wait_dma2 semaphore(%run_scoped3A : memref<!tpu.dma_semaphore, #tpu.memory_space<semaphore_mem>>) src(%dma_wait3A_219 : memref<125x80xi32, #tpu.memory_space<hbm>>) dst(%arg6 : memref<125x80xi32, #tpu.memory_space<vmem>>)
      tpu.yield
    }) : () -> ()
    %scan3A_176 = arith.constant 0 : i32
    %scan3A_177 = arith.constant 0 : i32
    %scan3A_178 = arith.constant 125 : i32
    %scan3A_179 = arith.addi %scan3A_177, %scan3A_178 : i32
    %scan3A_180 = arith.constant 1 : i32
    scf.for %scan3A_206 = %scan3A_177 to %scan3A_179 step %scan3A_180  : i32 {
      %dma_start3A = arith.constant 0 : i32
      %dma_start3A_207 = tpu.memref_slice %arg5[%scan3A_206, %dma_start3A] : memref<125x80xi32, #tpu.memory_space<vmem>> -> memref<1x80xi32, #tpu.memory_space<vmem>>
      %dma_start3A_208 = tpu.memref_squeeze %dma_start3A_207 : memref<1x80xi32, #tpu.memory_space<vmem>> -> memref<80xi32, #tpu.memory_space<vmem>>
      %dma_start3A_209 = arith.constant 0 : i32
      %dma_start3A_210 = arith.constant 0 : i32
      %dma_start3A_211 = tpu.memref_slice %arg2[%dma_start3A_209, %dma_start3A_210] : memref<20480x128xf32, #tpu.memory_space<hbm>> -> memref<20480x128xf32, #tpu.memory_space<hbm>>
      tpu.enqueue_indirect_dma source(%dma_start3A_211 : memref<20480x128xf32, #tpu.memory_space<hbm>>) target(%arg7 : memref<80x128xf32, #tpu.memory_space<vmem>>) offsets(%dma_start3A_208 : memref<80xi32, #tpu.memory_space<vmem>>) semaphore(%arg10 : memref<!tpu.dma_semaphore, #tpu.memory_space<semaphore_mem>>)
      %dma_wait3A = arith.constant 0 : i32
      %dma_wait3A_212 = tpu.memref_slice %arg5[%scan3A_206, %dma_wait3A] : memref<125x80xi32, #tpu.memory_space<vmem>> -> memref<1x80xi32, #tpu.memory_space<vmem>>
      %dma_wait3A_213 = tpu.memref_squeeze %dma_wait3A_212 : memref<1x80xi32, #tpu.memory_space<vmem>> -> memref<80xi32, #tpu.memory_space<vmem>>
      %dma_wait3A_214 = arith.constant 0 : i32
      %dma_wait3A_215 = arith.constant 0 : i32
      %dma_wait3A_216 = tpu.memref_slice %arg2[%dma_wait3A_214, %dma_wait3A_215] : memref<20480x128xf32, #tpu.memory_space<hbm>> -> memref<20480x128xf32, #tpu.memory_space<hbm>>
      tpu.wait_indirect_dma semaphore(%arg10 : memref<!tpu.dma_semaphore, #tpu.memory_space<semaphore_mem>>) src(%dma_wait3A_216 : memref<20480x128xf32, #tpu.memory_space<hbm>>) dst(%arg7 : memref<80x128xf32, #tpu.memory_space<vmem>>)
      "tpu.region"() ({
        %run_scoped3A = tpu.sem_alloc : memref<!tpu.dma_semaphore, #tpu.memory_space<semaphore_mem>>
        %dma_start3A_217 = arith.constant 0 : i32
        %dma_start3A_218 = tpu.memref_slice %arg6[%scan3A_206, %dma_start3A_217] : memref<125x80xi32, #tpu.memory_space<vmem>> -> memref<1x80xi32, #tpu.memory_space<vmem>>
        %dma_start3A_219 = tpu.memref_squeeze %dma_start3A_218 : memref<1x80xi32, #tpu.memory_space<vmem>> -> memref<80xi32, #tpu.memory_space<vmem>>
        %dma_start3A_220 = arith.constant 0 : i32
        %dma_start3A_221 = arith.constant 0 : i32
        %dma_start3A_222 = tpu.memref_slice %arg9[%dma_start3A_220, %dma_start3A_221] : memref<10240x128xf32, #tpu.memory_space<vmem_shared>> -> memref<10240x128xf32, #tpu.memory_space<vmem_shared>>
        tpu.enqueue_indirect_dma source(%arg7 : memref<80x128xf32, #tpu.memory_space<vmem>>) target(%dma_start3A_222 : memref<10240x128xf32, #tpu.memory_space<vmem_shared>>) offsets(%dma_start3A_219 : memref<80xi32, #tpu.memory_space<vmem>>) semaphore(%run_scoped3A : memref<!tpu.dma_semaphore, #tpu.memory_space<semaphore_mem>>) {add = true}
        %dma_wait3A_223 = arith.constant 0 : i32
        %dma_wait3A_224 = tpu.memref_slice %arg6[%scan3A_206, %dma_wait3A_223] : memref<125x80xi32, #tpu.memory_space<vmem>> -> memref<1x80xi32, #tpu.memory_space<vmem>>
        %dma_wait3A_225 = tpu.memref_squeeze %dma_wait3A_224 : memref<1x80xi32, #tpu.memory_space<vmem>> -> memref<80xi32, #tpu.memory_space<vmem>>
        %dma_wait3A_226 = arith.constant 0 : i32
        %dma_wait3A_227 = arith.constant 0 : i32
        %dma_wait3A_228 = tpu.memref_slice %arg9[%dma_wait3A_226, %dma_wait3A_227] : memref<10240x128xf32, #tpu.memory_space<vmem_shared>> -> memref<10240x128xf32, #tpu.memory_space<vmem_shared>>
        tpu.wait_indirect_dma semaphore(%run_scoped3A : memref<!tpu.dma_semaphore, #tpu.memory_space<semaphore_mem>>) src(%arg7 : memref<80x128xf32, #tpu.memory_space<vmem>>) dst(%dma_wait3A_228 : memref<10240x128xf32, #tpu.memory_space<vmem_shared>>)
        tpu.yield
      }) : () -> ()
    }
    %scan3A_181 = arith.constant 125 : i32
    %mul3A_182 = arith.constant 2 : i32
    %mul3A_183 = arith.muli %add3A_165, %mul3A_182 : i32
    %add3A_184 = arith.constant 1 : i32
    %add3A_185 = arith.addi %mul3A_183, %add3A_184 : i32
    "tpu.region"() ({
      %run_scoped3A = tpu.sem_alloc : memref<!tpu.dma_semaphore, #tpu.memory_space<semaphore_mem>>
      %dma_start3A = arith.constant 0 : i32
      %dma_start3A_206 = arith.constant 0 : i32
      %dma_start3A_207 = tpu.memref_slice %arg3[%add3A_185, %dma_start3A, %dma_start3A_206] : memref<223x125x80xi32, #tpu.memory_space<hbm>> -> memref<1x125x80xi32, #tpu.memory_space<hbm>>
      %dma_start3A_208 = tpu.memref_squeeze %dma_start3A_207 : memref<1x125x80xi32, #tpu.memory_space<hbm>> -> memref<125x80xi32, #tpu.memory_space<hbm>>
      %dma_start3A_209 = arith.constant 0 : i32
      %dma_start3A_210 = arith.constant 0 : i32
      %dma_start3A_211 = tpu.memref_slice %arg3[%add3A_185, %dma_start3A_209, %dma_start3A_210] : memref<223x125x80xi32, #tpu.memory_space<hbm>> -> memref<1x125x80xi32, #tpu.memory_space<hbm>>
      %dma_start3A_212 = tpu.memref_squeeze %dma_start3A_211 : memref<1x125x80xi32, #tpu.memory_space<hbm>> -> memref<125x80xi32, #tpu.memory_space<hbm>>
      tpu.enqueue_dma source(%dma_start3A_212 : memref<125x80xi32, #tpu.memory_space<hbm>>) target(%arg5 : memref<125x80xi32, #tpu.memory_space<vmem>>) target_semaphore(%run_scoped3A : memref<!tpu.dma_semaphore, #tpu.memory_space<semaphore_mem>>)
      %dma_wait3A = arith.constant 0 : i32
      %dma_wait3A_213 = arith.constant 0 : i32
      %dma_wait3A_214 = tpu.memref_slice %arg3[%add3A_185, %dma_wait3A, %dma_wait3A_213] : memref<223x125x80xi32, #tpu.memory_space<hbm>> -> memref<1x125x80xi32, #tpu.memory_space<hbm>>
      %dma_wait3A_215 = tpu.memref_squeeze %dma_wait3A_214 : memref<1x125x80xi32, #tpu.memory_space<hbm>> -> memref<125x80xi32, #tpu.memory_space<hbm>>
      %dma_wait3A_216 = arith.constant 0 : i32
      %dma_wait3A_217 = arith.constant 0 : i32
      %dma_wait3A_218 = tpu.memref_slice %arg3[%add3A_185, %dma_wait3A_216, %dma_wait3A_217] : memref<223x125x80xi32, #tpu.memory_space<hbm>> -> memref<1x125x80xi32, #tpu.memory_space<hbm>>
      %dma_wait3A_219 = tpu.memref_squeeze %dma_wait3A_218 : memref<1x125x80xi32, #tpu.memory_space<hbm>> -> memref<125x80xi32, #tpu.memory_space<hbm>>
      tpu.wait_dma2 semaphore(%run_scoped3A : memref<!tpu.dma_semaphore, #tpu.memory_space<semaphore_mem>>) src(%dma_wait3A_219 : memref<125x80xi32, #tpu.memory_space<hbm>>) dst(%arg5 : memref<125x80xi32, #tpu.memory_space<vmem>>)
      tpu.yield
    }) : () -> ()
    %mul3A_186 = arith.constant 2 : i32
    %mul3A_187 = arith.muli %arg1, %mul3A_186 : i32
    %add3A_188 = arith.constant 64 : i32
    %add3A_189 = arith.addi %add3A_188, %mul3A_187 : i32
    %add3A_190 = arith.constant 1 : i32
    %add3A_191 = arith.addi %add3A_189, %add3A_190 : i32
    "tpu.region"() ({
      %run_scoped3A = tpu.sem_alloc : memref<!tpu.dma_semaphore, #tpu.memory_space<semaphore_mem>>
      %dma_start3A = arith.constant 0 : i32
      %dma_start3A_206 = arith.constant 0 : i32
      %dma_start3A_207 = tpu.memref_slice %arg3[%add3A_191, %dma_start3A, %dma_start3A_206] : memref<223x125x80xi32, #tpu.memory_space<hbm>> -> memref<1x125x80xi32, #tpu.memory_space<hbm>>
      %dma_start3A_208 = tpu.memref_squeeze %dma_start3A_207 : memref<1x125x80xi32, #tpu.memory_space<hbm>> -> memref<125x80xi32, #tpu.memory_space<hbm>>
      %dma_start3A_209 = arith.constant 0 : i32
      %dma_start3A_210 = arith.constant 0 : i32
      %dma_start3A_211 = tpu.memref_slice %arg3[%add3A_191, %dma_start3A_209, %dma_start3A_210] : memref<223x125x80xi32, #tpu.memory_space<hbm>> -> memref<1x125x80xi32, #tpu.memory_space<hbm>>
      %dma_start3A_212 = tpu.memref_squeeze %dma_start3A_211 : memref<1x125x80xi32, #tpu.memory_space<hbm>> -> memref<125x80xi32, #tpu.memory_space<hbm>>
      tpu.enqueue_dma source(%dma_start3A_212 : memref<125x80xi32, #tpu.memory_space<hbm>>) target(%arg6 : memref<125x80xi32, #tpu.memory_space<vmem>>) target_semaphore(%run_scoped3A : memref<!tpu.dma_semaphore, #tpu.memory_space<semaphore_mem>>)
      %dma_wait3A = arith.constant 0 : i32
      %dma_wait3A_213 = arith.constant 0 : i32
      %dma_wait3A_214 = tpu.memref_slice %arg3[%add3A_191, %dma_wait3A, %dma_wait3A_213] : memref<223x125x80xi32, #tpu.memory_space<hbm>> -> memref<1x125x80xi32, #tpu.memory_space<hbm>>
      %dma_wait3A_215 = tpu.memref_squeeze %dma_wait3A_214 : memref<1x125x80xi32, #tpu.memory_space<hbm>> -> memref<125x80xi32, #tpu.memory_space<hbm>>
      %dma_wait3A_216 = arith.constant 0 : i32
      %dma_wait3A_217 = arith.constant 0 : i32
      %dma_wait3A_218 = tpu.memref_slice %arg3[%add3A_191, %dma_wait3A_216, %dma_wait3A_217] : memref<223x125x80xi32, #tpu.memory_space<hbm>> -> memref<1x125x80xi32, #tpu.memory_space<hbm>>
      %dma_wait3A_219 = tpu.memref_squeeze %dma_wait3A_218 : memref<1x125x80xi32, #tpu.memory_space<hbm>> -> memref<125x80xi32, #tpu.memory_space<hbm>>
      tpu.wait_dma2 semaphore(%run_scoped3A : memref<!tpu.dma_semaphore, #tpu.memory_space<semaphore_mem>>) src(%dma_wait3A_219 : memref<125x80xi32, #tpu.memory_space<hbm>>) dst(%arg6 : memref<125x80xi32, #tpu.memory_space<vmem>>)
      tpu.yield
    }) : () -> ()
    %scan3A_192 = arith.constant 0 : i32
    %scan3A_193 = arith.constant 0 : i32
    %scan3A_194 = arith.constant 125 : i32
    %scan3A_195 = arith.addi %scan3A_193, %scan3A_194 : i32
    %scan3A_196 = arith.constant 1 : i32
    scf.for %scan3A_206 = %scan3A_193 to %scan3A_195 step %scan3A_196  : i32 {
      %dma_start3A = arith.constant 0 : i32
      %dma_start3A_207 = tpu.memref_slice %arg5[%scan3A_206, %dma_start3A] : memref<125x80xi32, #tpu.memory_space<vmem>> -> memref<1x80xi32, #tpu.memory_space<vmem>>
      %dma_start3A_208 = tpu.memref_squeeze %dma_start3A_207 : memref<1x80xi32, #tpu.memory_space<vmem>> -> memref<80xi32, #tpu.memory_space<vmem>>
      %dma_start3A_209 = arith.constant 0 : i32
      %dma_start3A_210 = arith.constant 0 : i32
      %dma_start3A_211 = tpu.memref_slice %arg2[%dma_start3A_209, %dma_start3A_210] : memref<20480x128xf32, #tpu.memory_space<hbm>> -> memref<20480x128xf32, #tpu.memory_space<hbm>>
      tpu.enqueue_indirect_dma source(%dma_start3A_211 : memref<20480x128xf32, #tpu.memory_space<hbm>>) target(%arg7 : memref<80x128xf32, #tpu.memory_space<vmem>>) offsets(%dma_start3A_208 : memref<80xi32, #tpu.memory_space<vmem>>) semaphore(%arg10 : memref<!tpu.dma_semaphore, #tpu.memory_space<semaphore_mem>>)
      %dma_wait3A = arith.constant 0 : i32
      %dma_wait3A_212 = tpu.memref_slice %arg5[%scan3A_206, %dma_wait3A] : memref<125x80xi32, #tpu.memory_space<vmem>> -> memref<1x80xi32, #tpu.memory_space<vmem>>
      %dma_wait3A_213 = tpu.memref_squeeze %dma_wait3A_212 : memref<1x80xi32, #tpu.memory_space<vmem>> -> memref<80xi32, #tpu.memory_space<vmem>>
      %dma_wait3A_214 = arith.constant 0 : i32
      %dma_wait3A_215 = arith.constant 0 : i32
      %dma_wait3A_216 = tpu.memref_slice %arg2[%dma_wait3A_214, %dma_wait3A_215] : memref<20480x128xf32, #tpu.memory_space<hbm>> -> memref<20480x128xf32, #tpu.memory_space<hbm>>
      tpu.wait_indirect_dma semaphore(%arg10 : memref<!tpu.dma_semaphore, #tpu.memory_space<semaphore_mem>>) src(%dma_wait3A_216 : memref<20480x128xf32, #tpu.memory_space<hbm>>) dst(%arg7 : memref<80x128xf32, #tpu.memory_space<vmem>>)
      "tpu.region"() ({
        %run_scoped3A = tpu.sem_alloc : memref<!tpu.dma_semaphore, #tpu.memory_space<semaphore_mem>>
        %dma_start3A_217 = arith.constant 0 : i32
        %dma_start3A_218 = tpu.memref_slice %arg6[%scan3A_206, %dma_start3A_217] : memref<125x80xi32, #tpu.memory_space<vmem>> -> memref<1x80xi32, #tpu.memory_space<vmem>>
        %dma_start3A_219 = tpu.memref_squeeze %dma_start3A_218 : memref<1x80xi32, #tpu.memory_space<vmem>> -> memref<80xi32, #tpu.memory_space<vmem>>
        %dma_start3A_220 = arith.constant 0 : i32
        %dma_start3A_221 = arith.constant 0 : i32
        %dma_start3A_222 = tpu.memref_slice %arg9[%dma_start3A_220, %dma_start3A_221] : memref<10240x128xf32, #tpu.memory_space<vmem_shared>> -> memref<10240x128xf32, #tpu.memory_space<vmem_shared>>
        tpu.enqueue_indirect_dma source(%arg7 : memref<80x128xf32, #tpu.memory_space<vmem>>) target(%dma_start3A_222 : memref<10240x128xf32, #tpu.memory_space<vmem_shared>>) offsets(%dma_start3A_219 : memref<80xi32, #tpu.memory_space<vmem>>) semaphore(%run_scoped3A : memref<!tpu.dma_semaphore, #tpu.memory_space<semaphore_mem>>) {add = true}
        %dma_wait3A_223 = arith.constant 0 : i32
        %dma_wait3A_224 = tpu.memref_slice %arg6[%scan3A_206, %dma_wait3A_223] : memref<125x80xi32, #tpu.memory_space<vmem>> -> memref<1x80xi32, #tpu.memory_space<vmem>>
        %dma_wait3A_225 = tpu.memref_squeeze %dma_wait3A_224 : memref<1x80xi32, #tpu.memory_space<vmem>> -> memref<80xi32, #tpu.memory_space<vmem>>
        %dma_wait3A_226 = arith.constant 0 : i32
        %dma_wait3A_227 = arith.constant 0 : i32
        %dma_wait3A_228 = tpu.memref_slice %arg9[%dma_wait3A_226, %dma_wait3A_227] : memref<10240x128xf32, #tpu.memory_space<vmem_shared>> -> memref<10240x128xf32, #tpu.memory_space<vmem_shared>>
        tpu.wait_indirect_dma semaphore(%run_scoped3A : memref<!tpu.dma_semaphore, #tpu.memory_space<semaphore_mem>>) src(%arg7 : memref<80x128xf32, #tpu.memory_space<vmem>>) dst(%dma_wait3A_228 : memref<10240x128xf32, #tpu.memory_space<vmem_shared>>)
        tpu.yield
      }) : () -> ()
    }
    %scan3A_197 = arith.constant 125 : i32
    %barrier3A_198 = arith.constant 0 : index
    tpu.barrier barrier_id(%barrier3A_198)
    %mul3A_199 = arith.constant 640 : i32
    %mul3A_200 = arith.muli %arg1, %mul3A_199 : i32
    %mul3A_201 = arith.constant 10240 : i32
    %mul3A_202 = arith.muli %arg0, %mul3A_201 : i32
    %mul3A_203 = arith.constant 640 : i32
    %mul3A_204 = arith.muli %arg1, %mul3A_203 : i32
    %add3A_205 = arith.addi %mul3A_202, %mul3A_204 : i32
    "tpu.region"() ({
      %run_scoped3A = tpu.sem_alloc : memref<!tpu.dma_semaphore, #tpu.memory_space<semaphore_mem>>
      %dma_start3A = arith.constant 0 : i32
      %dma_start3A_206 = tpu.memref_slice %arg4[%add3A_205, %dma_start3A] : memref<20480x128xf32, #tpu.memory_space<hbm>> -> memref<640x128xf32, #tpu.memory_space<hbm>>
      %dma_start3A_207 = arith.constant 0 : i32
      %dma_start3A_208 = tpu.memref_slice %arg9[%mul3A_200, %dma_start3A_207] : memref<10240x128xf32, #tpu.memory_space<vmem_shared>> -> memref<640x128xf32, #tpu.memory_space<vmem_shared>>
      tpu.enqueue_dma source(%dma_start3A_208 : memref<640x128xf32, #tpu.memory_space<vmem_shared>>) target(%dma_start3A_206 : memref<640x128xf32, #tpu.memory_space<hbm>>) target_semaphore(%run_scoped3A : memref<!tpu.dma_semaphore, #tpu.memory_space<semaphore_mem>>)
      %dma_wait3A = arith.constant 0 : i32
      %dma_wait3A_209 = tpu.memref_slice %arg4[%add3A_205, %dma_wait3A] : memref<20480x128xf32, #tpu.memory_space<hbm>> -> memref<640x128xf32, #tpu.memory_space<hbm>>
      %dma_wait3A_210 = arith.constant 0 : i32
      %dma_wait3A_211 = tpu.memref_slice %arg9[%mul3A_200, %dma_wait3A_210] : memref<10240x128xf32, #tpu.memory_space<vmem_shared>> -> memref<640x128xf32, #tpu.memory_space<vmem_shared>>
      tpu.wait_dma2 semaphore(%run_scoped3A : memref<!tpu.dma_semaphore, #tpu.memory_space<semaphore_mem>>) src(%dma_wait3A_211 : memref<640x128xf32, #tpu.memory_space<vmem_shared>>) dst(%dma_wait3A_209 : memref<640x128xf32, #tpu.memory_space<hbm>>)
      tpu.yield
    }) : () -> ()
    return
  }
}

#map = affine_map<(d0, d1) -> (0, 0)>
#map1 = affine_map<(d0, d1) -> (0, 0, 0)>
module attributes {stable_mosaic.version = 14 : i64} {
  func.func @agg_kernel(%arg0: i32, %arg1: i32, %arg2: memref<10000x128xf32, #tpu.memory_space<hbm>>, %arg3: memref<223x125x80xi32, #tpu.memory_space<hbm>>, %arg4: memref<20480x128xf32, #tpu.memory_space<hbm>>, %arg5: memref<125x80xi32, #tpu.memory_space<vmem>>, %arg6: memref<125x80xi32, #tpu.memory_space<vmem>>, %arg7: memref<80x128xf32, #tpu.memory_space<vmem>>, %arg8: memref<16x128xf32, #tpu.memory_space<vmem>>, %arg9: memref<10240x128xf32, #tpu.memory_space<vmem_shared>>, %arg10: memref<!tpu.dma_semaphore, #tpu.memory_space<semaphore_mem>>) attributes {dimension_semantics = [#tpu.dimension_semantics<core_parallel>, #tpu.dimension_semantics<subcore_parallel>], iteration_bounds = array<i64: 2, 16>, scalar_prefetch = 0 : i64, scratch_operands = 6 : i64, tpu.core_type = #tpu.core_type<sc_vector_subcore>, window_params = [{transform_indices = #map}, {transform_indices = #map1}, {transform_indices = #map}]} {
    %scan3A = arith.constant 0 : i32
    %scan3A_0 = arith.constant 0 : i32
    %scan3A_1 = arith.constant 128 : i32
    %scan3A_2 = arith.addi %scan3A_0, %scan3A_1 : i32
    %scan3A_3 = arith.constant 1 : i32
    scf.for %scan3A_190 = %scan3A_0 to %scan3A_2 step %scan3A_3  : i32 {
      %broadcast_in_dim3A = arith.constant 0.000000e+00 : f32
      %broadcast_in_dim3A_191 = vector.broadcast %broadcast_in_dim3A : f32 to vector<16xf32>
      %jit3A = arith.constant 8 : i32
      %div3A = arith.divsi %scan3A_190, %jit3A : i32
      %sign3A = arith.constant 0 : i32
      %sign3A_192 = arith.cmpi sgt, %scan3A_190, %sign3A : i32
      %sign3A_193 = arith.extui %sign3A_192 : i1 to i32
      %sign3A_194 = arith.constant 0 : i32
      %sign3A_195 = arith.cmpi slt, %scan3A_190, %sign3A_194 : i32
      %sign3A_196 = arith.extui %sign3A_195 : i1 to i32
      %sign3A_197 = arith.subi %sign3A_193, %sign3A_196 : i32
      %sign3A_198 = arith.constant 0 : i32
      %sign3A_199 = arith.cmpi sgt, %jit3A, %sign3A_198 : i32
      %sign3A_200 = arith.extui %sign3A_199 : i1 to i32
      %sign3A_201 = arith.constant 0 : i32
      %sign3A_202 = arith.cmpi slt, %jit3A, %sign3A_201 : i32
      %sign3A_203 = arith.extui %sign3A_202 : i1 to i32
      %sign3A_204 = arith.subi %sign3A_200, %sign3A_203 : i32
      %ne3A = arith.cmpi ne, %sign3A_197, %sign3A_204 : i32
      %rem3A = arith.remsi %scan3A_190, %jit3A : i32
      %ne3A_205 = arith.constant 0 : i32
      %ne3A_206 = arith.cmpi ne, %rem3A, %ne3A_205 : i32
      %and3A = arith.andi %ne3A, %ne3A_206 : i1
      %sub3A = arith.constant 1 : i32
      %sub3A_207 = arith.subi %div3A, %sub3A : i32
      %select_n3A = arith.select %and3A, %sub3A_207, %div3A : i32
      %jit3A_208 = arith.constant 8 : i32
      %eq3A = arith.constant 0 : i32
      %eq3A_209 = arith.cmpi eq, %jit3A_208, %eq3A : i32
      %jit3A_210 = arith.constant 1 : i32
      %select_n3A_211 = arith.select %eq3A_209, %jit3A_210, %jit3A_208 : i32
      %rem3A_212 = arith.remsi %scan3A_190, %select_n3A_211 : i32
      %ne3A_213 = arith.constant 0 : i32
      %ne3A_214 = arith.cmpi ne, %rem3A_212, %ne3A_213 : i32
      %lt3A = arith.constant 0 : i32
      %lt3A_215 = arith.cmpi slt, %rem3A_212, %lt3A : i32
      %lt3A_216 = arith.constant 0 : i32
      %lt3A_217 = arith.cmpi slt, %select_n3A_211, %lt3A_216 : i32
      %ne3A_218 = arith.xori %lt3A_215, %lt3A_217 : i1
      %and3A_219 = arith.andi %ne3A_218, %ne3A_214 : i1
      %add3A_220 = arith.addi %rem3A_212, %select_n3A_211 : i32
      %select_n3A_221 = arith.select %and3A_219, %add3A_220, %rem3A_212 : i32
      %mul3A_222 = arith.constant 16 : i32
      %mul3A_223 = arith.muli %select_n3A_221, %mul3A_222 : i32
      %swap3A = arith.index_cast %select_n3A : i32 to index
      %swap3A_224 = arith.index_cast %mul3A_223 : i32 to index
      %swap3A_225 = tpu.vector_load %arg8[%swap3A, %swap3A_224] {strides = array<i32>} : memref<16x128xf32, #tpu.memory_space<vmem>>, vector<1x16xf32>,
      %swap3A_226 = vector.shape_cast %swap3A_225 : vector<1x16xf32> to vector<16xf32>
      %swap3A_227 = vector.shape_cast %broadcast_in_dim3A_191 : vector<16xf32> to vector<1x16xf32>
      tpu.vector_store %arg8[%swap3A, %swap3A_224], %swap3A_227 {strides = array<i32>} : memref<16x128xf32, #tpu.memory_space<vmem>>, vector<1x16xf32>,
    }
    %scan3A_4 = arith.constant 128 : i32
    %mul3A = arith.constant 640 : i32
    %mul3A_5 = arith.muli %arg1, %mul3A : i32
    %add3A = arith.constant 0 : i32
    %add3A_6 = arith.addi %mul3A_5, %add3A : i32
    "tpu.region"() ({
      %run_scoped3A = tpu.sem_alloc : memref<!tpu.dma_semaphore, #tpu.memory_space<semaphore_mem>>
      %dma_start3A = arith.constant 0 : i32
      %dma_start3A_190 = tpu.memref_slice %arg9[%add3A_6, %dma_start3A] : memref<10240x128xf32, #tpu.memory_space<vmem_shared>> -> memref<16x128xf32, #tpu.memory_space<vmem_shared>>
      %dma_start3A_191 = arith.constant 0 : i32
      %dma_start3A_192 = tpu.memref_slice %arg9[%add3A_6, %dma_start3A_191] : memref<10240x128xf32, #tpu.memory_space<vmem_shared>> -> memref<16x128xf32, #tpu.memory_space<vmem_shared>>
      tpu.enqueue_dma source(%arg8 : memref<16x128xf32, #tpu.memory_space<vmem>>) target(%dma_start3A_192 : memref<16x128xf32, #tpu.memory_space<vmem_shared>>) target_semaphore(%run_scoped3A : memref<!tpu.dma_semaphore, #tpu.memory_space<semaphore_mem>>)
      %dma_wait3A = arith.constant 0 : i32
      %dma_wait3A_193 = tpu.memref_slice %arg9[%add3A_6, %dma_wait3A] : memref<10240x128xf32, #tpu.memory_space<vmem_shared>> -> memref<16x128xf32, #tpu.memory_space<vmem_shared>>
      %dma_wait3A_194 = arith.constant 0 : i32
      %dma_wait3A_195 = tpu.memref_slice %arg9[%add3A_6, %dma_wait3A_194] : memref<10240x128xf32, #tpu.memory_space<vmem_shared>> -> memref<16x128xf32, #tpu.memory_space<vmem_shared>>
      tpu.wait_dma2 semaphore(%run_scoped3A : memref<!tpu.dma_semaphore, #tpu.memory_space<semaphore_mem>>) src(%arg8 : memref<16x128xf32, #tpu.memory_space<vmem>>) dst(%dma_wait3A_195 : memref<16x128xf32, #tpu.memory_space<vmem_shared>>)
      tpu.yield
    }) : () -> ()
    %mul3A_7 = arith.constant 640 : i32
    %mul3A_8 = arith.muli %arg1, %mul3A_7 : i32
    %add3A_9 = arith.constant 16 : i32
    %add3A_10 = arith.addi %mul3A_8, %add3A_9 : i32
    "tpu.region"() ({
      %run_scoped3A = tpu.sem_alloc : memref<!tpu.dma_semaphore, #tpu.memory_space<semaphore_mem>>
      %dma_start3A = arith.constant 0 : i32
      %dma_start3A_190 = tpu.memref_slice %arg9[%add3A_10, %dma_start3A] : memref<10240x128xf32, #tpu.memory_space<vmem_shared>> -> memref<16x128xf32, #tpu.memory_space<vmem_shared>>
      %dma_start3A_191 = arith.constant 0 : i32
      %dma_start3A_192 = tpu.memref_slice %arg9[%add3A_10, %dma_start3A_191] : memref<10240x128xf32, #tpu.memory_space<vmem_shared>> -> memref<16x128xf32, #tpu.memory_space<vmem_shared>>
      tpu.enqueue_dma source(%arg8 : memref<16x128xf32, #tpu.memory_space<vmem>>) target(%dma_start3A_192 : memref<16x128xf32, #tpu.memory_space<vmem_shared>>) target_semaphore(%run_scoped3A : memref<!tpu.dma_semaphore, #tpu.memory_space<semaphore_mem>>)
      %dma_wait3A = arith.constant 0 : i32
      %dma_wait3A_193 = tpu.memref_slice %arg9[%add3A_10, %dma_wait3A] : memref<10240x128xf32, #tpu.memory_space<vmem_shared>> -> memref<16x128xf32, #tpu.memory_space<vmem_shared>>
      %dma_wait3A_194 = arith.constant 0 : i32
      %dma_wait3A_195 = tpu.memref_slice %arg9[%add3A_10, %dma_wait3A_194] : memref<10240x128xf32, #tpu.memory_space<vmem_shared>> -> memref<16x128xf32, #tpu.memory_space<vmem_shared>>
      tpu.wait_dma2 semaphore(%run_scoped3A : memref<!tpu.dma_semaphore, #tpu.memory_space<semaphore_mem>>) src(%arg8 : memref<16x128xf32, #tpu.memory_space<vmem>>) dst(%dma_wait3A_195 : memref<16x128xf32, #tpu.memory_space<vmem_shared>>)
      tpu.yield
    }) : () -> ()
    %mul3A_11 = arith.constant 640 : i32
    %mul3A_12 = arith.muli %arg1, %mul3A_11 : i32
    %add3A_13 = arith.constant 32 : i32
    %add3A_14 = arith.addi %mul3A_12, %add3A_13 : i32
    "tpu.region"() ({
      %run_scoped3A = tpu.sem_alloc : memref<!tpu.dma_semaphore, #tpu.memory_space<semaphore_mem>>
      %dma_start3A = arith.constant 0 : i32
      %dma_start3A_190 = tpu.memref_slice %arg9[%add3A_14, %dma_start3A] : memref<10240x128xf32, #tpu.memory_space<vmem_shared>> -> memref<16x128xf32, #tpu.memory_space<vmem_shared>>
      %dma_start3A_191 = arith.constant 0 : i32
      %dma_start3A_192 = tpu.memref_slice %arg9[%add3A_14, %dma_start3A_191] : memref<10240x128xf32, #tpu.memory_space<vmem_shared>> -> memref<16x128xf32, #tpu.memory_space<vmem_shared>>
      tpu.enqueue_dma source(%arg8 : memref<16x128xf32, #tpu.memory_space<vmem>>) target(%dma_start3A_192 : memref<16x128xf32, #tpu.memory_space<vmem_shared>>) target_semaphore(%run_scoped3A : memref<!tpu.dma_semaphore, #tpu.memory_space<semaphore_mem>>)
      %dma_wait3A = arith.constant 0 : i32
      %dma_wait3A_193 = tpu.memref_slice %arg9[%add3A_14, %dma_wait3A] : memref<10240x128xf32, #tpu.memory_space<vmem_shared>> -> memref<16x128xf32, #tpu.memory_space<vmem_shared>>
      %dma_wait3A_194 = arith.constant 0 : i32
      %dma_wait3A_195 = tpu.memref_slice %arg9[%add3A_14, %dma_wait3A_194] : memref<10240x128xf32, #tpu.memory_space<vmem_shared>> -> memref<16x128xf32, #tpu.memory_space<vmem_shared>>
      tpu.wait_dma2 semaphore(%run_scoped3A : memref<!tpu.dma_semaphore, #tpu.memory_space<semaphore_mem>>) src(%arg8 : memref<16x128xf32, #tpu.memory_space<vmem>>) dst(%dma_wait3A_195 : memref<16x128xf32, #tpu.memory_space<vmem_shared>>)
      tpu.yield
    }) : () -> ()
    %mul3A_15 = arith.constant 640 : i32
    %mul3A_16 = arith.muli %arg1, %mul3A_15 : i32
    %add3A_17 = arith.constant 48 : i32
    %add3A_18 = arith.addi %mul3A_16, %add3A_17 : i32
    "tpu.region"() ({
      %run_scoped3A = tpu.sem_alloc : memref<!tpu.dma_semaphore, #tpu.memory_space<semaphore_mem>>
      %dma_start3A = arith.constant 0 : i32
      %dma_start3A_190 = tpu.memref_slice %arg9[%add3A_18, %dma_start3A] : memref<10240x128xf32, #tpu.memory_space<vmem_shared>> -> memref<16x128xf32, #tpu.memory_space<vmem_shared>>
      %dma_start3A_191 = arith.constant 0 : i32
      %dma_start3A_192 = tpu.memref_slice %arg9[%add3A_18, %dma_start3A_191] : memref<10240x128xf32, #tpu.memory_space<vmem_shared>> -> memref<16x128xf32, #tpu.memory_space<vmem_shared>>
      tpu.enqueue_dma source(%arg8 : memref<16x128xf32, #tpu.memory_space<vmem>>) target(%dma_start3A_192 : memref<16x128xf32, #tpu.memory_space<vmem_shared>>) target_semaphore(%run_scoped3A : memref<!tpu.dma_semaphore, #tpu.memory_space<semaphore_mem>>)
      %dma_wait3A = arith.constant 0 : i32
      %dma_wait3A_193 = tpu.memref_slice %arg9[%add3A_18, %dma_wait3A] : memref<10240x128xf32, #tpu.memory_space<vmem_shared>> -> memref<16x128xf32, #tpu.memory_space<vmem_shared>>
      %dma_wait3A_194 = arith.constant 0 : i32
      %dma_wait3A_195 = tpu.memref_slice %arg9[%add3A_18, %dma_wait3A_194] : memref<10240x128xf32, #tpu.memory_space<vmem_shared>> -> memref<16x128xf32, #tpu.memory_space<vmem_shared>>
      tpu.wait_dma2 semaphore(%run_scoped3A : memref<!tpu.dma_semaphore, #tpu.memory_space<semaphore_mem>>) src(%arg8 : memref<16x128xf32, #tpu.memory_space<vmem>>) dst(%dma_wait3A_195 : memref<16x128xf32, #tpu.memory_space<vmem_shared>>)
      tpu.yield
    }) : () -> ()
    %mul3A_19 = arith.constant 640 : i32
    %mul3A_20 = arith.muli %arg1, %mul3A_19 : i32
    %add3A_21 = arith.constant 64 : i32
    %add3A_22 = arith.addi %mul3A_20, %add3A_21 : i32
    "tpu.region"() ({
      %run_scoped3A = tpu.sem_alloc : memref<!tpu.dma_semaphore, #tpu.memory_space<semaphore_mem>>
      %dma_start3A = arith.constant 0 : i32
      %dma_start3A_190 = tpu.memref_slice %arg9[%add3A_22, %dma_start3A] : memref<10240x128xf32, #tpu.memory_space<vmem_shared>> -> memref<16x128xf32, #tpu.memory_space<vmem_shared>>
      %dma_start3A_191 = arith.constant 0 : i32
      %dma_start3A_192 = tpu.memref_slice %arg9[%add3A_22, %dma_start3A_191] : memref<10240x128xf32, #tpu.memory_space<vmem_shared>> -> memref<16x128xf32, #tpu.memory_space<vmem_shared>>
      tpu.enqueue_dma source(%arg8 : memref<16x128xf32, #tpu.memory_space<vmem>>) target(%dma_start3A_192 : memref<16x128xf32, #tpu.memory_space<vmem_shared>>) target_semaphore(%run_scoped3A : memref<!tpu.dma_semaphore, #tpu.memory_space<semaphore_mem>>)
      %dma_wait3A = arith.constant 0 : i32
      %dma_wait3A_193 = tpu.memref_slice %arg9[%add3A_22, %dma_wait3A] : memref<10240x128xf32, #tpu.memory_space<vmem_shared>> -> memref<16x128xf32, #tpu.memory_space<vmem_shared>>
      %dma_wait3A_194 = arith.constant 0 : i32
      %dma_wait3A_195 = tpu.memref_slice %arg9[%add3A_22, %dma_wait3A_194] : memref<10240x128xf32, #tpu.memory_space<vmem_shared>> -> memref<16x128xf32, #tpu.memory_space<vmem_shared>>
      tpu.wait_dma2 semaphore(%run_scoped3A : memref<!tpu.dma_semaphore, #tpu.memory_space<semaphore_mem>>) src(%arg8 : memref<16x128xf32, #tpu.memory_space<vmem>>) dst(%dma_wait3A_195 : memref<16x128xf32, #tpu.memory_space<vmem_shared>>)
      tpu.yield
    }) : () -> ()
    %mul3A_23 = arith.constant 640 : i32
    %mul3A_24 = arith.muli %arg1, %mul3A_23 : i32
    %add3A_25 = arith.constant 80 : i32
    %add3A_26 = arith.addi %mul3A_24, %add3A_25 : i32
    "tpu.region"() ({
      %run_scoped3A = tpu.sem_alloc : memref<!tpu.dma_semaphore, #tpu.memory_space<semaphore_mem>>
      %dma_start3A = arith.constant 0 : i32
      %dma_start3A_190 = tpu.memref_slice %arg9[%add3A_26, %dma_start3A] : memref<10240x128xf32, #tpu.memory_space<vmem_shared>> -> memref<16x128xf32, #tpu.memory_space<vmem_shared>>
      %dma_start3A_191 = arith.constant 0 : i32
      %dma_start3A_192 = tpu.memref_slice %arg9[%add3A_26, %dma_start3A_191] : memref<10240x128xf32, #tpu.memory_space<vmem_shared>> -> memref<16x128xf32, #tpu.memory_space<vmem_shared>>
      tpu.enqueue_dma source(%arg8 : memref<16x128xf32, #tpu.memory_space<vmem>>) target(%dma_start3A_192 : memref<16x128xf32, #tpu.memory_space<vmem_shared>>) target_semaphore(%run_scoped3A : memref<!tpu.dma_semaphore, #tpu.memory_space<semaphore_mem>>)
      %dma_wait3A = arith.constant 0 : i32
      %dma_wait3A_193 = tpu.memref_slice %arg9[%add3A_26, %dma_wait3A] : memref<10240x128xf32, #tpu.memory_space<vmem_shared>> -> memref<16x128xf32, #tpu.memory_space<vmem_shared>>
      %dma_wait3A_194 = arith.constant 0 : i32
      %dma_wait3A_195 = tpu.memref_slice %arg9[%add3A_26, %dma_wait3A_194] : memref<10240x128xf32, #tpu.memory_space<vmem_shared>> -> memref<16x128xf32, #tpu.memory_space<vmem_shared>>
      tpu.wait_dma2 semaphore(%run_scoped3A : memref<!tpu.dma_semaphore, #tpu.memory_space<semaphore_mem>>) src(%arg8 : memref<16x128xf32, #tpu.memory_space<vmem>>) dst(%dma_wait3A_195 : memref<16x128xf32, #tpu.memory_space<vmem_shared>>)
      tpu.yield
    }) : () -> ()
    %mul3A_27 = arith.constant 640 : i32
    %mul3A_28 = arith.muli %arg1, %mul3A_27 : i32
    %add3A_29 = arith.constant 96 : i32
    %add3A_30 = arith.addi %mul3A_28, %add3A_29 : i32
    "tpu.region"() ({
      %run_scoped3A = tpu.sem_alloc : memref<!tpu.dma_semaphore, #tpu.memory_space<semaphore_mem>>
      %dma_start3A = arith.constant 0 : i32
      %dma_start3A_190 = tpu.memref_slice %arg9[%add3A_30, %dma_start3A] : memref<10240x128xf32, #tpu.memory_space<vmem_shared>> -> memref<16x128xf32, #tpu.memory_space<vmem_shared>>
      %dma_start3A_191 = arith.constant 0 : i32
      %dma_start3A_192 = tpu.memref_slice %arg9[%add3A_30, %dma_start3A_191] : memref<10240x128xf32, #tpu.memory_space<vmem_shared>> -> memref<16x128xf32, #tpu.memory_space<vmem_shared>>
      tpu.enqueue_dma source(%arg8 : memref<16x128xf32, #tpu.memory_space<vmem>>) target(%dma_start3A_192 : memref<16x128xf32, #tpu.memory_space<vmem_shared>>) target_semaphore(%run_scoped3A : memref<!tpu.dma_semaphore, #tpu.memory_space<semaphore_mem>>)
      %dma_wait3A = arith.constant 0 : i32
      %dma_wait3A_193 = tpu.memref_slice %arg9[%add3A_30, %dma_wait3A] : memref<10240x128xf32, #tpu.memory_space<vmem_shared>> -> memref<16x128xf32, #tpu.memory_space<vmem_shared>>
      %dma_wait3A_194 = arith.constant 0 : i32
      %dma_wait3A_195 = tpu.memref_slice %arg9[%add3A_30, %dma_wait3A_194] : memref<10240x128xf32, #tpu.memory_space<vmem_shared>> -> memref<16x128xf32, #tpu.memory_space<vmem_shared>>
      tpu.wait_dma2 semaphore(%run_scoped3A : memref<!tpu.dma_semaphore, #tpu.memory_space<semaphore_mem>>) src(%arg8 : memref<16x128xf32, #tpu.memory_space<vmem>>) dst(%dma_wait3A_195 : memref<16x128xf32, #tpu.memory_space<vmem_shared>>)
      tpu.yield
    }) : () -> ()
    %mul3A_31 = arith.constant 640 : i32
    %mul3A_32 = arith.muli %arg1, %mul3A_31 : i32
    %add3A_33 = arith.constant 112 : i32
    %add3A_34 = arith.addi %mul3A_32, %add3A_33 : i32
    "tpu.region"() ({
      %run_scoped3A = tpu.sem_alloc : memref<!tpu.dma_semaphore, #tpu.memory_space<semaphore_mem>>
      %dma_start3A = arith.constant 0 : i32
      %dma_start3A_190 = tpu.memref_slice %arg9[%add3A_34, %dma_start3A] : memref<10240x128xf32, #tpu.memory_space<vmem_shared>> -> memref<16x128xf32, #tpu.memory_space<vmem_shared>>
      %dma_start3A_191 = arith.constant 0 : i32
      %dma_start3A_192 = tpu.memref_slice %arg9[%add3A_34, %dma_start3A_191] : memref<10240x128xf32, #tpu.memory_space<vmem_shared>> -> memref<16x128xf32, #tpu.memory_space<vmem_shared>>
      tpu.enqueue_dma source(%arg8 : memref<16x128xf32, #tpu.memory_space<vmem>>) target(%dma_start3A_192 : memref<16x128xf32, #tpu.memory_space<vmem_shared>>) target_semaphore(%run_scoped3A : memref<!tpu.dma_semaphore, #tpu.memory_space<semaphore_mem>>)
      %dma_wait3A = arith.constant 0 : i32
      %dma_wait3A_193 = tpu.memref_slice %arg9[%add3A_34, %dma_wait3A] : memref<10240x128xf32, #tpu.memory_space<vmem_shared>> -> memref<16x128xf32, #tpu.memory_space<vmem_shared>>
      %dma_wait3A_194 = arith.constant 0 : i32
      %dma_wait3A_195 = tpu.memref_slice %arg9[%add3A_34, %dma_wait3A_194] : memref<10240x128xf32, #tpu.memory_space<vmem_shared>> -> memref<16x128xf32, #tpu.memory_space<vmem_shared>>
      tpu.wait_dma2 semaphore(%run_scoped3A : memref<!tpu.dma_semaphore, #tpu.memory_space<semaphore_mem>>) src(%arg8 : memref<16x128xf32, #tpu.memory_space<vmem>>) dst(%dma_wait3A_195 : memref<16x128xf32, #tpu.memory_space<vmem_shared>>)
      tpu.yield
    }) : () -> ()
    %mul3A_35 = arith.constant 640 : i32
    %mul3A_36 = arith.muli %arg1, %mul3A_35 : i32
    %add3A_37 = arith.constant 128 : i32
    %add3A_38 = arith.addi %mul3A_36, %add3A_37 : i32
    "tpu.region"() ({
      %run_scoped3A = tpu.sem_alloc : memref<!tpu.dma_semaphore, #tpu.memory_space<semaphore_mem>>
      %dma_start3A = arith.constant 0 : i32
      %dma_start3A_190 = tpu.memref_slice %arg9[%add3A_38, %dma_start3A] : memref<10240x128xf32, #tpu.memory_space<vmem_shared>> -> memref<16x128xf32, #tpu.memory_space<vmem_shared>>
      %dma_start3A_191 = arith.constant 0 : i32
      %dma_start3A_192 = tpu.memref_slice %arg9[%add3A_38, %dma_start3A_191] : memref<10240x128xf32, #tpu.memory_space<vmem_shared>> -> memref<16x128xf32, #tpu.memory_space<vmem_shared>>
      tpu.enqueue_dma source(%arg8 : memref<16x128xf32, #tpu.memory_space<vmem>>) target(%dma_start3A_192 : memref<16x128xf32, #tpu.memory_space<vmem_shared>>) target_semaphore(%run_scoped3A : memref<!tpu.dma_semaphore, #tpu.memory_space<semaphore_mem>>)
      %dma_wait3A = arith.constant 0 : i32
      %dma_wait3A_193 = tpu.memref_slice %arg9[%add3A_38, %dma_wait3A] : memref<10240x128xf32, #tpu.memory_space<vmem_shared>> -> memref<16x128xf32, #tpu.memory_space<vmem_shared>>
      %dma_wait3A_194 = arith.constant 0 : i32
      %dma_wait3A_195 = tpu.memref_slice %arg9[%add3A_38, %dma_wait3A_194] : memref<10240x128xf32, #tpu.memory_space<vmem_shared>> -> memref<16x128xf32, #tpu.memory_space<vmem_shared>>
      tpu.wait_dma2 semaphore(%run_scoped3A : memref<!tpu.dma_semaphore, #tpu.memory_space<semaphore_mem>>) src(%arg8 : memref<16x128xf32, #tpu.memory_space<vmem>>) dst(%dma_wait3A_195 : memref<16x128xf32, #tpu.memory_space<vmem_shared>>)
      tpu.yield
    }) : () -> ()
    %mul3A_39 = arith.constant 640 : i32
    %mul3A_40 = arith.muli %arg1, %mul3A_39 : i32
    %add3A_41 = arith.constant 144 : i32
    %add3A_42 = arith.addi %mul3A_40, %add3A_41 : i32
    "tpu.region"() ({
      %run_scoped3A = tpu.sem_alloc : memref<!tpu.dma_semaphore, #tpu.memory_space<semaphore_mem>>
      %dma_start3A = arith.constant 0 : i32
      %dma_start3A_190 = tpu.memref_slice %arg9[%add3A_42, %dma_start3A] : memref<10240x128xf32, #tpu.memory_space<vmem_shared>> -> memref<16x128xf32, #tpu.memory_space<vmem_shared>>
      %dma_start3A_191 = arith.constant 0 : i32
      %dma_start3A_192 = tpu.memref_slice %arg9[%add3A_42, %dma_start3A_191] : memref<10240x128xf32, #tpu.memory_space<vmem_shared>> -> memref<16x128xf32, #tpu.memory_space<vmem_shared>>
      tpu.enqueue_dma source(%arg8 : memref<16x128xf32, #tpu.memory_space<vmem>>) target(%dma_start3A_192 : memref<16x128xf32, #tpu.memory_space<vmem_shared>>) target_semaphore(%run_scoped3A : memref<!tpu.dma_semaphore, #tpu.memory_space<semaphore_mem>>)
      %dma_wait3A = arith.constant 0 : i32
      %dma_wait3A_193 = tpu.memref_slice %arg9[%add3A_42, %dma_wait3A] : memref<10240x128xf32, #tpu.memory_space<vmem_shared>> -> memref<16x128xf32, #tpu.memory_space<vmem_shared>>
      %dma_wait3A_194 = arith.constant 0 : i32
      %dma_wait3A_195 = tpu.memref_slice %arg9[%add3A_42, %dma_wait3A_194] : memref<10240x128xf32, #tpu.memory_space<vmem_shared>> -> memref<16x128xf32, #tpu.memory_space<vmem_shared>>
      tpu.wait_dma2 semaphore(%run_scoped3A : memref<!tpu.dma_semaphore, #tpu.memory_space<semaphore_mem>>) src(%arg8 : memref<16x128xf32, #tpu.memory_space<vmem>>) dst(%dma_wait3A_195 : memref<16x128xf32, #tpu.memory_space<vmem_shared>>)
      tpu.yield
    }) : () -> ()
    %mul3A_43 = arith.constant 640 : i32
    %mul3A_44 = arith.muli %arg1, %mul3A_43 : i32
    %add3A_45 = arith.constant 160 : i32
    %add3A_46 = arith.addi %mul3A_44, %add3A_45 : i32
    "tpu.region"() ({
      %run_scoped3A = tpu.sem_alloc : memref<!tpu.dma_semaphore, #tpu.memory_space<semaphore_mem>>
      %dma_start3A = arith.constant 0 : i32
      %dma_start3A_190 = tpu.memref_slice %arg9[%add3A_46, %dma_start3A] : memref<10240x128xf32, #tpu.memory_space<vmem_shared>> -> memref<16x128xf32, #tpu.memory_space<vmem_shared>>
      %dma_start3A_191 = arith.constant 0 : i32
      %dma_start3A_192 = tpu.memref_slice %arg9[%add3A_46, %dma_start3A_191] : memref<10240x128xf32, #tpu.memory_space<vmem_shared>> -> memref<16x128xf32, #tpu.memory_space<vmem_shared>>
      tpu.enqueue_dma source(%arg8 : memref<16x128xf32, #tpu.memory_space<vmem>>) target(%dma_start3A_192 : memref<16x128xf32, #tpu.memory_space<vmem_shared>>) target_semaphore(%run_scoped3A : memref<!tpu.dma_semaphore, #tpu.memory_space<semaphore_mem>>)
      %dma_wait3A = arith.constant 0 : i32
      %dma_wait3A_193 = tpu.memref_slice %arg9[%add3A_46, %dma_wait3A] : memref<10240x128xf32, #tpu.memory_space<vmem_shared>> -> memref<16x128xf32, #tpu.memory_space<vmem_shared>>
      %dma_wait3A_194 = arith.constant 0 : i32
      %dma_wait3A_195 = tpu.memref_slice %arg9[%add3A_46, %dma_wait3A_194] : memref<10240x128xf32, #tpu.memory_space<vmem_shared>> -> memref<16x128xf32, #tpu.memory_space<vmem_shared>>
      tpu.wait_dma2 semaphore(%run_scoped3A : memref<!tpu.dma_semaphore, #tpu.memory_space<semaphore_mem>>) src(%arg8 : memref<16x128xf32, #tpu.memory_space<vmem>>) dst(%dma_wait3A_195 : memref<16x128xf32, #tpu.memory_space<vmem_shared>>)
      tpu.yield
    }) : () -> ()
    %mul3A_47 = arith.constant 640 : i32
    %mul3A_48 = arith.muli %arg1, %mul3A_47 : i32
    %add3A_49 = arith.constant 176 : i32
    %add3A_50 = arith.addi %mul3A_48, %add3A_49 : i32
    "tpu.region"() ({
      %run_scoped3A = tpu.sem_alloc : memref<!tpu.dma_semaphore, #tpu.memory_space<semaphore_mem>>
      %dma_start3A = arith.constant 0 : i32
      %dma_start3A_190 = tpu.memref_slice %arg9[%add3A_50, %dma_start3A] : memref<10240x128xf32, #tpu.memory_space<vmem_shared>> -> memref<16x128xf32, #tpu.memory_space<vmem_shared>>
      %dma_start3A_191 = arith.constant 0 : i32
      %dma_start3A_192 = tpu.memref_slice %arg9[%add3A_50, %dma_start3A_191] : memref<10240x128xf32, #tpu.memory_space<vmem_shared>> -> memref<16x128xf32, #tpu.memory_space<vmem_shared>>
      tpu.enqueue_dma source(%arg8 : memref<16x128xf32, #tpu.memory_space<vmem>>) target(%dma_start3A_192 : memref<16x128xf32, #tpu.memory_space<vmem_shared>>) target_semaphore(%run_scoped3A : memref<!tpu.dma_semaphore, #tpu.memory_space<semaphore_mem>>)
      %dma_wait3A = arith.constant 0 : i32
      %dma_wait3A_193 = tpu.memref_slice %arg9[%add3A_50, %dma_wait3A] : memref<10240x128xf32, #tpu.memory_space<vmem_shared>> -> memref<16x128xf32, #tpu.memory_space<vmem_shared>>
      %dma_wait3A_194 = arith.constant 0 : i32
      %dma_wait3A_195 = tpu.memref_slice %arg9[%add3A_50, %dma_wait3A_194] : memref<10240x128xf32, #tpu.memory_space<vmem_shared>> -> memref<16x128xf32, #tpu.memory_space<vmem_shared>>
      tpu.wait_dma2 semaphore(%run_scoped3A : memref<!tpu.dma_semaphore, #tpu.memory_space<semaphore_mem>>) src(%arg8 : memref<16x128xf32, #tpu.memory_space<vmem>>) dst(%dma_wait3A_195 : memref<16x128xf32, #tpu.memory_space<vmem_shared>>)
      tpu.yield
    }) : () -> ()
    %mul3A_51 = arith.constant 640 : i32
    %mul3A_52 = arith.muli %arg1, %mul3A_51 : i32
    %add3A_53 = arith.constant 192 : i32
    %add3A_54 = arith.addi %mul3A_52, %add3A_53 : i32
    "tpu.region"() ({
      %run_scoped3A = tpu.sem_alloc : memref<!tpu.dma_semaphore, #tpu.memory_space<semaphore_mem>>
      %dma_start3A = arith.constant 0 : i32
      %dma_start3A_190 = tpu.memref_slice %arg9[%add3A_54, %dma_start3A] : memref<10240x128xf32, #tpu.memory_space<vmem_shared>> -> memref<16x128xf32, #tpu.memory_space<vmem_shared>>
      %dma_start3A_191 = arith.constant 0 : i32
      %dma_start3A_192 = tpu.memref_slice %arg9[%add3A_54, %dma_start3A_191] : memref<10240x128xf32, #tpu.memory_space<vmem_shared>> -> memref<16x128xf32, #tpu.memory_space<vmem_shared>>
      tpu.enqueue_dma source(%arg8 : memref<16x128xf32, #tpu.memory_space<vmem>>) target(%dma_start3A_192 : memref<16x128xf32, #tpu.memory_space<vmem_shared>>) target_semaphore(%run_scoped3A : memref<!tpu.dma_semaphore, #tpu.memory_space<semaphore_mem>>)
      %dma_wait3A = arith.constant 0 : i32
      %dma_wait3A_193 = tpu.memref_slice %arg9[%add3A_54, %dma_wait3A] : memref<10240x128xf32, #tpu.memory_space<vmem_shared>> -> memref<16x128xf32, #tpu.memory_space<vmem_shared>>
      %dma_wait3A_194 = arith.constant 0 : i32
      %dma_wait3A_195 = tpu.memref_slice %arg9[%add3A_54, %dma_wait3A_194] : memref<10240x128xf32, #tpu.memory_space<vmem_shared>> -> memref<16x128xf32, #tpu.memory_space<vmem_shared>>
      tpu.wait_dma2 semaphore(%run_scoped3A : memref<!tpu.dma_semaphore, #tpu.memory_space<semaphore_mem>>) src(%arg8 : memref<16x128xf32, #tpu.memory_space<vmem>>) dst(%dma_wait3A_195 : memref<16x128xf32, #tpu.memory_space<vmem_shared>>)
      tpu.yield
    }) : () -> ()
    %mul3A_55 = arith.constant 640 : i32
    %mul3A_56 = arith.muli %arg1, %mul3A_55 : i32
    %add3A_57 = arith.constant 208 : i32
    %add3A_58 = arith.addi %mul3A_56, %add3A_57 : i32
    "tpu.region"() ({
      %run_scoped3A = tpu.sem_alloc : memref<!tpu.dma_semaphore, #tpu.memory_space<semaphore_mem>>
      %dma_start3A = arith.constant 0 : i32
      %dma_start3A_190 = tpu.memref_slice %arg9[%add3A_58, %dma_start3A] : memref<10240x128xf32, #tpu.memory_space<vmem_shared>> -> memref<16x128xf32, #tpu.memory_space<vmem_shared>>
      %dma_start3A_191 = arith.constant 0 : i32
      %dma_start3A_192 = tpu.memref_slice %arg9[%add3A_58, %dma_start3A_191] : memref<10240x128xf32, #tpu.memory_space<vmem_shared>> -> memref<16x128xf32, #tpu.memory_space<vmem_shared>>
      tpu.enqueue_dma source(%arg8 : memref<16x128xf32, #tpu.memory_space<vmem>>) target(%dma_start3A_192 : memref<16x128xf32, #tpu.memory_space<vmem_shared>>) target_semaphore(%run_scoped3A : memref<!tpu.dma_semaphore, #tpu.memory_space<semaphore_mem>>)
      %dma_wait3A = arith.constant 0 : i32
      %dma_wait3A_193 = tpu.memref_slice %arg9[%add3A_58, %dma_wait3A] : memref<10240x128xf32, #tpu.memory_space<vmem_shared>> -> memref<16x128xf32, #tpu.memory_space<vmem_shared>>
      %dma_wait3A_194 = arith.constant 0 : i32
      %dma_wait3A_195 = tpu.memref_slice %arg9[%add3A_58, %dma_wait3A_194] : memref<10240x128xf32, #tpu.memory_space<vmem_shared>> -> memref<16x128xf32, #tpu.memory_space<vmem_shared>>
      tpu.wait_dma2 semaphore(%run_scoped3A : memref<!tpu.dma_semaphore, #tpu.memory_space<semaphore_mem>>) src(%arg8 : memref<16x128xf32, #tpu.memory_space<vmem>>) dst(%dma_wait3A_195 : memref<16x128xf32, #tpu.memory_space<vmem_shared>>)
      tpu.yield
    }) : () -> ()
    %mul3A_59 = arith.constant 640 : i32
    %mul3A_60 = arith.muli %arg1, %mul3A_59 : i32
    %add3A_61 = arith.constant 224 : i32
    %add3A_62 = arith.addi %mul3A_60, %add3A_61 : i32
    "tpu.region"() ({
      %run_scoped3A = tpu.sem_alloc : memref<!tpu.dma_semaphore, #tpu.memory_space<semaphore_mem>>
      %dma_start3A = arith.constant 0 : i32
      %dma_start3A_190 = tpu.memref_slice %arg9[%add3A_62, %dma_start3A] : memref<10240x128xf32, #tpu.memory_space<vmem_shared>> -> memref<16x128xf32, #tpu.memory_space<vmem_shared>>
      %dma_start3A_191 = arith.constant 0 : i32
      %dma_start3A_192 = tpu.memref_slice %arg9[%add3A_62, %dma_start3A_191] : memref<10240x128xf32, #tpu.memory_space<vmem_shared>> -> memref<16x128xf32, #tpu.memory_space<vmem_shared>>
      tpu.enqueue_dma source(%arg8 : memref<16x128xf32, #tpu.memory_space<vmem>>) target(%dma_start3A_192 : memref<16x128xf32, #tpu.memory_space<vmem_shared>>) target_semaphore(%run_scoped3A : memref<!tpu.dma_semaphore, #tpu.memory_space<semaphore_mem>>)
      %dma_wait3A = arith.constant 0 : i32
      %dma_wait3A_193 = tpu.memref_slice %arg9[%add3A_62, %dma_wait3A] : memref<10240x128xf32, #tpu.memory_space<vmem_shared>> -> memref<16x128xf32, #tpu.memory_space<vmem_shared>>
      %dma_wait3A_194 = arith.constant 0 : i32
      %dma_wait3A_195 = tpu.memref_slice %arg9[%add3A_62, %dma_wait3A_194] : memref<10240x128xf32, #tpu.memory_space<vmem_shared>> -> memref<16x128xf32, #tpu.memory_space<vmem_shared>>
      tpu.wait_dma2 semaphore(%run_scoped3A : memref<!tpu.dma_semaphore, #tpu.memory_space<semaphore_mem>>) src(%arg8 : memref<16x128xf32, #tpu.memory_space<vmem>>) dst(%dma_wait3A_195 : memref<16x128xf32, #tpu.memory_space<vmem_shared>>)
      tpu.yield
    }) : () -> ()
    %mul3A_63 = arith.constant 640 : i32
    %mul3A_64 = arith.muli %arg1, %mul3A_63 : i32
    %add3A_65 = arith.constant 240 : i32
    %add3A_66 = arith.addi %mul3A_64, %add3A_65 : i32
    "tpu.region"() ({
      %run_scoped3A = tpu.sem_alloc : memref<!tpu.dma_semaphore, #tpu.memory_space<semaphore_mem>>
      %dma_start3A = arith.constant 0 : i32
      %dma_start3A_190 = tpu.memref_slice %arg9[%add3A_66, %dma_start3A] : memref<10240x128xf32, #tpu.memory_space<vmem_shared>> -> memref<16x128xf32, #tpu.memory_space<vmem_shared>>
      %dma_start3A_191 = arith.constant 0 : i32
      %dma_start3A_192 = tpu.memref_slice %arg9[%add3A_66, %dma_start3A_191] : memref<10240x128xf32, #tpu.memory_space<vmem_shared>> -> memref<16x128xf32, #tpu.memory_space<vmem_shared>>
      tpu.enqueue_dma source(%arg8 : memref<16x128xf32, #tpu.memory_space<vmem>>) target(%dma_start3A_192 : memref<16x128xf32, #tpu.memory_space<vmem_shared>>) target_semaphore(%run_scoped3A : memref<!tpu.dma_semaphore, #tpu.memory_space<semaphore_mem>>)
      %dma_wait3A = arith.constant 0 : i32
      %dma_wait3A_193 = tpu.memref_slice %arg9[%add3A_66, %dma_wait3A] : memref<10240x128xf32, #tpu.memory_space<vmem_shared>> -> memref<16x128xf32, #tpu.memory_space<vmem_shared>>
      %dma_wait3A_194 = arith.constant 0 : i32
      %dma_wait3A_195 = tpu.memref_slice %arg9[%add3A_66, %dma_wait3A_194] : memref<10240x128xf32, #tpu.memory_space<vmem_shared>> -> memref<16x128xf32, #tpu.memory_space<vmem_shared>>
      tpu.wait_dma2 semaphore(%run_scoped3A : memref<!tpu.dma_semaphore, #tpu.memory_space<semaphore_mem>>) src(%arg8 : memref<16x128xf32, #tpu.memory_space<vmem>>) dst(%dma_wait3A_195 : memref<16x128xf32, #tpu.memory_space<vmem_shared>>)
      tpu.yield
    }) : () -> ()
    %mul3A_67 = arith.constant 640 : i32
    %mul3A_68 = arith.muli %arg1, %mul3A_67 : i32
    %add3A_69 = arith.constant 256 : i32
    %add3A_70 = arith.addi %mul3A_68, %add3A_69 : i32
    "tpu.region"() ({
      %run_scoped3A = tpu.sem_alloc : memref<!tpu.dma_semaphore, #tpu.memory_space<semaphore_mem>>
      %dma_start3A = arith.constant 0 : i32
      %dma_start3A_190 = tpu.memref_slice %arg9[%add3A_70, %dma_start3A] : memref<10240x128xf32, #tpu.memory_space<vmem_shared>> -> memref<16x128xf32, #tpu.memory_space<vmem_shared>>
      %dma_start3A_191 = arith.constant 0 : i32
      %dma_start3A_192 = tpu.memref_slice %arg9[%add3A_70, %dma_start3A_191] : memref<10240x128xf32, #tpu.memory_space<vmem_shared>> -> memref<16x128xf32, #tpu.memory_space<vmem_shared>>
      tpu.enqueue_dma source(%arg8 : memref<16x128xf32, #tpu.memory_space<vmem>>) target(%dma_start3A_192 : memref<16x128xf32, #tpu.memory_space<vmem_shared>>) target_semaphore(%run_scoped3A : memref<!tpu.dma_semaphore, #tpu.memory_space<semaphore_mem>>)
      %dma_wait3A = arith.constant 0 : i32
      %dma_wait3A_193 = tpu.memref_slice %arg9[%add3A_70, %dma_wait3A] : memref<10240x128xf32, #tpu.memory_space<vmem_shared>> -> memref<16x128xf32, #tpu.memory_space<vmem_shared>>
      %dma_wait3A_194 = arith.constant 0 : i32
      %dma_wait3A_195 = tpu.memref_slice %arg9[%add3A_70, %dma_wait3A_194] : memref<10240x128xf32, #tpu.memory_space<vmem_shared>> -> memref<16x128xf32, #tpu.memory_space<vmem_shared>>
      tpu.wait_dma2 semaphore(%run_scoped3A : memref<!tpu.dma_semaphore, #tpu.memory_space<semaphore_mem>>) src(%arg8 : memref<16x128xf32, #tpu.memory_space<vmem>>) dst(%dma_wait3A_195 : memref<16x128xf32, #tpu.memory_space<vmem_shared>>)
      tpu.yield
    }) : () -> ()
    %mul3A_71 = arith.constant 640 : i32
    %mul3A_72 = arith.muli %arg1, %mul3A_71 : i32
    %add3A_73 = arith.constant 272 : i32
    %add3A_74 = arith.addi %mul3A_72, %add3A_73 : i32
    "tpu.region"() ({
      %run_scoped3A = tpu.sem_alloc : memref<!tpu.dma_semaphore, #tpu.memory_space<semaphore_mem>>
      %dma_start3A = arith.constant 0 : i32
      %dma_start3A_190 = tpu.memref_slice %arg9[%add3A_74, %dma_start3A] : memref<10240x128xf32, #tpu.memory_space<vmem_shared>> -> memref<16x128xf32, #tpu.memory_space<vmem_shared>>
      %dma_start3A_191 = arith.constant 0 : i32
      %dma_start3A_192 = tpu.memref_slice %arg9[%add3A_74, %dma_start3A_191] : memref<10240x128xf32, #tpu.memory_space<vmem_shared>> -> memref<16x128xf32, #tpu.memory_space<vmem_shared>>
      tpu.enqueue_dma source(%arg8 : memref<16x128xf32, #tpu.memory_space<vmem>>) target(%dma_start3A_192 : memref<16x128xf32, #tpu.memory_space<vmem_shared>>) target_semaphore(%run_scoped3A : memref<!tpu.dma_semaphore, #tpu.memory_space<semaphore_mem>>)
      %dma_wait3A = arith.constant 0 : i32
      %dma_wait3A_193 = tpu.memref_slice %arg9[%add3A_74, %dma_wait3A] : memref<10240x128xf32, #tpu.memory_space<vmem_shared>> -> memref<16x128xf32, #tpu.memory_space<vmem_shared>>
      %dma_wait3A_194 = arith.constant 0 : i32
      %dma_wait3A_195 = tpu.memref_slice %arg9[%add3A_74, %dma_wait3A_194] : memref<10240x128xf32, #tpu.memory_space<vmem_shared>> -> memref<16x128xf32, #tpu.memory_space<vmem_shared>>
      tpu.wait_dma2 semaphore(%run_scoped3A : memref<!tpu.dma_semaphore, #tpu.memory_space<semaphore_mem>>) src(%arg8 : memref<16x128xf32, #tpu.memory_space<vmem>>) dst(%dma_wait3A_195 : memref<16x128xf32, #tpu.memory_space<vmem_shared>>)
      tpu.yield
    }) : () -> ()
    %mul3A_75 = arith.constant 640 : i32
    %mul3A_76 = arith.muli %arg1, %mul3A_75 : i32
    %add3A_77 = arith.constant 288 : i32
    %add3A_78 = arith.addi %mul3A_76, %add3A_77 : i32
    "tpu.region"() ({
      %run_scoped3A = tpu.sem_alloc : memref<!tpu.dma_semaphore, #tpu.memory_space<semaphore_mem>>
      %dma_start3A = arith.constant 0 : i32
      %dma_start3A_190 = tpu.memref_slice %arg9[%add3A_78, %dma_start3A] : memref<10240x128xf32, #tpu.memory_space<vmem_shared>> -> memref<16x128xf32, #tpu.memory_space<vmem_shared>>
      %dma_start3A_191 = arith.constant 0 : i32
      %dma_start3A_192 = tpu.memref_slice %arg9[%add3A_78, %dma_start3A_191] : memref<10240x128xf32, #tpu.memory_space<vmem_shared>> -> memref<16x128xf32, #tpu.memory_space<vmem_shared>>
      tpu.enqueue_dma source(%arg8 : memref<16x128xf32, #tpu.memory_space<vmem>>) target(%dma_start3A_192 : memref<16x128xf32, #tpu.memory_space<vmem_shared>>) target_semaphore(%run_scoped3A : memref<!tpu.dma_semaphore, #tpu.memory_space<semaphore_mem>>)
      %dma_wait3A = arith.constant 0 : i32
      %dma_wait3A_193 = tpu.memref_slice %arg9[%add3A_78, %dma_wait3A] : memref<10240x128xf32, #tpu.memory_space<vmem_shared>> -> memref<16x128xf32, #tpu.memory_space<vmem_shared>>
      %dma_wait3A_194 = arith.constant 0 : i32
      %dma_wait3A_195 = tpu.memref_slice %arg9[%add3A_78, %dma_wait3A_194] : memref<10240x128xf32, #tpu.memory_space<vmem_shared>> -> memref<16x128xf32, #tpu.memory_space<vmem_shared>>
      tpu.wait_dma2 semaphore(%run_scoped3A : memref<!tpu.dma_semaphore, #tpu.memory_space<semaphore_mem>>) src(%arg8 : memref<16x128xf32, #tpu.memory_space<vmem>>) dst(%dma_wait3A_195 : memref<16x128xf32, #tpu.memory_space<vmem_shared>>)
      tpu.yield
    }) : () -> ()
    %mul3A_79 = arith.constant 640 : i32
    %mul3A_80 = arith.muli %arg1, %mul3A_79 : i32
    %add3A_81 = arith.constant 304 : i32
    %add3A_82 = arith.addi %mul3A_80, %add3A_81 : i32
    "tpu.region"() ({
      %run_scoped3A = tpu.sem_alloc : memref<!tpu.dma_semaphore, #tpu.memory_space<semaphore_mem>>
      %dma_start3A = arith.constant 0 : i32
      %dma_start3A_190 = tpu.memref_slice %arg9[%add3A_82, %dma_start3A] : memref<10240x128xf32, #tpu.memory_space<vmem_shared>> -> memref<16x128xf32, #tpu.memory_space<vmem_shared>>
      %dma_start3A_191 = arith.constant 0 : i32
      %dma_start3A_192 = tpu.memref_slice %arg9[%add3A_82, %dma_start3A_191] : memref<10240x128xf32, #tpu.memory_space<vmem_shared>> -> memref<16x128xf32, #tpu.memory_space<vmem_shared>>
      tpu.enqueue_dma source(%arg8 : memref<16x128xf32, #tpu.memory_space<vmem>>) target(%dma_start3A_192 : memref<16x128xf32, #tpu.memory_space<vmem_shared>>) target_semaphore(%run_scoped3A : memref<!tpu.dma_semaphore, #tpu.memory_space<semaphore_mem>>)
      %dma_wait3A = arith.constant 0 : i32
      %dma_wait3A_193 = tpu.memref_slice %arg9[%add3A_82, %dma_wait3A] : memref<10240x128xf32, #tpu.memory_space<vmem_shared>> -> memref<16x128xf32, #tpu.memory_space<vmem_shared>>
      %dma_wait3A_194 = arith.constant 0 : i32
      %dma_wait3A_195 = tpu.memref_slice %arg9[%add3A_82, %dma_wait3A_194] : memref<10240x128xf32, #tpu.memory_space<vmem_shared>> -> memref<16x128xf32, #tpu.memory_space<vmem_shared>>
      tpu.wait_dma2 semaphore(%run_scoped3A : memref<!tpu.dma_semaphore, #tpu.memory_space<semaphore_mem>>) src(%arg8 : memref<16x128xf32, #tpu.memory_space<vmem>>) dst(%dma_wait3A_195 : memref<16x128xf32, #tpu.memory_space<vmem_shared>>)
      tpu.yield
    }) : () -> ()
    %mul3A_83 = arith.constant 640 : i32
    %mul3A_84 = arith.muli %arg1, %mul3A_83 : i32
    %add3A_85 = arith.constant 320 : i32
    %add3A_86 = arith.addi %mul3A_84, %add3A_85 : i32
    "tpu.region"() ({
      %run_scoped3A = tpu.sem_alloc : memref<!tpu.dma_semaphore, #tpu.memory_space<semaphore_mem>>
      %dma_start3A = arith.constant 0 : i32
      %dma_start3A_190 = tpu.memref_slice %arg9[%add3A_86, %dma_start3A] : memref<10240x128xf32, #tpu.memory_space<vmem_shared>> -> memref<16x128xf32, #tpu.memory_space<vmem_shared>>
      %dma_start3A_191 = arith.constant 0 : i32
      %dma_start3A_192 = tpu.memref_slice %arg9[%add3A_86, %dma_start3A_191] : memref<10240x128xf32, #tpu.memory_space<vmem_shared>> -> memref<16x128xf32, #tpu.memory_space<vmem_shared>>
      tpu.enqueue_dma source(%arg8 : memref<16x128xf32, #tpu.memory_space<vmem>>) target(%dma_start3A_192 : memref<16x128xf32, #tpu.memory_space<vmem_shared>>) target_semaphore(%run_scoped3A : memref<!tpu.dma_semaphore, #tpu.memory_space<semaphore_mem>>)
      %dma_wait3A = arith.constant 0 : i32
      %dma_wait3A_193 = tpu.memref_slice %arg9[%add3A_86, %dma_wait3A] : memref<10240x128xf32, #tpu.memory_space<vmem_shared>> -> memref<16x128xf32, #tpu.memory_space<vmem_shared>>
      %dma_wait3A_194 = arith.constant 0 : i32
      %dma_wait3A_195 = tpu.memref_slice %arg9[%add3A_86, %dma_wait3A_194] : memref<10240x128xf32, #tpu.memory_space<vmem_shared>> -> memref<16x128xf32, #tpu.memory_space<vmem_shared>>
      tpu.wait_dma2 semaphore(%run_scoped3A : memref<!tpu.dma_semaphore, #tpu.memory_space<semaphore_mem>>) src(%arg8 : memref<16x128xf32, #tpu.memory_space<vmem>>) dst(%dma_wait3A_195 : memref<16x128xf32, #tpu.memory_space<vmem_shared>>)
      tpu.yield
    }) : () -> ()
    %mul3A_87 = arith.constant 640 : i32
    %mul3A_88 = arith.muli %arg1, %mul3A_87 : i32
    %add3A_89 = arith.constant 336 : i32
    %add3A_90 = arith.addi %mul3A_88, %add3A_89 : i32
    "tpu.region"() ({
      %run_scoped3A = tpu.sem_alloc : memref<!tpu.dma_semaphore, #tpu.memory_space<semaphore_mem>>
      %dma_start3A = arith.constant 0 : i32
      %dma_start3A_190 = tpu.memref_slice %arg9[%add3A_90, %dma_start3A] : memref<10240x128xf32, #tpu.memory_space<vmem_shared>> -> memref<16x128xf32, #tpu.memory_space<vmem_shared>>
      %dma_start3A_191 = arith.constant 0 : i32
      %dma_start3A_192 = tpu.memref_slice %arg9[%add3A_90, %dma_start3A_191] : memref<10240x128xf32, #tpu.memory_space<vmem_shared>> -> memref<16x128xf32, #tpu.memory_space<vmem_shared>>
      tpu.enqueue_dma source(%arg8 : memref<16x128xf32, #tpu.memory_space<vmem>>) target(%dma_start3A_192 : memref<16x128xf32, #tpu.memory_space<vmem_shared>>) target_semaphore(%run_scoped3A : memref<!tpu.dma_semaphore, #tpu.memory_space<semaphore_mem>>)
      %dma_wait3A = arith.constant 0 : i32
      %dma_wait3A_193 = tpu.memref_slice %arg9[%add3A_90, %dma_wait3A] : memref<10240x128xf32, #tpu.memory_space<vmem_shared>> -> memref<16x128xf32, #tpu.memory_space<vmem_shared>>
      %dma_wait3A_194 = arith.constant 0 : i32
      %dma_wait3A_195 = tpu.memref_slice %arg9[%add3A_90, %dma_wait3A_194] : memref<10240x128xf32, #tpu.memory_space<vmem_shared>> -> memref<16x128xf32, #tpu.memory_space<vmem_shared>>
      tpu.wait_dma2 semaphore(%run_scoped3A : memref<!tpu.dma_semaphore, #tpu.memory_space<semaphore_mem>>) src(%arg8 : memref<16x128xf32, #tpu.memory_space<vmem>>) dst(%dma_wait3A_195 : memref<16x128xf32, #tpu.memory_space<vmem_shared>>)
      tpu.yield
    }) : () -> ()
    %mul3A_91 = arith.constant 640 : i32
    %mul3A_92 = arith.muli %arg1, %mul3A_91 : i32
    %add3A_93 = arith.constant 352 : i32
    %add3A_94 = arith.addi %mul3A_92, %add3A_93 : i32
    "tpu.region"() ({
      %run_scoped3A = tpu.sem_alloc : memref<!tpu.dma_semaphore, #tpu.memory_space<semaphore_mem>>
      %dma_start3A = arith.constant 0 : i32
      %dma_start3A_190 = tpu.memref_slice %arg9[%add3A_94, %dma_start3A] : memref<10240x128xf32, #tpu.memory_space<vmem_shared>> -> memref<16x128xf32, #tpu.memory_space<vmem_shared>>
      %dma_start3A_191 = arith.constant 0 : i32
      %dma_start3A_192 = tpu.memref_slice %arg9[%add3A_94, %dma_start3A_191] : memref<10240x128xf32, #tpu.memory_space<vmem_shared>> -> memref<16x128xf32, #tpu.memory_space<vmem_shared>>
      tpu.enqueue_dma source(%arg8 : memref<16x128xf32, #tpu.memory_space<vmem>>) target(%dma_start3A_192 : memref<16x128xf32, #tpu.memory_space<vmem_shared>>) target_semaphore(%run_scoped3A : memref<!tpu.dma_semaphore, #tpu.memory_space<semaphore_mem>>)
      %dma_wait3A = arith.constant 0 : i32
      %dma_wait3A_193 = tpu.memref_slice %arg9[%add3A_94, %dma_wait3A] : memref<10240x128xf32, #tpu.memory_space<vmem_shared>> -> memref<16x128xf32, #tpu.memory_space<vmem_shared>>
      %dma_wait3A_194 = arith.constant 0 : i32
      %dma_wait3A_195 = tpu.memref_slice %arg9[%add3A_94, %dma_wait3A_194] : memref<10240x128xf32, #tpu.memory_space<vmem_shared>> -> memref<16x128xf32, #tpu.memory_space<vmem_shared>>
      tpu.wait_dma2 semaphore(%run_scoped3A : memref<!tpu.dma_semaphore, #tpu.memory_space<semaphore_mem>>) src(%arg8 : memref<16x128xf32, #tpu.memory_space<vmem>>) dst(%dma_wait3A_195 : memref<16x128xf32, #tpu.memory_space<vmem_shared>>)
      tpu.yield
    }) : () -> ()
    %mul3A_95 = arith.constant 640 : i32
    %mul3A_96 = arith.muli %arg1, %mul3A_95 : i32
    %add3A_97 = arith.constant 368 : i32
    %add3A_98 = arith.addi %mul3A_96, %add3A_97 : i32
    "tpu.region"() ({
      %run_scoped3A = tpu.sem_alloc : memref<!tpu.dma_semaphore, #tpu.memory_space<semaphore_mem>>
      %dma_start3A = arith.constant 0 : i32
      %dma_start3A_190 = tpu.memref_slice %arg9[%add3A_98, %dma_start3A] : memref<10240x128xf32, #tpu.memory_space<vmem_shared>> -> memref<16x128xf32, #tpu.memory_space<vmem_shared>>
      %dma_start3A_191 = arith.constant 0 : i32
      %dma_start3A_192 = tpu.memref_slice %arg9[%add3A_98, %dma_start3A_191] : memref<10240x128xf32, #tpu.memory_space<vmem_shared>> -> memref<16x128xf32, #tpu.memory_space<vmem_shared>>
      tpu.enqueue_dma source(%arg8 : memref<16x128xf32, #tpu.memory_space<vmem>>) target(%dma_start3A_192 : memref<16x128xf32, #tpu.memory_space<vmem_shared>>) target_semaphore(%run_scoped3A : memref<!tpu.dma_semaphore, #tpu.memory_space<semaphore_mem>>)
      %dma_wait3A = arith.constant 0 : i32
      %dma_wait3A_193 = tpu.memref_slice %arg9[%add3A_98, %dma_wait3A] : memref<10240x128xf32, #tpu.memory_space<vmem_shared>> -> memref<16x128xf32, #tpu.memory_space<vmem_shared>>
      %dma_wait3A_194 = arith.constant 0 : i32
      %dma_wait3A_195 = tpu.memref_slice %arg9[%add3A_98, %dma_wait3A_194] : memref<10240x128xf32, #tpu.memory_space<vmem_shared>> -> memref<16x128xf32, #tpu.memory_space<vmem_shared>>
      tpu.wait_dma2 semaphore(%run_scoped3A : memref<!tpu.dma_semaphore, #tpu.memory_space<semaphore_mem>>) src(%arg8 : memref<16x128xf32, #tpu.memory_space<vmem>>) dst(%dma_wait3A_195 : memref<16x128xf32, #tpu.memory_space<vmem_shared>>)
      tpu.yield
    }) : () -> ()
    %mul3A_99 = arith.constant 640 : i32
    %mul3A_100 = arith.muli %arg1, %mul3A_99 : i32
    %add3A_101 = arith.constant 384 : i32
    %add3A_102 = arith.addi %mul3A_100, %add3A_101 : i32
    "tpu.region"() ({
      %run_scoped3A = tpu.sem_alloc : memref<!tpu.dma_semaphore, #tpu.memory_space<semaphore_mem>>
      %dma_start3A = arith.constant 0 : i32
      %dma_start3A_190 = tpu.memref_slice %arg9[%add3A_102, %dma_start3A] : memref<10240x128xf32, #tpu.memory_space<vmem_shared>> -> memref<16x128xf32, #tpu.memory_space<vmem_shared>>
      %dma_start3A_191 = arith.constant 0 : i32
      %dma_start3A_192 = tpu.memref_slice %arg9[%add3A_102, %dma_start3A_191] : memref<10240x128xf32, #tpu.memory_space<vmem_shared>> -> memref<16x128xf32, #tpu.memory_space<vmem_shared>>
      tpu.enqueue_dma source(%arg8 : memref<16x128xf32, #tpu.memory_space<vmem>>) target(%dma_start3A_192 : memref<16x128xf32, #tpu.memory_space<vmem_shared>>) target_semaphore(%run_scoped3A : memref<!tpu.dma_semaphore, #tpu.memory_space<semaphore_mem>>)
      %dma_wait3A = arith.constant 0 : i32
      %dma_wait3A_193 = tpu.memref_slice %arg9[%add3A_102, %dma_wait3A] : memref<10240x128xf32, #tpu.memory_space<vmem_shared>> -> memref<16x128xf32, #tpu.memory_space<vmem_shared>>
      %dma_wait3A_194 = arith.constant 0 : i32
      %dma_wait3A_195 = tpu.memref_slice %arg9[%add3A_102, %dma_wait3A_194] : memref<10240x128xf32, #tpu.memory_space<vmem_shared>> -> memref<16x128xf32, #tpu.memory_space<vmem_shared>>
      tpu.wait_dma2 semaphore(%run_scoped3A : memref<!tpu.dma_semaphore, #tpu.memory_space<semaphore_mem>>) src(%arg8 : memref<16x128xf32, #tpu.memory_space<vmem>>) dst(%dma_wait3A_195 : memref<16x128xf32, #tpu.memory_space<vmem_shared>>)
      tpu.yield
    }) : () -> ()
    %mul3A_103 = arith.constant 640 : i32
    %mul3A_104 = arith.muli %arg1, %mul3A_103 : i32
    %add3A_105 = arith.constant 400 : i32
    %add3A_106 = arith.addi %mul3A_104, %add3A_105 : i32
    "tpu.region"() ({
      %run_scoped3A = tpu.sem_alloc : memref<!tpu.dma_semaphore, #tpu.memory_space<semaphore_mem>>
      %dma_start3A = arith.constant 0 : i32
      %dma_start3A_190 = tpu.memref_slice %arg9[%add3A_106, %dma_start3A] : memref<10240x128xf32, #tpu.memory_space<vmem_shared>> -> memref<16x128xf32, #tpu.memory_space<vmem_shared>>
      %dma_start3A_191 = arith.constant 0 : i32
      %dma_start3A_192 = tpu.memref_slice %arg9[%add3A_106, %dma_start3A_191] : memref<10240x128xf32, #tpu.memory_space<vmem_shared>> -> memref<16x128xf32, #tpu.memory_space<vmem_shared>>
      tpu.enqueue_dma source(%arg8 : memref<16x128xf32, #tpu.memory_space<vmem>>) target(%dma_start3A_192 : memref<16x128xf32, #tpu.memory_space<vmem_shared>>) target_semaphore(%run_scoped3A : memref<!tpu.dma_semaphore, #tpu.memory_space<semaphore_mem>>)
      %dma_wait3A = arith.constant 0 : i32
      %dma_wait3A_193 = tpu.memref_slice %arg9[%add3A_106, %dma_wait3A] : memref<10240x128xf32, #tpu.memory_space<vmem_shared>> -> memref<16x128xf32, #tpu.memory_space<vmem_shared>>
      %dma_wait3A_194 = arith.constant 0 : i32
      %dma_wait3A_195 = tpu.memref_slice %arg9[%add3A_106, %dma_wait3A_194] : memref<10240x128xf32, #tpu.memory_space<vmem_shared>> -> memref<16x128xf32, #tpu.memory_space<vmem_shared>>
      tpu.wait_dma2 semaphore(%run_scoped3A : memref<!tpu.dma_semaphore, #tpu.memory_space<semaphore_mem>>) src(%arg8 : memref<16x128xf32, #tpu.memory_space<vmem>>) dst(%dma_wait3A_195 : memref<16x128xf32, #tpu.memory_space<vmem_shared>>)
      tpu.yield
    }) : () -> ()
    %mul3A_107 = arith.constant 640 : i32
    %mul3A_108 = arith.muli %arg1, %mul3A_107 : i32
    %add3A_109 = arith.constant 416 : i32
    %add3A_110 = arith.addi %mul3A_108, %add3A_109 : i32
    "tpu.region"() ({
      %run_scoped3A = tpu.sem_alloc : memref<!tpu.dma_semaphore, #tpu.memory_space<semaphore_mem>>
      %dma_start3A = arith.constant 0 : i32
      %dma_start3A_190 = tpu.memref_slice %arg9[%add3A_110, %dma_start3A] : memref<10240x128xf32, #tpu.memory_space<vmem_shared>> -> memref<16x128xf32, #tpu.memory_space<vmem_shared>>
      %dma_start3A_191 = arith.constant 0 : i32
      %dma_start3A_192 = tpu.memref_slice %arg9[%add3A_110, %dma_start3A_191] : memref<10240x128xf32, #tpu.memory_space<vmem_shared>> -> memref<16x128xf32, #tpu.memory_space<vmem_shared>>
      tpu.enqueue_dma source(%arg8 : memref<16x128xf32, #tpu.memory_space<vmem>>) target(%dma_start3A_192 : memref<16x128xf32, #tpu.memory_space<vmem_shared>>) target_semaphore(%run_scoped3A : memref<!tpu.dma_semaphore, #tpu.memory_space<semaphore_mem>>)
      %dma_wait3A = arith.constant 0 : i32
      %dma_wait3A_193 = tpu.memref_slice %arg9[%add3A_110, %dma_wait3A] : memref<10240x128xf32, #tpu.memory_space<vmem_shared>> -> memref<16x128xf32, #tpu.memory_space<vmem_shared>>
      %dma_wait3A_194 = arith.constant 0 : i32
      %dma_wait3A_195 = tpu.memref_slice %arg9[%add3A_110, %dma_wait3A_194] : memref<10240x128xf32, #tpu.memory_space<vmem_shared>> -> memref<16x128xf32, #tpu.memory_space<vmem_shared>>
      tpu.wait_dma2 semaphore(%run_scoped3A : memref<!tpu.dma_semaphore, #tpu.memory_space<semaphore_mem>>) src(%arg8 : memref<16x128xf32, #tpu.memory_space<vmem>>) dst(%dma_wait3A_195 : memref<16x128xf32, #tpu.memory_space<vmem_shared>>)
      tpu.yield
    }) : () -> ()
    %mul3A_111 = arith.constant 640 : i32
    %mul3A_112 = arith.muli %arg1, %mul3A_111 : i32
    %add3A_113 = arith.constant 432 : i32
    %add3A_114 = arith.addi %mul3A_112, %add3A_113 : i32
    "tpu.region"() ({
      %run_scoped3A = tpu.sem_alloc : memref<!tpu.dma_semaphore, #tpu.memory_space<semaphore_mem>>
      %dma_start3A = arith.constant 0 : i32
      %dma_start3A_190 = tpu.memref_slice %arg9[%add3A_114, %dma_start3A] : memref<10240x128xf32, #tpu.memory_space<vmem_shared>> -> memref<16x128xf32, #tpu.memory_space<vmem_shared>>
      %dma_start3A_191 = arith.constant 0 : i32
      %dma_start3A_192 = tpu.memref_slice %arg9[%add3A_114, %dma_start3A_191] : memref<10240x128xf32, #tpu.memory_space<vmem_shared>> -> memref<16x128xf32, #tpu.memory_space<vmem_shared>>
      tpu.enqueue_dma source(%arg8 : memref<16x128xf32, #tpu.memory_space<vmem>>) target(%dma_start3A_192 : memref<16x128xf32, #tpu.memory_space<vmem_shared>>) target_semaphore(%run_scoped3A : memref<!tpu.dma_semaphore, #tpu.memory_space<semaphore_mem>>)
      %dma_wait3A = arith.constant 0 : i32
      %dma_wait3A_193 = tpu.memref_slice %arg9[%add3A_114, %dma_wait3A] : memref<10240x128xf32, #tpu.memory_space<vmem_shared>> -> memref<16x128xf32, #tpu.memory_space<vmem_shared>>
      %dma_wait3A_194 = arith.constant 0 : i32
      %dma_wait3A_195 = tpu.memref_slice %arg9[%add3A_114, %dma_wait3A_194] : memref<10240x128xf32, #tpu.memory_space<vmem_shared>> -> memref<16x128xf32, #tpu.memory_space<vmem_shared>>
      tpu.wait_dma2 semaphore(%run_scoped3A : memref<!tpu.dma_semaphore, #tpu.memory_space<semaphore_mem>>) src(%arg8 : memref<16x128xf32, #tpu.memory_space<vmem>>) dst(%dma_wait3A_195 : memref<16x128xf32, #tpu.memory_space<vmem_shared>>)
      tpu.yield
    }) : () -> ()
    %mul3A_115 = arith.constant 640 : i32
    %mul3A_116 = arith.muli %arg1, %mul3A_115 : i32
    %add3A_117 = arith.constant 448 : i32
    %add3A_118 = arith.addi %mul3A_116, %add3A_117 : i32
    "tpu.region"() ({
      %run_scoped3A = tpu.sem_alloc : memref<!tpu.dma_semaphore, #tpu.memory_space<semaphore_mem>>
      %dma_start3A = arith.constant 0 : i32
      %dma_start3A_190 = tpu.memref_slice %arg9[%add3A_118, %dma_start3A] : memref<10240x128xf32, #tpu.memory_space<vmem_shared>> -> memref<16x128xf32, #tpu.memory_space<vmem_shared>>
      %dma_start3A_191 = arith.constant 0 : i32
      %dma_start3A_192 = tpu.memref_slice %arg9[%add3A_118, %dma_start3A_191] : memref<10240x128xf32, #tpu.memory_space<vmem_shared>> -> memref<16x128xf32, #tpu.memory_space<vmem_shared>>
      tpu.enqueue_dma source(%arg8 : memref<16x128xf32, #tpu.memory_space<vmem>>) target(%dma_start3A_192 : memref<16x128xf32, #tpu.memory_space<vmem_shared>>) target_semaphore(%run_scoped3A : memref<!tpu.dma_semaphore, #tpu.memory_space<semaphore_mem>>)
      %dma_wait3A = arith.constant 0 : i32
      %dma_wait3A_193 = tpu.memref_slice %arg9[%add3A_118, %dma_wait3A] : memref<10240x128xf32, #tpu.memory_space<vmem_shared>> -> memref<16x128xf32, #tpu.memory_space<vmem_shared>>
      %dma_wait3A_194 = arith.constant 0 : i32
      %dma_wait3A_195 = tpu.memref_slice %arg9[%add3A_118, %dma_wait3A_194] : memref<10240x128xf32, #tpu.memory_space<vmem_shared>> -> memref<16x128xf32, #tpu.memory_space<vmem_shared>>
      tpu.wait_dma2 semaphore(%run_scoped3A : memref<!tpu.dma_semaphore, #tpu.memory_space<semaphore_mem>>) src(%arg8 : memref<16x128xf32, #tpu.memory_space<vmem>>) dst(%dma_wait3A_195 : memref<16x128xf32, #tpu.memory_space<vmem_shared>>)
      tpu.yield
    }) : () -> ()
    %mul3A_119 = arith.constant 640 : i32
    %mul3A_120 = arith.muli %arg1, %mul3A_119 : i32
    %add3A_121 = arith.constant 464 : i32
    %add3A_122 = arith.addi %mul3A_120, %add3A_121 : i32
    "tpu.region"() ({
      %run_scoped3A = tpu.sem_alloc : memref<!tpu.dma_semaphore, #tpu.memory_space<semaphore_mem>>
      %dma_start3A = arith.constant 0 : i32
      %dma_start3A_190 = tpu.memref_slice %arg9[%add3A_122, %dma_start3A] : memref<10240x128xf32, #tpu.memory_space<vmem_shared>> -> memref<16x128xf32, #tpu.memory_space<vmem_shared>>
      %dma_start3A_191 = arith.constant 0 : i32
      %dma_start3A_192 = tpu.memref_slice %arg9[%add3A_122, %dma_start3A_191] : memref<10240x128xf32, #tpu.memory_space<vmem_shared>> -> memref<16x128xf32, #tpu.memory_space<vmem_shared>>
      tpu.enqueue_dma source(%arg8 : memref<16x128xf32, #tpu.memory_space<vmem>>) target(%dma_start3A_192 : memref<16x128xf32, #tpu.memory_space<vmem_shared>>) target_semaphore(%run_scoped3A : memref<!tpu.dma_semaphore, #tpu.memory_space<semaphore_mem>>)
      %dma_wait3A = arith.constant 0 : i32
      %dma_wait3A_193 = tpu.memref_slice %arg9[%add3A_122, %dma_wait3A] : memref<10240x128xf32, #tpu.memory_space<vmem_shared>> -> memref<16x128xf32, #tpu.memory_space<vmem_shared>>
      %dma_wait3A_194 = arith.constant 0 : i32
      %dma_wait3A_195 = tpu.memref_slice %arg9[%add3A_122, %dma_wait3A_194] : memref<10240x128xf32, #tpu.memory_space<vmem_shared>> -> memref<16x128xf32, #tpu.memory_space<vmem_shared>>
      tpu.wait_dma2 semaphore(%run_scoped3A : memref<!tpu.dma_semaphore, #tpu.memory_space<semaphore_mem>>) src(%arg8 : memref<16x128xf32, #tpu.memory_space<vmem>>) dst(%dma_wait3A_195 : memref<16x128xf32, #tpu.memory_space<vmem_shared>>)
      tpu.yield
    }) : () -> ()
    %mul3A_123 = arith.constant 640 : i32
    %mul3A_124 = arith.muli %arg1, %mul3A_123 : i32
    %add3A_125 = arith.constant 480 : i32
    %add3A_126 = arith.addi %mul3A_124, %add3A_125 : i32
    "tpu.region"() ({
      %run_scoped3A = tpu.sem_alloc : memref<!tpu.dma_semaphore, #tpu.memory_space<semaphore_mem>>
      %dma_start3A = arith.constant 0 : i32
      %dma_start3A_190 = tpu.memref_slice %arg9[%add3A_126, %dma_start3A] : memref<10240x128xf32, #tpu.memory_space<vmem_shared>> -> memref<16x128xf32, #tpu.memory_space<vmem_shared>>
      %dma_start3A_191 = arith.constant 0 : i32
      %dma_start3A_192 = tpu.memref_slice %arg9[%add3A_126, %dma_start3A_191] : memref<10240x128xf32, #tpu.memory_space<vmem_shared>> -> memref<16x128xf32, #tpu.memory_space<vmem_shared>>
      tpu.enqueue_dma source(%arg8 : memref<16x128xf32, #tpu.memory_space<vmem>>) target(%dma_start3A_192 : memref<16x128xf32, #tpu.memory_space<vmem_shared>>) target_semaphore(%run_scoped3A : memref<!tpu.dma_semaphore, #tpu.memory_space<semaphore_mem>>)
      %dma_wait3A = arith.constant 0 : i32
      %dma_wait3A_193 = tpu.memref_slice %arg9[%add3A_126, %dma_wait3A] : memref<10240x128xf32, #tpu.memory_space<vmem_shared>> -> memref<16x128xf32, #tpu.memory_space<vmem_shared>>
      %dma_wait3A_194 = arith.constant 0 : i32
      %dma_wait3A_195 = tpu.memref_slice %arg9[%add3A_126, %dma_wait3A_194] : memref<10240x128xf32, #tpu.memory_space<vmem_shared>> -> memref<16x128xf32, #tpu.memory_space<vmem_shared>>
      tpu.wait_dma2 semaphore(%run_scoped3A : memref<!tpu.dma_semaphore, #tpu.memory_space<semaphore_mem>>) src(%arg8 : memref<16x128xf32, #tpu.memory_space<vmem>>) dst(%dma_wait3A_195 : memref<16x128xf32, #tpu.memory_space<vmem_shared>>)
      tpu.yield
    }) : () -> ()
    %mul3A_127 = arith.constant 640 : i32
    %mul3A_128 = arith.muli %arg1, %mul3A_127 : i32
    %add3A_129 = arith.constant 496 : i32
    %add3A_130 = arith.addi %mul3A_128, %add3A_129 : i32
    "tpu.region"() ({
      %run_scoped3A = tpu.sem_alloc : memref<!tpu.dma_semaphore, #tpu.memory_space<semaphore_mem>>
      %dma_start3A = arith.constant 0 : i32
      %dma_start3A_190 = tpu.memref_slice %arg9[%add3A_130, %dma_start3A] : memref<10240x128xf32, #tpu.memory_space<vmem_shared>> -> memref<16x128xf32, #tpu.memory_space<vmem_shared>>
      %dma_start3A_191 = arith.constant 0 : i32
      %dma_start3A_192 = tpu.memref_slice %arg9[%add3A_130, %dma_start3A_191] : memref<10240x128xf32, #tpu.memory_space<vmem_shared>> -> memref<16x128xf32, #tpu.memory_space<vmem_shared>>
      tpu.enqueue_dma source(%arg8 : memref<16x128xf32, #tpu.memory_space<vmem>>) target(%dma_start3A_192 : memref<16x128xf32, #tpu.memory_space<vmem_shared>>) target_semaphore(%run_scoped3A : memref<!tpu.dma_semaphore, #tpu.memory_space<semaphore_mem>>)
      %dma_wait3A = arith.constant 0 : i32
      %dma_wait3A_193 = tpu.memref_slice %arg9[%add3A_130, %dma_wait3A] : memref<10240x128xf32, #tpu.memory_space<vmem_shared>> -> memref<16x128xf32, #tpu.memory_space<vmem_shared>>
      %dma_wait3A_194 = arith.constant 0 : i32
      %dma_wait3A_195 = tpu.memref_slice %arg9[%add3A_130, %dma_wait3A_194] : memref<10240x128xf32, #tpu.memory_space<vmem_shared>> -> memref<16x128xf32, #tpu.memory_space<vmem_shared>>
      tpu.wait_dma2 semaphore(%run_scoped3A : memref<!tpu.dma_semaphore, #tpu.memory_space<semaphore_mem>>) src(%arg8 : memref<16x128xf32, #tpu.memory_space<vmem>>) dst(%dma_wait3A_195 : memref<16x128xf32, #tpu.memory_space<vmem_shared>>)
      tpu.yield
    }) : () -> ()
    %mul3A_131 = arith.constant 640 : i32
    %mul3A_132 = arith.muli %arg1, %mul3A_131 : i32
    %add3A_133 = arith.constant 512 : i32
    %add3A_134 = arith.addi %mul3A_132, %add3A_133 : i32
    "tpu.region"() ({
      %run_scoped3A = tpu.sem_alloc : memref<!tpu.dma_semaphore, #tpu.memory_space<semaphore_mem>>
      %dma_start3A = arith.constant 0 : i32
      %dma_start3A_190 = tpu.memref_slice %arg9[%add3A_134, %dma_start3A] : memref<10240x128xf32, #tpu.memory_space<vmem_shared>> -> memref<16x128xf32, #tpu.memory_space<vmem_shared>>
      %dma_start3A_191 = arith.constant 0 : i32
      %dma_start3A_192 = tpu.memref_slice %arg9[%add3A_134, %dma_start3A_191] : memref<10240x128xf32, #tpu.memory_space<vmem_shared>> -> memref<16x128xf32, #tpu.memory_space<vmem_shared>>
      tpu.enqueue_dma source(%arg8 : memref<16x128xf32, #tpu.memory_space<vmem>>) target(%dma_start3A_192 : memref<16x128xf32, #tpu.memory_space<vmem_shared>>) target_semaphore(%run_scoped3A : memref<!tpu.dma_semaphore, #tpu.memory_space<semaphore_mem>>)
      %dma_wait3A = arith.constant 0 : i32
      %dma_wait3A_193 = tpu.memref_slice %arg9[%add3A_134, %dma_wait3A] : memref<10240x128xf32, #tpu.memory_space<vmem_shared>> -> memref<16x128xf32, #tpu.memory_space<vmem_shared>>
      %dma_wait3A_194 = arith.constant 0 : i32
      %dma_wait3A_195 = tpu.memref_slice %arg9[%add3A_134, %dma_wait3A_194] : memref<10240x128xf32, #tpu.memory_space<vmem_shared>> -> memref<16x128xf32, #tpu.memory_space<vmem_shared>>
      tpu.wait_dma2 semaphore(%run_scoped3A : memref<!tpu.dma_semaphore, #tpu.memory_space<semaphore_mem>>) src(%arg8 : memref<16x128xf32, #tpu.memory_space<vmem>>) dst(%dma_wait3A_195 : memref<16x128xf32, #tpu.memory_space<vmem_shared>>)
      tpu.yield
    }) : () -> ()
    %mul3A_135 = arith.constant 640 : i32
    %mul3A_136 = arith.muli %arg1, %mul3A_135 : i32
    %add3A_137 = arith.constant 528 : i32
    %add3A_138 = arith.addi %mul3A_136, %add3A_137 : i32
    "tpu.region"() ({
      %run_scoped3A = tpu.sem_alloc : memref<!tpu.dma_semaphore, #tpu.memory_space<semaphore_mem>>
      %dma_start3A = arith.constant 0 : i32
      %dma_start3A_190 = tpu.memref_slice %arg9[%add3A_138, %dma_start3A] : memref<10240x128xf32, #tpu.memory_space<vmem_shared>> -> memref<16x128xf32, #tpu.memory_space<vmem_shared>>
      %dma_start3A_191 = arith.constant 0 : i32
      %dma_start3A_192 = tpu.memref_slice %arg9[%add3A_138, %dma_start3A_191] : memref<10240x128xf32, #tpu.memory_space<vmem_shared>> -> memref<16x128xf32, #tpu.memory_space<vmem_shared>>
      tpu.enqueue_dma source(%arg8 : memref<16x128xf32, #tpu.memory_space<vmem>>) target(%dma_start3A_192 : memref<16x128xf32, #tpu.memory_space<vmem_shared>>) target_semaphore(%run_scoped3A : memref<!tpu.dma_semaphore, #tpu.memory_space<semaphore_mem>>)
      %dma_wait3A = arith.constant 0 : i32
      %dma_wait3A_193 = tpu.memref_slice %arg9[%add3A_138, %dma_wait3A] : memref<10240x128xf32, #tpu.memory_space<vmem_shared>> -> memref<16x128xf32, #tpu.memory_space<vmem_shared>>
      %dma_wait3A_194 = arith.constant 0 : i32
      %dma_wait3A_195 = tpu.memref_slice %arg9[%add3A_138, %dma_wait3A_194] : memref<10240x128xf32, #tpu.memory_space<vmem_shared>> -> memref<16x128xf32, #tpu.memory_space<vmem_shared>>
      tpu.wait_dma2 semaphore(%run_scoped3A : memref<!tpu.dma_semaphore, #tpu.memory_space<semaphore_mem>>) src(%arg8 : memref<16x128xf32, #tpu.memory_space<vmem>>) dst(%dma_wait3A_195 : memref<16x128xf32, #tpu.memory_space<vmem_shared>>)
      tpu.yield
    }) : () -> ()
    %mul3A_139 = arith.constant 640 : i32
    %mul3A_140 = arith.muli %arg1, %mul3A_139 : i32
    %add3A_141 = arith.constant 544 : i32
    %add3A_142 = arith.addi %mul3A_140, %add3A_141 : i32
    "tpu.region"() ({
      %run_scoped3A = tpu.sem_alloc : memref<!tpu.dma_semaphore, #tpu.memory_space<semaphore_mem>>
      %dma_start3A = arith.constant 0 : i32
      %dma_start3A_190 = tpu.memref_slice %arg9[%add3A_142, %dma_start3A] : memref<10240x128xf32, #tpu.memory_space<vmem_shared>> -> memref<16x128xf32, #tpu.memory_space<vmem_shared>>
      %dma_start3A_191 = arith.constant 0 : i32
      %dma_start3A_192 = tpu.memref_slice %arg9[%add3A_142, %dma_start3A_191] : memref<10240x128xf32, #tpu.memory_space<vmem_shared>> -> memref<16x128xf32, #tpu.memory_space<vmem_shared>>
      tpu.enqueue_dma source(%arg8 : memref<16x128xf32, #tpu.memory_space<vmem>>) target(%dma_start3A_192 : memref<16x128xf32, #tpu.memory_space<vmem_shared>>) target_semaphore(%run_scoped3A : memref<!tpu.dma_semaphore, #tpu.memory_space<semaphore_mem>>)
      %dma_wait3A = arith.constant 0 : i32
      %dma_wait3A_193 = tpu.memref_slice %arg9[%add3A_142, %dma_wait3A] : memref<10240x128xf32, #tpu.memory_space<vmem_shared>> -> memref<16x128xf32, #tpu.memory_space<vmem_shared>>
      %dma_wait3A_194 = arith.constant 0 : i32
      %dma_wait3A_195 = tpu.memref_slice %arg9[%add3A_142, %dma_wait3A_194] : memref<10240x128xf32, #tpu.memory_space<vmem_shared>> -> memref<16x128xf32, #tpu.memory_space<vmem_shared>>
      tpu.wait_dma2 semaphore(%run_scoped3A : memref<!tpu.dma_semaphore, #tpu.memory_space<semaphore_mem>>) src(%arg8 : memref<16x128xf32, #tpu.memory_space<vmem>>) dst(%dma_wait3A_195 : memref<16x128xf32, #tpu.memory_space<vmem_shared>>)
      tpu.yield
    }) : () -> ()
    %mul3A_143 = arith.constant 640 : i32
    %mul3A_144 = arith.muli %arg1, %mul3A_143 : i32
    %add3A_145 = arith.constant 560 : i32
    %add3A_146 = arith.addi %mul3A_144, %add3A_145 : i32
    "tpu.region"() ({
      %run_scoped3A = tpu.sem_alloc : memref<!tpu.dma_semaphore, #tpu.memory_space<semaphore_mem>>
      %dma_start3A = arith.constant 0 : i32
      %dma_start3A_190 = tpu.memref_slice %arg9[%add3A_146, %dma_start3A] : memref<10240x128xf32, #tpu.memory_space<vmem_shared>> -> memref<16x128xf32, #tpu.memory_space<vmem_shared>>
      %dma_start3A_191 = arith.constant 0 : i32
      %dma_start3A_192 = tpu.memref_slice %arg9[%add3A_146, %dma_start3A_191] : memref<10240x128xf32, #tpu.memory_space<vmem_shared>> -> memref<16x128xf32, #tpu.memory_space<vmem_shared>>
      tpu.enqueue_dma source(%arg8 : memref<16x128xf32, #tpu.memory_space<vmem>>) target(%dma_start3A_192 : memref<16x128xf32, #tpu.memory_space<vmem_shared>>) target_semaphore(%run_scoped3A : memref<!tpu.dma_semaphore, #tpu.memory_space<semaphore_mem>>)
      %dma_wait3A = arith.constant 0 : i32
      %dma_wait3A_193 = tpu.memref_slice %arg9[%add3A_146, %dma_wait3A] : memref<10240x128xf32, #tpu.memory_space<vmem_shared>> -> memref<16x128xf32, #tpu.memory_space<vmem_shared>>
      %dma_wait3A_194 = arith.constant 0 : i32
      %dma_wait3A_195 = tpu.memref_slice %arg9[%add3A_146, %dma_wait3A_194] : memref<10240x128xf32, #tpu.memory_space<vmem_shared>> -> memref<16x128xf32, #tpu.memory_space<vmem_shared>>
      tpu.wait_dma2 semaphore(%run_scoped3A : memref<!tpu.dma_semaphore, #tpu.memory_space<semaphore_mem>>) src(%arg8 : memref<16x128xf32, #tpu.memory_space<vmem>>) dst(%dma_wait3A_195 : memref<16x128xf32, #tpu.memory_space<vmem_shared>>)
      tpu.yield
    }) : () -> ()
    %mul3A_147 = arith.constant 640 : i32
    %mul3A_148 = arith.muli %arg1, %mul3A_147 : i32
    %add3A_149 = arith.constant 576 : i32
    %add3A_150 = arith.addi %mul3A_148, %add3A_149 : i32
    "tpu.region"() ({
      %run_scoped3A = tpu.sem_alloc : memref<!tpu.dma_semaphore, #tpu.memory_space<semaphore_mem>>
      %dma_start3A = arith.constant 0 : i32
      %dma_start3A_190 = tpu.memref_slice %arg9[%add3A_150, %dma_start3A] : memref<10240x128xf32, #tpu.memory_space<vmem_shared>> -> memref<16x128xf32, #tpu.memory_space<vmem_shared>>
      %dma_start3A_191 = arith.constant 0 : i32
      %dma_start3A_192 = tpu.memref_slice %arg9[%add3A_150, %dma_start3A_191] : memref<10240x128xf32, #tpu.memory_space<vmem_shared>> -> memref<16x128xf32, #tpu.memory_space<vmem_shared>>
      tpu.enqueue_dma source(%arg8 : memref<16x128xf32, #tpu.memory_space<vmem>>) target(%dma_start3A_192 : memref<16x128xf32, #tpu.memory_space<vmem_shared>>) target_semaphore(%run_scoped3A : memref<!tpu.dma_semaphore, #tpu.memory_space<semaphore_mem>>)
      %dma_wait3A = arith.constant 0 : i32
      %dma_wait3A_193 = tpu.memref_slice %arg9[%add3A_150, %dma_wait3A] : memref<10240x128xf32, #tpu.memory_space<vmem_shared>> -> memref<16x128xf32, #tpu.memory_space<vmem_shared>>
      %dma_wait3A_194 = arith.constant 0 : i32
      %dma_wait3A_195 = tpu.memref_slice %arg9[%add3A_150, %dma_wait3A_194] : memref<10240x128xf32, #tpu.memory_space<vmem_shared>> -> memref<16x128xf32, #tpu.memory_space<vmem_shared>>
      tpu.wait_dma2 semaphore(%run_scoped3A : memref<!tpu.dma_semaphore, #tpu.memory_space<semaphore_mem>>) src(%arg8 : memref<16x128xf32, #tpu.memory_space<vmem>>) dst(%dma_wait3A_195 : memref<16x128xf32, #tpu.memory_space<vmem_shared>>)
      tpu.yield
    }) : () -> ()
    %mul3A_151 = arith.constant 640 : i32
    %mul3A_152 = arith.muli %arg1, %mul3A_151 : i32
    %add3A_153 = arith.constant 592 : i32
    %add3A_154 = arith.addi %mul3A_152, %add3A_153 : i32
    "tpu.region"() ({
      %run_scoped3A = tpu.sem_alloc : memref<!tpu.dma_semaphore, #tpu.memory_space<semaphore_mem>>
      %dma_start3A = arith.constant 0 : i32
      %dma_start3A_190 = tpu.memref_slice %arg9[%add3A_154, %dma_start3A] : memref<10240x128xf32, #tpu.memory_space<vmem_shared>> -> memref<16x128xf32, #tpu.memory_space<vmem_shared>>
      %dma_start3A_191 = arith.constant 0 : i32
      %dma_start3A_192 = tpu.memref_slice %arg9[%add3A_154, %dma_start3A_191] : memref<10240x128xf32, #tpu.memory_space<vmem_shared>> -> memref<16x128xf32, #tpu.memory_space<vmem_shared>>
      tpu.enqueue_dma source(%arg8 : memref<16x128xf32, #tpu.memory_space<vmem>>) target(%dma_start3A_192 : memref<16x128xf32, #tpu.memory_space<vmem_shared>>) target_semaphore(%run_scoped3A : memref<!tpu.dma_semaphore, #tpu.memory_space<semaphore_mem>>)
      %dma_wait3A = arith.constant 0 : i32
      %dma_wait3A_193 = tpu.memref_slice %arg9[%add3A_154, %dma_wait3A] : memref<10240x128xf32, #tpu.memory_space<vmem_shared>> -> memref<16x128xf32, #tpu.memory_space<vmem_shared>>
      %dma_wait3A_194 = arith.constant 0 : i32
      %dma_wait3A_195 = tpu.memref_slice %arg9[%add3A_154, %dma_wait3A_194] : memref<10240x128xf32, #tpu.memory_space<vmem_shared>> -> memref<16x128xf32, #tpu.memory_space<vmem_shared>>
      tpu.wait_dma2 semaphore(%run_scoped3A : memref<!tpu.dma_semaphore, #tpu.memory_space<semaphore_mem>>) src(%arg8 : memref<16x128xf32, #tpu.memory_space<vmem>>) dst(%dma_wait3A_195 : memref<16x128xf32, #tpu.memory_space<vmem_shared>>)
      tpu.yield
    }) : () -> ()
    %mul3A_155 = arith.constant 640 : i32
    %mul3A_156 = arith.muli %arg1, %mul3A_155 : i32
    %add3A_157 = arith.constant 608 : i32
    %add3A_158 = arith.addi %mul3A_156, %add3A_157 : i32
    "tpu.region"() ({
      %run_scoped3A = tpu.sem_alloc : memref<!tpu.dma_semaphore, #tpu.memory_space<semaphore_mem>>
      %dma_start3A = arith.constant 0 : i32
      %dma_start3A_190 = tpu.memref_slice %arg9[%add3A_158, %dma_start3A] : memref<10240x128xf32, #tpu.memory_space<vmem_shared>> -> memref<16x128xf32, #tpu.memory_space<vmem_shared>>
      %dma_start3A_191 = arith.constant 0 : i32
      %dma_start3A_192 = tpu.memref_slice %arg9[%add3A_158, %dma_start3A_191] : memref<10240x128xf32, #tpu.memory_space<vmem_shared>> -> memref<16x128xf32, #tpu.memory_space<vmem_shared>>
      tpu.enqueue_dma source(%arg8 : memref<16x128xf32, #tpu.memory_space<vmem>>) target(%dma_start3A_192 : memref<16x128xf32, #tpu.memory_space<vmem_shared>>) target_semaphore(%run_scoped3A : memref<!tpu.dma_semaphore, #tpu.memory_space<semaphore_mem>>)
      %dma_wait3A = arith.constant 0 : i32
      %dma_wait3A_193 = tpu.memref_slice %arg9[%add3A_158, %dma_wait3A] : memref<10240x128xf32, #tpu.memory_space<vmem_shared>> -> memref<16x128xf32, #tpu.memory_space<vmem_shared>>
      %dma_wait3A_194 = arith.constant 0 : i32
      %dma_wait3A_195 = tpu.memref_slice %arg9[%add3A_158, %dma_wait3A_194] : memref<10240x128xf32, #tpu.memory_space<vmem_shared>> -> memref<16x128xf32, #tpu.memory_space<vmem_shared>>
      tpu.wait_dma2 semaphore(%run_scoped3A : memref<!tpu.dma_semaphore, #tpu.memory_space<semaphore_mem>>) src(%arg8 : memref<16x128xf32, #tpu.memory_space<vmem>>) dst(%dma_wait3A_195 : memref<16x128xf32, #tpu.memory_space<vmem_shared>>)
      tpu.yield
    }) : () -> ()
    %mul3A_159 = arith.constant 640 : i32
    %mul3A_160 = arith.muli %arg1, %mul3A_159 : i32
    %add3A_161 = arith.constant 624 : i32
    %add3A_162 = arith.addi %mul3A_160, %add3A_161 : i32
    "tpu.region"() ({
      %run_scoped3A = tpu.sem_alloc : memref<!tpu.dma_semaphore, #tpu.memory_space<semaphore_mem>>
      %dma_start3A = arith.constant 0 : i32
      %dma_start3A_190 = tpu.memref_slice %arg9[%add3A_162, %dma_start3A] : memref<10240x128xf32, #tpu.memory_space<vmem_shared>> -> memref<16x128xf32, #tpu.memory_space<vmem_shared>>
      %dma_start3A_191 = arith.constant 0 : i32
      %dma_start3A_192 = tpu.memref_slice %arg9[%add3A_162, %dma_start3A_191] : memref<10240x128xf32, #tpu.memory_space<vmem_shared>> -> memref<16x128xf32, #tpu.memory_space<vmem_shared>>
      tpu.enqueue_dma source(%arg8 : memref<16x128xf32, #tpu.memory_space<vmem>>) target(%dma_start3A_192 : memref<16x128xf32, #tpu.memory_space<vmem_shared>>) target_semaphore(%run_scoped3A : memref<!tpu.dma_semaphore, #tpu.memory_space<semaphore_mem>>)
      %dma_wait3A = arith.constant 0 : i32
      %dma_wait3A_193 = tpu.memref_slice %arg9[%add3A_162, %dma_wait3A] : memref<10240x128xf32, #tpu.memory_space<vmem_shared>> -> memref<16x128xf32, #tpu.memory_space<vmem_shared>>
      %dma_wait3A_194 = arith.constant 0 : i32
      %dma_wait3A_195 = tpu.memref_slice %arg9[%add3A_162, %dma_wait3A_194] : memref<10240x128xf32, #tpu.memory_space<vmem_shared>> -> memref<16x128xf32, #tpu.memory_space<vmem_shared>>
      tpu.wait_dma2 semaphore(%run_scoped3A : memref<!tpu.dma_semaphore, #tpu.memory_space<semaphore_mem>>) src(%arg8 : memref<16x128xf32, #tpu.memory_space<vmem>>) dst(%dma_wait3A_195 : memref<16x128xf32, #tpu.memory_space<vmem_shared>>)
      tpu.yield
    }) : () -> ()
    %mul3A_163 = arith.constant 16 : i32
    %mul3A_164 = arith.muli %arg0, %mul3A_163 : i32
    %add3A_165 = arith.addi %mul3A_164, %arg1 : i32
    %barrier3A = arith.constant 0 : index
    tpu.barrier barrier_id(%barrier3A)
    %mul3A_166 = arith.constant 1 : i32
    %mul3A_167 = arith.muli %add3A_165, %mul3A_166 : i32
    %add3A_168 = arith.constant 0 : i32
    %add3A_169 = arith.addi %mul3A_167, %add3A_168 : i32
    "tpu.region"() ({
      %run_scoped3A = tpu.sem_alloc : memref<!tpu.dma_semaphore, #tpu.memory_space<semaphore_mem>>
      %dma_start3A = arith.constant 0 : i32
      %dma_start3A_190 = arith.constant 0 : i32
      %dma_start3A_191 = tpu.memref_slice %arg3[%add3A_169, %dma_start3A, %dma_start3A_190] : memref<223x125x80xi32, #tpu.memory_space<hbm>> -> memref<1x125x80xi32, #tpu.memory_space<hbm>>
      %dma_start3A_192 = tpu.memref_squeeze %dma_start3A_191 : memref<1x125x80xi32, #tpu.memory_space<hbm>> -> memref<125x80xi32, #tpu.memory_space<hbm>>
      %dma_start3A_193 = arith.constant 0 : i32
      %dma_start3A_194 = arith.constant 0 : i32
      %dma_start3A_195 = tpu.memref_slice %arg3[%add3A_169, %dma_start3A_193, %dma_start3A_194] : memref<223x125x80xi32, #tpu.memory_space<hbm>> -> memref<1x125x80xi32, #tpu.memory_space<hbm>>
      %dma_start3A_196 = tpu.memref_squeeze %dma_start3A_195 : memref<1x125x80xi32, #tpu.memory_space<hbm>> -> memref<125x80xi32, #tpu.memory_space<hbm>>
      tpu.enqueue_dma source(%dma_start3A_196 : memref<125x80xi32, #tpu.memory_space<hbm>>) target(%arg5 : memref<125x80xi32, #tpu.memory_space<vmem>>) target_semaphore(%run_scoped3A : memref<!tpu.dma_semaphore, #tpu.memory_space<semaphore_mem>>)
      %dma_wait3A = arith.constant 0 : i32
      %dma_wait3A_197 = arith.constant 0 : i32
      %dma_wait3A_198 = tpu.memref_slice %arg3[%add3A_169, %dma_wait3A, %dma_wait3A_197] : memref<223x125x80xi32, #tpu.memory_space<hbm>> -> memref<1x125x80xi32, #tpu.memory_space<hbm>>
      %dma_wait3A_199 = tpu.memref_squeeze %dma_wait3A_198 : memref<1x125x80xi32, #tpu.memory_space<hbm>> -> memref<125x80xi32, #tpu.memory_space<hbm>>
      %dma_wait3A_200 = arith.constant 0 : i32
      %dma_wait3A_201 = arith.constant 0 : i32
      %dma_wait3A_202 = tpu.memref_slice %arg3[%add3A_169, %dma_wait3A_200, %dma_wait3A_201] : memref<223x125x80xi32, #tpu.memory_space<hbm>> -> memref<1x125x80xi32, #tpu.memory_space<hbm>>
      %dma_wait3A_203 = tpu.memref_squeeze %dma_wait3A_202 : memref<1x125x80xi32, #tpu.memory_space<hbm>> -> memref<125x80xi32, #tpu.memory_space<hbm>>
      tpu.wait_dma2 semaphore(%run_scoped3A : memref<!tpu.dma_semaphore, #tpu.memory_space<semaphore_mem>>) src(%dma_wait3A_203 : memref<125x80xi32, #tpu.memory_space<hbm>>) dst(%arg5 : memref<125x80xi32, #tpu.memory_space<vmem>>)
      tpu.yield
    }) : () -> ()
    %mul3A_170 = arith.constant 1 : i32
    %mul3A_171 = arith.muli %add3A_165, %mul3A_170 : i32
    %add3A_172 = arith.constant 32 : i32
    %add3A_173 = arith.addi %add3A_172, %mul3A_171 : i32
    %add3A_174 = arith.constant 0 : i32
    %add3A_175 = arith.addi %add3A_173, %add3A_174 : i32
    "tpu.region"() ({
      %run_scoped3A = tpu.sem_alloc : memref<!tpu.dma_semaphore, #tpu.memory_space<semaphore_mem>>
      %dma_start3A = arith.constant 0 : i32
      %dma_start3A_190 = arith.constant 0 : i32
      %dma_start3A_191 = tpu.memref_slice %arg3[%add3A_175, %dma_start3A, %dma_start3A_190] : memref<223x125x80xi32, #tpu.memory_space<hbm>> -> memref<1x125x80xi32, #tpu.memory_space<hbm>>
      %dma_start3A_192 = tpu.memref_squeeze %dma_start3A_191 : memref<1x125x80xi32, #tpu.memory_space<hbm>> -> memref<125x80xi32, #tpu.memory_space<hbm>>
      %dma_start3A_193 = arith.constant 0 : i32
      %dma_start3A_194 = arith.constant 0 : i32
      %dma_start3A_195 = tpu.memref_slice %arg3[%add3A_175, %dma_start3A_193, %dma_start3A_194] : memref<223x125x80xi32, #tpu.memory_space<hbm>> -> memref<1x125x80xi32, #tpu.memory_space<hbm>>
      %dma_start3A_196 = tpu.memref_squeeze %dma_start3A_195 : memref<1x125x80xi32, #tpu.memory_space<hbm>> -> memref<125x80xi32, #tpu.memory_space<hbm>>
      tpu.enqueue_dma source(%dma_start3A_196 : memref<125x80xi32, #tpu.memory_space<hbm>>) target(%arg6 : memref<125x80xi32, #tpu.memory_space<vmem>>) target_semaphore(%run_scoped3A : memref<!tpu.dma_semaphore, #tpu.memory_space<semaphore_mem>>)
      %dma_wait3A = arith.constant 0 : i32
      %dma_wait3A_197 = arith.constant 0 : i32
      %dma_wait3A_198 = tpu.memref_slice %arg3[%add3A_175, %dma_wait3A, %dma_wait3A_197] : memref<223x125x80xi32, #tpu.memory_space<hbm>> -> memref<1x125x80xi32, #tpu.memory_space<hbm>>
      %dma_wait3A_199 = tpu.memref_squeeze %dma_wait3A_198 : memref<1x125x80xi32, #tpu.memory_space<hbm>> -> memref<125x80xi32, #tpu.memory_space<hbm>>
      %dma_wait3A_200 = arith.constant 0 : i32
      %dma_wait3A_201 = arith.constant 0 : i32
      %dma_wait3A_202 = tpu.memref_slice %arg3[%add3A_175, %dma_wait3A_200, %dma_wait3A_201] : memref<223x125x80xi32, #tpu.memory_space<hbm>> -> memref<1x125x80xi32, #tpu.memory_space<hbm>>
      %dma_wait3A_203 = tpu.memref_squeeze %dma_wait3A_202 : memref<1x125x80xi32, #tpu.memory_space<hbm>> -> memref<125x80xi32, #tpu.memory_space<hbm>>
      tpu.wait_dma2 semaphore(%run_scoped3A : memref<!tpu.dma_semaphore, #tpu.memory_space<semaphore_mem>>) src(%dma_wait3A_203 : memref<125x80xi32, #tpu.memory_space<hbm>>) dst(%arg6 : memref<125x80xi32, #tpu.memory_space<vmem>>)
      tpu.yield
    }) : () -> ()
    %scan3A_176 = arith.constant 0 : i32
    %scan3A_177 = arith.constant 0 : i32
    %scan3A_178 = arith.constant 125 : i32
    %scan3A_179 = arith.addi %scan3A_177, %scan3A_178 : i32
    %scan3A_180 = arith.constant 1 : i32
    scf.for %scan3A_190 = %scan3A_177 to %scan3A_179 step %scan3A_180  : i32 {
      %dma_start3A = arith.constant 0 : i32
      %dma_start3A_191 = tpu.memref_slice %arg5[%scan3A_190, %dma_start3A] : memref<125x80xi32, #tpu.memory_space<vmem>> -> memref<1x80xi32, #tpu.memory_space<vmem>>
      %dma_start3A_192 = tpu.memref_squeeze %dma_start3A_191 : memref<1x80xi32, #tpu.memory_space<vmem>> -> memref<80xi32, #tpu.memory_space<vmem>>
      %dma_start3A_193 = arith.constant 0 : i32
      %dma_start3A_194 = arith.constant 0 : i32
      %dma_start3A_195 = tpu.memref_slice %arg2[%dma_start3A_193, %dma_start3A_194] : memref<10000x128xf32, #tpu.memory_space<hbm>> -> memref<10000x128xf32, #tpu.memory_space<hbm>>
      tpu.enqueue_indirect_dma source(%dma_start3A_195 : memref<10000x128xf32, #tpu.memory_space<hbm>>) target(%arg7 : memref<80x128xf32, #tpu.memory_space<vmem>>) offsets(%dma_start3A_192 : memref<80xi32, #tpu.memory_space<vmem>>) semaphore(%arg10 : memref<!tpu.dma_semaphore, #tpu.memory_space<semaphore_mem>>)
      %dma_wait3A = arith.constant 0 : i32
      %dma_wait3A_196 = tpu.memref_slice %arg5[%scan3A_190, %dma_wait3A] : memref<125x80xi32, #tpu.memory_space<vmem>> -> memref<1x80xi32, #tpu.memory_space<vmem>>
      %dma_wait3A_197 = tpu.memref_squeeze %dma_wait3A_196 : memref<1x80xi32, #tpu.memory_space<vmem>> -> memref<80xi32, #tpu.memory_space<vmem>>
      %dma_wait3A_198 = arith.constant 0 : i32
      %dma_wait3A_199 = arith.constant 0 : i32
      %dma_wait3A_200 = tpu.memref_slice %arg2[%dma_wait3A_198, %dma_wait3A_199] : memref<10000x128xf32, #tpu.memory_space<hbm>> -> memref<10000x128xf32, #tpu.memory_space<hbm>>
      tpu.wait_indirect_dma semaphore(%arg10 : memref<!tpu.dma_semaphore, #tpu.memory_space<semaphore_mem>>) src(%dma_wait3A_200 : memref<10000x128xf32, #tpu.memory_space<hbm>>) dst(%arg7 : memref<80x128xf32, #tpu.memory_space<vmem>>)
      "tpu.region"() ({
        %run_scoped3A = tpu.sem_alloc : memref<!tpu.dma_semaphore, #tpu.memory_space<semaphore_mem>>
        %dma_start3A_201 = arith.constant 0 : i32
        %dma_start3A_202 = tpu.memref_slice %arg6[%scan3A_190, %dma_start3A_201] : memref<125x80xi32, #tpu.memory_space<vmem>> -> memref<1x80xi32, #tpu.memory_space<vmem>>
        %dma_start3A_203 = tpu.memref_squeeze %dma_start3A_202 : memref<1x80xi32, #tpu.memory_space<vmem>> -> memref<80xi32, #tpu.memory_space<vmem>>
        %dma_start3A_204 = arith.constant 0 : i32
        %dma_start3A_205 = arith.constant 0 : i32
        %dma_start3A_206 = tpu.memref_slice %arg9[%dma_start3A_204, %dma_start3A_205] : memref<10240x128xf32, #tpu.memory_space<vmem_shared>> -> memref<10240x128xf32, #tpu.memory_space<vmem_shared>>
        tpu.enqueue_indirect_dma source(%arg7 : memref<80x128xf32, #tpu.memory_space<vmem>>) target(%dma_start3A_206 : memref<10240x128xf32, #tpu.memory_space<vmem_shared>>) offsets(%dma_start3A_203 : memref<80xi32, #tpu.memory_space<vmem>>) semaphore(%run_scoped3A : memref<!tpu.dma_semaphore, #tpu.memory_space<semaphore_mem>>) {add = true}
        %dma_wait3A_207 = arith.constant 0 : i32
        %dma_wait3A_208 = tpu.memref_slice %arg6[%scan3A_190, %dma_wait3A_207] : memref<125x80xi32, #tpu.memory_space<vmem>> -> memref<1x80xi32, #tpu.memory_space<vmem>>
        %dma_wait3A_209 = tpu.memref_squeeze %dma_wait3A_208 : memref<1x80xi32, #tpu.memory_space<vmem>> -> memref<80xi32, #tpu.memory_space<vmem>>
        %dma_wait3A_210 = arith.constant 0 : i32
        %dma_wait3A_211 = arith.constant 0 : i32
        %dma_wait3A_212 = tpu.memref_slice %arg9[%dma_wait3A_210, %dma_wait3A_211] : memref<10240x128xf32, #tpu.memory_space<vmem_shared>> -> memref<10240x128xf32, #tpu.memory_space<vmem_shared>>
        tpu.wait_indirect_dma semaphore(%run_scoped3A : memref<!tpu.dma_semaphore, #tpu.memory_space<semaphore_mem>>) src(%arg7 : memref<80x128xf32, #tpu.memory_space<vmem>>) dst(%dma_wait3A_212 : memref<10240x128xf32, #tpu.memory_space<vmem_shared>>)
        tpu.yield
      }) : () -> ()
    }
    %scan3A_181 = arith.constant 125 : i32
    %barrier3A_182 = arith.constant 0 : index
    tpu.barrier barrier_id(%barrier3A_182)
    %mul3A_183 = arith.constant 640 : i32
    %mul3A_184 = arith.muli %arg1, %mul3A_183 : i32
    %mul3A_185 = arith.constant 10240 : i32
    %mul3A_186 = arith.muli %arg0, %mul3A_185 : i32
    %mul3A_187 = arith.constant 640 : i32
    %mul3A_188 = arith.muli %arg1, %mul3A_187 : i32
    %add3A_189 = arith.addi %mul3A_186, %mul3A_188 : i32
    "tpu.region"() ({
      %run_scoped3A = tpu.sem_alloc : memref<!tpu.dma_semaphore, #tpu.memory_space<semaphore_mem>>
      %dma_start3A = arith.constant 0 : i32
      %dma_start3A_190 = tpu.memref_slice %arg4[%add3A_189, %dma_start3A] : memref<20480x128xf32, #tpu.memory_space<hbm>> -> memref<640x128xf32, #tpu.memory_space<hbm>>
      %dma_start3A_191 = arith.constant 0 : i32
      %dma_start3A_192 = tpu.memref_slice %arg9[%mul3A_184, %dma_start3A_191] : memref<10240x128xf32, #tpu.memory_space<vmem_shared>> -> memref<640x128xf32, #tpu.memory_space<vmem_shared>>
      tpu.enqueue_dma source(%dma_start3A_192 : memref<640x128xf32, #tpu.memory_space<vmem_shared>>) target(%dma_start3A_190 : memref<640x128xf32, #tpu.memory_space<hbm>>) target_semaphore(%run_scoped3A : memref<!tpu.dma_semaphore, #tpu.memory_space<semaphore_mem>>)
      %dma_wait3A = arith.constant 0 : i32
      %dma_wait3A_193 = tpu.memref_slice %arg4[%add3A_189, %dma_wait3A] : memref<20480x128xf32, #tpu.memory_space<hbm>> -> memref<640x128xf32, #tpu.memory_space<hbm>>
      %dma_wait3A_194 = arith.constant 0 : i32
      %dma_wait3A_195 = tpu.memref_slice %arg9[%mul3A_184, %dma_wait3A_194] : memref<10240x128xf32, #tpu.memory_space<vmem_shared>> -> memref<640x128xf32, #tpu.memory_space<vmem_shared>>
      tpu.wait_dma2 semaphore(%run_scoped3A : memref<!tpu.dma_semaphore, #tpu.memory_space<semaphore_mem>>) src(%dma_wait3A_195 : memref<640x128xf32, #tpu.memory_space<vmem_shared>>) dst(%dma_wait3A_193 : memref<640x128xf32, #tpu.memory_space<hbm>>)
      tpu.yield
    }) : () -> ()
    return
  }
}

#map = affine_map<(d0, d1) -> (0, 0)>
#map1 = affine_map<(d0, d1) -> (0, 0, 0)>
module attributes {stable_mosaic.version = 14 : i64} {
  func.func @agg_kernel(%arg0: i32, %arg1: i32, %arg2: memref<20480x128xf32, #tpu.memory_space<hbm>>, %arg3: memref<223x125x80xi32, #tpu.memory_space<hbm>>, %arg4: memref<20480x128xf32, #tpu.memory_space<hbm>>, %arg5: memref<125x80xi32, #tpu.memory_space<vmem>>, %arg6: memref<125x80xi32, #tpu.memory_space<vmem>>, %arg7: memref<80x128xf32, #tpu.memory_space<vmem>>, %arg8: memref<16x128xf32, #tpu.memory_space<vmem>>, %arg9: memref<10240x128xf32, #tpu.memory_space<vmem_shared>>, %arg10: memref<!tpu.dma_semaphore, #tpu.memory_space<semaphore_mem>>) attributes {dimension_semantics = [#tpu.dimension_semantics<core_parallel>, #tpu.dimension_semantics<subcore_parallel>], iteration_bounds = array<i64: 2, 16>, scalar_prefetch = 0 : i64, scratch_operands = 6 : i64, tpu.core_type = #tpu.core_type<sc_vector_subcore>, window_params = [{transform_indices = #map}, {transform_indices = #map1}, {transform_indices = #map}]} {
    %scan3A = arith.constant 0 : i32
    %scan3A_0 = arith.constant 0 : i32
    %scan3A_1 = arith.constant 128 : i32
    %scan3A_2 = arith.addi %scan3A_0, %scan3A_1 : i32
    %scan3A_3 = arith.constant 1 : i32
    scf.for %scan3A_206 = %scan3A_0 to %scan3A_2 step %scan3A_3  : i32 {
      %broadcast_in_dim3A = arith.constant 0.000000e+00 : f32
      %broadcast_in_dim3A_207 = vector.broadcast %broadcast_in_dim3A : f32 to vector<16xf32>
      %jit3A = arith.constant 8 : i32
      %div3A = arith.divsi %scan3A_206, %jit3A : i32
      %sign3A = arith.constant 0 : i32
      %sign3A_208 = arith.cmpi sgt, %scan3A_206, %sign3A : i32
      %sign3A_209 = arith.extui %sign3A_208 : i1 to i32
      %sign3A_210 = arith.constant 0 : i32
      %sign3A_211 = arith.cmpi slt, %scan3A_206, %sign3A_210 : i32
      %sign3A_212 = arith.extui %sign3A_211 : i1 to i32
      %sign3A_213 = arith.subi %sign3A_209, %sign3A_212 : i32
      %sign3A_214 = arith.constant 0 : i32
      %sign3A_215 = arith.cmpi sgt, %jit3A, %sign3A_214 : i32
      %sign3A_216 = arith.extui %sign3A_215 : i1 to i32
      %sign3A_217 = arith.constant 0 : i32
      %sign3A_218 = arith.cmpi slt, %jit3A, %sign3A_217 : i32
      %sign3A_219 = arith.extui %sign3A_218 : i1 to i32
      %sign3A_220 = arith.subi %sign3A_216, %sign3A_219 : i32
      %ne3A = arith.cmpi ne, %sign3A_213, %sign3A_220 : i32
      %rem3A = arith.remsi %scan3A_206, %jit3A : i32
      %ne3A_221 = arith.constant 0 : i32
      %ne3A_222 = arith.cmpi ne, %rem3A, %ne3A_221 : i32
      %and3A = arith.andi %ne3A, %ne3A_222 : i1
      %sub3A = arith.constant 1 : i32
      %sub3A_223 = arith.subi %div3A, %sub3A : i32
      %select_n3A = arith.select %and3A, %sub3A_223, %div3A : i32
      %jit3A_224 = arith.constant 8 : i32
      %eq3A = arith.constant 0 : i32
      %eq3A_225 = arith.cmpi eq, %jit3A_224, %eq3A : i32
      %jit3A_226 = arith.constant 1 : i32
      %select_n3A_227 = arith.select %eq3A_225, %jit3A_226, %jit3A_224 : i32
      %rem3A_228 = arith.remsi %scan3A_206, %select_n3A_227 : i32
      %ne3A_229 = arith.constant 0 : i32
      %ne3A_230 = arith.cmpi ne, %rem3A_228, %ne3A_229 : i32
      %lt3A = arith.constant 0 : i32
      %lt3A_231 = arith.cmpi slt, %rem3A_228, %lt3A : i32
      %lt3A_232 = arith.constant 0 : i32
      %lt3A_233 = arith.cmpi slt, %select_n3A_227, %lt3A_232 : i32
      %ne3A_234 = arith.xori %lt3A_231, %lt3A_233 : i1
      %and3A_235 = arith.andi %ne3A_234, %ne3A_230 : i1
      %add3A_236 = arith.addi %rem3A_228, %select_n3A_227 : i32
      %select_n3A_237 = arith.select %and3A_235, %add3A_236, %rem3A_228 : i32
      %mul3A_238 = arith.constant 16 : i32
      %mul3A_239 = arith.muli %select_n3A_237, %mul3A_238 : i32
      %swap3A = arith.index_cast %select_n3A : i32 to index
      %swap3A_240 = arith.index_cast %mul3A_239 : i32 to index
      %swap3A_241 = tpu.vector_load %arg8[%swap3A, %swap3A_240] {strides = array<i32>} : memref<16x128xf32, #tpu.memory_space<vmem>>, vector<1x16xf32>,
      %swap3A_242 = vector.shape_cast %swap3A_241 : vector<1x16xf32> to vector<16xf32>
      %swap3A_243 = vector.shape_cast %broadcast_in_dim3A_207 : vector<16xf32> to vector<1x16xf32>
      tpu.vector_store %arg8[%swap3A, %swap3A_240], %swap3A_243 {strides = array<i32>} : memref<16x128xf32, #tpu.memory_space<vmem>>, vector<1x16xf32>,
    }
    %scan3A_4 = arith.constant 128 : i32
    %mul3A = arith.constant 640 : i32
    %mul3A_5 = arith.muli %arg1, %mul3A : i32
    %add3A = arith.constant 0 : i32
    %add3A_6 = arith.addi %mul3A_5, %add3A : i32
    "tpu.region"() ({
      %run_scoped3A = tpu.sem_alloc : memref<!tpu.dma_semaphore, #tpu.memory_space<semaphore_mem>>
      %dma_start3A = arith.constant 0 : i32
      %dma_start3A_206 = tpu.memref_slice %arg9[%add3A_6, %dma_start3A] : memref<10240x128xf32, #tpu.memory_space<vmem_shared>> -> memref<16x128xf32, #tpu.memory_space<vmem_shared>>
      %dma_start3A_207 = arith.constant 0 : i32
      %dma_start3A_208 = tpu.memref_slice %arg9[%add3A_6, %dma_start3A_207] : memref<10240x128xf32, #tpu.memory_space<vmem_shared>> -> memref<16x128xf32, #tpu.memory_space<vmem_shared>>
      tpu.enqueue_dma source(%arg8 : memref<16x128xf32, #tpu.memory_space<vmem>>) target(%dma_start3A_208 : memref<16x128xf32, #tpu.memory_space<vmem_shared>>) target_semaphore(%run_scoped3A : memref<!tpu.dma_semaphore, #tpu.memory_space<semaphore_mem>>)
      %dma_wait3A = arith.constant 0 : i32
      %dma_wait3A_209 = tpu.memref_slice %arg9[%add3A_6, %dma_wait3A] : memref<10240x128xf32, #tpu.memory_space<vmem_shared>> -> memref<16x128xf32, #tpu.memory_space<vmem_shared>>
      %dma_wait3A_210 = arith.constant 0 : i32
      %dma_wait3A_211 = tpu.memref_slice %arg9[%add3A_6, %dma_wait3A_210] : memref<10240x128xf32, #tpu.memory_space<vmem_shared>> -> memref<16x128xf32, #tpu.memory_space<vmem_shared>>
      tpu.wait_dma2 semaphore(%run_scoped3A : memref<!tpu.dma_semaphore, #tpu.memory_space<semaphore_mem>>) src(%arg8 : memref<16x128xf32, #tpu.memory_space<vmem>>) dst(%dma_wait3A_211 : memref<16x128xf32, #tpu.memory_space<vmem_shared>>)
      tpu.yield
    }) : () -> ()
    %mul3A_7 = arith.constant 640 : i32
    %mul3A_8 = arith.muli %arg1, %mul3A_7 : i32
    %add3A_9 = arith.constant 16 : i32
    %add3A_10 = arith.addi %mul3A_8, %add3A_9 : i32
    "tpu.region"() ({
      %run_scoped3A = tpu.sem_alloc : memref<!tpu.dma_semaphore, #tpu.memory_space<semaphore_mem>>
      %dma_start3A = arith.constant 0 : i32
      %dma_start3A_206 = tpu.memref_slice %arg9[%add3A_10, %dma_start3A] : memref<10240x128xf32, #tpu.memory_space<vmem_shared>> -> memref<16x128xf32, #tpu.memory_space<vmem_shared>>
      %dma_start3A_207 = arith.constant 0 : i32
      %dma_start3A_208 = tpu.memref_slice %arg9[%add3A_10, %dma_start3A_207] : memref<10240x128xf32, #tpu.memory_space<vmem_shared>> -> memref<16x128xf32, #tpu.memory_space<vmem_shared>>
      tpu.enqueue_dma source(%arg8 : memref<16x128xf32, #tpu.memory_space<vmem>>) target(%dma_start3A_208 : memref<16x128xf32, #tpu.memory_space<vmem_shared>>) target_semaphore(%run_scoped3A : memref<!tpu.dma_semaphore, #tpu.memory_space<semaphore_mem>>)
      %dma_wait3A = arith.constant 0 : i32
      %dma_wait3A_209 = tpu.memref_slice %arg9[%add3A_10, %dma_wait3A] : memref<10240x128xf32, #tpu.memory_space<vmem_shared>> -> memref<16x128xf32, #tpu.memory_space<vmem_shared>>
      %dma_wait3A_210 = arith.constant 0 : i32
      %dma_wait3A_211 = tpu.memref_slice %arg9[%add3A_10, %dma_wait3A_210] : memref<10240x128xf32, #tpu.memory_space<vmem_shared>> -> memref<16x128xf32, #tpu.memory_space<vmem_shared>>
      tpu.wait_dma2 semaphore(%run_scoped3A : memref<!tpu.dma_semaphore, #tpu.memory_space<semaphore_mem>>) src(%arg8 : memref<16x128xf32, #tpu.memory_space<vmem>>) dst(%dma_wait3A_211 : memref<16x128xf32, #tpu.memory_space<vmem_shared>>)
      tpu.yield
    }) : () -> ()
    %mul3A_11 = arith.constant 640 : i32
    %mul3A_12 = arith.muli %arg1, %mul3A_11 : i32
    %add3A_13 = arith.constant 32 : i32
    %add3A_14 = arith.addi %mul3A_12, %add3A_13 : i32
    "tpu.region"() ({
      %run_scoped3A = tpu.sem_alloc : memref<!tpu.dma_semaphore, #tpu.memory_space<semaphore_mem>>
      %dma_start3A = arith.constant 0 : i32
      %dma_start3A_206 = tpu.memref_slice %arg9[%add3A_14, %dma_start3A] : memref<10240x128xf32, #tpu.memory_space<vmem_shared>> -> memref<16x128xf32, #tpu.memory_space<vmem_shared>>
      %dma_start3A_207 = arith.constant 0 : i32
      %dma_start3A_208 = tpu.memref_slice %arg9[%add3A_14, %dma_start3A_207] : memref<10240x128xf32, #tpu.memory_space<vmem_shared>> -> memref<16x128xf32, #tpu.memory_space<vmem_shared>>
      tpu.enqueue_dma source(%arg8 : memref<16x128xf32, #tpu.memory_space<vmem>>) target(%dma_start3A_208 : memref<16x128xf32, #tpu.memory_space<vmem_shared>>) target_semaphore(%run_scoped3A : memref<!tpu.dma_semaphore, #tpu.memory_space<semaphore_mem>>)
      %dma_wait3A = arith.constant 0 : i32
      %dma_wait3A_209 = tpu.memref_slice %arg9[%add3A_14, %dma_wait3A] : memref<10240x128xf32, #tpu.memory_space<vmem_shared>> -> memref<16x128xf32, #tpu.memory_space<vmem_shared>>
      %dma_wait3A_210 = arith.constant 0 : i32
      %dma_wait3A_211 = tpu.memref_slice %arg9[%add3A_14, %dma_wait3A_210] : memref<10240x128xf32, #tpu.memory_space<vmem_shared>> -> memref<16x128xf32, #tpu.memory_space<vmem_shared>>
      tpu.wait_dma2 semaphore(%run_scoped3A : memref<!tpu.dma_semaphore, #tpu.memory_space<semaphore_mem>>) src(%arg8 : memref<16x128xf32, #tpu.memory_space<vmem>>) dst(%dma_wait3A_211 : memref<16x128xf32, #tpu.memory_space<vmem_shared>>)
      tpu.yield
    }) : () -> ()
    %mul3A_15 = arith.constant 640 : i32
    %mul3A_16 = arith.muli %arg1, %mul3A_15 : i32
    %add3A_17 = arith.constant 48 : i32
    %add3A_18 = arith.addi %mul3A_16, %add3A_17 : i32
    "tpu.region"() ({
      %run_scoped3A = tpu.sem_alloc : memref<!tpu.dma_semaphore, #tpu.memory_space<semaphore_mem>>
      %dma_start3A = arith.constant 0 : i32
      %dma_start3A_206 = tpu.memref_slice %arg9[%add3A_18, %dma_start3A] : memref<10240x128xf32, #tpu.memory_space<vmem_shared>> -> memref<16x128xf32, #tpu.memory_space<vmem_shared>>
      %dma_start3A_207 = arith.constant 0 : i32
      %dma_start3A_208 = tpu.memref_slice %arg9[%add3A_18, %dma_start3A_207] : memref<10240x128xf32, #tpu.memory_space<vmem_shared>> -> memref<16x128xf32, #tpu.memory_space<vmem_shared>>
      tpu.enqueue_dma source(%arg8 : memref<16x128xf32, #tpu.memory_space<vmem>>) target(%dma_start3A_208 : memref<16x128xf32, #tpu.memory_space<vmem_shared>>) target_semaphore(%run_scoped3A : memref<!tpu.dma_semaphore, #tpu.memory_space<semaphore_mem>>)
      %dma_wait3A = arith.constant 0 : i32
      %dma_wait3A_209 = tpu.memref_slice %arg9[%add3A_18, %dma_wait3A] : memref<10240x128xf32, #tpu.memory_space<vmem_shared>> -> memref<16x128xf32, #tpu.memory_space<vmem_shared>>
      %dma_wait3A_210 = arith.constant 0 : i32
      %dma_wait3A_211 = tpu.memref_slice %arg9[%add3A_18, %dma_wait3A_210] : memref<10240x128xf32, #tpu.memory_space<vmem_shared>> -> memref<16x128xf32, #tpu.memory_space<vmem_shared>>
      tpu.wait_dma2 semaphore(%run_scoped3A : memref<!tpu.dma_semaphore, #tpu.memory_space<semaphore_mem>>) src(%arg8 : memref<16x128xf32, #tpu.memory_space<vmem>>) dst(%dma_wait3A_211 : memref<16x128xf32, #tpu.memory_space<vmem_shared>>)
      tpu.yield
    }) : () -> ()
    %mul3A_19 = arith.constant 640 : i32
    %mul3A_20 = arith.muli %arg1, %mul3A_19 : i32
    %add3A_21 = arith.constant 64 : i32
    %add3A_22 = arith.addi %mul3A_20, %add3A_21 : i32
    "tpu.region"() ({
      %run_scoped3A = tpu.sem_alloc : memref<!tpu.dma_semaphore, #tpu.memory_space<semaphore_mem>>
      %dma_start3A = arith.constant 0 : i32
      %dma_start3A_206 = tpu.memref_slice %arg9[%add3A_22, %dma_start3A] : memref<10240x128xf32, #tpu.memory_space<vmem_shared>> -> memref<16x128xf32, #tpu.memory_space<vmem_shared>>
      %dma_start3A_207 = arith.constant 0 : i32
      %dma_start3A_208 = tpu.memref_slice %arg9[%add3A_22, %dma_start3A_207] : memref<10240x128xf32, #tpu.memory_space<vmem_shared>> -> memref<16x128xf32, #tpu.memory_space<vmem_shared>>
      tpu.enqueue_dma source(%arg8 : memref<16x128xf32, #tpu.memory_space<vmem>>) target(%dma_start3A_208 : memref<16x128xf32, #tpu.memory_space<vmem_shared>>) target_semaphore(%run_scoped3A : memref<!tpu.dma_semaphore, #tpu.memory_space<semaphore_mem>>)
      %dma_wait3A = arith.constant 0 : i32
      %dma_wait3A_209 = tpu.memref_slice %arg9[%add3A_22, %dma_wait3A] : memref<10240x128xf32, #tpu.memory_space<vmem_shared>> -> memref<16x128xf32, #tpu.memory_space<vmem_shared>>
      %dma_wait3A_210 = arith.constant 0 : i32
      %dma_wait3A_211 = tpu.memref_slice %arg9[%add3A_22, %dma_wait3A_210] : memref<10240x128xf32, #tpu.memory_space<vmem_shared>> -> memref<16x128xf32, #tpu.memory_space<vmem_shared>>
      tpu.wait_dma2 semaphore(%run_scoped3A : memref<!tpu.dma_semaphore, #tpu.memory_space<semaphore_mem>>) src(%arg8 : memref<16x128xf32, #tpu.memory_space<vmem>>) dst(%dma_wait3A_211 : memref<16x128xf32, #tpu.memory_space<vmem_shared>>)
      tpu.yield
    }) : () -> ()
    %mul3A_23 = arith.constant 640 : i32
    %mul3A_24 = arith.muli %arg1, %mul3A_23 : i32
    %add3A_25 = arith.constant 80 : i32
    %add3A_26 = arith.addi %mul3A_24, %add3A_25 : i32
    "tpu.region"() ({
      %run_scoped3A = tpu.sem_alloc : memref<!tpu.dma_semaphore, #tpu.memory_space<semaphore_mem>>
      %dma_start3A = arith.constant 0 : i32
      %dma_start3A_206 = tpu.memref_slice %arg9[%add3A_26, %dma_start3A] : memref<10240x128xf32, #tpu.memory_space<vmem_shared>> -> memref<16x128xf32, #tpu.memory_space<vmem_shared>>
      %dma_start3A_207 = arith.constant 0 : i32
      %dma_start3A_208 = tpu.memref_slice %arg9[%add3A_26, %dma_start3A_207] : memref<10240x128xf32, #tpu.memory_space<vmem_shared>> -> memref<16x128xf32, #tpu.memory_space<vmem_shared>>
      tpu.enqueue_dma source(%arg8 : memref<16x128xf32, #tpu.memory_space<vmem>>) target(%dma_start3A_208 : memref<16x128xf32, #tpu.memory_space<vmem_shared>>) target_semaphore(%run_scoped3A : memref<!tpu.dma_semaphore, #tpu.memory_space<semaphore_mem>>)
      %dma_wait3A = arith.constant 0 : i32
      %dma_wait3A_209 = tpu.memref_slice %arg9[%add3A_26, %dma_wait3A] : memref<10240x128xf32, #tpu.memory_space<vmem_shared>> -> memref<16x128xf32, #tpu.memory_space<vmem_shared>>
      %dma_wait3A_210 = arith.constant 0 : i32
      %dma_wait3A_211 = tpu.memref_slice %arg9[%add3A_26, %dma_wait3A_210] : memref<10240x128xf32, #tpu.memory_space<vmem_shared>> -> memref<16x128xf32, #tpu.memory_space<vmem_shared>>
      tpu.wait_dma2 semaphore(%run_scoped3A : memref<!tpu.dma_semaphore, #tpu.memory_space<semaphore_mem>>) src(%arg8 : memref<16x128xf32, #tpu.memory_space<vmem>>) dst(%dma_wait3A_211 : memref<16x128xf32, #tpu.memory_space<vmem_shared>>)
      tpu.yield
    }) : () -> ()
    %mul3A_27 = arith.constant 640 : i32
    %mul3A_28 = arith.muli %arg1, %mul3A_27 : i32
    %add3A_29 = arith.constant 96 : i32
    %add3A_30 = arith.addi %mul3A_28, %add3A_29 : i32
    "tpu.region"() ({
      %run_scoped3A = tpu.sem_alloc : memref<!tpu.dma_semaphore, #tpu.memory_space<semaphore_mem>>
      %dma_start3A = arith.constant 0 : i32
      %dma_start3A_206 = tpu.memref_slice %arg9[%add3A_30, %dma_start3A] : memref<10240x128xf32, #tpu.memory_space<vmem_shared>> -> memref<16x128xf32, #tpu.memory_space<vmem_shared>>
      %dma_start3A_207 = arith.constant 0 : i32
      %dma_start3A_208 = tpu.memref_slice %arg9[%add3A_30, %dma_start3A_207] : memref<10240x128xf32, #tpu.memory_space<vmem_shared>> -> memref<16x128xf32, #tpu.memory_space<vmem_shared>>
      tpu.enqueue_dma source(%arg8 : memref<16x128xf32, #tpu.memory_space<vmem>>) target(%dma_start3A_208 : memref<16x128xf32, #tpu.memory_space<vmem_shared>>) target_semaphore(%run_scoped3A : memref<!tpu.dma_semaphore, #tpu.memory_space<semaphore_mem>>)
      %dma_wait3A = arith.constant 0 : i32
      %dma_wait3A_209 = tpu.memref_slice %arg9[%add3A_30, %dma_wait3A] : memref<10240x128xf32, #tpu.memory_space<vmem_shared>> -> memref<16x128xf32, #tpu.memory_space<vmem_shared>>
      %dma_wait3A_210 = arith.constant 0 : i32
      %dma_wait3A_211 = tpu.memref_slice %arg9[%add3A_30, %dma_wait3A_210] : memref<10240x128xf32, #tpu.memory_space<vmem_shared>> -> memref<16x128xf32, #tpu.memory_space<vmem_shared>>
      tpu.wait_dma2 semaphore(%run_scoped3A : memref<!tpu.dma_semaphore, #tpu.memory_space<semaphore_mem>>) src(%arg8 : memref<16x128xf32, #tpu.memory_space<vmem>>) dst(%dma_wait3A_211 : memref<16x128xf32, #tpu.memory_space<vmem_shared>>)
      tpu.yield
    }) : () -> ()
    %mul3A_31 = arith.constant 640 : i32
    %mul3A_32 = arith.muli %arg1, %mul3A_31 : i32
    %add3A_33 = arith.constant 112 : i32
    %add3A_34 = arith.addi %mul3A_32, %add3A_33 : i32
    "tpu.region"() ({
      %run_scoped3A = tpu.sem_alloc : memref<!tpu.dma_semaphore, #tpu.memory_space<semaphore_mem>>
      %dma_start3A = arith.constant 0 : i32
      %dma_start3A_206 = tpu.memref_slice %arg9[%add3A_34, %dma_start3A] : memref<10240x128xf32, #tpu.memory_space<vmem_shared>> -> memref<16x128xf32, #tpu.memory_space<vmem_shared>>
      %dma_start3A_207 = arith.constant 0 : i32
      %dma_start3A_208 = tpu.memref_slice %arg9[%add3A_34, %dma_start3A_207] : memref<10240x128xf32, #tpu.memory_space<vmem_shared>> -> memref<16x128xf32, #tpu.memory_space<vmem_shared>>
      tpu.enqueue_dma source(%arg8 : memref<16x128xf32, #tpu.memory_space<vmem>>) target(%dma_start3A_208 : memref<16x128xf32, #tpu.memory_space<vmem_shared>>) target_semaphore(%run_scoped3A : memref<!tpu.dma_semaphore, #tpu.memory_space<semaphore_mem>>)
      %dma_wait3A = arith.constant 0 : i32
      %dma_wait3A_209 = tpu.memref_slice %arg9[%add3A_34, %dma_wait3A] : memref<10240x128xf32, #tpu.memory_space<vmem_shared>> -> memref<16x128xf32, #tpu.memory_space<vmem_shared>>
      %dma_wait3A_210 = arith.constant 0 : i32
      %dma_wait3A_211 = tpu.memref_slice %arg9[%add3A_34, %dma_wait3A_210] : memref<10240x128xf32, #tpu.memory_space<vmem_shared>> -> memref<16x128xf32, #tpu.memory_space<vmem_shared>>
      tpu.wait_dma2 semaphore(%run_scoped3A : memref<!tpu.dma_semaphore, #tpu.memory_space<semaphore_mem>>) src(%arg8 : memref<16x128xf32, #tpu.memory_space<vmem>>) dst(%dma_wait3A_211 : memref<16x128xf32, #tpu.memory_space<vmem_shared>>)
      tpu.yield
    }) : () -> ()
    %mul3A_35 = arith.constant 640 : i32
    %mul3A_36 = arith.muli %arg1, %mul3A_35 : i32
    %add3A_37 = arith.constant 128 : i32
    %add3A_38 = arith.addi %mul3A_36, %add3A_37 : i32
    "tpu.region"() ({
      %run_scoped3A = tpu.sem_alloc : memref<!tpu.dma_semaphore, #tpu.memory_space<semaphore_mem>>
      %dma_start3A = arith.constant 0 : i32
      %dma_start3A_206 = tpu.memref_slice %arg9[%add3A_38, %dma_start3A] : memref<10240x128xf32, #tpu.memory_space<vmem_shared>> -> memref<16x128xf32, #tpu.memory_space<vmem_shared>>
      %dma_start3A_207 = arith.constant 0 : i32
      %dma_start3A_208 = tpu.memref_slice %arg9[%add3A_38, %dma_start3A_207] : memref<10240x128xf32, #tpu.memory_space<vmem_shared>> -> memref<16x128xf32, #tpu.memory_space<vmem_shared>>
      tpu.enqueue_dma source(%arg8 : memref<16x128xf32, #tpu.memory_space<vmem>>) target(%dma_start3A_208 : memref<16x128xf32, #tpu.memory_space<vmem_shared>>) target_semaphore(%run_scoped3A : memref<!tpu.dma_semaphore, #tpu.memory_space<semaphore_mem>>)
      %dma_wait3A = arith.constant 0 : i32
      %dma_wait3A_209 = tpu.memref_slice %arg9[%add3A_38, %dma_wait3A] : memref<10240x128xf32, #tpu.memory_space<vmem_shared>> -> memref<16x128xf32, #tpu.memory_space<vmem_shared>>
      %dma_wait3A_210 = arith.constant 0 : i32
      %dma_wait3A_211 = tpu.memref_slice %arg9[%add3A_38, %dma_wait3A_210] : memref<10240x128xf32, #tpu.memory_space<vmem_shared>> -> memref<16x128xf32, #tpu.memory_space<vmem_shared>>
      tpu.wait_dma2 semaphore(%run_scoped3A : memref<!tpu.dma_semaphore, #tpu.memory_space<semaphore_mem>>) src(%arg8 : memref<16x128xf32, #tpu.memory_space<vmem>>) dst(%dma_wait3A_211 : memref<16x128xf32, #tpu.memory_space<vmem_shared>>)
      tpu.yield
    }) : () -> ()
    %mul3A_39 = arith.constant 640 : i32
    %mul3A_40 = arith.muli %arg1, %mul3A_39 : i32
    %add3A_41 = arith.constant 144 : i32
    %add3A_42 = arith.addi %mul3A_40, %add3A_41 : i32
    "tpu.region"() ({
      %run_scoped3A = tpu.sem_alloc : memref<!tpu.dma_semaphore, #tpu.memory_space<semaphore_mem>>
      %dma_start3A = arith.constant 0 : i32
      %dma_start3A_206 = tpu.memref_slice %arg9[%add3A_42, %dma_start3A] : memref<10240x128xf32, #tpu.memory_space<vmem_shared>> -> memref<16x128xf32, #tpu.memory_space<vmem_shared>>
      %dma_start3A_207 = arith.constant 0 : i32
      %dma_start3A_208 = tpu.memref_slice %arg9[%add3A_42, %dma_start3A_207] : memref<10240x128xf32, #tpu.memory_space<vmem_shared>> -> memref<16x128xf32, #tpu.memory_space<vmem_shared>>
      tpu.enqueue_dma source(%arg8 : memref<16x128xf32, #tpu.memory_space<vmem>>) target(%dma_start3A_208 : memref<16x128xf32, #tpu.memory_space<vmem_shared>>) target_semaphore(%run_scoped3A : memref<!tpu.dma_semaphore, #tpu.memory_space<semaphore_mem>>)
      %dma_wait3A = arith.constant 0 : i32
      %dma_wait3A_209 = tpu.memref_slice %arg9[%add3A_42, %dma_wait3A] : memref<10240x128xf32, #tpu.memory_space<vmem_shared>> -> memref<16x128xf32, #tpu.memory_space<vmem_shared>>
      %dma_wait3A_210 = arith.constant 0 : i32
      %dma_wait3A_211 = tpu.memref_slice %arg9[%add3A_42, %dma_wait3A_210] : memref<10240x128xf32, #tpu.memory_space<vmem_shared>> -> memref<16x128xf32, #tpu.memory_space<vmem_shared>>
      tpu.wait_dma2 semaphore(%run_scoped3A : memref<!tpu.dma_semaphore, #tpu.memory_space<semaphore_mem>>) src(%arg8 : memref<16x128xf32, #tpu.memory_space<vmem>>) dst(%dma_wait3A_211 : memref<16x128xf32, #tpu.memory_space<vmem_shared>>)
      tpu.yield
    }) : () -> ()
    %mul3A_43 = arith.constant 640 : i32
    %mul3A_44 = arith.muli %arg1, %mul3A_43 : i32
    %add3A_45 = arith.constant 160 : i32
    %add3A_46 = arith.addi %mul3A_44, %add3A_45 : i32
    "tpu.region"() ({
      %run_scoped3A = tpu.sem_alloc : memref<!tpu.dma_semaphore, #tpu.memory_space<semaphore_mem>>
      %dma_start3A = arith.constant 0 : i32
      %dma_start3A_206 = tpu.memref_slice %arg9[%add3A_46, %dma_start3A] : memref<10240x128xf32, #tpu.memory_space<vmem_shared>> -> memref<16x128xf32, #tpu.memory_space<vmem_shared>>
      %dma_start3A_207 = arith.constant 0 : i32
      %dma_start3A_208 = tpu.memref_slice %arg9[%add3A_46, %dma_start3A_207] : memref<10240x128xf32, #tpu.memory_space<vmem_shared>> -> memref<16x128xf32, #tpu.memory_space<vmem_shared>>
      tpu.enqueue_dma source(%arg8 : memref<16x128xf32, #tpu.memory_space<vmem>>) target(%dma_start3A_208 : memref<16x128xf32, #tpu.memory_space<vmem_shared>>) target_semaphore(%run_scoped3A : memref<!tpu.dma_semaphore, #tpu.memory_space<semaphore_mem>>)
      %dma_wait3A = arith.constant 0 : i32
      %dma_wait3A_209 = tpu.memref_slice %arg9[%add3A_46, %dma_wait3A] : memref<10240x128xf32, #tpu.memory_space<vmem_shared>> -> memref<16x128xf32, #tpu.memory_space<vmem_shared>>
      %dma_wait3A_210 = arith.constant 0 : i32
      %dma_wait3A_211 = tpu.memref_slice %arg9[%add3A_46, %dma_wait3A_210] : memref<10240x128xf32, #tpu.memory_space<vmem_shared>> -> memref<16x128xf32, #tpu.memory_space<vmem_shared>>
      tpu.wait_dma2 semaphore(%run_scoped3A : memref<!tpu.dma_semaphore, #tpu.memory_space<semaphore_mem>>) src(%arg8 : memref<16x128xf32, #tpu.memory_space<vmem>>) dst(%dma_wait3A_211 : memref<16x128xf32, #tpu.memory_space<vmem_shared>>)
      tpu.yield
    }) : () -> ()
    %mul3A_47 = arith.constant 640 : i32
    %mul3A_48 = arith.muli %arg1, %mul3A_47 : i32
    %add3A_49 = arith.constant 176 : i32
    %add3A_50 = arith.addi %mul3A_48, %add3A_49 : i32
    "tpu.region"() ({
      %run_scoped3A = tpu.sem_alloc : memref<!tpu.dma_semaphore, #tpu.memory_space<semaphore_mem>>
      %dma_start3A = arith.constant 0 : i32
      %dma_start3A_206 = tpu.memref_slice %arg9[%add3A_50, %dma_start3A] : memref<10240x128xf32, #tpu.memory_space<vmem_shared>> -> memref<16x128xf32, #tpu.memory_space<vmem_shared>>
      %dma_start3A_207 = arith.constant 0 : i32
      %dma_start3A_208 = tpu.memref_slice %arg9[%add3A_50, %dma_start3A_207] : memref<10240x128xf32, #tpu.memory_space<vmem_shared>> -> memref<16x128xf32, #tpu.memory_space<vmem_shared>>
      tpu.enqueue_dma source(%arg8 : memref<16x128xf32, #tpu.memory_space<vmem>>) target(%dma_start3A_208 : memref<16x128xf32, #tpu.memory_space<vmem_shared>>) target_semaphore(%run_scoped3A : memref<!tpu.dma_semaphore, #tpu.memory_space<semaphore_mem>>)
      %dma_wait3A = arith.constant 0 : i32
      %dma_wait3A_209 = tpu.memref_slice %arg9[%add3A_50, %dma_wait3A] : memref<10240x128xf32, #tpu.memory_space<vmem_shared>> -> memref<16x128xf32, #tpu.memory_space<vmem_shared>>
      %dma_wait3A_210 = arith.constant 0 : i32
      %dma_wait3A_211 = tpu.memref_slice %arg9[%add3A_50, %dma_wait3A_210] : memref<10240x128xf32, #tpu.memory_space<vmem_shared>> -> memref<16x128xf32, #tpu.memory_space<vmem_shared>>
      tpu.wait_dma2 semaphore(%run_scoped3A : memref<!tpu.dma_semaphore, #tpu.memory_space<semaphore_mem>>) src(%arg8 : memref<16x128xf32, #tpu.memory_space<vmem>>) dst(%dma_wait3A_211 : memref<16x128xf32, #tpu.memory_space<vmem_shared>>)
      tpu.yield
    }) : () -> ()
    %mul3A_51 = arith.constant 640 : i32
    %mul3A_52 = arith.muli %arg1, %mul3A_51 : i32
    %add3A_53 = arith.constant 192 : i32
    %add3A_54 = arith.addi %mul3A_52, %add3A_53 : i32
    "tpu.region"() ({
      %run_scoped3A = tpu.sem_alloc : memref<!tpu.dma_semaphore, #tpu.memory_space<semaphore_mem>>
      %dma_start3A = arith.constant 0 : i32
      %dma_start3A_206 = tpu.memref_slice %arg9[%add3A_54, %dma_start3A] : memref<10240x128xf32, #tpu.memory_space<vmem_shared>> -> memref<16x128xf32, #tpu.memory_space<vmem_shared>>
      %dma_start3A_207 = arith.constant 0 : i32
      %dma_start3A_208 = tpu.memref_slice %arg9[%add3A_54, %dma_start3A_207] : memref<10240x128xf32, #tpu.memory_space<vmem_shared>> -> memref<16x128xf32, #tpu.memory_space<vmem_shared>>
      tpu.enqueue_dma source(%arg8 : memref<16x128xf32, #tpu.memory_space<vmem>>) target(%dma_start3A_208 : memref<16x128xf32, #tpu.memory_space<vmem_shared>>) target_semaphore(%run_scoped3A : memref<!tpu.dma_semaphore, #tpu.memory_space<semaphore_mem>>)
      %dma_wait3A = arith.constant 0 : i32
      %dma_wait3A_209 = tpu.memref_slice %arg9[%add3A_54, %dma_wait3A] : memref<10240x128xf32, #tpu.memory_space<vmem_shared>> -> memref<16x128xf32, #tpu.memory_space<vmem_shared>>
      %dma_wait3A_210 = arith.constant 0 : i32
      %dma_wait3A_211 = tpu.memref_slice %arg9[%add3A_54, %dma_wait3A_210] : memref<10240x128xf32, #tpu.memory_space<vmem_shared>> -> memref<16x128xf32, #tpu.memory_space<vmem_shared>>
      tpu.wait_dma2 semaphore(%run_scoped3A : memref<!tpu.dma_semaphore, #tpu.memory_space<semaphore_mem>>) src(%arg8 : memref<16x128xf32, #tpu.memory_space<vmem>>) dst(%dma_wait3A_211 : memref<16x128xf32, #tpu.memory_space<vmem_shared>>)
      tpu.yield
    }) : () -> ()
    %mul3A_55 = arith.constant 640 : i32
    %mul3A_56 = arith.muli %arg1, %mul3A_55 : i32
    %add3A_57 = arith.constant 208 : i32
    %add3A_58 = arith.addi %mul3A_56, %add3A_57 : i32
    "tpu.region"() ({
      %run_scoped3A = tpu.sem_alloc : memref<!tpu.dma_semaphore, #tpu.memory_space<semaphore_mem>>
      %dma_start3A = arith.constant 0 : i32
      %dma_start3A_206 = tpu.memref_slice %arg9[%add3A_58, %dma_start3A] : memref<10240x128xf32, #tpu.memory_space<vmem_shared>> -> memref<16x128xf32, #tpu.memory_space<vmem_shared>>
      %dma_start3A_207 = arith.constant 0 : i32
      %dma_start3A_208 = tpu.memref_slice %arg9[%add3A_58, %dma_start3A_207] : memref<10240x128xf32, #tpu.memory_space<vmem_shared>> -> memref<16x128xf32, #tpu.memory_space<vmem_shared>>
      tpu.enqueue_dma source(%arg8 : memref<16x128xf32, #tpu.memory_space<vmem>>) target(%dma_start3A_208 : memref<16x128xf32, #tpu.memory_space<vmem_shared>>) target_semaphore(%run_scoped3A : memref<!tpu.dma_semaphore, #tpu.memory_space<semaphore_mem>>)
      %dma_wait3A = arith.constant 0 : i32
      %dma_wait3A_209 = tpu.memref_slice %arg9[%add3A_58, %dma_wait3A] : memref<10240x128xf32, #tpu.memory_space<vmem_shared>> -> memref<16x128xf32, #tpu.memory_space<vmem_shared>>
      %dma_wait3A_210 = arith.constant 0 : i32
      %dma_wait3A_211 = tpu.memref_slice %arg9[%add3A_58, %dma_wait3A_210] : memref<10240x128xf32, #tpu.memory_space<vmem_shared>> -> memref<16x128xf32, #tpu.memory_space<vmem_shared>>
      tpu.wait_dma2 semaphore(%run_scoped3A : memref<!tpu.dma_semaphore, #tpu.memory_space<semaphore_mem>>) src(%arg8 : memref<16x128xf32, #tpu.memory_space<vmem>>) dst(%dma_wait3A_211 : memref<16x128xf32, #tpu.memory_space<vmem_shared>>)
      tpu.yield
    }) : () -> ()
    %mul3A_59 = arith.constant 640 : i32
    %mul3A_60 = arith.muli %arg1, %mul3A_59 : i32
    %add3A_61 = arith.constant 224 : i32
    %add3A_62 = arith.addi %mul3A_60, %add3A_61 : i32
    "tpu.region"() ({
      %run_scoped3A = tpu.sem_alloc : memref<!tpu.dma_semaphore, #tpu.memory_space<semaphore_mem>>
      %dma_start3A = arith.constant 0 : i32
      %dma_start3A_206 = tpu.memref_slice %arg9[%add3A_62, %dma_start3A] : memref<10240x128xf32, #tpu.memory_space<vmem_shared>> -> memref<16x128xf32, #tpu.memory_space<vmem_shared>>
      %dma_start3A_207 = arith.constant 0 : i32
      %dma_start3A_208 = tpu.memref_slice %arg9[%add3A_62, %dma_start3A_207] : memref<10240x128xf32, #tpu.memory_space<vmem_shared>> -> memref<16x128xf32, #tpu.memory_space<vmem_shared>>
      tpu.enqueue_dma source(%arg8 : memref<16x128xf32, #tpu.memory_space<vmem>>) target(%dma_start3A_208 : memref<16x128xf32, #tpu.memory_space<vmem_shared>>) target_semaphore(%run_scoped3A : memref<!tpu.dma_semaphore, #tpu.memory_space<semaphore_mem>>)
      %dma_wait3A = arith.constant 0 : i32
      %dma_wait3A_209 = tpu.memref_slice %arg9[%add3A_62, %dma_wait3A] : memref<10240x128xf32, #tpu.memory_space<vmem_shared>> -> memref<16x128xf32, #tpu.memory_space<vmem_shared>>
      %dma_wait3A_210 = arith.constant 0 : i32
      %dma_wait3A_211 = tpu.memref_slice %arg9[%add3A_62, %dma_wait3A_210] : memref<10240x128xf32, #tpu.memory_space<vmem_shared>> -> memref<16x128xf32, #tpu.memory_space<vmem_shared>>
      tpu.wait_dma2 semaphore(%run_scoped3A : memref<!tpu.dma_semaphore, #tpu.memory_space<semaphore_mem>>) src(%arg8 : memref<16x128xf32, #tpu.memory_space<vmem>>) dst(%dma_wait3A_211 : memref<16x128xf32, #tpu.memory_space<vmem_shared>>)
      tpu.yield
    }) : () -> ()
    %mul3A_63 = arith.constant 640 : i32
    %mul3A_64 = arith.muli %arg1, %mul3A_63 : i32
    %add3A_65 = arith.constant 240 : i32
    %add3A_66 = arith.addi %mul3A_64, %add3A_65 : i32
    "tpu.region"() ({
      %run_scoped3A = tpu.sem_alloc : memref<!tpu.dma_semaphore, #tpu.memory_space<semaphore_mem>>
      %dma_start3A = arith.constant 0 : i32
      %dma_start3A_206 = tpu.memref_slice %arg9[%add3A_66, %dma_start3A] : memref<10240x128xf32, #tpu.memory_space<vmem_shared>> -> memref<16x128xf32, #tpu.memory_space<vmem_shared>>
      %dma_start3A_207 = arith.constant 0 : i32
      %dma_start3A_208 = tpu.memref_slice %arg9[%add3A_66, %dma_start3A_207] : memref<10240x128xf32, #tpu.memory_space<vmem_shared>> -> memref<16x128xf32, #tpu.memory_space<vmem_shared>>
      tpu.enqueue_dma source(%arg8 : memref<16x128xf32, #tpu.memory_space<vmem>>) target(%dma_start3A_208 : memref<16x128xf32, #tpu.memory_space<vmem_shared>>) target_semaphore(%run_scoped3A : memref<!tpu.dma_semaphore, #tpu.memory_space<semaphore_mem>>)
      %dma_wait3A = arith.constant 0 : i32
      %dma_wait3A_209 = tpu.memref_slice %arg9[%add3A_66, %dma_wait3A] : memref<10240x128xf32, #tpu.memory_space<vmem_shared>> -> memref<16x128xf32, #tpu.memory_space<vmem_shared>>
      %dma_wait3A_210 = arith.constant 0 : i32
      %dma_wait3A_211 = tpu.memref_slice %arg9[%add3A_66, %dma_wait3A_210] : memref<10240x128xf32, #tpu.memory_space<vmem_shared>> -> memref<16x128xf32, #tpu.memory_space<vmem_shared>>
      tpu.wait_dma2 semaphore(%run_scoped3A : memref<!tpu.dma_semaphore, #tpu.memory_space<semaphore_mem>>) src(%arg8 : memref<16x128xf32, #tpu.memory_space<vmem>>) dst(%dma_wait3A_211 : memref<16x128xf32, #tpu.memory_space<vmem_shared>>)
      tpu.yield
    }) : () -> ()
    %mul3A_67 = arith.constant 640 : i32
    %mul3A_68 = arith.muli %arg1, %mul3A_67 : i32
    %add3A_69 = arith.constant 256 : i32
    %add3A_70 = arith.addi %mul3A_68, %add3A_69 : i32
    "tpu.region"() ({
      %run_scoped3A = tpu.sem_alloc : memref<!tpu.dma_semaphore, #tpu.memory_space<semaphore_mem>>
      %dma_start3A = arith.constant 0 : i32
      %dma_start3A_206 = tpu.memref_slice %arg9[%add3A_70, %dma_start3A] : memref<10240x128xf32, #tpu.memory_space<vmem_shared>> -> memref<16x128xf32, #tpu.memory_space<vmem_shared>>
      %dma_start3A_207 = arith.constant 0 : i32
      %dma_start3A_208 = tpu.memref_slice %arg9[%add3A_70, %dma_start3A_207] : memref<10240x128xf32, #tpu.memory_space<vmem_shared>> -> memref<16x128xf32, #tpu.memory_space<vmem_shared>>
      tpu.enqueue_dma source(%arg8 : memref<16x128xf32, #tpu.memory_space<vmem>>) target(%dma_start3A_208 : memref<16x128xf32, #tpu.memory_space<vmem_shared>>) target_semaphore(%run_scoped3A : memref<!tpu.dma_semaphore, #tpu.memory_space<semaphore_mem>>)
      %dma_wait3A = arith.constant 0 : i32
      %dma_wait3A_209 = tpu.memref_slice %arg9[%add3A_70, %dma_wait3A] : memref<10240x128xf32, #tpu.memory_space<vmem_shared>> -> memref<16x128xf32, #tpu.memory_space<vmem_shared>>
      %dma_wait3A_210 = arith.constant 0 : i32
      %dma_wait3A_211 = tpu.memref_slice %arg9[%add3A_70, %dma_wait3A_210] : memref<10240x128xf32, #tpu.memory_space<vmem_shared>> -> memref<16x128xf32, #tpu.memory_space<vmem_shared>>
      tpu.wait_dma2 semaphore(%run_scoped3A : memref<!tpu.dma_semaphore, #tpu.memory_space<semaphore_mem>>) src(%arg8 : memref<16x128xf32, #tpu.memory_space<vmem>>) dst(%dma_wait3A_211 : memref<16x128xf32, #tpu.memory_space<vmem_shared>>)
      tpu.yield
    }) : () -> ()
    %mul3A_71 = arith.constant 640 : i32
    %mul3A_72 = arith.muli %arg1, %mul3A_71 : i32
    %add3A_73 = arith.constant 272 : i32
    %add3A_74 = arith.addi %mul3A_72, %add3A_73 : i32
    "tpu.region"() ({
      %run_scoped3A = tpu.sem_alloc : memref<!tpu.dma_semaphore, #tpu.memory_space<semaphore_mem>>
      %dma_start3A = arith.constant 0 : i32
      %dma_start3A_206 = tpu.memref_slice %arg9[%add3A_74, %dma_start3A] : memref<10240x128xf32, #tpu.memory_space<vmem_shared>> -> memref<16x128xf32, #tpu.memory_space<vmem_shared>>
      %dma_start3A_207 = arith.constant 0 : i32
      %dma_start3A_208 = tpu.memref_slice %arg9[%add3A_74, %dma_start3A_207] : memref<10240x128xf32, #tpu.memory_space<vmem_shared>> -> memref<16x128xf32, #tpu.memory_space<vmem_shared>>
      tpu.enqueue_dma source(%arg8 : memref<16x128xf32, #tpu.memory_space<vmem>>) target(%dma_start3A_208 : memref<16x128xf32, #tpu.memory_space<vmem_shared>>) target_semaphore(%run_scoped3A : memref<!tpu.dma_semaphore, #tpu.memory_space<semaphore_mem>>)
      %dma_wait3A = arith.constant 0 : i32
      %dma_wait3A_209 = tpu.memref_slice %arg9[%add3A_74, %dma_wait3A] : memref<10240x128xf32, #tpu.memory_space<vmem_shared>> -> memref<16x128xf32, #tpu.memory_space<vmem_shared>>
      %dma_wait3A_210 = arith.constant 0 : i32
      %dma_wait3A_211 = tpu.memref_slice %arg9[%add3A_74, %dma_wait3A_210] : memref<10240x128xf32, #tpu.memory_space<vmem_shared>> -> memref<16x128xf32, #tpu.memory_space<vmem_shared>>
      tpu.wait_dma2 semaphore(%run_scoped3A : memref<!tpu.dma_semaphore, #tpu.memory_space<semaphore_mem>>) src(%arg8 : memref<16x128xf32, #tpu.memory_space<vmem>>) dst(%dma_wait3A_211 : memref<16x128xf32, #tpu.memory_space<vmem_shared>>)
      tpu.yield
    }) : () -> ()
    %mul3A_75 = arith.constant 640 : i32
    %mul3A_76 = arith.muli %arg1, %mul3A_75 : i32
    %add3A_77 = arith.constant 288 : i32
    %add3A_78 = arith.addi %mul3A_76, %add3A_77 : i32
    "tpu.region"() ({
      %run_scoped3A = tpu.sem_alloc : memref<!tpu.dma_semaphore, #tpu.memory_space<semaphore_mem>>
      %dma_start3A = arith.constant 0 : i32
      %dma_start3A_206 = tpu.memref_slice %arg9[%add3A_78, %dma_start3A] : memref<10240x128xf32, #tpu.memory_space<vmem_shared>> -> memref<16x128xf32, #tpu.memory_space<vmem_shared>>
      %dma_start3A_207 = arith.constant 0 : i32
      %dma_start3A_208 = tpu.memref_slice %arg9[%add3A_78, %dma_start3A_207] : memref<10240x128xf32, #tpu.memory_space<vmem_shared>> -> memref<16x128xf32, #tpu.memory_space<vmem_shared>>
      tpu.enqueue_dma source(%arg8 : memref<16x128xf32, #tpu.memory_space<vmem>>) target(%dma_start3A_208 : memref<16x128xf32, #tpu.memory_space<vmem_shared>>) target_semaphore(%run_scoped3A : memref<!tpu.dma_semaphore, #tpu.memory_space<semaphore_mem>>)
      %dma_wait3A = arith.constant 0 : i32
      %dma_wait3A_209 = tpu.memref_slice %arg9[%add3A_78, %dma_wait3A] : memref<10240x128xf32, #tpu.memory_space<vmem_shared>> -> memref<16x128xf32, #tpu.memory_space<vmem_shared>>
      %dma_wait3A_210 = arith.constant 0 : i32
      %dma_wait3A_211 = tpu.memref_slice %arg9[%add3A_78, %dma_wait3A_210] : memref<10240x128xf32, #tpu.memory_space<vmem_shared>> -> memref<16x128xf32, #tpu.memory_space<vmem_shared>>
      tpu.wait_dma2 semaphore(%run_scoped3A : memref<!tpu.dma_semaphore, #tpu.memory_space<semaphore_mem>>) src(%arg8 : memref<16x128xf32, #tpu.memory_space<vmem>>) dst(%dma_wait3A_211 : memref<16x128xf32, #tpu.memory_space<vmem_shared>>)
      tpu.yield
    }) : () -> ()
    %mul3A_79 = arith.constant 640 : i32
    %mul3A_80 = arith.muli %arg1, %mul3A_79 : i32
    %add3A_81 = arith.constant 304 : i32
    %add3A_82 = arith.addi %mul3A_80, %add3A_81 : i32
    "tpu.region"() ({
      %run_scoped3A = tpu.sem_alloc : memref<!tpu.dma_semaphore, #tpu.memory_space<semaphore_mem>>
      %dma_start3A = arith.constant 0 : i32
      %dma_start3A_206 = tpu.memref_slice %arg9[%add3A_82, %dma_start3A] : memref<10240x128xf32, #tpu.memory_space<vmem_shared>> -> memref<16x128xf32, #tpu.memory_space<vmem_shared>>
      %dma_start3A_207 = arith.constant 0 : i32
      %dma_start3A_208 = tpu.memref_slice %arg9[%add3A_82, %dma_start3A_207] : memref<10240x128xf32, #tpu.memory_space<vmem_shared>> -> memref<16x128xf32, #tpu.memory_space<vmem_shared>>
      tpu.enqueue_dma source(%arg8 : memref<16x128xf32, #tpu.memory_space<vmem>>) target(%dma_start3A_208 : memref<16x128xf32, #tpu.memory_space<vmem_shared>>) target_semaphore(%run_scoped3A : memref<!tpu.dma_semaphore, #tpu.memory_space<semaphore_mem>>)
      %dma_wait3A = arith.constant 0 : i32
      %dma_wait3A_209 = tpu.memref_slice %arg9[%add3A_82, %dma_wait3A] : memref<10240x128xf32, #tpu.memory_space<vmem_shared>> -> memref<16x128xf32, #tpu.memory_space<vmem_shared>>
      %dma_wait3A_210 = arith.constant 0 : i32
      %dma_wait3A_211 = tpu.memref_slice %arg9[%add3A_82, %dma_wait3A_210] : memref<10240x128xf32, #tpu.memory_space<vmem_shared>> -> memref<16x128xf32, #tpu.memory_space<vmem_shared>>
      tpu.wait_dma2 semaphore(%run_scoped3A : memref<!tpu.dma_semaphore, #tpu.memory_space<semaphore_mem>>) src(%arg8 : memref<16x128xf32, #tpu.memory_space<vmem>>) dst(%dma_wait3A_211 : memref<16x128xf32, #tpu.memory_space<vmem_shared>>)
      tpu.yield
    }) : () -> ()
    %mul3A_83 = arith.constant 640 : i32
    %mul3A_84 = arith.muli %arg1, %mul3A_83 : i32
    %add3A_85 = arith.constant 320 : i32
    %add3A_86 = arith.addi %mul3A_84, %add3A_85 : i32
    "tpu.region"() ({
      %run_scoped3A = tpu.sem_alloc : memref<!tpu.dma_semaphore, #tpu.memory_space<semaphore_mem>>
      %dma_start3A = arith.constant 0 : i32
      %dma_start3A_206 = tpu.memref_slice %arg9[%add3A_86, %dma_start3A] : memref<10240x128xf32, #tpu.memory_space<vmem_shared>> -> memref<16x128xf32, #tpu.memory_space<vmem_shared>>
      %dma_start3A_207 = arith.constant 0 : i32
      %dma_start3A_208 = tpu.memref_slice %arg9[%add3A_86, %dma_start3A_207] : memref<10240x128xf32, #tpu.memory_space<vmem_shared>> -> memref<16x128xf32, #tpu.memory_space<vmem_shared>>
      tpu.enqueue_dma source(%arg8 : memref<16x128xf32, #tpu.memory_space<vmem>>) target(%dma_start3A_208 : memref<16x128xf32, #tpu.memory_space<vmem_shared>>) target_semaphore(%run_scoped3A : memref<!tpu.dma_semaphore, #tpu.memory_space<semaphore_mem>>)
      %dma_wait3A = arith.constant 0 : i32
      %dma_wait3A_209 = tpu.memref_slice %arg9[%add3A_86, %dma_wait3A] : memref<10240x128xf32, #tpu.memory_space<vmem_shared>> -> memref<16x128xf32, #tpu.memory_space<vmem_shared>>
      %dma_wait3A_210 = arith.constant 0 : i32
      %dma_wait3A_211 = tpu.memref_slice %arg9[%add3A_86, %dma_wait3A_210] : memref<10240x128xf32, #tpu.memory_space<vmem_shared>> -> memref<16x128xf32, #tpu.memory_space<vmem_shared>>
      tpu.wait_dma2 semaphore(%run_scoped3A : memref<!tpu.dma_semaphore, #tpu.memory_space<semaphore_mem>>) src(%arg8 : memref<16x128xf32, #tpu.memory_space<vmem>>) dst(%dma_wait3A_211 : memref<16x128xf32, #tpu.memory_space<vmem_shared>>)
      tpu.yield
    }) : () -> ()
    %mul3A_87 = arith.constant 640 : i32
    %mul3A_88 = arith.muli %arg1, %mul3A_87 : i32
    %add3A_89 = arith.constant 336 : i32
    %add3A_90 = arith.addi %mul3A_88, %add3A_89 : i32
    "tpu.region"() ({
      %run_scoped3A = tpu.sem_alloc : memref<!tpu.dma_semaphore, #tpu.memory_space<semaphore_mem>>
      %dma_start3A = arith.constant 0 : i32
      %dma_start3A_206 = tpu.memref_slice %arg9[%add3A_90, %dma_start3A] : memref<10240x128xf32, #tpu.memory_space<vmem_shared>> -> memref<16x128xf32, #tpu.memory_space<vmem_shared>>
      %dma_start3A_207 = arith.constant 0 : i32
      %dma_start3A_208 = tpu.memref_slice %arg9[%add3A_90, %dma_start3A_207] : memref<10240x128xf32, #tpu.memory_space<vmem_shared>> -> memref<16x128xf32, #tpu.memory_space<vmem_shared>>
      tpu.enqueue_dma source(%arg8 : memref<16x128xf32, #tpu.memory_space<vmem>>) target(%dma_start3A_208 : memref<16x128xf32, #tpu.memory_space<vmem_shared>>) target_semaphore(%run_scoped3A : memref<!tpu.dma_semaphore, #tpu.memory_space<semaphore_mem>>)
      %dma_wait3A = arith.constant 0 : i32
      %dma_wait3A_209 = tpu.memref_slice %arg9[%add3A_90, %dma_wait3A] : memref<10240x128xf32, #tpu.memory_space<vmem_shared>> -> memref<16x128xf32, #tpu.memory_space<vmem_shared>>
      %dma_wait3A_210 = arith.constant 0 : i32
      %dma_wait3A_211 = tpu.memref_slice %arg9[%add3A_90, %dma_wait3A_210] : memref<10240x128xf32, #tpu.memory_space<vmem_shared>> -> memref<16x128xf32, #tpu.memory_space<vmem_shared>>
      tpu.wait_dma2 semaphore(%run_scoped3A : memref<!tpu.dma_semaphore, #tpu.memory_space<semaphore_mem>>) src(%arg8 : memref<16x128xf32, #tpu.memory_space<vmem>>) dst(%dma_wait3A_211 : memref<16x128xf32, #tpu.memory_space<vmem_shared>>)
      tpu.yield
    }) : () -> ()
    %mul3A_91 = arith.constant 640 : i32
    %mul3A_92 = arith.muli %arg1, %mul3A_91 : i32
    %add3A_93 = arith.constant 352 : i32
    %add3A_94 = arith.addi %mul3A_92, %add3A_93 : i32
    "tpu.region"() ({
      %run_scoped3A = tpu.sem_alloc : memref<!tpu.dma_semaphore, #tpu.memory_space<semaphore_mem>>
      %dma_start3A = arith.constant 0 : i32
      %dma_start3A_206 = tpu.memref_slice %arg9[%add3A_94, %dma_start3A] : memref<10240x128xf32, #tpu.memory_space<vmem_shared>> -> memref<16x128xf32, #tpu.memory_space<vmem_shared>>
      %dma_start3A_207 = arith.constant 0 : i32
      %dma_start3A_208 = tpu.memref_slice %arg9[%add3A_94, %dma_start3A_207] : memref<10240x128xf32, #tpu.memory_space<vmem_shared>> -> memref<16x128xf32, #tpu.memory_space<vmem_shared>>
      tpu.enqueue_dma source(%arg8 : memref<16x128xf32, #tpu.memory_space<vmem>>) target(%dma_start3A_208 : memref<16x128xf32, #tpu.memory_space<vmem_shared>>) target_semaphore(%run_scoped3A : memref<!tpu.dma_semaphore, #tpu.memory_space<semaphore_mem>>)
      %dma_wait3A = arith.constant 0 : i32
      %dma_wait3A_209 = tpu.memref_slice %arg9[%add3A_94, %dma_wait3A] : memref<10240x128xf32, #tpu.memory_space<vmem_shared>> -> memref<16x128xf32, #tpu.memory_space<vmem_shared>>
      %dma_wait3A_210 = arith.constant 0 : i32
      %dma_wait3A_211 = tpu.memref_slice %arg9[%add3A_94, %dma_wait3A_210] : memref<10240x128xf32, #tpu.memory_space<vmem_shared>> -> memref<16x128xf32, #tpu.memory_space<vmem_shared>>
      tpu.wait_dma2 semaphore(%run_scoped3A : memref<!tpu.dma_semaphore, #tpu.memory_space<semaphore_mem>>) src(%arg8 : memref<16x128xf32, #tpu.memory_space<vmem>>) dst(%dma_wait3A_211 : memref<16x128xf32, #tpu.memory_space<vmem_shared>>)
      tpu.yield
    }) : () -> ()
    %mul3A_95 = arith.constant 640 : i32
    %mul3A_96 = arith.muli %arg1, %mul3A_95 : i32
    %add3A_97 = arith.constant 368 : i32
    %add3A_98 = arith.addi %mul3A_96, %add3A_97 : i32
    "tpu.region"() ({
      %run_scoped3A = tpu.sem_alloc : memref<!tpu.dma_semaphore, #tpu.memory_space<semaphore_mem>>
      %dma_start3A = arith.constant 0 : i32
      %dma_start3A_206 = tpu.memref_slice %arg9[%add3A_98, %dma_start3A] : memref<10240x128xf32, #tpu.memory_space<vmem_shared>> -> memref<16x128xf32, #tpu.memory_space<vmem_shared>>
      %dma_start3A_207 = arith.constant 0 : i32
      %dma_start3A_208 = tpu.memref_slice %arg9[%add3A_98, %dma_start3A_207] : memref<10240x128xf32, #tpu.memory_space<vmem_shared>> -> memref<16x128xf32, #tpu.memory_space<vmem_shared>>
      tpu.enqueue_dma source(%arg8 : memref<16x128xf32, #tpu.memory_space<vmem>>) target(%dma_start3A_208 : memref<16x128xf32, #tpu.memory_space<vmem_shared>>) target_semaphore(%run_scoped3A : memref<!tpu.dma_semaphore, #tpu.memory_space<semaphore_mem>>)
      %dma_wait3A = arith.constant 0 : i32
      %dma_wait3A_209 = tpu.memref_slice %arg9[%add3A_98, %dma_wait3A] : memref<10240x128xf32, #tpu.memory_space<vmem_shared>> -> memref<16x128xf32, #tpu.memory_space<vmem_shared>>
      %dma_wait3A_210 = arith.constant 0 : i32
      %dma_wait3A_211 = tpu.memref_slice %arg9[%add3A_98, %dma_wait3A_210] : memref<10240x128xf32, #tpu.memory_space<vmem_shared>> -> memref<16x128xf32, #tpu.memory_space<vmem_shared>>
      tpu.wait_dma2 semaphore(%run_scoped3A : memref<!tpu.dma_semaphore, #tpu.memory_space<semaphore_mem>>) src(%arg8 : memref<16x128xf32, #tpu.memory_space<vmem>>) dst(%dma_wait3A_211 : memref<16x128xf32, #tpu.memory_space<vmem_shared>>)
      tpu.yield
    }) : () -> ()
    %mul3A_99 = arith.constant 640 : i32
    %mul3A_100 = arith.muli %arg1, %mul3A_99 : i32
    %add3A_101 = arith.constant 384 : i32
    %add3A_102 = arith.addi %mul3A_100, %add3A_101 : i32
    "tpu.region"() ({
      %run_scoped3A = tpu.sem_alloc : memref<!tpu.dma_semaphore, #tpu.memory_space<semaphore_mem>>
      %dma_start3A = arith.constant 0 : i32
      %dma_start3A_206 = tpu.memref_slice %arg9[%add3A_102, %dma_start3A] : memref<10240x128xf32, #tpu.memory_space<vmem_shared>> -> memref<16x128xf32, #tpu.memory_space<vmem_shared>>
      %dma_start3A_207 = arith.constant 0 : i32
      %dma_start3A_208 = tpu.memref_slice %arg9[%add3A_102, %dma_start3A_207] : memref<10240x128xf32, #tpu.memory_space<vmem_shared>> -> memref<16x128xf32, #tpu.memory_space<vmem_shared>>
      tpu.enqueue_dma source(%arg8 : memref<16x128xf32, #tpu.memory_space<vmem>>) target(%dma_start3A_208 : memref<16x128xf32, #tpu.memory_space<vmem_shared>>) target_semaphore(%run_scoped3A : memref<!tpu.dma_semaphore, #tpu.memory_space<semaphore_mem>>)
      %dma_wait3A = arith.constant 0 : i32
      %dma_wait3A_209 = tpu.memref_slice %arg9[%add3A_102, %dma_wait3A] : memref<10240x128xf32, #tpu.memory_space<vmem_shared>> -> memref<16x128xf32, #tpu.memory_space<vmem_shared>>
      %dma_wait3A_210 = arith.constant 0 : i32
      %dma_wait3A_211 = tpu.memref_slice %arg9[%add3A_102, %dma_wait3A_210] : memref<10240x128xf32, #tpu.memory_space<vmem_shared>> -> memref<16x128xf32, #tpu.memory_space<vmem_shared>>
      tpu.wait_dma2 semaphore(%run_scoped3A : memref<!tpu.dma_semaphore, #tpu.memory_space<semaphore_mem>>) src(%arg8 : memref<16x128xf32, #tpu.memory_space<vmem>>) dst(%dma_wait3A_211 : memref<16x128xf32, #tpu.memory_space<vmem_shared>>)
      tpu.yield
    }) : () -> ()
    %mul3A_103 = arith.constant 640 : i32
    %mul3A_104 = arith.muli %arg1, %mul3A_103 : i32
    %add3A_105 = arith.constant 400 : i32
    %add3A_106 = arith.addi %mul3A_104, %add3A_105 : i32
    "tpu.region"() ({
      %run_scoped3A = tpu.sem_alloc : memref<!tpu.dma_semaphore, #tpu.memory_space<semaphore_mem>>
      %dma_start3A = arith.constant 0 : i32
      %dma_start3A_206 = tpu.memref_slice %arg9[%add3A_106, %dma_start3A] : memref<10240x128xf32, #tpu.memory_space<vmem_shared>> -> memref<16x128xf32, #tpu.memory_space<vmem_shared>>
      %dma_start3A_207 = arith.constant 0 : i32
      %dma_start3A_208 = tpu.memref_slice %arg9[%add3A_106, %dma_start3A_207] : memref<10240x128xf32, #tpu.memory_space<vmem_shared>> -> memref<16x128xf32, #tpu.memory_space<vmem_shared>>
      tpu.enqueue_dma source(%arg8 : memref<16x128xf32, #tpu.memory_space<vmem>>) target(%dma_start3A_208 : memref<16x128xf32, #tpu.memory_space<vmem_shared>>) target_semaphore(%run_scoped3A : memref<!tpu.dma_semaphore, #tpu.memory_space<semaphore_mem>>)
      %dma_wait3A = arith.constant 0 : i32
      %dma_wait3A_209 = tpu.memref_slice %arg9[%add3A_106, %dma_wait3A] : memref<10240x128xf32, #tpu.memory_space<vmem_shared>> -> memref<16x128xf32, #tpu.memory_space<vmem_shared>>
      %dma_wait3A_210 = arith.constant 0 : i32
      %dma_wait3A_211 = tpu.memref_slice %arg9[%add3A_106, %dma_wait3A_210] : memref<10240x128xf32, #tpu.memory_space<vmem_shared>> -> memref<16x128xf32, #tpu.memory_space<vmem_shared>>
      tpu.wait_dma2 semaphore(%run_scoped3A : memref<!tpu.dma_semaphore, #tpu.memory_space<semaphore_mem>>) src(%arg8 : memref<16x128xf32, #tpu.memory_space<vmem>>) dst(%dma_wait3A_211 : memref<16x128xf32, #tpu.memory_space<vmem_shared>>)
      tpu.yield
    }) : () -> ()
    %mul3A_107 = arith.constant 640 : i32
    %mul3A_108 = arith.muli %arg1, %mul3A_107 : i32
    %add3A_109 = arith.constant 416 : i32
    %add3A_110 = arith.addi %mul3A_108, %add3A_109 : i32
    "tpu.region"() ({
      %run_scoped3A = tpu.sem_alloc : memref<!tpu.dma_semaphore, #tpu.memory_space<semaphore_mem>>
      %dma_start3A = arith.constant 0 : i32
      %dma_start3A_206 = tpu.memref_slice %arg9[%add3A_110, %dma_start3A] : memref<10240x128xf32, #tpu.memory_space<vmem_shared>> -> memref<16x128xf32, #tpu.memory_space<vmem_shared>>
      %dma_start3A_207 = arith.constant 0 : i32
      %dma_start3A_208 = tpu.memref_slice %arg9[%add3A_110, %dma_start3A_207] : memref<10240x128xf32, #tpu.memory_space<vmem_shared>> -> memref<16x128xf32, #tpu.memory_space<vmem_shared>>
      tpu.enqueue_dma source(%arg8 : memref<16x128xf32, #tpu.memory_space<vmem>>) target(%dma_start3A_208 : memref<16x128xf32, #tpu.memory_space<vmem_shared>>) target_semaphore(%run_scoped3A : memref<!tpu.dma_semaphore, #tpu.memory_space<semaphore_mem>>)
      %dma_wait3A = arith.constant 0 : i32
      %dma_wait3A_209 = tpu.memref_slice %arg9[%add3A_110, %dma_wait3A] : memref<10240x128xf32, #tpu.memory_space<vmem_shared>> -> memref<16x128xf32, #tpu.memory_space<vmem_shared>>
      %dma_wait3A_210 = arith.constant 0 : i32
      %dma_wait3A_211 = tpu.memref_slice %arg9[%add3A_110, %dma_wait3A_210] : memref<10240x128xf32, #tpu.memory_space<vmem_shared>> -> memref<16x128xf32, #tpu.memory_space<vmem_shared>>
      tpu.wait_dma2 semaphore(%run_scoped3A : memref<!tpu.dma_semaphore, #tpu.memory_space<semaphore_mem>>) src(%arg8 : memref<16x128xf32, #tpu.memory_space<vmem>>) dst(%dma_wait3A_211 : memref<16x128xf32, #tpu.memory_space<vmem_shared>>)
      tpu.yield
    }) : () -> ()
    %mul3A_111 = arith.constant 640 : i32
    %mul3A_112 = arith.muli %arg1, %mul3A_111 : i32
    %add3A_113 = arith.constant 432 : i32
    %add3A_114 = arith.addi %mul3A_112, %add3A_113 : i32
    "tpu.region"() ({
      %run_scoped3A = tpu.sem_alloc : memref<!tpu.dma_semaphore, #tpu.memory_space<semaphore_mem>>
      %dma_start3A = arith.constant 0 : i32
      %dma_start3A_206 = tpu.memref_slice %arg9[%add3A_114, %dma_start3A] : memref<10240x128xf32, #tpu.memory_space<vmem_shared>> -> memref<16x128xf32, #tpu.memory_space<vmem_shared>>
      %dma_start3A_207 = arith.constant 0 : i32
      %dma_start3A_208 = tpu.memref_slice %arg9[%add3A_114, %dma_start3A_207] : memref<10240x128xf32, #tpu.memory_space<vmem_shared>> -> memref<16x128xf32, #tpu.memory_space<vmem_shared>>
      tpu.enqueue_dma source(%arg8 : memref<16x128xf32, #tpu.memory_space<vmem>>) target(%dma_start3A_208 : memref<16x128xf32, #tpu.memory_space<vmem_shared>>) target_semaphore(%run_scoped3A : memref<!tpu.dma_semaphore, #tpu.memory_space<semaphore_mem>>)
      %dma_wait3A = arith.constant 0 : i32
      %dma_wait3A_209 = tpu.memref_slice %arg9[%add3A_114, %dma_wait3A] : memref<10240x128xf32, #tpu.memory_space<vmem_shared>> -> memref<16x128xf32, #tpu.memory_space<vmem_shared>>
      %dma_wait3A_210 = arith.constant 0 : i32
      %dma_wait3A_211 = tpu.memref_slice %arg9[%add3A_114, %dma_wait3A_210] : memref<10240x128xf32, #tpu.memory_space<vmem_shared>> -> memref<16x128xf32, #tpu.memory_space<vmem_shared>>
      tpu.wait_dma2 semaphore(%run_scoped3A : memref<!tpu.dma_semaphore, #tpu.memory_space<semaphore_mem>>) src(%arg8 : memref<16x128xf32, #tpu.memory_space<vmem>>) dst(%dma_wait3A_211 : memref<16x128xf32, #tpu.memory_space<vmem_shared>>)
      tpu.yield
    }) : () -> ()
    %mul3A_115 = arith.constant 640 : i32
    %mul3A_116 = arith.muli %arg1, %mul3A_115 : i32
    %add3A_117 = arith.constant 448 : i32
    %add3A_118 = arith.addi %mul3A_116, %add3A_117 : i32
    "tpu.region"() ({
      %run_scoped3A = tpu.sem_alloc : memref<!tpu.dma_semaphore, #tpu.memory_space<semaphore_mem>>
      %dma_start3A = arith.constant 0 : i32
      %dma_start3A_206 = tpu.memref_slice %arg9[%add3A_118, %dma_start3A] : memref<10240x128xf32, #tpu.memory_space<vmem_shared>> -> memref<16x128xf32, #tpu.memory_space<vmem_shared>>
      %dma_start3A_207 = arith.constant 0 : i32
      %dma_start3A_208 = tpu.memref_slice %arg9[%add3A_118, %dma_start3A_207] : memref<10240x128xf32, #tpu.memory_space<vmem_shared>> -> memref<16x128xf32, #tpu.memory_space<vmem_shared>>
      tpu.enqueue_dma source(%arg8 : memref<16x128xf32, #tpu.memory_space<vmem>>) target(%dma_start3A_208 : memref<16x128xf32, #tpu.memory_space<vmem_shared>>) target_semaphore(%run_scoped3A : memref<!tpu.dma_semaphore, #tpu.memory_space<semaphore_mem>>)
      %dma_wait3A = arith.constant 0 : i32
      %dma_wait3A_209 = tpu.memref_slice %arg9[%add3A_118, %dma_wait3A] : memref<10240x128xf32, #tpu.memory_space<vmem_shared>> -> memref<16x128xf32, #tpu.memory_space<vmem_shared>>
      %dma_wait3A_210 = arith.constant 0 : i32
      %dma_wait3A_211 = tpu.memref_slice %arg9[%add3A_118, %dma_wait3A_210] : memref<10240x128xf32, #tpu.memory_space<vmem_shared>> -> memref<16x128xf32, #tpu.memory_space<vmem_shared>>
      tpu.wait_dma2 semaphore(%run_scoped3A : memref<!tpu.dma_semaphore, #tpu.memory_space<semaphore_mem>>) src(%arg8 : memref<16x128xf32, #tpu.memory_space<vmem>>) dst(%dma_wait3A_211 : memref<16x128xf32, #tpu.memory_space<vmem_shared>>)
      tpu.yield
    }) : () -> ()
    %mul3A_119 = arith.constant 640 : i32
    %mul3A_120 = arith.muli %arg1, %mul3A_119 : i32
    %add3A_121 = arith.constant 464 : i32
    %add3A_122 = arith.addi %mul3A_120, %add3A_121 : i32
    "tpu.region"() ({
      %run_scoped3A = tpu.sem_alloc : memref<!tpu.dma_semaphore, #tpu.memory_space<semaphore_mem>>
      %dma_start3A = arith.constant 0 : i32
      %dma_start3A_206 = tpu.memref_slice %arg9[%add3A_122, %dma_start3A] : memref<10240x128xf32, #tpu.memory_space<vmem_shared>> -> memref<16x128xf32, #tpu.memory_space<vmem_shared>>
      %dma_start3A_207 = arith.constant 0 : i32
      %dma_start3A_208 = tpu.memref_slice %arg9[%add3A_122, %dma_start3A_207] : memref<10240x128xf32, #tpu.memory_space<vmem_shared>> -> memref<16x128xf32, #tpu.memory_space<vmem_shared>>
      tpu.enqueue_dma source(%arg8 : memref<16x128xf32, #tpu.memory_space<vmem>>) target(%dma_start3A_208 : memref<16x128xf32, #tpu.memory_space<vmem_shared>>) target_semaphore(%run_scoped3A : memref<!tpu.dma_semaphore, #tpu.memory_space<semaphore_mem>>)
      %dma_wait3A = arith.constant 0 : i32
      %dma_wait3A_209 = tpu.memref_slice %arg9[%add3A_122, %dma_wait3A] : memref<10240x128xf32, #tpu.memory_space<vmem_shared>> -> memref<16x128xf32, #tpu.memory_space<vmem_shared>>
      %dma_wait3A_210 = arith.constant 0 : i32
      %dma_wait3A_211 = tpu.memref_slice %arg9[%add3A_122, %dma_wait3A_210] : memref<10240x128xf32, #tpu.memory_space<vmem_shared>> -> memref<16x128xf32, #tpu.memory_space<vmem_shared>>
      tpu.wait_dma2 semaphore(%run_scoped3A : memref<!tpu.dma_semaphore, #tpu.memory_space<semaphore_mem>>) src(%arg8 : memref<16x128xf32, #tpu.memory_space<vmem>>) dst(%dma_wait3A_211 : memref<16x128xf32, #tpu.memory_space<vmem_shared>>)
      tpu.yield
    }) : () -> ()
    %mul3A_123 = arith.constant 640 : i32
    %mul3A_124 = arith.muli %arg1, %mul3A_123 : i32
    %add3A_125 = arith.constant 480 : i32
    %add3A_126 = arith.addi %mul3A_124, %add3A_125 : i32
    "tpu.region"() ({
      %run_scoped3A = tpu.sem_alloc : memref<!tpu.dma_semaphore, #tpu.memory_space<semaphore_mem>>
      %dma_start3A = arith.constant 0 : i32
      %dma_start3A_206 = tpu.memref_slice %arg9[%add3A_126, %dma_start3A] : memref<10240x128xf32, #tpu.memory_space<vmem_shared>> -> memref<16x128xf32, #tpu.memory_space<vmem_shared>>
      %dma_start3A_207 = arith.constant 0 : i32
      %dma_start3A_208 = tpu.memref_slice %arg9[%add3A_126, %dma_start3A_207] : memref<10240x128xf32, #tpu.memory_space<vmem_shared>> -> memref<16x128xf32, #tpu.memory_space<vmem_shared>>
      tpu.enqueue_dma source(%arg8 : memref<16x128xf32, #tpu.memory_space<vmem>>) target(%dma_start3A_208 : memref<16x128xf32, #tpu.memory_space<vmem_shared>>) target_semaphore(%run_scoped3A : memref<!tpu.dma_semaphore, #tpu.memory_space<semaphore_mem>>)
      %dma_wait3A = arith.constant 0 : i32
      %dma_wait3A_209 = tpu.memref_slice %arg9[%add3A_126, %dma_wait3A] : memref<10240x128xf32, #tpu.memory_space<vmem_shared>> -> memref<16x128xf32, #tpu.memory_space<vmem_shared>>
      %dma_wait3A_210 = arith.constant 0 : i32
      %dma_wait3A_211 = tpu.memref_slice %arg9[%add3A_126, %dma_wait3A_210] : memref<10240x128xf32, #tpu.memory_space<vmem_shared>> -> memref<16x128xf32, #tpu.memory_space<vmem_shared>>
      tpu.wait_dma2 semaphore(%run_scoped3A : memref<!tpu.dma_semaphore, #tpu.memory_space<semaphore_mem>>) src(%arg8 : memref<16x128xf32, #tpu.memory_space<vmem>>) dst(%dma_wait3A_211 : memref<16x128xf32, #tpu.memory_space<vmem_shared>>)
      tpu.yield
    }) : () -> ()
    %mul3A_127 = arith.constant 640 : i32
    %mul3A_128 = arith.muli %arg1, %mul3A_127 : i32
    %add3A_129 = arith.constant 496 : i32
    %add3A_130 = arith.addi %mul3A_128, %add3A_129 : i32
    "tpu.region"() ({
      %run_scoped3A = tpu.sem_alloc : memref<!tpu.dma_semaphore, #tpu.memory_space<semaphore_mem>>
      %dma_start3A = arith.constant 0 : i32
      %dma_start3A_206 = tpu.memref_slice %arg9[%add3A_130, %dma_start3A] : memref<10240x128xf32, #tpu.memory_space<vmem_shared>> -> memref<16x128xf32, #tpu.memory_space<vmem_shared>>
      %dma_start3A_207 = arith.constant 0 : i32
      %dma_start3A_208 = tpu.memref_slice %arg9[%add3A_130, %dma_start3A_207] : memref<10240x128xf32, #tpu.memory_space<vmem_shared>> -> memref<16x128xf32, #tpu.memory_space<vmem_shared>>
      tpu.enqueue_dma source(%arg8 : memref<16x128xf32, #tpu.memory_space<vmem>>) target(%dma_start3A_208 : memref<16x128xf32, #tpu.memory_space<vmem_shared>>) target_semaphore(%run_scoped3A : memref<!tpu.dma_semaphore, #tpu.memory_space<semaphore_mem>>)
      %dma_wait3A = arith.constant 0 : i32
      %dma_wait3A_209 = tpu.memref_slice %arg9[%add3A_130, %dma_wait3A] : memref<10240x128xf32, #tpu.memory_space<vmem_shared>> -> memref<16x128xf32, #tpu.memory_space<vmem_shared>>
      %dma_wait3A_210 = arith.constant 0 : i32
      %dma_wait3A_211 = tpu.memref_slice %arg9[%add3A_130, %dma_wait3A_210] : memref<10240x128xf32, #tpu.memory_space<vmem_shared>> -> memref<16x128xf32, #tpu.memory_space<vmem_shared>>
      tpu.wait_dma2 semaphore(%run_scoped3A : memref<!tpu.dma_semaphore, #tpu.memory_space<semaphore_mem>>) src(%arg8 : memref<16x128xf32, #tpu.memory_space<vmem>>) dst(%dma_wait3A_211 : memref<16x128xf32, #tpu.memory_space<vmem_shared>>)
      tpu.yield
    }) : () -> ()
    %mul3A_131 = arith.constant 640 : i32
    %mul3A_132 = arith.muli %arg1, %mul3A_131 : i32
    %add3A_133 = arith.constant 512 : i32
    %add3A_134 = arith.addi %mul3A_132, %add3A_133 : i32
    "tpu.region"() ({
      %run_scoped3A = tpu.sem_alloc : memref<!tpu.dma_semaphore, #tpu.memory_space<semaphore_mem>>
      %dma_start3A = arith.constant 0 : i32
      %dma_start3A_206 = tpu.memref_slice %arg9[%add3A_134, %dma_start3A] : memref<10240x128xf32, #tpu.memory_space<vmem_shared>> -> memref<16x128xf32, #tpu.memory_space<vmem_shared>>
      %dma_start3A_207 = arith.constant 0 : i32
      %dma_start3A_208 = tpu.memref_slice %arg9[%add3A_134, %dma_start3A_207] : memref<10240x128xf32, #tpu.memory_space<vmem_shared>> -> memref<16x128xf32, #tpu.memory_space<vmem_shared>>
      tpu.enqueue_dma source(%arg8 : memref<16x128xf32, #tpu.memory_space<vmem>>) target(%dma_start3A_208 : memref<16x128xf32, #tpu.memory_space<vmem_shared>>) target_semaphore(%run_scoped3A : memref<!tpu.dma_semaphore, #tpu.memory_space<semaphore_mem>>)
      %dma_wait3A = arith.constant 0 : i32
      %dma_wait3A_209 = tpu.memref_slice %arg9[%add3A_134, %dma_wait3A] : memref<10240x128xf32, #tpu.memory_space<vmem_shared>> -> memref<16x128xf32, #tpu.memory_space<vmem_shared>>
      %dma_wait3A_210 = arith.constant 0 : i32
      %dma_wait3A_211 = tpu.memref_slice %arg9[%add3A_134, %dma_wait3A_210] : memref<10240x128xf32, #tpu.memory_space<vmem_shared>> -> memref<16x128xf32, #tpu.memory_space<vmem_shared>>
      tpu.wait_dma2 semaphore(%run_scoped3A : memref<!tpu.dma_semaphore, #tpu.memory_space<semaphore_mem>>) src(%arg8 : memref<16x128xf32, #tpu.memory_space<vmem>>) dst(%dma_wait3A_211 : memref<16x128xf32, #tpu.memory_space<vmem_shared>>)
      tpu.yield
    }) : () -> ()
    %mul3A_135 = arith.constant 640 : i32
    %mul3A_136 = arith.muli %arg1, %mul3A_135 : i32
    %add3A_137 = arith.constant 528 : i32
    %add3A_138 = arith.addi %mul3A_136, %add3A_137 : i32
    "tpu.region"() ({
      %run_scoped3A = tpu.sem_alloc : memref<!tpu.dma_semaphore, #tpu.memory_space<semaphore_mem>>
      %dma_start3A = arith.constant 0 : i32
      %dma_start3A_206 = tpu.memref_slice %arg9[%add3A_138, %dma_start3A] : memref<10240x128xf32, #tpu.memory_space<vmem_shared>> -> memref<16x128xf32, #tpu.memory_space<vmem_shared>>
      %dma_start3A_207 = arith.constant 0 : i32
      %dma_start3A_208 = tpu.memref_slice %arg9[%add3A_138, %dma_start3A_207] : memref<10240x128xf32, #tpu.memory_space<vmem_shared>> -> memref<16x128xf32, #tpu.memory_space<vmem_shared>>
      tpu.enqueue_dma source(%arg8 : memref<16x128xf32, #tpu.memory_space<vmem>>) target(%dma_start3A_208 : memref<16x128xf32, #tpu.memory_space<vmem_shared>>) target_semaphore(%run_scoped3A : memref<!tpu.dma_semaphore, #tpu.memory_space<semaphore_mem>>)
      %dma_wait3A = arith.constant 0 : i32
      %dma_wait3A_209 = tpu.memref_slice %arg9[%add3A_138, %dma_wait3A] : memref<10240x128xf32, #tpu.memory_space<vmem_shared>> -> memref<16x128xf32, #tpu.memory_space<vmem_shared>>
      %dma_wait3A_210 = arith.constant 0 : i32
      %dma_wait3A_211 = tpu.memref_slice %arg9[%add3A_138, %dma_wait3A_210] : memref<10240x128xf32, #tpu.memory_space<vmem_shared>> -> memref<16x128xf32, #tpu.memory_space<vmem_shared>>
      tpu.wait_dma2 semaphore(%run_scoped3A : memref<!tpu.dma_semaphore, #tpu.memory_space<semaphore_mem>>) src(%arg8 : memref<16x128xf32, #tpu.memory_space<vmem>>) dst(%dma_wait3A_211 : memref<16x128xf32, #tpu.memory_space<vmem_shared>>)
      tpu.yield
    }) : () -> ()
    %mul3A_139 = arith.constant 640 : i32
    %mul3A_140 = arith.muli %arg1, %mul3A_139 : i32
    %add3A_141 = arith.constant 544 : i32
    %add3A_142 = arith.addi %mul3A_140, %add3A_141 : i32
    "tpu.region"() ({
      %run_scoped3A = tpu.sem_alloc : memref<!tpu.dma_semaphore, #tpu.memory_space<semaphore_mem>>
      %dma_start3A = arith.constant 0 : i32
      %dma_start3A_206 = tpu.memref_slice %arg9[%add3A_142, %dma_start3A] : memref<10240x128xf32, #tpu.memory_space<vmem_shared>> -> memref<16x128xf32, #tpu.memory_space<vmem_shared>>
      %dma_start3A_207 = arith.constant 0 : i32
      %dma_start3A_208 = tpu.memref_slice %arg9[%add3A_142, %dma_start3A_207] : memref<10240x128xf32, #tpu.memory_space<vmem_shared>> -> memref<16x128xf32, #tpu.memory_space<vmem_shared>>
      tpu.enqueue_dma source(%arg8 : memref<16x128xf32, #tpu.memory_space<vmem>>) target(%dma_start3A_208 : memref<16x128xf32, #tpu.memory_space<vmem_shared>>) target_semaphore(%run_scoped3A : memref<!tpu.dma_semaphore, #tpu.memory_space<semaphore_mem>>)
      %dma_wait3A = arith.constant 0 : i32
      %dma_wait3A_209 = tpu.memref_slice %arg9[%add3A_142, %dma_wait3A] : memref<10240x128xf32, #tpu.memory_space<vmem_shared>> -> memref<16x128xf32, #tpu.memory_space<vmem_shared>>
      %dma_wait3A_210 = arith.constant 0 : i32
      %dma_wait3A_211 = tpu.memref_slice %arg9[%add3A_142, %dma_wait3A_210] : memref<10240x128xf32, #tpu.memory_space<vmem_shared>> -> memref<16x128xf32, #tpu.memory_space<vmem_shared>>
      tpu.wait_dma2 semaphore(%run_scoped3A : memref<!tpu.dma_semaphore, #tpu.memory_space<semaphore_mem>>) src(%arg8 : memref<16x128xf32, #tpu.memory_space<vmem>>) dst(%dma_wait3A_211 : memref<16x128xf32, #tpu.memory_space<vmem_shared>>)
      tpu.yield
    }) : () -> ()
    %mul3A_143 = arith.constant 640 : i32
    %mul3A_144 = arith.muli %arg1, %mul3A_143 : i32
    %add3A_145 = arith.constant 560 : i32
    %add3A_146 = arith.addi %mul3A_144, %add3A_145 : i32
    "tpu.region"() ({
      %run_scoped3A = tpu.sem_alloc : memref<!tpu.dma_semaphore, #tpu.memory_space<semaphore_mem>>
      %dma_start3A = arith.constant 0 : i32
      %dma_start3A_206 = tpu.memref_slice %arg9[%add3A_146, %dma_start3A] : memref<10240x128xf32, #tpu.memory_space<vmem_shared>> -> memref<16x128xf32, #tpu.memory_space<vmem_shared>>
      %dma_start3A_207 = arith.constant 0 : i32
      %dma_start3A_208 = tpu.memref_slice %arg9[%add3A_146, %dma_start3A_207] : memref<10240x128xf32, #tpu.memory_space<vmem_shared>> -> memref<16x128xf32, #tpu.memory_space<vmem_shared>>
      tpu.enqueue_dma source(%arg8 : memref<16x128xf32, #tpu.memory_space<vmem>>) target(%dma_start3A_208 : memref<16x128xf32, #tpu.memory_space<vmem_shared>>) target_semaphore(%run_scoped3A : memref<!tpu.dma_semaphore, #tpu.memory_space<semaphore_mem>>)
      %dma_wait3A = arith.constant 0 : i32
      %dma_wait3A_209 = tpu.memref_slice %arg9[%add3A_146, %dma_wait3A] : memref<10240x128xf32, #tpu.memory_space<vmem_shared>> -> memref<16x128xf32, #tpu.memory_space<vmem_shared>>
      %dma_wait3A_210 = arith.constant 0 : i32
      %dma_wait3A_211 = tpu.memref_slice %arg9[%add3A_146, %dma_wait3A_210] : memref<10240x128xf32, #tpu.memory_space<vmem_shared>> -> memref<16x128xf32, #tpu.memory_space<vmem_shared>>
      tpu.wait_dma2 semaphore(%run_scoped3A : memref<!tpu.dma_semaphore, #tpu.memory_space<semaphore_mem>>) src(%arg8 : memref<16x128xf32, #tpu.memory_space<vmem>>) dst(%dma_wait3A_211 : memref<16x128xf32, #tpu.memory_space<vmem_shared>>)
      tpu.yield
    }) : () -> ()
    %mul3A_147 = arith.constant 640 : i32
    %mul3A_148 = arith.muli %arg1, %mul3A_147 : i32
    %add3A_149 = arith.constant 576 : i32
    %add3A_150 = arith.addi %mul3A_148, %add3A_149 : i32
    "tpu.region"() ({
      %run_scoped3A = tpu.sem_alloc : memref<!tpu.dma_semaphore, #tpu.memory_space<semaphore_mem>>
      %dma_start3A = arith.constant 0 : i32
      %dma_start3A_206 = tpu.memref_slice %arg9[%add3A_150, %dma_start3A] : memref<10240x128xf32, #tpu.memory_space<vmem_shared>> -> memref<16x128xf32, #tpu.memory_space<vmem_shared>>
      %dma_start3A_207 = arith.constant 0 : i32
      %dma_start3A_208 = tpu.memref_slice %arg9[%add3A_150, %dma_start3A_207] : memref<10240x128xf32, #tpu.memory_space<vmem_shared>> -> memref<16x128xf32, #tpu.memory_space<vmem_shared>>
      tpu.enqueue_dma source(%arg8 : memref<16x128xf32, #tpu.memory_space<vmem>>) target(%dma_start3A_208 : memref<16x128xf32, #tpu.memory_space<vmem_shared>>) target_semaphore(%run_scoped3A : memref<!tpu.dma_semaphore, #tpu.memory_space<semaphore_mem>>)
      %dma_wait3A = arith.constant 0 : i32
      %dma_wait3A_209 = tpu.memref_slice %arg9[%add3A_150, %dma_wait3A] : memref<10240x128xf32, #tpu.memory_space<vmem_shared>> -> memref<16x128xf32, #tpu.memory_space<vmem_shared>>
      %dma_wait3A_210 = arith.constant 0 : i32
      %dma_wait3A_211 = tpu.memref_slice %arg9[%add3A_150, %dma_wait3A_210] : memref<10240x128xf32, #tpu.memory_space<vmem_shared>> -> memref<16x128xf32, #tpu.memory_space<vmem_shared>>
      tpu.wait_dma2 semaphore(%run_scoped3A : memref<!tpu.dma_semaphore, #tpu.memory_space<semaphore_mem>>) src(%arg8 : memref<16x128xf32, #tpu.memory_space<vmem>>) dst(%dma_wait3A_211 : memref<16x128xf32, #tpu.memory_space<vmem_shared>>)
      tpu.yield
    }) : () -> ()
    %mul3A_151 = arith.constant 640 : i32
    %mul3A_152 = arith.muli %arg1, %mul3A_151 : i32
    %add3A_153 = arith.constant 592 : i32
    %add3A_154 = arith.addi %mul3A_152, %add3A_153 : i32
    "tpu.region"() ({
      %run_scoped3A = tpu.sem_alloc : memref<!tpu.dma_semaphore, #tpu.memory_space<semaphore_mem>>
      %dma_start3A = arith.constant 0 : i32
      %dma_start3A_206 = tpu.memref_slice %arg9[%add3A_154, %dma_start3A] : memref<10240x128xf32, #tpu.memory_space<vmem_shared>> -> memref<16x128xf32, #tpu.memory_space<vmem_shared>>
      %dma_start3A_207 = arith.constant 0 : i32
      %dma_start3A_208 = tpu.memref_slice %arg9[%add3A_154, %dma_start3A_207] : memref<10240x128xf32, #tpu.memory_space<vmem_shared>> -> memref<16x128xf32, #tpu.memory_space<vmem_shared>>
      tpu.enqueue_dma source(%arg8 : memref<16x128xf32, #tpu.memory_space<vmem>>) target(%dma_start3A_208 : memref<16x128xf32, #tpu.memory_space<vmem_shared>>) target_semaphore(%run_scoped3A : memref<!tpu.dma_semaphore, #tpu.memory_space<semaphore_mem>>)
      %dma_wait3A = arith.constant 0 : i32
      %dma_wait3A_209 = tpu.memref_slice %arg9[%add3A_154, %dma_wait3A] : memref<10240x128xf32, #tpu.memory_space<vmem_shared>> -> memref<16x128xf32, #tpu.memory_space<vmem_shared>>
      %dma_wait3A_210 = arith.constant 0 : i32
      %dma_wait3A_211 = tpu.memref_slice %arg9[%add3A_154, %dma_wait3A_210] : memref<10240x128xf32, #tpu.memory_space<vmem_shared>> -> memref<16x128xf32, #tpu.memory_space<vmem_shared>>
      tpu.wait_dma2 semaphore(%run_scoped3A : memref<!tpu.dma_semaphore, #tpu.memory_space<semaphore_mem>>) src(%arg8 : memref<16x128xf32, #tpu.memory_space<vmem>>) dst(%dma_wait3A_211 : memref<16x128xf32, #tpu.memory_space<vmem_shared>>)
      tpu.yield
    }) : () -> ()
    %mul3A_155 = arith.constant 640 : i32
    %mul3A_156 = arith.muli %arg1, %mul3A_155 : i32
    %add3A_157 = arith.constant 608 : i32
    %add3A_158 = arith.addi %mul3A_156, %add3A_157 : i32
    "tpu.region"() ({
      %run_scoped3A = tpu.sem_alloc : memref<!tpu.dma_semaphore, #tpu.memory_space<semaphore_mem>>
      %dma_start3A = arith.constant 0 : i32
      %dma_start3A_206 = tpu.memref_slice %arg9[%add3A_158, %dma_start3A] : memref<10240x128xf32, #tpu.memory_space<vmem_shared>> -> memref<16x128xf32, #tpu.memory_space<vmem_shared>>
      %dma_start3A_207 = arith.constant 0 : i32
      %dma_start3A_208 = tpu.memref_slice %arg9[%add3A_158, %dma_start3A_207] : memref<10240x128xf32, #tpu.memory_space<vmem_shared>> -> memref<16x128xf32, #tpu.memory_space<vmem_shared>>
      tpu.enqueue_dma source(%arg8 : memref<16x128xf32, #tpu.memory_space<vmem>>) target(%dma_start3A_208 : memref<16x128xf32, #tpu.memory_space<vmem_shared>>) target_semaphore(%run_scoped3A : memref<!tpu.dma_semaphore, #tpu.memory_space<semaphore_mem>>)
      %dma_wait3A = arith.constant 0 : i32
      %dma_wait3A_209 = tpu.memref_slice %arg9[%add3A_158, %dma_wait3A] : memref<10240x128xf32, #tpu.memory_space<vmem_shared>> -> memref<16x128xf32, #tpu.memory_space<vmem_shared>>
      %dma_wait3A_210 = arith.constant 0 : i32
      %dma_wait3A_211 = tpu.memref_slice %arg9[%add3A_158, %dma_wait3A_210] : memref<10240x128xf32, #tpu.memory_space<vmem_shared>> -> memref<16x128xf32, #tpu.memory_space<vmem_shared>>
      tpu.wait_dma2 semaphore(%run_scoped3A : memref<!tpu.dma_semaphore, #tpu.memory_space<semaphore_mem>>) src(%arg8 : memref<16x128xf32, #tpu.memory_space<vmem>>) dst(%dma_wait3A_211 : memref<16x128xf32, #tpu.memory_space<vmem_shared>>)
      tpu.yield
    }) : () -> ()
    %mul3A_159 = arith.constant 640 : i32
    %mul3A_160 = arith.muli %arg1, %mul3A_159 : i32
    %add3A_161 = arith.constant 624 : i32
    %add3A_162 = arith.addi %mul3A_160, %add3A_161 : i32
    "tpu.region"() ({
      %run_scoped3A = tpu.sem_alloc : memref<!tpu.dma_semaphore, #tpu.memory_space<semaphore_mem>>
      %dma_start3A = arith.constant 0 : i32
      %dma_start3A_206 = tpu.memref_slice %arg9[%add3A_162, %dma_start3A] : memref<10240x128xf32, #tpu.memory_space<vmem_shared>> -> memref<16x128xf32, #tpu.memory_space<vmem_shared>>
      %dma_start3A_207 = arith.constant 0 : i32
      %dma_start3A_208 = tpu.memref_slice %arg9[%add3A_162, %dma_start3A_207] : memref<10240x128xf32, #tpu.memory_space<vmem_shared>> -> memref<16x128xf32, #tpu.memory_space<vmem_shared>>
      tpu.enqueue_dma source(%arg8 : memref<16x128xf32, #tpu.memory_space<vmem>>) target(%dma_start3A_208 : memref<16x128xf32, #tpu.memory_space<vmem_shared>>) target_semaphore(%run_scoped3A : memref<!tpu.dma_semaphore, #tpu.memory_space<semaphore_mem>>)
      %dma_wait3A = arith.constant 0 : i32
      %dma_wait3A_209 = tpu.memref_slice %arg9[%add3A_162, %dma_wait3A] : memref<10240x128xf32, #tpu.memory_space<vmem_shared>> -> memref<16x128xf32, #tpu.memory_space<vmem_shared>>
      %dma_wait3A_210 = arith.constant 0 : i32
      %dma_wait3A_211 = tpu.memref_slice %arg9[%add3A_162, %dma_wait3A_210] : memref<10240x128xf32, #tpu.memory_space<vmem_shared>> -> memref<16x128xf32, #tpu.memory_space<vmem_shared>>
      tpu.wait_dma2 semaphore(%run_scoped3A : memref<!tpu.dma_semaphore, #tpu.memory_space<semaphore_mem>>) src(%arg8 : memref<16x128xf32, #tpu.memory_space<vmem>>) dst(%dma_wait3A_211 : memref<16x128xf32, #tpu.memory_space<vmem_shared>>)
      tpu.yield
    }) : () -> ()
    %mul3A_163 = arith.constant 16 : i32
    %mul3A_164 = arith.muli %arg0, %mul3A_163 : i32
    %add3A_165 = arith.addi %mul3A_164, %arg1 : i32
    %barrier3A = arith.constant 0 : index
    tpu.barrier barrier_id(%barrier3A)
    %mul3A_166 = arith.constant 2 : i32
    %mul3A_167 = arith.muli %add3A_165, %mul3A_166 : i32
    %add3A_168 = arith.constant 0 : i32
    %add3A_169 = arith.addi %mul3A_167, %add3A_168 : i32
    "tpu.region"() ({
      %run_scoped3A = tpu.sem_alloc : memref<!tpu.dma_semaphore, #tpu.memory_space<semaphore_mem>>
      %dma_start3A = arith.constant 0 : i32
      %dma_start3A_206 = arith.constant 0 : i32
      %dma_start3A_207 = tpu.memref_slice %arg3[%add3A_169, %dma_start3A, %dma_start3A_206] : memref<223x125x80xi32, #tpu.memory_space<hbm>> -> memref<1x125x80xi32, #tpu.memory_space<hbm>>
      %dma_start3A_208 = tpu.memref_squeeze %dma_start3A_207 : memref<1x125x80xi32, #tpu.memory_space<hbm>> -> memref<125x80xi32, #tpu.memory_space<hbm>>
      %dma_start3A_209 = arith.constant 0 : i32
      %dma_start3A_210 = arith.constant 0 : i32
      %dma_start3A_211 = tpu.memref_slice %arg3[%add3A_169, %dma_start3A_209, %dma_start3A_210] : memref<223x125x80xi32, #tpu.memory_space<hbm>> -> memref<1x125x80xi32, #tpu.memory_space<hbm>>
      %dma_start3A_212 = tpu.memref_squeeze %dma_start3A_211 : memref<1x125x80xi32, #tpu.memory_space<hbm>> -> memref<125x80xi32, #tpu.memory_space<hbm>>
      tpu.enqueue_dma source(%dma_start3A_212 : memref<125x80xi32, #tpu.memory_space<hbm>>) target(%arg5 : memref<125x80xi32, #tpu.memory_space<vmem>>) target_semaphore(%run_scoped3A : memref<!tpu.dma_semaphore, #tpu.memory_space<semaphore_mem>>)
      %dma_wait3A = arith.constant 0 : i32
      %dma_wait3A_213 = arith.constant 0 : i32
      %dma_wait3A_214 = tpu.memref_slice %arg3[%add3A_169, %dma_wait3A, %dma_wait3A_213] : memref<223x125x80xi32, #tpu.memory_space<hbm>> -> memref<1x125x80xi32, #tpu.memory_space<hbm>>
      %dma_wait3A_215 = tpu.memref_squeeze %dma_wait3A_214 : memref<1x125x80xi32, #tpu.memory_space<hbm>> -> memref<125x80xi32, #tpu.memory_space<hbm>>
      %dma_wait3A_216 = arith.constant 0 : i32
      %dma_wait3A_217 = arith.constant 0 : i32
      %dma_wait3A_218 = tpu.memref_slice %arg3[%add3A_169, %dma_wait3A_216, %dma_wait3A_217] : memref<223x125x80xi32, #tpu.memory_space<hbm>> -> memref<1x125x80xi32, #tpu.memory_space<hbm>>
      %dma_wait3A_219 = tpu.memref_squeeze %dma_wait3A_218 : memref<1x125x80xi32, #tpu.memory_space<hbm>> -> memref<125x80xi32, #tpu.memory_space<hbm>>
      tpu.wait_dma2 semaphore(%run_scoped3A : memref<!tpu.dma_semaphore, #tpu.memory_space<semaphore_mem>>) src(%dma_wait3A_219 : memref<125x80xi32, #tpu.memory_space<hbm>>) dst(%arg5 : memref<125x80xi32, #tpu.memory_space<vmem>>)
      tpu.yield
    }) : () -> ()
    %mul3A_170 = arith.constant 2 : i32
    %mul3A_171 = arith.muli %arg1, %mul3A_170 : i32
    %add3A_172 = arith.constant 64 : i32
    %add3A_173 = arith.addi %add3A_172, %mul3A_171 : i32
    %add3A_174 = arith.constant 0 : i32
    %add3A_175 = arith.addi %add3A_173, %add3A_174 : i32
    "tpu.region"() ({
      %run_scoped3A = tpu.sem_alloc : memref<!tpu.dma_semaphore, #tpu.memory_space<semaphore_mem>>
      %dma_start3A = arith.constant 0 : i32
      %dma_start3A_206 = arith.constant 0 : i32
      %dma_start3A_207 = tpu.memref_slice %arg3[%add3A_175, %dma_start3A, %dma_start3A_206] : memref<223x125x80xi32, #tpu.memory_space<hbm>> -> memref<1x125x80xi32, #tpu.memory_space<hbm>>
      %dma_start3A_208 = tpu.memref_squeeze %dma_start3A_207 : memref<1x125x80xi32, #tpu.memory_space<hbm>> -> memref<125x80xi32, #tpu.memory_space<hbm>>
      %dma_start3A_209 = arith.constant 0 : i32
      %dma_start3A_210 = arith.constant 0 : i32
      %dma_start3A_211 = tpu.memref_slice %arg3[%add3A_175, %dma_start3A_209, %dma_start3A_210] : memref<223x125x80xi32, #tpu.memory_space<hbm>> -> memref<1x125x80xi32, #tpu.memory_space<hbm>>
      %dma_start3A_212 = tpu.memref_squeeze %dma_start3A_211 : memref<1x125x80xi32, #tpu.memory_space<hbm>> -> memref<125x80xi32, #tpu.memory_space<hbm>>
      tpu.enqueue_dma source(%dma_start3A_212 : memref<125x80xi32, #tpu.memory_space<hbm>>) target(%arg6 : memref<125x80xi32, #tpu.memory_space<vmem>>) target_semaphore(%run_scoped3A : memref<!tpu.dma_semaphore, #tpu.memory_space<semaphore_mem>>)
      %dma_wait3A = arith.constant 0 : i32
      %dma_wait3A_213 = arith.constant 0 : i32
      %dma_wait3A_214 = tpu.memref_slice %arg3[%add3A_175, %dma_wait3A, %dma_wait3A_213] : memref<223x125x80xi32, #tpu.memory_space<hbm>> -> memref<1x125x80xi32, #tpu.memory_space<hbm>>
      %dma_wait3A_215 = tpu.memref_squeeze %dma_wait3A_214 : memref<1x125x80xi32, #tpu.memory_space<hbm>> -> memref<125x80xi32, #tpu.memory_space<hbm>>
      %dma_wait3A_216 = arith.constant 0 : i32
      %dma_wait3A_217 = arith.constant 0 : i32
      %dma_wait3A_218 = tpu.memref_slice %arg3[%add3A_175, %dma_wait3A_216, %dma_wait3A_217] : memref<223x125x80xi32, #tpu.memory_space<hbm>> -> memref<1x125x80xi32, #tpu.memory_space<hbm>>
      %dma_wait3A_219 = tpu.memref_squeeze %dma_wait3A_218 : memref<1x125x80xi32, #tpu.memory_space<hbm>> -> memref<125x80xi32, #tpu.memory_space<hbm>>
      tpu.wait_dma2 semaphore(%run_scoped3A : memref<!tpu.dma_semaphore, #tpu.memory_space<semaphore_mem>>) src(%dma_wait3A_219 : memref<125x80xi32, #tpu.memory_space<hbm>>) dst(%arg6 : memref<125x80xi32, #tpu.memory_space<vmem>>)
      tpu.yield
    }) : () -> ()
    %scan3A_176 = arith.constant 0 : i32
    %scan3A_177 = arith.constant 0 : i32
    %scan3A_178 = arith.constant 125 : i32
    %scan3A_179 = arith.addi %scan3A_177, %scan3A_178 : i32
    %scan3A_180 = arith.constant 1 : i32
    scf.for %scan3A_206 = %scan3A_177 to %scan3A_179 step %scan3A_180  : i32 {
      %dma_start3A = arith.constant 0 : i32
      %dma_start3A_207 = tpu.memref_slice %arg5[%scan3A_206, %dma_start3A] : memref<125x80xi32, #tpu.memory_space<vmem>> -> memref<1x80xi32, #tpu.memory_space<vmem>>
      %dma_start3A_208 = tpu.memref_squeeze %dma_start3A_207 : memref<1x80xi32, #tpu.memory_space<vmem>> -> memref<80xi32, #tpu.memory_space<vmem>>
      %dma_start3A_209 = arith.constant 0 : i32
      %dma_start3A_210 = arith.constant 0 : i32
      %dma_start3A_211 = tpu.memref_slice %arg2[%dma_start3A_209, %dma_start3A_210] : memref<20480x128xf32, #tpu.memory_space<hbm>> -> memref<20480x128xf32, #tpu.memory_space<hbm>>
      tpu.enqueue_indirect_dma source(%dma_start3A_211 : memref<20480x128xf32, #tpu.memory_space<hbm>>) target(%arg7 : memref<80x128xf32, #tpu.memory_space<vmem>>) offsets(%dma_start3A_208 : memref<80xi32, #tpu.memory_space<vmem>>) semaphore(%arg10 : memref<!tpu.dma_semaphore, #tpu.memory_space<semaphore_mem>>)
      %dma_wait3A = arith.constant 0 : i32
      %dma_wait3A_212 = tpu.memref_slice %arg5[%scan3A_206, %dma_wait3A] : memref<125x80xi32, #tpu.memory_space<vmem>> -> memref<1x80xi32, #tpu.memory_space<vmem>>
      %dma_wait3A_213 = tpu.memref_squeeze %dma_wait3A_212 : memref<1x80xi32, #tpu.memory_space<vmem>> -> memref<80xi32, #tpu.memory_space<vmem>>
      %dma_wait3A_214 = arith.constant 0 : i32
      %dma_wait3A_215 = arith.constant 0 : i32
      %dma_wait3A_216 = tpu.memref_slice %arg2[%dma_wait3A_214, %dma_wait3A_215] : memref<20480x128xf32, #tpu.memory_space<hbm>> -> memref<20480x128xf32, #tpu.memory_space<hbm>>
      tpu.wait_indirect_dma semaphore(%arg10 : memref<!tpu.dma_semaphore, #tpu.memory_space<semaphore_mem>>) src(%dma_wait3A_216 : memref<20480x128xf32, #tpu.memory_space<hbm>>) dst(%arg7 : memref<80x128xf32, #tpu.memory_space<vmem>>)
      "tpu.region"() ({
        %run_scoped3A = tpu.sem_alloc : memref<!tpu.dma_semaphore, #tpu.memory_space<semaphore_mem>>
        %dma_start3A_217 = arith.constant 0 : i32
        %dma_start3A_218 = tpu.memref_slice %arg6[%scan3A_206, %dma_start3A_217] : memref<125x80xi32, #tpu.memory_space<vmem>> -> memref<1x80xi32, #tpu.memory_space<vmem>>
        %dma_start3A_219 = tpu.memref_squeeze %dma_start3A_218 : memref<1x80xi32, #tpu.memory_space<vmem>> -> memref<80xi32, #tpu.memory_space<vmem>>
        %dma_start3A_220 = arith.constant 0 : i32
        %dma_start3A_221 = arith.constant 0 : i32
        %dma_start3A_222 = tpu.memref_slice %arg9[%dma_start3A_220, %dma_start3A_221] : memref<10240x128xf32, #tpu.memory_space<vmem_shared>> -> memref<10240x128xf32, #tpu.memory_space<vmem_shared>>
        tpu.enqueue_indirect_dma source(%arg7 : memref<80x128xf32, #tpu.memory_space<vmem>>) target(%dma_start3A_222 : memref<10240x128xf32, #tpu.memory_space<vmem_shared>>) offsets(%dma_start3A_219 : memref<80xi32, #tpu.memory_space<vmem>>) semaphore(%run_scoped3A : memref<!tpu.dma_semaphore, #tpu.memory_space<semaphore_mem>>) {add = true}
        %dma_wait3A_223 = arith.constant 0 : i32
        %dma_wait3A_224 = tpu.memref_slice %arg6[%scan3A_206, %dma_wait3A_223] : memref<125x80xi32, #tpu.memory_space<vmem>> -> memref<1x80xi32, #tpu.memory_space<vmem>>
        %dma_wait3A_225 = tpu.memref_squeeze %dma_wait3A_224 : memref<1x80xi32, #tpu.memory_space<vmem>> -> memref<80xi32, #tpu.memory_space<vmem>>
        %dma_wait3A_226 = arith.constant 0 : i32
        %dma_wait3A_227 = arith.constant 0 : i32
        %dma_wait3A_228 = tpu.memref_slice %arg9[%dma_wait3A_226, %dma_wait3A_227] : memref<10240x128xf32, #tpu.memory_space<vmem_shared>> -> memref<10240x128xf32, #tpu.memory_space<vmem_shared>>
        tpu.wait_indirect_dma semaphore(%run_scoped3A : memref<!tpu.dma_semaphore, #tpu.memory_space<semaphore_mem>>) src(%arg7 : memref<80x128xf32, #tpu.memory_space<vmem>>) dst(%dma_wait3A_228 : memref<10240x128xf32, #tpu.memory_space<vmem_shared>>)
        tpu.yield
      }) : () -> ()
    }
    %scan3A_181 = arith.constant 125 : i32
    %mul3A_182 = arith.constant 2 : i32
    %mul3A_183 = arith.muli %add3A_165, %mul3A_182 : i32
    %add3A_184 = arith.constant 1 : i32
    %add3A_185 = arith.addi %mul3A_183, %add3A_184 : i32
    "tpu.region"() ({
      %run_scoped3A = tpu.sem_alloc : memref<!tpu.dma_semaphore, #tpu.memory_space<semaphore_mem>>
      %dma_start3A = arith.constant 0 : i32
      %dma_start3A_206 = arith.constant 0 : i32
      %dma_start3A_207 = tpu.memref_slice %arg3[%add3A_185, %dma_start3A, %dma_start3A_206] : memref<223x125x80xi32, #tpu.memory_space<hbm>> -> memref<1x125x80xi32, #tpu.memory_space<hbm>>
      %dma_start3A_208 = tpu.memref_squeeze %dma_start3A_207 : memref<1x125x80xi32, #tpu.memory_space<hbm>> -> memref<125x80xi32, #tpu.memory_space<hbm>>
      %dma_start3A_209 = arith.constant 0 : i32
      %dma_start3A_210 = arith.constant 0 : i32
      %dma_start3A_211 = tpu.memref_slice %arg3[%add3A_185, %dma_start3A_209, %dma_start3A_210] : memref<223x125x80xi32, #tpu.memory_space<hbm>> -> memref<1x125x80xi32, #tpu.memory_space<hbm>>
      %dma_start3A_212 = tpu.memref_squeeze %dma_start3A_211 : memref<1x125x80xi32, #tpu.memory_space<hbm>> -> memref<125x80xi32, #tpu.memory_space<hbm>>
      tpu.enqueue_dma source(%dma_start3A_212 : memref<125x80xi32, #tpu.memory_space<hbm>>) target(%arg5 : memref<125x80xi32, #tpu.memory_space<vmem>>) target_semaphore(%run_scoped3A : memref<!tpu.dma_semaphore, #tpu.memory_space<semaphore_mem>>)
      %dma_wait3A = arith.constant 0 : i32
      %dma_wait3A_213 = arith.constant 0 : i32
      %dma_wait3A_214 = tpu.memref_slice %arg3[%add3A_185, %dma_wait3A, %dma_wait3A_213] : memref<223x125x80xi32, #tpu.memory_space<hbm>> -> memref<1x125x80xi32, #tpu.memory_space<hbm>>
      %dma_wait3A_215 = tpu.memref_squeeze %dma_wait3A_214 : memref<1x125x80xi32, #tpu.memory_space<hbm>> -> memref<125x80xi32, #tpu.memory_space<hbm>>
      %dma_wait3A_216 = arith.constant 0 : i32
      %dma_wait3A_217 = arith.constant 0 : i32
      %dma_wait3A_218 = tpu.memref_slice %arg3[%add3A_185, %dma_wait3A_216, %dma_wait3A_217] : memref<223x125x80xi32, #tpu.memory_space<hbm>> -> memref<1x125x80xi32, #tpu.memory_space<hbm>>
      %dma_wait3A_219 = tpu.memref_squeeze %dma_wait3A_218 : memref<1x125x80xi32, #tpu.memory_space<hbm>> -> memref<125x80xi32, #tpu.memory_space<hbm>>
      tpu.wait_dma2 semaphore(%run_scoped3A : memref<!tpu.dma_semaphore, #tpu.memory_space<semaphore_mem>>) src(%dma_wait3A_219 : memref<125x80xi32, #tpu.memory_space<hbm>>) dst(%arg5 : memref<125x80xi32, #tpu.memory_space<vmem>>)
      tpu.yield
    }) : () -> ()
    %mul3A_186 = arith.constant 2 : i32
    %mul3A_187 = arith.muli %arg1, %mul3A_186 : i32
    %add3A_188 = arith.constant 64 : i32
    %add3A_189 = arith.addi %add3A_188, %mul3A_187 : i32
    %add3A_190 = arith.constant 1 : i32
    %add3A_191 = arith.addi %add3A_189, %add3A_190 : i32
    "tpu.region"() ({
      %run_scoped3A = tpu.sem_alloc : memref<!tpu.dma_semaphore, #tpu.memory_space<semaphore_mem>>
      %dma_start3A = arith.constant 0 : i32
      %dma_start3A_206 = arith.constant 0 : i32
      %dma_start3A_207 = tpu.memref_slice %arg3[%add3A_191, %dma_start3A, %dma_start3A_206] : memref<223x125x80xi32, #tpu.memory_space<hbm>> -> memref<1x125x80xi32, #tpu.memory_space<hbm>>
      %dma_start3A_208 = tpu.memref_squeeze %dma_start3A_207 : memref<1x125x80xi32, #tpu.memory_space<hbm>> -> memref<125x80xi32, #tpu.memory_space<hbm>>
      %dma_start3A_209 = arith.constant 0 : i32
      %dma_start3A_210 = arith.constant 0 : i32
      %dma_start3A_211 = tpu.memref_slice %arg3[%add3A_191, %dma_start3A_209, %dma_start3A_210] : memref<223x125x80xi32, #tpu.memory_space<hbm>> -> memref<1x125x80xi32, #tpu.memory_space<hbm>>
      %dma_start3A_212 = tpu.memref_squeeze %dma_start3A_211 : memref<1x125x80xi32, #tpu.memory_space<hbm>> -> memref<125x80xi32, #tpu.memory_space<hbm>>
      tpu.enqueue_dma source(%dma_start3A_212 : memref<125x80xi32, #tpu.memory_space<hbm>>) target(%arg6 : memref<125x80xi32, #tpu.memory_space<vmem>>) target_semaphore(%run_scoped3A : memref<!tpu.dma_semaphore, #tpu.memory_space<semaphore_mem>>)
      %dma_wait3A = arith.constant 0 : i32
      %dma_wait3A_213 = arith.constant 0 : i32
      %dma_wait3A_214 = tpu.memref_slice %arg3[%add3A_191, %dma_wait3A, %dma_wait3A_213] : memref<223x125x80xi32, #tpu.memory_space<hbm>> -> memref<1x125x80xi32, #tpu.memory_space<hbm>>
      %dma_wait3A_215 = tpu.memref_squeeze %dma_wait3A_214 : memref<1x125x80xi32, #tpu.memory_space<hbm>> -> memref<125x80xi32, #tpu.memory_space<hbm>>
      %dma_wait3A_216 = arith.constant 0 : i32
      %dma_wait3A_217 = arith.constant 0 : i32
      %dma_wait3A_218 = tpu.memref_slice %arg3[%add3A_191, %dma_wait3A_216, %dma_wait3A_217] : memref<223x125x80xi32, #tpu.memory_space<hbm>> -> memref<1x125x80xi32, #tpu.memory_space<hbm>>
      %dma_wait3A_219 = tpu.memref_squeeze %dma_wait3A_218 : memref<1x125x80xi32, #tpu.memory_space<hbm>> -> memref<125x80xi32, #tpu.memory_space<hbm>>
      tpu.wait_dma2 semaphore(%run_scoped3A : memref<!tpu.dma_semaphore, #tpu.memory_space<semaphore_mem>>) src(%dma_wait3A_219 : memref<125x80xi32, #tpu.memory_space<hbm>>) dst(%arg6 : memref<125x80xi32, #tpu.memory_space<vmem>>)
      tpu.yield
    }) : () -> ()
    %scan3A_192 = arith.constant 0 : i32
    %scan3A_193 = arith.constant 0 : i32
    %scan3A_194 = arith.constant 125 : i32
    %scan3A_195 = arith.addi %scan3A_193, %scan3A_194 : i32
    %scan3A_196 = arith.constant 1 : i32
    scf.for %scan3A_206 = %scan3A_193 to %scan3A_195 step %scan3A_196  : i32 {
      %dma_start3A = arith.constant 0 : i32
      %dma_start3A_207 = tpu.memref_slice %arg5[%scan3A_206, %dma_start3A] : memref<125x80xi32, #tpu.memory_space<vmem>> -> memref<1x80xi32, #tpu.memory_space<vmem>>
      %dma_start3A_208 = tpu.memref_squeeze %dma_start3A_207 : memref<1x80xi32, #tpu.memory_space<vmem>> -> memref<80xi32, #tpu.memory_space<vmem>>
      %dma_start3A_209 = arith.constant 0 : i32
      %dma_start3A_210 = arith.constant 0 : i32
      %dma_start3A_211 = tpu.memref_slice %arg2[%dma_start3A_209, %dma_start3A_210] : memref<20480x128xf32, #tpu.memory_space<hbm>> -> memref<20480x128xf32, #tpu.memory_space<hbm>>
      tpu.enqueue_indirect_dma source(%dma_start3A_211 : memref<20480x128xf32, #tpu.memory_space<hbm>>) target(%arg7 : memref<80x128xf32, #tpu.memory_space<vmem>>) offsets(%dma_start3A_208 : memref<80xi32, #tpu.memory_space<vmem>>) semaphore(%arg10 : memref<!tpu.dma_semaphore, #tpu.memory_space<semaphore_mem>>)
      %dma_wait3A = arith.constant 0 : i32
      %dma_wait3A_212 = tpu.memref_slice %arg5[%scan3A_206, %dma_wait3A] : memref<125x80xi32, #tpu.memory_space<vmem>> -> memref<1x80xi32, #tpu.memory_space<vmem>>
      %dma_wait3A_213 = tpu.memref_squeeze %dma_wait3A_212 : memref<1x80xi32, #tpu.memory_space<vmem>> -> memref<80xi32, #tpu.memory_space<vmem>>
      %dma_wait3A_214 = arith.constant 0 : i32
      %dma_wait3A_215 = arith.constant 0 : i32
      %dma_wait3A_216 = tpu.memref_slice %arg2[%dma_wait3A_214, %dma_wait3A_215] : memref<20480x128xf32, #tpu.memory_space<hbm>> -> memref<20480x128xf32, #tpu.memory_space<hbm>>
      tpu.wait_indirect_dma semaphore(%arg10 : memref<!tpu.dma_semaphore, #tpu.memory_space<semaphore_mem>>) src(%dma_wait3A_216 : memref<20480x128xf32, #tpu.memory_space<hbm>>) dst(%arg7 : memref<80x128xf32, #tpu.memory_space<vmem>>)
      "tpu.region"() ({
        %run_scoped3A = tpu.sem_alloc : memref<!tpu.dma_semaphore, #tpu.memory_space<semaphore_mem>>
        %dma_start3A_217 = arith.constant 0 : i32
        %dma_start3A_218 = tpu.memref_slice %arg6[%scan3A_206, %dma_start3A_217] : memref<125x80xi32, #tpu.memory_space<vmem>> -> memref<1x80xi32, #tpu.memory_space<vmem>>
        %dma_start3A_219 = tpu.memref_squeeze %dma_start3A_218 : memref<1x80xi32, #tpu.memory_space<vmem>> -> memref<80xi32, #tpu.memory_space<vmem>>
        %dma_start3A_220 = arith.constant 0 : i32
        %dma_start3A_221 = arith.constant 0 : i32
        %dma_start3A_222 = tpu.memref_slice %arg9[%dma_start3A_220, %dma_start3A_221] : memref<10240x128xf32, #tpu.memory_space<vmem_shared>> -> memref<10240x128xf32, #tpu.memory_space<vmem_shared>>
        tpu.enqueue_indirect_dma source(%arg7 : memref<80x128xf32, #tpu.memory_space<vmem>>) target(%dma_start3A_222 : memref<10240x128xf32, #tpu.memory_space<vmem_shared>>) offsets(%dma_start3A_219 : memref<80xi32, #tpu.memory_space<vmem>>) semaphore(%run_scoped3A : memref<!tpu.dma_semaphore, #tpu.memory_space<semaphore_mem>>) {add = true}
        %dma_wait3A_223 = arith.constant 0 : i32
        %dma_wait3A_224 = tpu.memref_slice %arg6[%scan3A_206, %dma_wait3A_223] : memref<125x80xi32, #tpu.memory_space<vmem>> -> memref<1x80xi32, #tpu.memory_space<vmem>>
        %dma_wait3A_225 = tpu.memref_squeeze %dma_wait3A_224 : memref<1x80xi32, #tpu.memory_space<vmem>> -> memref<80xi32, #tpu.memory_space<vmem>>
        %dma_wait3A_226 = arith.constant 0 : i32
        %dma_wait3A_227 = arith.constant 0 : i32
        %dma_wait3A_228 = tpu.memref_slice %arg9[%dma_wait3A_226, %dma_wait3A_227] : memref<10240x128xf32, #tpu.memory_space<vmem_shared>> -> memref<10240x128xf32, #tpu.memory_space<vmem_shared>>
        tpu.wait_indirect_dma semaphore(%run_scoped3A : memref<!tpu.dma_semaphore, #tpu.memory_space<semaphore_mem>>) src(%arg7 : memref<80x128xf32, #tpu.memory_space<vmem>>) dst(%dma_wait3A_228 : memref<10240x128xf32, #tpu.memory_space<vmem_shared>>)
        tpu.yield
      }) : () -> ()
    }
    %scan3A_197 = arith.constant 125 : i32
    %barrier3A_198 = arith.constant 0 : index
    tpu.barrier barrier_id(%barrier3A_198)
    %mul3A_199 = arith.constant 640 : i32
    %mul3A_200 = arith.muli %arg1, %mul3A_199 : i32
    %mul3A_201 = arith.constant 10240 : i32
    %mul3A_202 = arith.muli %arg0, %mul3A_201 : i32
    %mul3A_203 = arith.constant 640 : i32
    %mul3A_204 = arith.muli %arg1, %mul3A_203 : i32
    %add3A_205 = arith.addi %mul3A_202, %mul3A_204 : i32
    "tpu.region"() ({
      %run_scoped3A = tpu.sem_alloc : memref<!tpu.dma_semaphore, #tpu.memory_space<semaphore_mem>>
      %dma_start3A = arith.constant 0 : i32
      %dma_start3A_206 = tpu.memref_slice %arg4[%add3A_205, %dma_start3A] : memref<20480x128xf32, #tpu.memory_space<hbm>> -> memref<640x128xf32, #tpu.memory_space<hbm>>
      %dma_start3A_207 = arith.constant 0 : i32
      %dma_start3A_208 = tpu.memref_slice %arg9[%mul3A_200, %dma_start3A_207] : memref<10240x128xf32, #tpu.memory_space<vmem_shared>> -> memref<640x128xf32, #tpu.memory_space<vmem_shared>>
      tpu.enqueue_dma source(%dma_start3A_208 : memref<640x128xf32, #tpu.memory_space<vmem_shared>>) target(%dma_start3A_206 : memref<640x128xf32, #tpu.memory_space<hbm>>) target_semaphore(%run_scoped3A : memref<!tpu.dma_semaphore, #tpu.memory_space<semaphore_mem>>)
      %dma_wait3A = arith.constant 0 : i32
      %dma_wait3A_209 = tpu.memref_slice %arg4[%add3A_205, %dma_wait3A] : memref<20480x128xf32, #tpu.memory_space<hbm>> -> memref<640x128xf32, #tpu.memory_space<hbm>>
      %dma_wait3A_210 = arith.constant 0 : i32
      %dma_wait3A_211 = tpu.memref_slice %arg9[%mul3A_200, %dma_wait3A_210] : memref<10240x128xf32, #tpu.memory_space<vmem_shared>> -> memref<640x128xf32, #tpu.memory_space<vmem_shared>>
      tpu.wait_dma2 semaphore(%run_scoped3A : memref<!tpu.dma_semaphore, #tpu.memory_space<semaphore_mem>>) src(%dma_wait3A_211 : memref<640x128xf32, #tpu.memory_space<vmem_shared>>) dst(%dma_wait3A_209 : memref<640x128xf32, #tpu.memory_space<hbm>>)
      tpu.yield
    }) : () -> ()
    return
  }
}

module attributes {stable_mosaic.version = 14 : i64} {
  func.func @_mlp_body(%arg0: memref<10000x128xf32, #tpu.memory_space<vmem>>, %arg1: memref<20480x128xf32, #tpu.memory_space<vmem>>, %arg2: memref<1x1xf32, #tpu.memory_space<smem>>, %arg3: memref<128x256xf32, #tpu.memory_space<vmem>>, %arg4: memref<1x256xf32, #tpu.memory_space<vmem>>, %arg5: memref<1x256xf32, #tpu.memory_space<vmem>>, %arg6: memref<1x256xf32, #tpu.memory_space<vmem>>, %arg7: memref<256x256xf32, #tpu.memory_space<vmem>>, %arg8: memref<1x256xf32, #tpu.memory_space<vmem>>, %arg9: memref<1x256xf32, #tpu.memory_space<vmem>>, %arg10: memref<1x256xf32, #tpu.memory_space<vmem>>, %arg11: memref<20480x128xf32, #tpu.memory_space<vmem>>) attributes {dimension_semantics = [], scalar_prefetch = 0 : i64, scratch_operands = 0 : i64, tpu.core_type = #tpu.core_type<tc>} {
    %get3A = arith.constant 0 : index
    %get3A_0 = arith.constant 0 : index
    %get3A_1 = memref.load %arg2[%get3A, %get3A_0] : memref<1x1xf32, #tpu.memory_space<smem>>
    %add3A = arith.constant 1.000000e+00 : f32
    %add3A_2 = arith.addf %add3A, %get3A_1 : f32
    %get3A_3 = arith.constant 0 : index
    %get3A_4 = arith.constant 0 : index
    %get3A_5 = vector.load %arg0[%get3A_3, %get3A_4] : memref<10000x128xf32, #tpu.memory_space<vmem>>, vector<10000x128xf32>
    %mul3A = vector.broadcast %add3A_2 : f32 to vector<10000x128xf32>
    %mul3A_6 = arith.mulf %mul3A, %get3A_5 : vector<10000x128xf32>
    %get3A_7 = arith.constant 0 : index
    %get3A_8 = arith.constant 0 : index
    %get3A_9 = vector.load %arg1[%get3A_7, %get3A_8] : memref<20480x128xf32, #tpu.memory_space<vmem>>, vector<10000x128xf32>
    %add3A_10 = arith.addf %mul3A_6, %get3A_9 : vector<10000x128xf32>
    %get3A_11 = arith.constant 10240 : index
    %get3A_12 = arith.constant 0 : index
    %get3A_13 = vector.load %arg1[%get3A_11, %get3A_12] : memref<20480x128xf32, #tpu.memory_space<vmem>>, vector<10000x128xf32>
    %add3A_14 = arith.addf %add3A_10, %get3A_13 : vector<10000x128xf32>
    %get3A_15 = arith.constant 0 : index
    %get3A_16 = arith.constant 0 : index
    %get3A_17 = vector.load %arg3[%get3A_15, %get3A_16] : memref<128x256xf32, #tpu.memory_space<vmem>>, vector<128x256xf32>
    %dot_general3A = arith.constant dense<0.000000e+00> : vector<10000x256xf32>
    %dot_general3A_18 = tpu.matmul %add3A_14, %get3A_17, %dot_general3A {dimension_numbers = #tpu.dot_dimension_numbers<[1], [0], [0], [1], [0, 0, 1, 1], [], []>, transpose_lhs_hint = false} : vector<10000x128xf32>, vector<128x256xf32>, vector<10000x256xf32> -> vector<10000x256xf32>
    %get3A_19 = arith.constant 0 : index
    %get3A_20 = arith.constant 0 : index
    %get3A_21 = vector.load %arg4[%get3A_19, %get3A_20] : memref<1x256xf32, #tpu.memory_space<vmem>>, vector<1x256xf32>
    %add3A_22 = vector.broadcast %get3A_21 : vector<1x256xf32> to vector<10000x256xf32>
    %add3A_23 = arith.addf %dot_general3A_18, %add3A_22 : vector<10000x256xf32>
    %reduce_sum3A = arith.constant dense<0.000000e+00> : vector<256xf32>
    %reduce_sum3A_24 = vector.multi_reduction <add>, %add3A_23, %reduce_sum3A [0] : vector<10000x256xf32> to vector<256xf32>
    %broadcast_in_dim3A = vector.shape_cast %reduce_sum3A_24 : vector<256xf32> to vector<1x256xf32>
    %div3A = arith.constant 1.000000e+04 : f32
    %div3A_25 = vector.broadcast %div3A : f32 to vector<1x256xf32>
    %div3A_26 = arith.divf %broadcast_in_dim3A, %div3A_25 : vector<1x256xf32>
    %mul3A_27 = arith.mulf %add3A_23, %add3A_23 : vector<10000x256xf32>
    %reduce_sum3A_28 = arith.constant dense<0.000000e+00> : vector<256xf32>
    %reduce_sum3A_29 = vector.multi_reduction <add>, %mul3A_27, %reduce_sum3A_28 [0] : vector<10000x256xf32> to vector<256xf32>
    %broadcast_in_dim3A_30 = vector.shape_cast %reduce_sum3A_29 : vector<256xf32> to vector<1x256xf32>
    %div3A_31 = arith.constant 1.000000e+04 : f32
    %div3A_32 = vector.broadcast %div3A_31 : f32 to vector<1x256xf32>
    %div3A_33 = arith.divf %broadcast_in_dim3A_30, %div3A_32 : vector<1x256xf32>
    %mul3A_34 = arith.mulf %div3A_26, %div3A_26 : vector<1x256xf32>
    %sub3A = arith.subf %div3A_33, %mul3A_34 : vector<1x256xf32>
    %get3A_35 = arith.constant 0 : index
    %get3A_36 = arith.constant 0 : index
    %get3A_37 = vector.load %arg5[%get3A_35, %get3A_36] : memref<1x256xf32, #tpu.memory_space<vmem>>, vector<1x256xf32>
    %sub3A_38 = vector.broadcast %div3A_26 : vector<1x256xf32> to vector<10000x256xf32>
    %sub3A_39 = arith.subf %add3A_23, %sub3A_38 : vector<10000x256xf32>
    %mul3A_40 = vector.broadcast %get3A_37 : vector<1x256xf32> to vector<10000x256xf32>
    %mul3A_41 = arith.mulf %mul3A_40, %sub3A_39 : vector<10000x256xf32>
    %add3A_42 = arith.constant 9.99999974E-6 : f32
    %add3A_43 = vector.broadcast %add3A_42 : f32 to vector<1x256xf32>
    %add3A_44 = arith.addf %sub3A, %add3A_43 : vector<1x256xf32>
    %rsqrt3A = math.rsqrt %add3A_44 : vector<1x256xf32>
    %mul3A_45 = vector.broadcast %rsqrt3A : vector<1x256xf32> to vector<10000x256xf32>
    %mul3A_46 = arith.mulf %mul3A_41, %mul3A_45 : vector<10000x256xf32>
    %get3A_47 = arith.constant 0 : index
    %get3A_48 = arith.constant 0 : index
    %get3A_49 = vector.load %arg6[%get3A_47, %get3A_48] : memref<1x256xf32, #tpu.memory_space<vmem>>, vector<1x256xf32>
    %add3A_50 = vector.broadcast %get3A_49 : vector<1x256xf32> to vector<10000x256xf32>
    %add3A_51 = arith.addf %mul3A_46, %add3A_50 : vector<10000x256xf32>
    %max3A = arith.constant 0.000000e+00 : f32
    %max3A_52 = vector.broadcast %max3A : f32 to vector<10000x256xf32>
    %max3A_53 = arith.maximumf %add3A_51, %max3A_52 : vector<10000x256xf32>
    %get3A_54 = arith.constant 0 : index
    %get3A_55 = arith.constant 0 : index
    %get3A_56 = vector.load %arg7[%get3A_54, %get3A_55] : memref<256x256xf32, #tpu.memory_space<vmem>>, vector<256x256xf32>
    %dot_general3A_57 = arith.constant dense<0.000000e+00> : vector<10000x256xf32>
    %dot_general3A_58 = tpu.matmul %max3A_53, %get3A_56, %dot_general3A_57 {dimension_numbers = #tpu.dot_dimension_numbers<[1], [0], [0], [1], [0, 0, 1, 1], [], []>, transpose_lhs_hint = false} : vector<10000x256xf32>, vector<256x256xf32>, vector<10000x256xf32> -> vector<10000x256xf32>
    %get3A_59 = arith.constant 0 : index
    %get3A_60 = arith.constant 0 : index
    %get3A_61 = vector.load %arg8[%get3A_59, %get3A_60] : memref<1x256xf32, #tpu.memory_space<vmem>>, vector<1x256xf32>
    %add3A_62 = vector.broadcast %get3A_61 : vector<1x256xf32> to vector<10000x256xf32>
    %add3A_63 = arith.addf %dot_general3A_58, %add3A_62 : vector<10000x256xf32>
    %reduce_sum3A_64 = arith.constant dense<0.000000e+00> : vector<256xf32>
    %reduce_sum3A_65 = vector.multi_reduction <add>, %add3A_63, %reduce_sum3A_64 [0] : vector<10000x256xf32> to vector<256xf32>
    %broadcast_in_dim3A_66 = vector.shape_cast %reduce_sum3A_65 : vector<256xf32> to vector<1x256xf32>
    %div3A_67 = arith.constant 1.000000e+04 : f32
    %div3A_68 = vector.broadcast %div3A_67 : f32 to vector<1x256xf32>
    %div3A_69 = arith.divf %broadcast_in_dim3A_66, %div3A_68 : vector<1x256xf32>
    %mul3A_70 = arith.mulf %add3A_63, %add3A_63 : vector<10000x256xf32>
    %reduce_sum3A_71 = arith.constant dense<0.000000e+00> : vector<256xf32>
    %reduce_sum3A_72 = vector.multi_reduction <add>, %mul3A_70, %reduce_sum3A_71 [0] : vector<10000x256xf32> to vector<256xf32>
    %broadcast_in_dim3A_73 = vector.shape_cast %reduce_sum3A_72 : vector<256xf32> to vector<1x256xf32>
    %div3A_74 = arith.constant 1.000000e+04 : f32
    %div3A_75 = vector.broadcast %div3A_74 : f32 to vector<1x256xf32>
    %div3A_76 = arith.divf %broadcast_in_dim3A_73, %div3A_75 : vector<1x256xf32>
    %mul3A_77 = arith.mulf %div3A_69, %div3A_69 : vector<1x256xf32>
    %sub3A_78 = arith.subf %div3A_76, %mul3A_77 : vector<1x256xf32>
    %get3A_79 = arith.constant 0 : index
    %get3A_80 = arith.constant 0 : index
    %get3A_81 = vector.load %arg9[%get3A_79, %get3A_80] : memref<1x256xf32, #tpu.memory_space<vmem>>, vector<1x256xf32>
    %sub3A_82 = vector.broadcast %div3A_69 : vector<1x256xf32> to vector<10000x256xf32>
    %sub3A_83 = arith.subf %add3A_63, %sub3A_82 : vector<10000x256xf32>
    %mul3A_84 = vector.broadcast %get3A_81 : vector<1x256xf32> to vector<10000x256xf32>
    %mul3A_85 = arith.mulf %mul3A_84, %sub3A_83 : vector<10000x256xf32>
    %add3A_86 = arith.constant 9.99999974E-6 : f32
    %add3A_87 = vector.broadcast %add3A_86 : f32 to vector<1x256xf32>
    %add3A_88 = arith.addf %sub3A_78, %add3A_87 : vector<1x256xf32>
    %rsqrt3A_89 = math.rsqrt %add3A_88 : vector<1x256xf32>
    %mul3A_90 = vector.broadcast %rsqrt3A_89 : vector<1x256xf32> to vector<10000x256xf32>
    %mul3A_91 = arith.mulf %mul3A_85, %mul3A_90 : vector<10000x256xf32>
    %get3A_92 = arith.constant 0 : index
    %get3A_93 = arith.constant 0 : index
    %get3A_94 = vector.load %arg10[%get3A_92, %get3A_93] : memref<1x256xf32, #tpu.memory_space<vmem>>, vector<1x256xf32>
    %add3A_95 = vector.broadcast %get3A_94 : vector<1x256xf32> to vector<10000x256xf32>
    %add3A_96 = arith.addf %mul3A_91, %add3A_95 : vector<10000x256xf32>
    %max3A_97 = arith.constant 0.000000e+00 : f32
    %max3A_98 = vector.broadcast %max3A_97 : f32 to vector<10000x256xf32>
    %max3A_99 = arith.maximumf %add3A_96, %max3A_98 : vector<10000x256xf32>
    %slice3A = vector.extract_strided_slice %max3A_99 {offsets = [0, 0], sizes = [10000, 128], strides = [1, 1]} : vector<10000x256xf32> to vector<10000x128xf32>
    %swap3A = arith.constant 0 : index
    %swap3A_100 = arith.constant 0 : index
    %swap3A_101 = vector.load %arg11[%swap3A, %swap3A_100] : memref<20480x128xf32, #tpu.memory_space<vmem>>, vector<10000x128xf32>
    tpu.vector_store %arg11[%swap3A, %swap3A_100], %slice3A {strides = array<i32>} : memref<20480x128xf32, #tpu.memory_space<vmem>>, vector<10000x128xf32>,
    %slice3A_102 = vector.extract_strided_slice %max3A_99 {offsets = [0, 128], sizes = [10000, 128], strides = [1, 1]} : vector<10000x256xf32> to vector<10000x128xf32>
    %swap3A_103 = arith.constant 10240 : index
    %swap3A_104 = arith.constant 0 : index
    %swap3A_105 = vector.load %arg11[%swap3A_103, %swap3A_104] : memref<20480x128xf32, #tpu.memory_space<vmem>>, vector<10000x128xf32>
    tpu.vector_store %arg11[%swap3A_103, %swap3A_104], %slice3A_102 {strides = array<i32>} : memref<20480x128xf32, #tpu.memory_space<vmem>>, vector<10000x128xf32>,
    return
  }
}

module attributes {stable_mosaic.version = 14 : i64} {
  func.func @_mlp_body(%arg0: memref<20480x128xf32, #tpu.memory_space<vmem>>, %arg1: memref<20480x128xf32, #tpu.memory_space<vmem>>, %arg2: memref<1x1xf32, #tpu.memory_space<smem>>, %arg3: memref<256x256xf32, #tpu.memory_space<vmem>>, %arg4: memref<1x256xf32, #tpu.memory_space<vmem>>, %arg5: memref<1x256xf32, #tpu.memory_space<vmem>>, %arg6: memref<1x256xf32, #tpu.memory_space<vmem>>, %arg7: memref<256x256xf32, #tpu.memory_space<vmem>>, %arg8: memref<1x256xf32, #tpu.memory_space<vmem>>, %arg9: memref<1x256xf32, #tpu.memory_space<vmem>>, %arg10: memref<1x256xf32, #tpu.memory_space<vmem>>, %arg11: memref<20480x128xf32, #tpu.memory_space<vmem>>) attributes {dimension_semantics = [], scalar_prefetch = 0 : i64, scratch_operands = 0 : i64, tpu.core_type = #tpu.core_type<tc>} {
    %get3A = arith.constant 0 : index
    %get3A_0 = arith.constant 0 : index
    %get3A_1 = memref.load %arg2[%get3A, %get3A_0] : memref<1x1xf32, #tpu.memory_space<smem>>
    %add3A = arith.constant 1.000000e+00 : f32
    %add3A_2 = arith.addf %add3A, %get3A_1 : f32
    %get3A_3 = arith.constant 0 : index
    %get3A_4 = arith.constant 0 : index
    %get3A_5 = vector.load %arg0[%get3A_3, %get3A_4] : memref<20480x128xf32, #tpu.memory_space<vmem>>, vector<10000x128xf32>
    %mul3A = vector.broadcast %add3A_2 : f32 to vector<10000x128xf32>
    %mul3A_6 = arith.mulf %mul3A, %get3A_5 : vector<10000x128xf32>
    %get3A_7 = arith.constant 0 : index
    %get3A_8 = arith.constant 0 : index
    %get3A_9 = vector.load %arg1[%get3A_7, %get3A_8] : memref<20480x128xf32, #tpu.memory_space<vmem>>, vector<10000x128xf32>
    %add3A_10 = arith.addf %mul3A_6, %get3A_9 : vector<10000x128xf32>
    %get3A_11 = arith.constant 10240 : index
    %get3A_12 = arith.constant 0 : index
    %get3A_13 = vector.load %arg0[%get3A_11, %get3A_12] : memref<20480x128xf32, #tpu.memory_space<vmem>>, vector<10000x128xf32>
    %mul3A_14 = vector.broadcast %add3A_2 : f32 to vector<10000x128xf32>
    %mul3A_15 = arith.mulf %mul3A_14, %get3A_13 : vector<10000x128xf32>
    %get3A_16 = arith.constant 10240 : index
    %get3A_17 = arith.constant 0 : index
    %get3A_18 = vector.load %arg1[%get3A_16, %get3A_17] : memref<20480x128xf32, #tpu.memory_space<vmem>>, vector<10000x128xf32>
    %add3A_19 = arith.addf %mul3A_15, %get3A_18 : vector<10000x128xf32>
    %get3A_20 = arith.constant 0 : index
    %get3A_21 = arith.constant 0 : index
    %get3A_22 = vector.load %arg3[%get3A_20, %get3A_21] : memref<256x256xf32, #tpu.memory_space<vmem>>, vector<256x256xf32>
    %slice3A = vector.extract_strided_slice %get3A_22 {offsets = [0, 0], sizes = [128, 256], strides = [1, 1]} : vector<256x256xf32> to vector<128x256xf32>
    %dot_general3A = arith.constant dense<0.000000e+00> : vector<10000x256xf32>
    %dot_general3A_23 = tpu.matmul %add3A_10, %slice3A, %dot_general3A {dimension_numbers = #tpu.dot_dimension_numbers<[1], [0], [0], [1], [0, 0, 1, 1], [], []>, transpose_lhs_hint = false} : vector<10000x128xf32>, vector<128x256xf32>, vector<10000x256xf32> -> vector<10000x256xf32>
    %slice3A_24 = vector.extract_strided_slice %get3A_22 {offsets = [128, 0], sizes = [128, 256], strides = [1, 1]} : vector<256x256xf32> to vector<128x256xf32>
    %dot_general3A_25 = arith.constant dense<0.000000e+00> : vector<10000x256xf32>
    %dot_general3A_26 = tpu.matmul %add3A_19, %slice3A_24, %dot_general3A_25 {dimension_numbers = #tpu.dot_dimension_numbers<[1], [0], [0], [1], [0, 0, 1, 1], [], []>, transpose_lhs_hint = false} : vector<10000x128xf32>, vector<128x256xf32>, vector<10000x256xf32> -> vector<10000x256xf32>
    %add3A_27 = arith.addf %dot_general3A_23, %dot_general3A_26 : vector<10000x256xf32>
    %get3A_28 = arith.constant 0 : index
    %get3A_29 = arith.constant 0 : index
    %get3A_30 = vector.load %arg4[%get3A_28, %get3A_29] : memref<1x256xf32, #tpu.memory_space<vmem>>, vector<1x256xf32>
    %add3A_31 = vector.broadcast %get3A_30 : vector<1x256xf32> to vector<10000x256xf32>
    %add3A_32 = arith.addf %add3A_27, %add3A_31 : vector<10000x256xf32>
    %reduce_sum3A = arith.constant dense<0.000000e+00> : vector<256xf32>
    %reduce_sum3A_33 = vector.multi_reduction <add>, %add3A_32, %reduce_sum3A [0] : vector<10000x256xf32> to vector<256xf32>
    %broadcast_in_dim3A = vector.shape_cast %reduce_sum3A_33 : vector<256xf32> to vector<1x256xf32>
    %div3A = arith.constant 1.000000e+04 : f32
    %div3A_34 = vector.broadcast %div3A : f32 to vector<1x256xf32>
    %div3A_35 = arith.divf %broadcast_in_dim3A, %div3A_34 : vector<1x256xf32>
    %mul3A_36 = arith.mulf %add3A_32, %add3A_32 : vector<10000x256xf32>
    %reduce_sum3A_37 = arith.constant dense<0.000000e+00> : vector<256xf32>
    %reduce_sum3A_38 = vector.multi_reduction <add>, %mul3A_36, %reduce_sum3A_37 [0] : vector<10000x256xf32> to vector<256xf32>
    %broadcast_in_dim3A_39 = vector.shape_cast %reduce_sum3A_38 : vector<256xf32> to vector<1x256xf32>
    %div3A_40 = arith.constant 1.000000e+04 : f32
    %div3A_41 = vector.broadcast %div3A_40 : f32 to vector<1x256xf32>
    %div3A_42 = arith.divf %broadcast_in_dim3A_39, %div3A_41 : vector<1x256xf32>
    %mul3A_43 = arith.mulf %div3A_35, %div3A_35 : vector<1x256xf32>
    %sub3A = arith.subf %div3A_42, %mul3A_43 : vector<1x256xf32>
    %get3A_44 = arith.constant 0 : index
    %get3A_45 = arith.constant 0 : index
    %get3A_46 = vector.load %arg5[%get3A_44, %get3A_45] : memref<1x256xf32, #tpu.memory_space<vmem>>, vector<1x256xf32>
    %sub3A_47 = vector.broadcast %div3A_35 : vector<1x256xf32> to vector<10000x256xf32>
    %sub3A_48 = arith.subf %add3A_32, %sub3A_47 : vector<10000x256xf32>
    %mul3A_49 = vector.broadcast %get3A_46 : vector<1x256xf32> to vector<10000x256xf32>
    %mul3A_50 = arith.mulf %mul3A_49, %sub3A_48 : vector<10000x256xf32>
    %add3A_51 = arith.constant 9.99999974E-6 : f32
    %add3A_52 = vector.broadcast %add3A_51 : f32 to vector<1x256xf32>
    %add3A_53 = arith.addf %sub3A, %add3A_52 : vector<1x256xf32>
    %rsqrt3A = math.rsqrt %add3A_53 : vector<1x256xf32>
    %mul3A_54 = vector.broadcast %rsqrt3A : vector<1x256xf32> to vector<10000x256xf32>
    %mul3A_55 = arith.mulf %mul3A_50, %mul3A_54 : vector<10000x256xf32>
    %get3A_56 = arith.constant 0 : index
    %get3A_57 = arith.constant 0 : index
    %get3A_58 = vector.load %arg6[%get3A_56, %get3A_57] : memref<1x256xf32, #tpu.memory_space<vmem>>, vector<1x256xf32>
    %add3A_59 = vector.broadcast %get3A_58 : vector<1x256xf32> to vector<10000x256xf32>
    %add3A_60 = arith.addf %mul3A_55, %add3A_59 : vector<10000x256xf32>
    %max3A = arith.constant 0.000000e+00 : f32
    %max3A_61 = vector.broadcast %max3A : f32 to vector<10000x256xf32>
    %max3A_62 = arith.maximumf %add3A_60, %max3A_61 : vector<10000x256xf32>
    %get3A_63 = arith.constant 0 : index
    %get3A_64 = arith.constant 0 : index
    %get3A_65 = vector.load %arg7[%get3A_63, %get3A_64] : memref<256x256xf32, #tpu.memory_space<vmem>>, vector<256x256xf32>
    %dot_general3A_66 = arith.constant dense<0.000000e+00> : vector<10000x256xf32>
    %dot_general3A_67 = tpu.matmul %max3A_62, %get3A_65, %dot_general3A_66 {dimension_numbers = #tpu.dot_dimension_numbers<[1], [0], [0], [1], [0, 0, 1, 1], [], []>, transpose_lhs_hint = false} : vector<10000x256xf32>, vector<256x256xf32>, vector<10000x256xf32> -> vector<10000x256xf32>
    %get3A_68 = arith.constant 0 : index
    %get3A_69 = arith.constant 0 : index
    %get3A_70 = vector.load %arg8[%get3A_68, %get3A_69] : memref<1x256xf32, #tpu.memory_space<vmem>>, vector<1x256xf32>
    %add3A_71 = vector.broadcast %get3A_70 : vector<1x256xf32> to vector<10000x256xf32>
    %add3A_72 = arith.addf %dot_general3A_67, %add3A_71 : vector<10000x256xf32>
    %reduce_sum3A_73 = arith.constant dense<0.000000e+00> : vector<256xf32>
    %reduce_sum3A_74 = vector.multi_reduction <add>, %add3A_72, %reduce_sum3A_73 [0] : vector<10000x256xf32> to vector<256xf32>
    %broadcast_in_dim3A_75 = vector.shape_cast %reduce_sum3A_74 : vector<256xf32> to vector<1x256xf32>
    %div3A_76 = arith.constant 1.000000e+04 : f32
    %div3A_77 = vector.broadcast %div3A_76 : f32 to vector<1x256xf32>
    %div3A_78 = arith.divf %broadcast_in_dim3A_75, %div3A_77 : vector<1x256xf32>
    %mul3A_79 = arith.mulf %add3A_72, %add3A_72 : vector<10000x256xf32>
    %reduce_sum3A_80 = arith.constant dense<0.000000e+00> : vector<256xf32>
    %reduce_sum3A_81 = vector.multi_reduction <add>, %mul3A_79, %reduce_sum3A_80 [0] : vector<10000x256xf32> to vector<256xf32>
    %broadcast_in_dim3A_82 = vector.shape_cast %reduce_sum3A_81 : vector<256xf32> to vector<1x256xf32>
    %div3A_83 = arith.constant 1.000000e+04 : f32
    %div3A_84 = vector.broadcast %div3A_83 : f32 to vector<1x256xf32>
    %div3A_85 = arith.divf %broadcast_in_dim3A_82, %div3A_84 : vector<1x256xf32>
    %mul3A_86 = arith.mulf %div3A_78, %div3A_78 : vector<1x256xf32>
    %sub3A_87 = arith.subf %div3A_85, %mul3A_86 : vector<1x256xf32>
    %get3A_88 = arith.constant 0 : index
    %get3A_89 = arith.constant 0 : index
    %get3A_90 = vector.load %arg9[%get3A_88, %get3A_89] : memref<1x256xf32, #tpu.memory_space<vmem>>, vector<1x256xf32>
    %sub3A_91 = vector.broadcast %div3A_78 : vector<1x256xf32> to vector<10000x256xf32>
    %sub3A_92 = arith.subf %add3A_72, %sub3A_91 : vector<10000x256xf32>
    %mul3A_93 = vector.broadcast %get3A_90 : vector<1x256xf32> to vector<10000x256xf32>
    %mul3A_94 = arith.mulf %mul3A_93, %sub3A_92 : vector<10000x256xf32>
    %add3A_95 = arith.constant 9.99999974E-6 : f32
    %add3A_96 = vector.broadcast %add3A_95 : f32 to vector<1x256xf32>
    %add3A_97 = arith.addf %sub3A_87, %add3A_96 : vector<1x256xf32>
    %rsqrt3A_98 = math.rsqrt %add3A_97 : vector<1x256xf32>
    %mul3A_99 = vector.broadcast %rsqrt3A_98 : vector<1x256xf32> to vector<10000x256xf32>
    %mul3A_100 = arith.mulf %mul3A_94, %mul3A_99 : vector<10000x256xf32>
    %get3A_101 = arith.constant 0 : index
    %get3A_102 = arith.constant 0 : index
    %get3A_103 = vector.load %arg10[%get3A_101, %get3A_102] : memref<1x256xf32, #tpu.memory_space<vmem>>, vector<1x256xf32>
    %add3A_104 = vector.broadcast %get3A_103 : vector<1x256xf32> to vector<10000x256xf32>
    %add3A_105 = arith.addf %mul3A_100, %add3A_104 : vector<10000x256xf32>
    %max3A_106 = arith.constant 0.000000e+00 : f32
    %max3A_107 = vector.broadcast %max3A_106 : f32 to vector<10000x256xf32>
    %max3A_108 = arith.maximumf %add3A_105, %max3A_107 : vector<10000x256xf32>
    %slice3A_109 = vector.extract_strided_slice %max3A_108 {offsets = [0, 0], sizes = [10000, 128], strides = [1, 1]} : vector<10000x256xf32> to vector<10000x128xf32>
    %swap3A = arith.constant 0 : index
    %swap3A_110 = arith.constant 0 : index
    %swap3A_111 = vector.load %arg11[%swap3A, %swap3A_110] : memref<20480x128xf32, #tpu.memory_space<vmem>>, vector<10000x128xf32>
    tpu.vector_store %arg11[%swap3A, %swap3A_110], %slice3A_109 {strides = array<i32>} : memref<20480x128xf32, #tpu.memory_space<vmem>>, vector<10000x128xf32>,
    %slice3A_112 = vector.extract_strided_slice %max3A_108 {offsets = [0, 128], sizes = [10000, 128], strides = [1, 1]} : vector<10000x256xf32> to vector<10000x128xf32>
    %swap3A_113 = arith.constant 10240 : index
    %swap3A_114 = arith.constant 0 : index
    %swap3A_115 = vector.load %arg11[%swap3A_113, %swap3A_114] : memref<20480x128xf32, #tpu.memory_space<vmem>>, vector<10000x128xf32>
    tpu.vector_store %arg11[%swap3A_113, %swap3A_114], %slice3A_112 {strides = array<i32>} : memref<20480x128xf32, #tpu.memory_space<vmem>>, vector<10000x128xf32>,
    return
  }
}

module attributes {stable_mosaic.version = 14 : i64} {
  func.func @_mlp_body(%arg0: memref<20480x128xf32, #tpu.memory_space<vmem>>, %arg1: memref<20480x128xf32, #tpu.memory_space<vmem>>, %arg2: memref<1x1xf32, #tpu.memory_space<smem>>, %arg3: memref<256x256xf32, #tpu.memory_space<vmem>>, %arg4: memref<1x256xf32, #tpu.memory_space<vmem>>, %arg5: memref<1x256xf32, #tpu.memory_space<vmem>>, %arg6: memref<1x256xf32, #tpu.memory_space<vmem>>, %arg7: memref<256x256xf32, #tpu.memory_space<vmem>>, %arg8: memref<1x256xf32, #tpu.memory_space<vmem>>, %arg9: memref<1x256xf32, #tpu.memory_space<vmem>>, %arg10: memref<1x256xf32, #tpu.memory_space<vmem>>, %arg11: memref<10000x256xf32, #tpu.memory_space<vmem>>) attributes {dimension_semantics = [], scalar_prefetch = 0 : i64, scratch_operands = 0 : i64, tpu.core_type = #tpu.core_type<tc>} {
    %get3A = arith.constant 0 : index
    %get3A_0 = arith.constant 0 : index
    %get3A_1 = memref.load %arg2[%get3A, %get3A_0] : memref<1x1xf32, #tpu.memory_space<smem>>
    %add3A = arith.constant 1.000000e+00 : f32
    %add3A_2 = arith.addf %add3A, %get3A_1 : f32
    %get3A_3 = arith.constant 0 : index
    %get3A_4 = arith.constant 0 : index
    %get3A_5 = vector.load %arg0[%get3A_3, %get3A_4] : memref<20480x128xf32, #tpu.memory_space<vmem>>, vector<10000x128xf32>
    %mul3A = vector.broadcast %add3A_2 : f32 to vector<10000x128xf32>
    %mul3A_6 = arith.mulf %mul3A, %get3A_5 : vector<10000x128xf32>
    %get3A_7 = arith.constant 0 : index
    %get3A_8 = arith.constant 0 : index
    %get3A_9 = vector.load %arg1[%get3A_7, %get3A_8] : memref<20480x128xf32, #tpu.memory_space<vmem>>, vector<10000x128xf32>
    %add3A_10 = arith.addf %mul3A_6, %get3A_9 : vector<10000x128xf32>
    %get3A_11 = arith.constant 10240 : index
    %get3A_12 = arith.constant 0 : index
    %get3A_13 = vector.load %arg0[%get3A_11, %get3A_12] : memref<20480x128xf32, #tpu.memory_space<vmem>>, vector<10000x128xf32>
    %mul3A_14 = vector.broadcast %add3A_2 : f32 to vector<10000x128xf32>
    %mul3A_15 = arith.mulf %mul3A_14, %get3A_13 : vector<10000x128xf32>
    %get3A_16 = arith.constant 10240 : index
    %get3A_17 = arith.constant 0 : index
    %get3A_18 = vector.load %arg1[%get3A_16, %get3A_17] : memref<20480x128xf32, #tpu.memory_space<vmem>>, vector<10000x128xf32>
    %add3A_19 = arith.addf %mul3A_15, %get3A_18 : vector<10000x128xf32>
    %get3A_20 = arith.constant 0 : index
    %get3A_21 = arith.constant 0 : index
    %get3A_22 = vector.load %arg3[%get3A_20, %get3A_21] : memref<256x256xf32, #tpu.memory_space<vmem>>, vector<256x256xf32>
    %slice3A = vector.extract_strided_slice %get3A_22 {offsets = [0, 0], sizes = [128, 256], strides = [1, 1]} : vector<256x256xf32> to vector<128x256xf32>
    %dot_general3A = arith.constant dense<0.000000e+00> : vector<10000x256xf32>
    %dot_general3A_23 = tpu.matmul %add3A_10, %slice3A, %dot_general3A {dimension_numbers = #tpu.dot_dimension_numbers<[1], [0], [0], [1], [0, 0, 1, 1], [], []>, transpose_lhs_hint = false} : vector<10000x128xf32>, vector<128x256xf32>, vector<10000x256xf32> -> vector<10000x256xf32>
    %slice3A_24 = vector.extract_strided_slice %get3A_22 {offsets = [128, 0], sizes = [128, 256], strides = [1, 1]} : vector<256x256xf32> to vector<128x256xf32>
    %dot_general3A_25 = arith.constant dense<0.000000e+00> : vector<10000x256xf32>
    %dot_general3A_26 = tpu.matmul %add3A_19, %slice3A_24, %dot_general3A_25 {dimension_numbers = #tpu.dot_dimension_numbers<[1], [0], [0], [1], [0, 0, 1, 1], [], []>, transpose_lhs_hint = false} : vector<10000x128xf32>, vector<128x256xf32>, vector<10000x256xf32> -> vector<10000x256xf32>
    %add3A_27 = arith.addf %dot_general3A_23, %dot_general3A_26 : vector<10000x256xf32>
    %get3A_28 = arith.constant 0 : index
    %get3A_29 = arith.constant 0 : index
    %get3A_30 = vector.load %arg4[%get3A_28, %get3A_29] : memref<1x256xf32, #tpu.memory_space<vmem>>, vector<1x256xf32>
    %add3A_31 = vector.broadcast %get3A_30 : vector<1x256xf32> to vector<10000x256xf32>
    %add3A_32 = arith.addf %add3A_27, %add3A_31 : vector<10000x256xf32>
    %reduce_sum3A = arith.constant dense<0.000000e+00> : vector<256xf32>
    %reduce_sum3A_33 = vector.multi_reduction <add>, %add3A_32, %reduce_sum3A [0] : vector<10000x256xf32> to vector<256xf32>
    %broadcast_in_dim3A = vector.shape_cast %reduce_sum3A_33 : vector<256xf32> to vector<1x256xf32>
    %div3A = arith.constant 1.000000e+04 : f32
    %div3A_34 = vector.broadcast %div3A : f32 to vector<1x256xf32>
    %div3A_35 = arith.divf %broadcast_in_dim3A, %div3A_34 : vector<1x256xf32>
    %mul3A_36 = arith.mulf %add3A_32, %add3A_32 : vector<10000x256xf32>
    %reduce_sum3A_37 = arith.constant dense<0.000000e+00> : vector<256xf32>
    %reduce_sum3A_38 = vector.multi_reduction <add>, %mul3A_36, %reduce_sum3A_37 [0] : vector<10000x256xf32> to vector<256xf32>
    %broadcast_in_dim3A_39 = vector.shape_cast %reduce_sum3A_38 : vector<256xf32> to vector<1x256xf32>
    %div3A_40 = arith.constant 1.000000e+04 : f32
    %div3A_41 = vector.broadcast %div3A_40 : f32 to vector<1x256xf32>
    %div3A_42 = arith.divf %broadcast_in_dim3A_39, %div3A_41 : vector<1x256xf32>
    %mul3A_43 = arith.mulf %div3A_35, %div3A_35 : vector<1x256xf32>
    %sub3A = arith.subf %div3A_42, %mul3A_43 : vector<1x256xf32>
    %get3A_44 = arith.constant 0 : index
    %get3A_45 = arith.constant 0 : index
    %get3A_46 = vector.load %arg5[%get3A_44, %get3A_45] : memref<1x256xf32, #tpu.memory_space<vmem>>, vector<1x256xf32>
    %sub3A_47 = vector.broadcast %div3A_35 : vector<1x256xf32> to vector<10000x256xf32>
    %sub3A_48 = arith.subf %add3A_32, %sub3A_47 : vector<10000x256xf32>
    %mul3A_49 = vector.broadcast %get3A_46 : vector<1x256xf32> to vector<10000x256xf32>
    %mul3A_50 = arith.mulf %mul3A_49, %sub3A_48 : vector<10000x256xf32>
    %add3A_51 = arith.constant 9.99999974E-6 : f32
    %add3A_52 = vector.broadcast %add3A_51 : f32 to vector<1x256xf32>
    %add3A_53 = arith.addf %sub3A, %add3A_52 : vector<1x256xf32>
    %rsqrt3A = math.rsqrt %add3A_53 : vector<1x256xf32>
    %mul3A_54 = vector.broadcast %rsqrt3A : vector<1x256xf32> to vector<10000x256xf32>
    %mul3A_55 = arith.mulf %mul3A_50, %mul3A_54 : vector<10000x256xf32>
    %get3A_56 = arith.constant 0 : index
    %get3A_57 = arith.constant 0 : index
    %get3A_58 = vector.load %arg6[%get3A_56, %get3A_57] : memref<1x256xf32, #tpu.memory_space<vmem>>, vector<1x256xf32>
    %add3A_59 = vector.broadcast %get3A_58 : vector<1x256xf32> to vector<10000x256xf32>
    %add3A_60 = arith.addf %mul3A_55, %add3A_59 : vector<10000x256xf32>
    %max3A = arith.constant 0.000000e+00 : f32
    %max3A_61 = vector.broadcast %max3A : f32 to vector<10000x256xf32>
    %max3A_62 = arith.maximumf %add3A_60, %max3A_61 : vector<10000x256xf32>
    %get3A_63 = arith.constant 0 : index
    %get3A_64 = arith.constant 0 : index
    %get3A_65 = vector.load %arg7[%get3A_63, %get3A_64] : memref<256x256xf32, #tpu.memory_space<vmem>>, vector<256x256xf32>
    %dot_general3A_66 = arith.constant dense<0.000000e+00> : vector<10000x256xf32>
    %dot_general3A_67 = tpu.matmul %max3A_62, %get3A_65, %dot_general3A_66 {dimension_numbers = #tpu.dot_dimension_numbers<[1], [0], [0], [1], [0, 0, 1, 1], [], []>, transpose_lhs_hint = false} : vector<10000x256xf32>, vector<256x256xf32>, vector<10000x256xf32> -> vector<10000x256xf32>
    %get3A_68 = arith.constant 0 : index
    %get3A_69 = arith.constant 0 : index
    %get3A_70 = vector.load %arg8[%get3A_68, %get3A_69] : memref<1x256xf32, #tpu.memory_space<vmem>>, vector<1x256xf32>
    %add3A_71 = vector.broadcast %get3A_70 : vector<1x256xf32> to vector<10000x256xf32>
    %add3A_72 = arith.addf %dot_general3A_67, %add3A_71 : vector<10000x256xf32>
    %reduce_sum3A_73 = arith.constant dense<0.000000e+00> : vector<256xf32>
    %reduce_sum3A_74 = vector.multi_reduction <add>, %add3A_72, %reduce_sum3A_73 [0] : vector<10000x256xf32> to vector<256xf32>
    %broadcast_in_dim3A_75 = vector.shape_cast %reduce_sum3A_74 : vector<256xf32> to vector<1x256xf32>
    %div3A_76 = arith.constant 1.000000e+04 : f32
    %div3A_77 = vector.broadcast %div3A_76 : f32 to vector<1x256xf32>
    %div3A_78 = arith.divf %broadcast_in_dim3A_75, %div3A_77 : vector<1x256xf32>
    %mul3A_79 = arith.mulf %add3A_72, %add3A_72 : vector<10000x256xf32>
    %reduce_sum3A_80 = arith.constant dense<0.000000e+00> : vector<256xf32>
    %reduce_sum3A_81 = vector.multi_reduction <add>, %mul3A_79, %reduce_sum3A_80 [0] : vector<10000x256xf32> to vector<256xf32>
    %broadcast_in_dim3A_82 = vector.shape_cast %reduce_sum3A_81 : vector<256xf32> to vector<1x256xf32>
    %div3A_83 = arith.constant 1.000000e+04 : f32
    %div3A_84 = vector.broadcast %div3A_83 : f32 to vector<1x256xf32>
    %div3A_85 = arith.divf %broadcast_in_dim3A_82, %div3A_84 : vector<1x256xf32>
    %mul3A_86 = arith.mulf %div3A_78, %div3A_78 : vector<1x256xf32>
    %sub3A_87 = arith.subf %div3A_85, %mul3A_86 : vector<1x256xf32>
    %get3A_88 = arith.constant 0 : index
    %get3A_89 = arith.constant 0 : index
    %get3A_90 = vector.load %arg9[%get3A_88, %get3A_89] : memref<1x256xf32, #tpu.memory_space<vmem>>, vector<1x256xf32>
    %sub3A_91 = vector.broadcast %div3A_78 : vector<1x256xf32> to vector<10000x256xf32>
    %sub3A_92 = arith.subf %add3A_72, %sub3A_91 : vector<10000x256xf32>
    %mul3A_93 = vector.broadcast %get3A_90 : vector<1x256xf32> to vector<10000x256xf32>
    %mul3A_94 = arith.mulf %mul3A_93, %sub3A_92 : vector<10000x256xf32>
    %add3A_95 = arith.constant 9.99999974E-6 : f32
    %add3A_96 = vector.broadcast %add3A_95 : f32 to vector<1x256xf32>
    %add3A_97 = arith.addf %sub3A_87, %add3A_96 : vector<1x256xf32>
    %rsqrt3A_98 = math.rsqrt %add3A_97 : vector<1x256xf32>
    %mul3A_99 = vector.broadcast %rsqrt3A_98 : vector<1x256xf32> to vector<10000x256xf32>
    %mul3A_100 = arith.mulf %mul3A_94, %mul3A_99 : vector<10000x256xf32>
    %get3A_101 = arith.constant 0 : index
    %get3A_102 = arith.constant 0 : index
    %get3A_103 = vector.load %arg10[%get3A_101, %get3A_102] : memref<1x256xf32, #tpu.memory_space<vmem>>, vector<1x256xf32>
    %add3A_104 = vector.broadcast %get3A_103 : vector<1x256xf32> to vector<10000x256xf32>
    %add3A_105 = arith.addf %mul3A_100, %add3A_104 : vector<10000x256xf32>
    %max3A_106 = arith.constant 0.000000e+00 : f32
    %max3A_107 = vector.broadcast %max3A_106 : f32 to vector<10000x256xf32>
    %max3A_108 = arith.maximumf %add3A_105, %max3A_107 : vector<10000x256xf32>
    %swap3A = arith.constant 0 : index
    %swap3A_109 = arith.constant 0 : index
    %swap3A_110 = vector.load %arg11[%swap3A, %swap3A_109] : memref<10000x256xf32, #tpu.memory_space<vmem>>, vector<10000x256xf32>
    tpu.vector_store %arg11[%swap3A, %swap3A_109], %max3A_108 {strides = array<i32>} : memref<10000x256xf32, #tpu.memory_space<vmem>>, vector<10000x256xf32>,
    return
  }
}

</mosaic_0001>

<sc_bundles>
// kernel: kernel.11.cloned.1.call-start
scs
__scs_entry_jumppad:
0x0: {  	(pc) =	sbr.rel $0x88, $3  }
0x1: {  	(tag) =	ssettag $0x0;
	lr =	simm.s32 $0x1  }
0x2: {  	[smem:$0x3F84] =	sst lr;
	_ =	strace $0xD0000000  }
0x3: {  	_ = 	snop  }
0x4: {  	_ = 	snop  }
0x5: {  	_ = 	snop  }
0x6: {  	_ = 	snop  }
0x7: {  	_ = 	snop  }
__scs_overlays_trampoline_lowered:
0x8: {  	[smem:$0x3F93] =	sst s0  }
0x9: {  	[smem:$0x3F94] =	sst s1  }
0xa: {  	[smem:$0x3F95] =	sst s2  }
0xb: {  	[smem:$0x3F96] =	sst s3  }
0xc: {  	[smem:$0x3F97] =	sst s4  }
0xd: {  	[smem:$0x3F98] =	sst s5  }
0xe: {  	[smem:$0x3F99] =	sst s6  }
0xf: {  	[smem:$0x3F9A] =	sst s7  }
0x10: {  	[smem:$0x3F9B] =	sst s8  }
0x11: {  	[smem:$0x3F9C] =	sst s9;
	s0 =	simm.s32 @!p0 $0x0  }
0x12: {  	s1 =	sld [smem:$0x3F82];
	s0 =	simm.s32 @p0 $0x1  }
0x13: {  	[smem:$0x3F9D] =	sst s0;
	s0 =	simm.s32 @!p1 $0x0  }
0x14: {  	s2 =	sld [smem:$0x3F81];
	s0 =	simm.s32 @p1 $0x1  }
0x15: {  	[smem:$0x3F9E] =	sst s0;
	s0 =	simm.s32 @!p2 $0x0  }
0x16: {  	s3 =	sld [smem:$0x3FDB];
	s0 =	simm.s32 @p2 $0x1  }
0x17: {  	s4 =	simm.s32 $0x1BF5;
	[smem:$0x3FA0] =	sst s0  }
0x18: {  	s0 =	sld [smem:$0x3F83];
	_ =	swait.ge [sflag:s4], $0x0  }
0x19: {  	s7 =	sld [smem:$0x3F84]  }
0x1a: {  	s8 =	sadd.s32 $0xFFFFE003, lr  }
0x1b: {  	s9 =	sadd.s32 $0xFFFFFEF7, lr;
	s5 =	simm.s32 $0xFFFFFFFF;
	p2 =	slt.u32 s8, $0xFFFFF086  }
0x1c: {  	p1 =	slt.u32 s9, $0xF7A;
	s5 =	simm.s32 @!p2 $0x0  }
0x1d: {  	s5 =	simm.s32 @p1 $0x1;
	p0 =	seq.s32 s7, s2  }
0x1e: {  	s7 =	smul.u32 @!p0 $0xF7A, s2;
	p2 =	seq.s32 @!p0 s5, $0x0  }
0x1f: {  	s9 =	smul.u32 $0xF7A, s1;
	s8 =	simm.s32 @!p0 $0x1BF5;
	p2 =	por !p2, p0  }
0x20: {  	[sflag:s8] =	ssyncset.s32 @!p0 $0xFFFFF086;
	s6 =	sadd.s32 @!p0 s3, s7;
	s7 =	simm.s32 @!p0 $0x108  }
0x21: {  	s3 =	sadd.s32 s3, s9;
	s6 =	sadd.s32 @!p0 $0x88, s6;
	s7 =	simm.s32 @p2 $0x1082  }
0x22: {  	[simem:s7], [sflag:s8] =	dma.local @!p0 [hbm:s6], $0xF7A  }
0x23: {  	s9 =	sor.u32 $0xD0000000, s2;
	s6 =	simm.s32 $0x108;
	_ =	swait.ge @!p0 [sflag:s8], $0x0  }
0x24: {  	s3 =	sadd.s32 $0x88, s3;
	s6 =	simm.s32 @!p1 $0x1082;
	[sflag:s4] =	ssyncset.s32 $0xFFFFF086  }
0x25: {  	[simem:s6], [sflag:s4] =	dma.local [hbm:s3], $0xF7A  }
0x26: {  	[smem:$0x3F84] =	sst s1;
	(tag) =	ssettag s2;
	_ =	strace s9  }
0x27: {  	s1 =	sld [smem:$0x3F94]  }
0x28: {  	s2 =	sld [smem:$0x3F95]  }
0x29: {  	s4 =	sld [smem:$0x3F97]  }
0x2a: {  	p0 =	seq.s32 s5, $0x0;
	s5 =	sld [smem:$0x3F98]  }
0x2b: {  	s6 =	sld [smem:$0x3F99]  }
0x2c: {  	s7 =	sld [smem:$0x3F9A]  }
0x2d: {  	s3 =	simm.s32 $0x108;
	s8 =	sld [smem:$0x3F9B]  }
0x2e: {  	s3 =	simm.s32 @!p0 $0x1082;
	s9 =	sld [smem:$0x3F9C]  }
0x2f: {  	lr =	sadd.s32 s0, s3;
	s0 =	sld [smem:$0x3F93]  }
0x30: {  	s3 =	sld [smem:$0x3F96]  }
0x31: {  	[smem:$0x3F9F] =	sst s10  }
0x32: {  	s10 =	sld [smem:$0x3F9D];
	_ =	sdelay $0x3  }
0x33: {  	p0 =	seq.s32 s10, $0x1;
	s10 =	sld [smem:$0x3F9F];
	_ =	sdelay $0x3  }
0x34: {  	[smem:$0x3F9F] =	sst s10  }
0x35: {  	s10 =	sld [smem:$0x3F9E];
	_ =	sdelay $0x3  }
0x36: {  	p1 =	seq.s32 s10, $0x1;
	s10 =	sld [smem:$0x3F9F];
	_ =	sdelay $0x3  }
0x37: {  	[smem:$0x3F9F] =	sst s10  }
0x38: {  	s10 =	sld [smem:$0x3FA0]  }
0x39: {  	_ = 	snop;
	(pc) =	sbr.ind lr, $3  }
0x3a: {  	_ = 	snop  }
0x3b: {  	_ = 	snop  }
0x3c: {  	p2 =	seq.s32 s10, $0x1;
	s10 =	sld [smem:$0x3F9F]  }
0x3d: {  	_ =	shalt  }
0x3e: {  	_ =	shalt  }
0x3f: {  	_ =	shalt  }
0x40: {  	_ =	shalt  }
0x41: {  	_ =	shalt  }
0x42: {  	_ =	shalt  }
0x43: {  	_ =	shalt  }
0x44: {  	_ =	shalt  }
0x45: {  	_ =	shalt  }
0x46: {  	_ =	shalt  }
0x47: {  	_ =	shalt  }
0x48: {  	_ =	shalt  }
0x49: {  	_ =	shalt  }
0x4a: {  	_ =	shalt  }
0x4b: {  	_ =	shalt  }
0x4c: {  	_ =	shalt  }
0x4d: {  	_ =	shalt  }
0x4e: {  	_ =	shalt  }
0x4f: {  	_ =	shalt  }
0x50: {  	_ =	shalt  }
0x51: {  	_ =	shalt  }
0x52: {  	_ =	shalt  }
0x53: {  	_ =	shalt  }
0x54: {  	_ =	shalt  }
0x55: {  	_ =	shalt  }
0x56: {  	_ =	shalt  }
0x57: {  	_ =	shalt  }
0x58: {  	_ =	shalt  }
0x59: {  	_ =	shalt  }
0x5a: {  	_ =	shalt  }
0x5b: {  	_ =	shalt  }
0x5c: {  	_ =	shalt  }
0x5d: {  	_ =	shalt  }
0x5e: {  	_ =	shalt  }
0x5f: {  	_ =	shalt  }
0x60: {  	_ =	shalt  }
0x61: {  	_ =	shalt  }
0x62: {  	_ =	shalt  }
0x63: {  	_ =	shalt  }
0x64: {  	_ =	shalt  }
0x65: {  	_ =	shalt  }
0x66: {  	_ =	shalt  }
0x67: {  	_ =	shalt  }
0x68: {  	_ =	shalt  }
0x69: {  	_ =	shalt  }
0x6a: {  	_ =	shalt  }
0x6b: {  	_ =	shalt  }
0x6c: {  	_ =	shalt  }
0x6d: {  	_ =	shalt  }
0x6e: {  	_ =	shalt  }
0x6f: {  	_ =	shalt  }
0x70: {  	_ =	shalt  }
0x71: {  	_ =	shalt  }
0x72: {  	_ =	shalt  }
0x73: {  	_ =	shalt  }
0x74: {  	_ =	shalt  }
0x75: {  	_ =	shalt  }
0x76: {  	_ =	shalt  }
0x77: {  	_ =	shalt  }
0x78: {  	_ =	shalt  }
0x79: {  	_ =	shalt  }
0x7a: {  	_ =	shalt  }
0x7b: {  	_ =	shalt  }
0x7c: {  	_ =	shalt  }
0x7d: {  	_ =	shalt  }
0x7e: {  	_ =	shalt  }
0x7f: {  	_ =	shalt  }
0x80: {  	_ =	shalt  }
0x81: {  	_ =	shalt  }
0x82: {  	_ =	shalt  }
0x83: {  	_ =	shalt  }
0x84: {  	_ =	shalt  }
0x85: {  	_ =	shalt  }
0x86: {  	_ =	shalt  }
0x87: {  	_ =	shalt  }
.Lfunc_end0:
.L_simem_size_0:
called_computation.1_lowered:
.L_overlay_start_0:
0x88: {  	s2 =	sld [smem:$0x3FD9]  }
0x89: {  	s3 =	sld [smem:$0x3FFE];
	_ =	sdelay $0x1  }
0x8a: {  	s1 =	srdreg.scid  }
0x8b: {  	s0 =	sand.u32 $0x1, s1  }
0x8c: {  	s16 =	sshll.u32 s0, $0xA;
	s2 =	sadd.s32 s3, s2  }
0x8d: {  	s2 =	sadd.s32 s2, s16  }
0x8e: {  	[smem:$0x3FAB] =	sst s2  }
0x8f: {  	_ = 	snop  }
0x90: {  	(tm) =	ssettm $0x1  }
0x91: {  	s17 =	sld [smem:$0x3FFB];
	_ =	sdelay $0x3  }
0x92: {  	_ =	strace s17  }
0x93: {  	s2 =	sld [smem:$0x3FFC];
	_ =	sdelay $0x3  }
0x94: {  	_ =	strace s2  }
0x95: {  	s2 =	sld [smem:$0x3FFD];
	_ =	sdelay $0x3  }
0x96: {  	_ =	strace s2  }
0x97: {  	_ =	strace $0x8FFFFFFF  }
0x98: {  	s18 =	sld [smem:$0x3FDB];
	_ =	sdelay $0x1  }
0x99: {  	s19 =	simm.s32 $_scs_section_size  }
0x9a: {  	s4 =	simm.s32 $_size__tile_overlayer_lowered;
	s5 =	simm.s32 $_tile_overlayer_lowered  }
0x9b: {  	s22 =	simm.s32 $0x1BFF;
	s21 =	sshll.u32 s5, $0x1;
	s2 =	sadd.s32 s19, s18  }
0x9c: {  	s6 =	simm.s32 $0x0;
	s20 =	sshll.u32 s4, $0x1;
	s4 =	sadd.s32 s21, s2  }
0x9d: {  	[timem:s6], [sflag:s22] =	dma.local [hbm:s4], s20  }
0x9e: {  	_ =	swait.ge [sflag:s22], s20  }
0x9f: {  	s3 =	ssub.s32 $0x0, s20;
	[sflag:s22] =	ssyncset.done $0x0  }
0xa0: {  	[sflag:s22] =	ssyncadd.s32 s3;
	_ =	sdelay $0x1  }
0xa1: {  	s23 =	simm.s32 $0x1B8B  }
0xa2: {  	_ =	swait.ge [sflag:s23], $0x1  }
0xa3: {  	[sflag:s23] =	ssyncset.done $0x0  }
0xa4: {  	s25 =	simm.s32 $0x1B8E;
	s24 =	sld [smem:$0x3FFE];
	[sflag:s23] =	ssyncadd.s32 $0xFFFFFFFF  }
0xa5: {  	s26 =	simm.s32 $execute0_lowered;
	[smem:$0x3FD2] =	sst s25  }
0xa6: {  	s4 =	sshll.u32 s26, $0x1;
	_ =	strace $0x80000049;
	[dreg:$0x1] =	wrdreg $0xFFFFFFFF  }
0xa7: {  	s28 =	simm.s32 $_size_execute0_lowered;
	s2 =	sadd.s32 s2, s4;
	[dreg:$0x0] =	wrdreg $0x0  }
0xa8: {  	s4 =	sshll.u32 s28, $0x1;
	[dreg:$0x2] =	wrdreg s2  }
0xa9: {  	[dreg:$0x3] =	wrdreg s4  }
0xaa: {  	[dreg:$0x4] =	wrdreg $0xC0  }
0xab: {  	_ =	task [dreg:s6], $0x5FFFF  }
0xac: {  	[dreg:$0x1] =	wrdreg $0xFFFFFFFF  }
0xad: {  	[dreg:$0x0] =	wrdreg $0x60  }
0xae: {  	[dreg:$0x2] =	wrdreg s24  }
0xaf: {  	[dreg:$0x3] =	wrdreg $0xB0000  }
0xb0: {  	[dreg:$0x4] =	wrdreg $0x9  }
0xb1: {  	_ =	task.clear_ibuf [dreg:s6], $0x5FFFF;
	_ =	strace $0x90000049  }
0xb2: {  	s29 =	simm.s32 $0x9;
	_ =	strace $0x8000004B  }
0xb3: {  	_ =	swait.ge [sflag:s29], $0x1  }
0xb4: {  	[sflag:s29] =	ssyncadd.s32 $0xFFFFFFFF  }
0xb5: {  	_ =	strace $0x9000004B  }
0xb6: {  	_ =	sfence  }
0xb7: {  	s30 =	sld [smem:$0x0];
	_ =	sdelay $0x2  }
0xb8: {  	s31 =	sshll.u32 s1, $0xD;
	s1 =	sshrl.u32 s1, $0x2  }
0xb9: {  	s3 =	sand.u32 $0x4000, s31;
	s1 =	sadd.s32 s1, s30  }
0xba: {  	s0 =	sor.u32 s3, s0;
	s1 =	sshll.u32 s1, $0x11  }
0xbb: {  	s0 =	sor.u32 s1, s0  }
0xbc: {  	s0 =	sadd.s32 $0x8F2B, s0  }
0xbd: {  	[sflag:s0] =	ssyncadd.remote.s32 $0x1  }
0xbe: {  	_ =	sfence.sel $0xFFFF  }
0xbf: {  	[dreg:$0x0] =	wrdreg $0xFFFFFFFF;
	(pc) =	sbr.abs _section_cstart, $3  }
0xc0: {  	[dreg:$0x1] =	wrdreg $0xFFFFFFFF  }
0xc1: {  	_ =	task.clear_ibuf [dreg:s6], $0x2FFFF;
	_ =	strace $0x9FFFFFFF  }
0xc2: {  	(tm) =	ssettm $0x7FFFFFFF  }
0xc3: {  	_ =	shalt  }
tec
execute0_lowered:
.L_overlay_start_1:
0x0: {  	(tag) =	ssettag $0x1  }
0x1: {  	s9 =	stileid.u32  }
0x2: {  	s1 =	srdreg.scid;
	s3 =	smul.u32 $0x2800, s9  }
0x3: {  	s1 =	sand.u32 $0x1, s1;
	s6 =	smul.u32 $0x50000, s9  }
0x4: {  	s0 =	rddreg [dreg:$0x0];
	s5 =	smul.u32 $0x28000, s1  }
0x5: {  	s2 =	rddreg [dreg:$0x1];
	s15 =	sshrl.u32 s6, $0x2  }
0x6: {  	s4 =	simm.s32 $0x0;
	s3 =	sadd.s32 s3, s5;
	s5 =	sadd.s32 s15, s2  }
0x7: {  	[smem:$0x7FF] =	sst s4;
	s17 =	sadd.s32 $0x800, s5  }
0x8: {  	_ =	strace $0x8000004A;
	s18 =	sadd.s32 $0x1000, s5;
	[dreg:$0x3] =	wrdreg s17  }
0x9: {  	s19 =	sadd.s32 $0x1800, s5;
	[dreg:$0x4] =	wrdreg s18  }
0xa: {  	s20 =	sadd.s32 $0x2000, s5;
	[dreg:$0x5] =	wrdreg s19  }
0xb: {  	s28 =	simm.s32 $0x50;
	s21 =	sadd.s32 $0x2800, s5;
	[dreg:$0x6] =	wrdreg s20  }
0xc: {  	s4 =	sadd.s32 $0x4600, s0;
	s22 =	sadd.s32 $0x3000, s5;
	[dreg:$0x7] =	wrdreg s21  }
0xd: {  	s7 =	sadd.s32 $0xC3E00, s0;
	s23 =	sadd.s32 $0x3800, s5;
	[dreg:$0x8] =	wrdreg s22  }
0xe: {  	s8 =	ssub.s32 $0x2, s1;
	s24 =	sadd.s32 $0x4000, s5;
	[dreg:$0x9] =	wrdreg s23  }
0xf: {  	s16 =	sshrl.u32 s8, $0x1;
	s25 =	sadd.s32 $0x4800, s5;
	[dreg:$0xa] =	wrdreg s24  }
0x10: {  	s0 =	sadd.s32 s3, s0;
	s26 =	sadd.s32 $0x5000, s5;
	[dreg:$0xb] =	wrdreg s25  }
0x11: {  	s3 =	ssub.s32 s8, s16;
	s8 =	sadd.s32 $0x5800, s5;
	[dreg:$0xc] =	wrdreg s26  }
0x12: {  	s29 =	simm.s32 $0x8000;
	s10 =	sadd.s32 $0x6000, s5;
	[dreg:$0xd] =	wrdreg s8  }
0x13: {  	s11 =	sshll.u32 s9, $0xC;
	s12 =	sadd.s32 $0x6800, s5;
	[dreg:$0xe] =	wrdreg s10  }
0x14: {  	s1 =	sshll.u32 s1, $0x10;
	s13 =	sadd.s32 $0x7000, s5;
	[dreg:$0xf] =	wrdreg s12  }
0x15: {  	s15 =	sadd.s32 s11, s7;
	s14 =	sadd.s32 $0x7800, s5;
	[dreg:$0x10] =	wrdreg s13  }
0x16: {  	s1 =	sor.u32 s11, s1;
	s6 =	sadd.s32 $0x20000, s15;
	[dreg:$0x11] =	wrdreg s14  }
0x17: {  	s21 =	sadd.s32 s7, s1;
	[dreg:$0x12] =	wrdreg s6;
	s1 =	sadd.s32 $0x20800, s15  }
0x18: {  	s30 =	simm.s32 $0x1;
	s0 =	sadd.s32 $0x54600, s0;
	[dreg:$0x13] =	wrdreg s1  }
0x19: {  	s31 =	simm.s32 $0x0;
	s16 =	smax.u32 s3, $0x1;
	[dreg:$0x14] =	wrdreg s0  }
0x1a: {  	s9 =	sadd.s32 $0xD800, s5;
	s17 =	sadd.s32 $0x8000, s5;
	[dreg:$0x15] =	wrdreg s16  }
0x1b: {  	s11 =	sadd.s32 $0xE800, s5;
	s18 =	sadd.s32 $0x8800, s5;
	[dreg:$0x16] =	wrdreg s17  }
0x1c: {  	s19 =	sadd.s32 $0x9000, s5;
	s20 =	sadd.s32 $0x9800, s5;
	[dreg:$0x17] =	wrdreg s18  }
0x1d: {  	s22 =	sadd.s32 $0xA000, s5;
	s23 =	sadd.s32 $0xA800, s5;
	[dreg:$0x18] =	wrdreg s19  }
0x1e: {  	s24 =	sadd.s32 $0xB000, s5;
	s25 =	sadd.s32 $0xB800, s5;
	[dreg:$0x19] =	wrdreg s20  }
0x1f: {  	s26 =	sadd.s32 $0xC000, s5;
	s7 =	sadd.s32 $0xC800, s5;
	[dreg:$0x1a] =	wrdreg s22  }
0x20: {  	s8 =	sadd.s32 $0xD000, s5;
	s10 =	sadd.s32 $0xE000, s5;
	[dreg:$0x1b] =	wrdreg s23  }
0x21: {  	s12 =	sadd.s32 $0xF000, s5;
	s13 =	sadd.s32 $0xF800, s5;
	[dreg:$0x1c] =	wrdreg s24  }
0x22: {  	s14 =	sadd.s32 $0x10000, s5;
	s15 =	sadd.s32 $0x10800, s5;
	[dreg:$0x1d] =	wrdreg s25  }
0x23: {  	[dreg:$0x1e] =	wrdreg s26;
	s16 =	sadd.s32 $0x11000, s5;
	s17 =	sadd.s32 $0x11800, s5  }
0x24: {  	s18 =	sadd.s32 $0x12000, s5;
	s19 =	sadd.s32 $0x12800, s5;
	s20 =	sadd.s32 $0x13000, s5  }
0x25: {  	s22 =	sadd.s32 $0x13800, s5;
	s6 =	smov.u32 s21;
	s23 =	sadd.s32 $0x800, s21  }
0x26: {  	v0 =	vimm.f32 $0.0e+00;
	s24 =	simm.s32 $0xA800;
	s25 =	simm.s32 $0x2;
	s26 =	simm.s32 $0x4000  }
.LBB2_1:
0x27: {  	s1 =	simm.s32 $0x0  }
0x28: {  	s0 =	sand.u32 $0x1E00, s1  }
0x29: {  	s21 =	sand.u32 $0x70, s1;
	s0 =	sshrl.u32 s0, $0x2  }
0x2a: {  	s1 =	simm.s32 $0x40;
	s0 =	sor.u32 s21, s0;
	s21 =	simm.s32 $0x0  }
.LBB2_2:
0x2b: {  	p0 =	sne.s32 s1, $0x1FC0  }
0x2c: {  	[tilespmem:s0+$0xA800] =	vst v0;
	s21 =	sadd.s32 $0x10, s21;
	s0 =	smov.u32 s1;
	s1 =	sadd.s32 $0x40, s1  }
.Ltmp0:
0x2d: {  	(pc) =	sbr.rel @p0 .LBB2_2-.Ltmp0, $4  }
0x2e: {  	_ = 	snop  }
0x2f: {  	s0 =	sand.u32 $0x1E00, s0  }
0x30: {  	s3 =	sand.u32 $0x70, s21;
	s0 =	sshrl.u32 s0, $0x2  }
0x31: {  	s0 =	sor.u32 s3, s0  }
0x32: {  	[tilespmem:s0+$0xA800] =	vst v0  }
0x33: {  	[spmem:s5] =	stream.linear.scatter [tilespmem:s24], [sflag:$0x2], $0x800, $0x38;
	[tilespmem:$0x1F000] =	vst v63  }
0x34: {  	_ =	swait.ge [sflag:s25], $0x800  }
0x35: {  	[sflag:s25] =	ssyncset.done $0x0  }
0x36: {  	s21 =	rddreg [dreg:$0x3];
	[sflag:s25] =	ssyncadd.s32 $0xFFFFF800  }
0x37: {  	[spmem:s21] =	stream.linear.scatter [tilespmem:s24], [sflag:$0x2], $0x800, $0x38;
	[tilespmem:$0x1F000] =	vst v63  }
0x38: {  	_ =	swait.ge [sflag:s25], $0x800  }
0x39: {  	[sflag:s25] =	ssyncset.done $0x0  }
0x3a: {  	s1 =	rddreg [dreg:$0x4];
	[sflag:s25] =	ssyncadd.s32 $0xFFFFF800  }
0x3b: {  	[spmem:s1] =	stream.linear.scatter [tilespmem:s24], [sflag:$0x2], $0x800, $0x38;
	[tilespmem:$0x1F000] =	vst v63  }
0x3c: {  	_ =	swait.ge [sflag:s25], $0x800  }
0x3d: {  	[sflag:s25] =	ssyncset.done $0x0  }
0x3e: {  	s3 =	rddreg [dreg:$0x5];
	[sflag:s25] =	ssyncadd.s32 $0xFFFFF800  }
0x3f: {  	[spmem:s3] =	stream.linear.scatter [tilespmem:s24], [sflag:$0x2], $0x800, $0x38;
	[tilespmem:$0x1F000] =	vst v63  }
0x40: {  	_ =	swait.ge [sflag:s25], $0x800  }
0x41: {  	[sflag:s25] =	ssyncset.done $0x0  }
0x42: {  	s21 =	rddreg [dreg:$0x6];
	[sflag:s25] =	ssyncadd.s32 $0xFFFFF800  }
0x43: {  	[spmem:s21] =	stream.linear.scatter [tilespmem:s24], [sflag:$0x2], $0x800, $0x38;
	[tilespmem:$0x1F000] =	vst v63  }
0x44: {  	_ =	swait.ge [sflag:s25], $0x800  }
0x45: {  	[sflag:s25] =	ssyncset.done $0x0  }
0x46: {  	s1 =	rddreg [dreg:$0x7];
	[sflag:s25] =	ssyncadd.s32 $0xFFFFF800  }
0x47: {  	[spmem:s1] =	stream.linear.scatter [tilespmem:s24], [sflag:$0x2], $0x800, $0x38;
	[tilespmem:$0x1F000] =	vst v63  }
0x48: {  	_ =	swait.ge [sflag:s25], $0x800  }
0x49: {  	[sflag:s25] =	ssyncset.done $0x0  }
0x4a: {  	s3 =	rddreg [dreg:$0x8];
	[sflag:s25] =	ssyncadd.s32 $0xFFFFF800  }
0x4b: {  	[spmem:s3] =	stream.linear.scatter [tilespmem:s24], [sflag:$0x2], $0x800, $0x38;
	[tilespmem:$0x1F000] =	vst v63  }
0x4c: {  	_ =	swait.ge [sflag:s25], $0x800  }
0x4d: {  	[sflag:s25] =	ssyncset.done $0x0  }
0x4e: {  	s21 =	rddreg [dreg:$0x9];
	[sflag:s25] =	ssyncadd.s32 $0xFFFFF800  }
0x4f: {  	[spmem:s21] =	stream.linear.scatter [tilespmem:s24], [sflag:$0x2], $0x800, $0x38;
	[tilespmem:$0x1F000] =	vst v63  }
0x50: {  	_ =	swait.ge [sflag:s25], $0x800  }
0x51: {  	[sflag:s25] =	ssyncset.done $0x0  }
0x52: {  	s1 =	rddreg [dreg:$0xa];
	[sflag:s25] =	ssyncadd.s32 $0xFFFFF800  }
0x53: {  	[spmem:s1] =	stream.linear.scatter [tilespmem:s24], [sflag:$0x2], $0x800, $0x38;
	[tilespmem:$0x1F000] =	vst v63  }
0x54: {  	_ =	swait.ge [sflag:s25], $0x800  }
0x55: {  	[sflag:s25] =	ssyncset.done $0x0  }
0x56: {  	s3 =	rddreg [dreg:$0xb];
	[sflag:s25] =	ssyncadd.s32 $0xFFFFF800  }
0x57: {  	[spmem:s3] =	stream.linear.scatter [tilespmem:s24], [sflag:$0x2], $0x800, $0x38;
	[tilespmem:$0x1F000] =	vst v63  }
0x58: {  	_ =	swait.ge [sflag:s25], $0x800  }
0x59: {  	[sflag:s25] =	ssyncset.done $0x0  }
0x5a: {  	s21 =	rddreg [dreg:$0xc];
	[sflag:s25] =	ssyncadd.s32 $0xFFFFF800  }
0x5b: {  	[spmem:s21] =	stream.linear.scatter [tilespmem:s24], [sflag:$0x2], $0x800, $0x38;
	[tilespmem:$0x1F000] =	vst v63  }
0x5c: {  	_ =	swait.ge [sflag:s25], $0x800  }
0x5d: {  	[sflag:s25] =	ssyncset.done $0x0  }
0x5e: {  	s1 =	rddreg [dreg:$0xd];
	[sflag:s25] =	ssyncadd.s32 $0xFFFFF800  }
0x5f: {  	[spmem:s1] =	stream.linear.scatter [tilespmem:s24], [sflag:$0x2], $0x800, $0x38;
	[tilespmem:$0x1F000] =	vst v63  }
0x60: {  	_ =	swait.ge [sflag:s25], $0x800  }
0x61: {  	[sflag:s25] =	ssyncset.done $0x0  }
0x62: {  	s3 =	rddreg [dreg:$0xe];
	[sflag:s25] =	ssyncadd.s32 $0xFFFFF800  }
0x63: {  	[spmem:s3] =	stream.linear.scatter [tilespmem:s24], [sflag:$0x2], $0x800, $0x38;
	[tilespmem:$0x1F000] =	vst v63  }
0x64: {  	_ =	swait.ge [sflag:s25], $0x800  }
0x65: {  	[sflag:s25] =	ssyncset.done $0x0  }
0x66: {  	s21 =	rddreg [dreg:$0xf];
	[sflag:s25] =	ssyncadd.s32 $0xFFFFF800  }
0x67: {  	[spmem:s21] =	stream.linear.scatter [tilespmem:s24], [sflag:$0x2], $0x800, $0x38;
	[tilespmem:$0x1F000] =	vst v63  }
0x68: {  	_ =	swait.ge [sflag:s25], $0x800  }
0x69: {  	[sflag:s25] =	ssyncset.done $0x0  }
0x6a: {  	s1 =	rddreg [dreg:$0x10];
	[sflag:s25] =	ssyncadd.s32 $0xFFFFF800  }
0x6b: {  	[spmem:s1] =	stream.linear.scatter [tilespmem:s24], [sflag:$0x2], $0x800, $0x38;
	[tilespmem:$0x1F000] =	vst v63  }
0x6c: {  	_ =	swait.ge [sflag:s25], $0x800  }
0x6d: {  	[sflag:s25] =	ssyncset.done $0x0  }
0x6e: {  	s3 =	rddreg [dreg:$0x11];
	[sflag:s25] =	ssyncadd.s32 $0xFFFFF800  }
0x6f: {  	[spmem:s3] =	stream.linear.scatter [tilespmem:s24], [sflag:$0x2], $0x800, $0x38;
	[tilespmem:$0x1F000] =	vst v63  }
0x70: {  	_ =	swait.ge [sflag:s25], $0x800  }
0x71: {  	[sflag:s25] =	ssyncset.done $0x0  }
0x72: {  	s21 =	rddreg [dreg:$0x16];
	[sflag:s25] =	ssyncadd.s32 $0xFFFFF800  }
0x73: {  	[spmem:s21] =	stream.linear.scatter [tilespmem:s24], [sflag:$0x2], $0x800, $0x38;
	[tilespmem:$0x1F000] =	vst v63  }
0x74: {  	_ =	swait.ge [sflag:s25], $0x800  }
0x75: {  	[sflag:s25] =	ssyncset.done $0x0  }
0x76: {  	s1 =	rddreg [dreg:$0x17];
	[sflag:s25] =	ssyncadd.s32 $0xFFFFF800  }
0x77: {  	[spmem:s1] =	stream.linear.scatter [tilespmem:s24], [sflag:$0x2], $0x800, $0x38;
	[tilespmem:$0x1F000] =	vst v63  }
0x78: {  	_ =	swait.ge [sflag:s25], $0x800  }
0x79: {  	[sflag:s25] =	ssyncset.done $0x0  }
0x7a: {  	s3 =	rddreg [dreg:$0x18];
	[sflag:s25] =	ssyncadd.s32 $0xFFFFF800  }
0x7b: {  	[spmem:s3] =	stream.linear.scatter [tilespmem:s24], [sflag:$0x2], $0x800, $0x38;
	[tilespmem:$0x1F000] =	vst v63  }
0x7c: {  	_ =	swait.ge [sflag:s25], $0x800  }
0x7d: {  	[sflag:s25] =	ssyncset.done $0x0  }
0x7e: {  	s21 =	rddreg [dreg:$0x19];
	[sflag:s25] =	ssyncadd.s32 $0xFFFFF800  }
0x7f: {  	[spmem:s21] =	stream.linear.scatter [tilespmem:s24], [sflag:$0x2], $0x800, $0x38;
	[tilespmem:$0x1F000] =	vst v63  }
0x80: {  	_ =	swait.ge [sflag:s25], $0x800  }
0x81: {  	[sflag:s25] =	ssyncset.done $0x0  }
0x82: {  	s1 =	rddreg [dreg:$0x1a];
	[sflag:s25] =	ssyncadd.s32 $0xFFFFF800  }
0x83: {  	[spmem:s1] =	stream.linear.scatter [tilespmem:s24], [sflag:$0x2], $0x800, $0x38;
	[tilespmem:$0x1F000] =	vst v63  }
0x84: {  	_ =	swait.ge [sflag:s25], $0x800  }
0x85: {  	[sflag:s25] =	ssyncset.done $0x0  }
0x86: {  	s3 =	rddreg [dreg:$0x1b];
	[sflag:s25] =	ssyncadd.s32 $0xFFFFF800  }
0x87: {  	[spmem:s3] =	stream.linear.scatter [tilespmem:s24], [sflag:$0x2], $0x800, $0x38;
	[tilespmem:$0x1F000] =	vst v63  }
0x88: {  	_ =	swait.ge [sflag:s25], $0x800  }
0x89: {  	[sflag:s25] =	ssyncset.done $0x0  }
0x8a: {  	s21 =	rddreg [dreg:$0x1c];
	[sflag:s25] =	ssyncadd.s32 $0xFFFFF800  }
0x8b: {  	[spmem:s21] =	stream.linear.scatter [tilespmem:s24], [sflag:$0x2], $0x800, $0x38;
	[tilespmem:$0x1F000] =	vst v63  }
0x8c: {  	_ =	swait.ge [sflag:s25], $0x800  }
0x8d: {  	[sflag:s25] =	ssyncset.done $0x0  }
0x8e: {  	s1 =	rddreg [dreg:$0x1d];
	[sflag:s25] =	ssyncadd.s32 $0xFFFFF800  }
0x8f: {  	[spmem:s1] =	stream.linear.scatter [tilespmem:s24], [sflag:$0x2], $0x800, $0x38;
	[tilespmem:$0x1F000] =	vst v63  }
0x90: {  	_ =	swait.ge [sflag:s25], $0x800  }
0x91: {  	[sflag:s25] =	ssyncset.done $0x0  }
0x92: {  	s3 =	rddreg [dreg:$0x1e];
	[sflag:s25] =	ssyncadd.s32 $0xFFFFF800  }
0x93: {  	[spmem:s3] =	stream.linear.scatter [tilespmem:s24], [sflag:$0x2], $0x800, $0x38;
	[tilespmem:$0x1F000] =	vst v63  }
0x94: {  	_ =	swait.ge [sflag:s25], $0x800  }
0x95: {  	[sflag:s25] =	ssyncset.done $0x0  }
0x96: {  	[sflag:s25] =	ssyncadd.s32 $0xFFFFF800  }
0x97: {  	[spmem:s7] =	stream.linear.scatter [tilespmem:s24], [sflag:$0x2], $0x800, $0x38;
	[tilespmem:$0x1F000] =	vst v63  }
0x98: {  	_ =	swait.ge [sflag:s25], $0x800  }
0x99: {  	[sflag:s25] =	ssyncset.done $0x0  }
0x9a: {  	[sflag:s25] =	ssyncadd.s32 $0xFFFFF800  }
0x9b: {  	[spmem:s8] =	stream.linear.scatter [tilespmem:s24], [sflag:$0x2], $0x800, $0x38;
	[tilespmem:$0x1F000] =	vst v63  }
0x9c: {  	_ =	swait.ge [sflag:s25], $0x800  }
0x9d: {  	[sflag:s25] =	ssyncset.done $0x0  }
0x9e: {  	[sflag:s25] =	ssyncadd.s32 $0xFFFFF800  }
0x9f: {  	[spmem:s9] =	stream.linear.scatter [tilespmem:s24], [sflag:$0x2], $0x800, $0x38;
	[tilespmem:$0x1F000] =	vst v63  }
0xa0: {  	_ =	swait.ge [sflag:s25], $0x800  }
0xa1: {  	[sflag:s25] =	ssyncset.done $0x0  }
0xa2: {  	[sflag:s25] =	ssyncadd.s32 $0xFFFFF800  }
0xa3: {  	[spmem:s10] =	stream.linear.scatter [tilespmem:s24], [sflag:$0x2], $0x800, $0x38;
	[tilespmem:$0x1F000] =	vst v63  }
0xa4: {  	_ =	swait.ge [sflag:s25], $0x800  }
0xa5: {  	[sflag:s25] =	ssyncset.done $0x0  }
0xa6: {  	[sflag:s25] =	ssyncadd.s32 $0xFFFFF800  }
0xa7: {  	[spmem:s11] =	stream.linear.scatter [tilespmem:s24], [sflag:$0x2], $0x800, $0x38;
	[tilespmem:$0x1F000] =	vst v63  }
0xa8: {  	_ =	swait.ge [sflag:s25], $0x800  }
0xa9: {  	[sflag:s25] =	ssyncset.done $0x0  }
0xaa: {  	[sflag:s25] =	ssyncadd.s32 $0xFFFFF800  }
0xab: {  	[spmem:s12] =	stream.linear.scatter [tilespmem:s24], [sflag:$0x2], $0x800, $0x38;
	[tilespmem:$0x1F000] =	vst v63  }
0xac: {  	_ =	swait.ge [sflag:s25], $0x800  }
0xad: {  	[sflag:s25] =	ssyncset.done $0x0  }
0xae: {  	[sflag:s25] =	ssyncadd.s32 $0xFFFFF800  }
0xaf: {  	[spmem:s13] =	stream.linear.scatter [tilespmem:s24], [sflag:$0x2], $0x800, $0x38;
	[tilespmem:$0x1F000] =	vst v63  }
0xb0: {  	_ =	swait.ge [sflag:s25], $0x800  }
0xb1: {  	[sflag:s25] =	ssyncset.done $0x0  }
0xb2: {  	[sflag:s25] =	ssyncadd.s32 $0xFFFFF800  }
0xb3: {  	[spmem:s14] =	stream.linear.scatter [tilespmem:s24], [sflag:$0x2], $0x800, $0x38;
	[tilespmem:$0x1F000] =	vst v63  }
0xb4: {  	_ =	swait.ge [sflag:s25], $0x800  }
0xb5: {  	[sflag:s25] =	ssyncset.done $0x0  }
0xb6: {  	[sflag:s25] =	ssyncadd.s32 $0xFFFFF800  }
0xb7: {  	[spmem:s15] =	stream.linear.scatter [tilespmem:s24], [sflag:$0x2], $0x800, $0x38;
	[tilespmem:$0x1F000] =	vst v63  }
0xb8: {  	_ =	swait.ge [sflag:s25], $0x800  }
0xb9: {  	[sflag:s25] =	ssyncset.done $0x0  }
0xba: {  	[sflag:s25] =	ssyncadd.s32 $0xFFFFF800  }
0xbb: {  	[spmem:s16] =	stream.linear.scatter [tilespmem:s24], [sflag:$0x2], $0x800, $0x38;
	[tilespmem:$0x1F000] =	vst v63  }
0xbc: {  	_ =	swait.ge [sflag:s25], $0x800  }
0xbd: {  	[sflag:s25] =	ssyncset.done $0x0  }
0xbe: {  	[sflag:s25] =	ssyncadd.s32 $0xFFFFF800  }
0xbf: {  	[spmem:s17] =	stream.linear.scatter [tilespmem:s24], [sflag:$0x2], $0x800, $0x38;
	[tilespmem:$0x1F000] =	vst v63  }
0xc0: {  	_ =	swait.ge [sflag:s25], $0x800  }
0xc1: {  	[sflag:s25] =	ssyncset.done $0x0  }
0xc2: {  	[sflag:s25] =	ssyncadd.s32 $0xFFFFF800  }
0xc3: {  	[spmem:s18] =	stream.linear.scatter [tilespmem:s24], [sflag:$0x2], $0x800, $0x38;
	[tilespmem:$0x1F000] =	vst v63  }
0xc4: {  	_ =	swait.ge [sflag:s25], $0x800  }
0xc5: {  	[sflag:s25] =	ssyncset.done $0x0  }
0xc6: {  	[sflag:s25] =	ssyncadd.s32 $0xFFFFF800  }
0xc7: {  	[spmem:s19] =	stream.linear.scatter [tilespmem:s24], [sflag:$0x2], $0x800, $0x38;
	[tilespmem:$0x1F000] =	vst v63  }
0xc8: {  	_ =	swait.ge [sflag:s25], $0x800  }
0xc9: {  	[sflag:s25] =	ssyncset.done $0x0  }
0xca: {  	[sflag:s25] =	ssyncadd.s32 $0xFFFFF800  }
0xcb: {  	[spmem:s20] =	stream.linear.scatter [tilespmem:s24], [sflag:$0x2], $0x800, $0x38;
	[tilespmem:$0x1F000] =	vst v63  }
0xcc: {  	_ =	swait.ge [sflag:s25], $0x800  }
0xcd: {  	[sflag:s25] =	ssyncset.done $0x0  }
0xce: {  	[sflag:s25] =	ssyncadd.s32 $0xFFFFF800  }
0xcf: {  	[spmem:s22] =	stream.linear.scatter [tilespmem:s24], [sflag:$0x2], $0x800, $0x38;
	[tilespmem:$0x1F000] =	vst v63  }
0xd0: {  	_ =	swait.ge [sflag:s25], $0x800  }
0xd1: {  	[sflag:s25] =	ssyncset.done $0x0  }
0xd2: {  	[sflag:s25] =	ssyncadd.s32 $0xFFFFF800  }
0xd3: {  	s21 =	simm.s32 $0x0;
	[bflag:$0x0] =	sbarrier.arrive $0xFFFF  }
0xd4: {  	[tilespmem:s21], [sflag:$0x2] =	stream.linear.gather [hbm4b:s6+s21], $0x3E80, $0x38;
	[tilespmem:$0x1F000] =	vst v63  }
0xd5: {  	_ =	swait.ge [sflag:s25], $0x3E80  }
0xd6: {  	[sflag:s25] =	ssyncset.done $0x0  }
0xd7: {  	s1 =	rddreg [dreg:$0x12];
	[sflag:s25] =	ssyncadd.s32 $0xFFFFC180  }
0xd8: {  	[tilespmem:s26], [sflag:$0x2] =	stream.linear.gather [hbm4b:s1+s21], $0x3E80, $0x38;
	[tilespmem:$0x1F000] =	vst v63  }
0xd9: {  	_ =	swait.ge [sflag:s25], $0x3E80  }
0xda: {  	[sflag:s25] =	ssyncset.done $0x0  }
0xdb: {  	s3 =	simm.s32 $0x0;
	[sflag:s25] =	ssyncadd.s32 $0xFFFFC180  }
0xdc: {  	[tilespmem:s29], [sflag:$0x1] =	stream.indirect.gather [hbm4b:s4+s28], $0x80, s3, s28, $0xb8;
	[tilespmem:$0x1F000] =	vst v63  }
0xdd: {  	_ =	swait.ge [sflag:s30], $0x2800  }
0xde: {  	[sflag:s30] =	ssyncset.done $0x0  }
0xdf: {  	s21 =	simm.s32 $0x4000;
	[sflag:s30] =	ssyncadd.s32 $0xFFFFD800  }
0xe0: {  	[spmem:s2] =	stream.indirect.scatter.add.f32 [tilespmem:s29], [sflag:$0x2], $0x80, s21, s28, $0xb8;
	[tilespmem:$0x1F000] =	vst v63  }
0xe1: {  	_ =	swait.ge [sflag:s25], $0x2800  }
0xe2: {  	s1 =	simm.s32 $0x200;
	s21 =	simm.s32 $0x400;
	[sflag:s25] =	ssyncset.done $0x0  }
.LBB2_4:
0xe3: {  	s0 =	sshra.s32 s1, $0x2  }
0xe4: {  	[sflag:s25] =	ssyncadd.s32 $0xFFFFD800;
	s1 =	smov.u32 s21;
	s3 =	sadd.s32 $0x200, s21  }
0xe5: {  	[tilespmem:s29], [sflag:$0x1] =	stream.indirect.gather [hbm4b:s4+s28], $0x80, s0, s28, $0xb8;
	[tilespmem:$0x1F000] =	vst v63  }
0xe6: {  	p0 =	sne.s32 s21, $0xF800;
	_ =	swait.ge [sflag:s30], $0x2800  }
.Ltmp1:
0xe7: {  	[sflag:s30] =	ssyncset.done $0x0;
	(pc) =	sbr.rel @p0 .LBB2_4-.Ltmp1, $4  }
0xe8: {  	s0 =	sadd.s32 $0x4000, s0;
	[sflag:s30] =	ssyncadd.s32 $0xFFFFD800  }
0xe9: {  	[spmem:s2] =	stream.indirect.scatter.add.f32 [tilespmem:s29], [sflag:$0x2], $0x80, s0, s28, $0xb8;
	[tilespmem:$0x1F000] =	vst v63  }
0xea: {  	_ =	swait.ge [sflag:s25], $0x2800  }
0xeb: {  	s21 =	smov.u32 s3;
	[sflag:s25] =	ssyncset.done $0x0  }
0xec: {  	s0 =	sshra.s32 s1, $0x2;
	[sflag:s25] =	ssyncadd.s32 $0xFFFFD800  }
0xed: {  	[tilespmem:s29], [sflag:$0x1] =	stream.indirect.gather [hbm4b:s4+s28], $0x80, s0, s28, $0xb8;
	[tilespmem:$0x1F000] =	vst v63  }
0xee: {  	_ =	swait.ge [sflag:s30], $0x2800  }
0xef: {  	[sflag:s30] =	ssyncset.done $0x0  }
0xf0: {  	s0 =	sadd.s32 $0x4000, s0;
	[sflag:s30] =	ssyncadd.s32 $0xFFFFD800  }
0xf1: {  	[spmem:s2] =	stream.indirect.scatter.add.f32 [tilespmem:s29], [sflag:$0x2], $0x80, s0, s28, $0xb8;
	[tilespmem:$0x1F000] =	vst v63  }
0xf2: {  	_ =	swait.ge [sflag:s25], $0x2800  }
0xf3: {  	[sflag:s25] =	ssyncset.done $0x0  }
0xf4: {  	s3 =	simm.s32 $0x0;
	[sflag:s25] =	ssyncadd.s32 $0xFFFFD800  }
0xf5: {  	[tilespmem:s3], [sflag:$0x2] =	stream.linear.gather [hbm4b:s23+s3], $0x3E80, $0x38;
	[tilespmem:$0x1F000] =	vst v63  }
0xf6: {  	_ =	swait.ge [sflag:s25], $0x3E80  }
0xf7: {  	[sflag:s25] =	ssyncset.done $0x0  }
0xf8: {  	s21 =	rddreg [dreg:$0x13];
	[sflag:s25] =	ssyncadd.s32 $0xFFFFC180  }
0xf9: {  	[tilespmem:s26], [sflag:$0x2] =	stream.linear.gather [hbm4b:s21+s3], $0x3E80, $0x38;
	[tilespmem:$0x1F000] =	vst v63  }
0xfa: {  	_ =	swait.ge [sflag:s25], $0x3E80  }
0xfb: {  	[sflag:s25] =	ssyncset.done $0x0  }
0xfc: {  	s3 =	simm.s32 $0x0;
	[sflag:s25] =	ssyncadd.s32 $0xFFFFC180  }
0xfd: {  	[tilespmem:s29], [sflag:$0x1] =	stream.indirect.gather [hbm4b:s4+s28], $0x80, s3, s28, $0xb8;
	[tilespmem:$0x1F000] =	vst v63  }
0xfe: {  	_ =	swait.ge [sflag:s30], $0x2800  }
0xff: {  	[sflag:s30] =	ssyncset.done $0x0  }
0x100: {  	s21 =	simm.s32 $0x4000;
	[sflag:s30] =	ssyncadd.s32 $0xFFFFD800  }
0x101: {  	[spmem:s2] =	stream.indirect.scatter.add.f32 [tilespmem:s29], [sflag:$0x2], $0x80, s21, s28, $0xb8;
	[tilespmem:$0x1F000] =	vst v63  }
0x102: {  	_ =	swait.ge [sflag:s25], $0x2800  }
0x103: {  	s1 =	simm.s32 $0x200;
	s21 =	simm.s32 $0x400;
	[sflag:s25] =	ssyncset.done $0x0  }
.LBB2_6:
0x104: {  	s0 =	sshra.s32 s1, $0x2  }
0x105: {  	[sflag:s25] =	ssyncadd.s32 $0xFFFFD800;
	s1 =	smov.u32 s21;
	s3 =	sadd.s32 $0x200, s21  }
0x106: {  	[tilespmem:s29], [sflag:$0x1] =	stream.indirect.gather [hbm4b:s4+s28], $0x80, s0, s28, $0xb8;
	[tilespmem:$0x1F000] =	vst v63  }
0x107: {  	p0 =	sne.s32 s21, $0xF800;
	_ =	swait.ge [sflag:s30], $0x2800  }
.Ltmp2:
0x108: {  	[sflag:s30] =	ssyncset.done $0x0;
	(pc) =	sbr.rel @p0 .LBB2_6-.Ltmp2, $4  }
0x109: {  	s0 =	sadd.s32 $0x4000, s0;
	[sflag:s30] =	ssyncadd.s32 $0xFFFFD800  }
0x10a: {  	[spmem:s2] =	stream.indirect.scatter.add.f32 [tilespmem:s29], [sflag:$0x2], $0x80, s0, s28, $0xb8;
	[tilespmem:$0x1F000] =	vst v63  }
0x10b: {  	_ =	swait.ge [sflag:s25], $0x2800  }
0x10c: {  	s21 =	smov.u32 s3;
	[sflag:s25] =	ssyncset.done $0x0  }
0x10d: {  	s0 =	sshra.s32 s1, $0x2;
	[sflag:s25] =	ssyncadd.s32 $0xFFFFD800  }
0x10e: {  	[tilespmem:s29], [sflag:$0x1] =	stream.indirect.gather [hbm4b:s4+s28], $0x80, s0, s28, $0xb8;
	[tilespmem:$0x1F000] =	vst v63  }
0x10f: {  	_ =	swait.ge [sflag:s30], $0x2800  }
0x110: {  	[sflag:s30] =	ssyncset.done $0x0  }
0x111: {  	s0 =	sadd.s32 $0x4000, s0;
	[sflag:s30] =	ssyncadd.s32 $0xFFFFD800  }
0x112: {  	[spmem:s2] =	stream.indirect.scatter.add.f32 [tilespmem:s29], [sflag:$0x2], $0x80, s0, s28, $0xb8;
	[tilespmem:$0x1F000] =	vst v63  }
0x113: {  	_ =	swait.ge [sflag:s25], $0x2800  }
0x114: {  	[sflag:s25] =	ssyncset.done $0x0  }
0x115: {  	s3 =	stileid.u32;
	[sflag:s25] =	ssyncadd.s32 $0xFFFFD800  }
0x116: {  	s0 =	sshll.u32 s3, $0x6;
	[bflag:$0x0] =	sbarrier.arrive $0xFFFF  }
0x117: {  	s21 =	sshrl.u32 s5, $0x3;
	s0 =	sor.u32 $0x1C02, s0;
	s3 =	rddreg [dreg:$0x14]  }
0x118: {  	[hbm:s3], [sflag:s0] =	dma.local [spmem:s21], $0x2800  }
0x119: {  	_ =	swait.ge [sflag:s25], $0x2800  }
0x11a: {  	s31 =	sadd.s32 $0x1, s31;
	s21 =	rddreg [dreg:$0x15]  }
0x11b: {  	p0 =	sne.s32 s31, s21  }
.Ltmp3:
0x11c: {  	_ = 	snop;
	(pc) =	sbr.rel @p0 .LBB2_1-.Ltmp3, $3  }
0x11d: {  	_ =	sdelay $0x1  }
0x11e: {  	[sflag:s25] =	ssyncset.done $0x0  }
0x11f: {  	[sflag:s25] =	ssyncadd.s32 $0xFFFFD800  }
0x120: {  	_ =	sfence.sel $0x180000  }
0x121: {  	[bflag:$0x0] =	sbarrier.arrive $0xFFFF  }
0x122: {  	_ =	strace $0x9000004A  }
0x123: {  	s0 =	stileid.u32;
	[bflag:$0x2] =	sbarrier.arrive $0xFFFF  }
0x124: {  	p0 =	sne.s32 s0, $0x0;
	s0 =	rddreg [dreg:$0x2]  }
0x125: {  	s0 =	sadd.s32 @!p0 $0x100000, s0  }
0x126: {  	[sflag:s0] =	ssyncadd.tile.s32 @!p0 $0x1;
	_ =	shalt  }
.Lfunc_end2:
_tile_overlayer_lowered:
.L_overlay_start_2:
0x127: {  	(tag) =	ssettag $0x2  }
0x128: {  	s0 =	rddreg [dreg:$0x0];
	s2 =	stileid.u32  }
0x129: {  	s1 =	rddreg [dreg:$0x1];
	p0 =	sne.s32 s2, $0x0  }
0x12a: {  	s3 =	rddreg [dreg:$0x2];
	[bflag:$0x3] =	sbarrier.arrive $0xFFFF;
	s2 =	simm.s32 @!p0 $0x1C02  }
0x12b: {  	[timem:s3], [sflag:s2] =	dma.local @!p0 [hbm:s0], s1  }
0x12c: {  	s0 =	simm.s32 @!p0 $0x2  }
0x12d: {  	_ =	swait.ge @!p0 [sflag:s0], s1  }
0x12e: {  	s1 =	ssub.s32 @!p0 $0x0, s1;
	[sflag:s0] =	ssyncset.done @!p0 $0x0  }
0x12f: {  	[sflag:s0] =	ssyncadd.s32 @!p0 s1  }
0x130: {  	[bflag:$0x3] =	sbarrier.arrive $0xFFFF  }
0x131: {  	_ =	shalt  }

// kernel: kernel.14.cloned.1.call-start
scs
__scs_entry_jumppad:
0x0: {  	(pc) =	sbr.rel $0x88, $3  }
0x1: {  	(tag) =	ssettag $0x0;
	lr =	simm.s32 $0x1  }
0x2: {  	[smem:$0x3F84] =	sst lr;
	_ =	strace $0xD0000000  }
0x3: {  	_ = 	snop  }
0x4: {  	_ = 	snop  }
0x5: {  	_ = 	snop  }
0x6: {  	_ = 	snop  }
0x7: {  	_ = 	snop  }
__scs_overlays_trampoline_lowered:
0x8: {  	[smem:$0x3F93] =	sst s0  }
0x9: {  	[smem:$0x3F94] =	sst s1  }
0xa: {  	[smem:$0x3F95] =	sst s2  }
0xb: {  	[smem:$0x3F96] =	sst s3  }
0xc: {  	[smem:$0x3F97] =	sst s4  }
0xd: {  	[smem:$0x3F98] =	sst s5  }
0xe: {  	[smem:$0x3F99] =	sst s6  }
0xf: {  	[smem:$0x3F9A] =	sst s7  }
0x10: {  	[smem:$0x3F9B] =	sst s8  }
0x11: {  	[smem:$0x3F9C] =	sst s9;
	s0 =	simm.s32 @!p0 $0x0  }
0x12: {  	s1 =	sld [smem:$0x3F82];
	s0 =	simm.s32 @p0 $0x1  }
0x13: {  	[smem:$0x3F9D] =	sst s0;
	s0 =	simm.s32 @!p1 $0x0  }
0x14: {  	s2 =	sld [smem:$0x3F81];
	s0 =	simm.s32 @p1 $0x1  }
0x15: {  	[smem:$0x3F9E] =	sst s0;
	s0 =	simm.s32 @!p2 $0x0  }
0x16: {  	s3 =	sld [smem:$0x3FDB];
	s0 =	simm.s32 @p2 $0x1  }
0x17: {  	s4 =	simm.s32 $0x1BF5;
	[smem:$0x3FA0] =	sst s0  }
0x18: {  	s0 =	sld [smem:$0x3F83];
	_ =	swait.ge [sflag:s4], $0x0  }
0x19: {  	s7 =	sld [smem:$0x3F84]  }
0x1a: {  	s8 =	sadd.s32 $0xFFFFE003, lr  }
0x1b: {  	s9 =	sadd.s32 $0xFFFFFEF7, lr;
	s5 =	simm.s32 $0xFFFFFFFF;
	p2 =	slt.u32 s8, $0xFFFFF086  }
0x1c: {  	p1 =	slt.u32 s9, $0xF7A;
	s5 =	simm.s32 @!p2 $0x0  }
0x1d: {  	s5 =	simm.s32 @p1 $0x1;
	p0 =	seq.s32 s7, s2  }
0x1e: {  	s7 =	smul.u32 @!p0 $0xF7A, s2;
	p2 =	seq.s32 @!p0 s5, $0x0  }
0x1f: {  	s9 =	smul.u32 $0xF7A, s1;
	s8 =	simm.s32 @!p0 $0x1BF5;
	p2 =	por !p2, p0  }
0x20: {  	[sflag:s8] =	ssyncset.s32 @!p0 $0xFFFFF086;
	s6 =	sadd.s32 @!p0 s3, s7;
	s7 =	simm.s32 @!p0 $0x108  }
0x21: {  	s3 =	sadd.s32 s3, s9;
	s6 =	sadd.s32 @!p0 $0x88, s6;
	s7 =	simm.s32 @p2 $0x1082  }
0x22: {  	[simem:s7], [sflag:s8] =	dma.local @!p0 [hbm:s6], $0xF7A  }
0x23: {  	s9 =	sor.u32 $0xD0000000, s2;
	s6 =	simm.s32 $0x108;
	_ =	swait.ge @!p0 [sflag:s8], $0x0  }
0x24: {  	s3 =	sadd.s32 $0x88, s3;
	s6 =	simm.s32 @!p1 $0x1082;
	[sflag:s4] =	ssyncset.s32 $0xFFFFF086  }
0x25: {  	[simem:s6], [sflag:s4] =	dma.local [hbm:s3], $0xF7A  }
0x26: {  	[smem:$0x3F84] =	sst s1;
	(tag) =	ssettag s2;
	_ =	strace s9  }
0x27: {  	s1 =	sld [smem:$0x3F94]  }
0x28: {  	s2 =	sld [smem:$0x3F95]  }
0x29: {  	s4 =	sld [smem:$0x3F97]  }
0x2a: {  	p0 =	seq.s32 s5, $0x0;
	s5 =	sld [smem:$0x3F98]  }
0x2b: {  	s6 =	sld [smem:$0x3F99]  }
0x2c: {  	s7 =	sld [smem:$0x3F9A]  }
0x2d: {  	s3 =	simm.s32 $0x108;
	s8 =	sld [smem:$0x3F9B]  }
0x2e: {  	s3 =	simm.s32 @!p0 $0x1082;
	s9 =	sld [smem:$0x3F9C]  }
0x2f: {  	lr =	sadd.s32 s0, s3;
	s0 =	sld [smem:$0x3F93]  }
0x30: {  	s3 =	sld [smem:$0x3F96]  }
0x31: {  	[smem:$0x3F9F] =	sst s10  }
0x32: {  	s10 =	sld [smem:$0x3F9D];
	_ =	sdelay $0x3  }
0x33: {  	p0 =	seq.s32 s10, $0x1;
	s10 =	sld [smem:$0x3F9F];
	_ =	sdelay $0x3  }
0x34: {  	[smem:$0x3F9F] =	sst s10  }
0x35: {  	s10 =	sld [smem:$0x3F9E];
	_ =	sdelay $0x3  }
0x36: {  	p1 =	seq.s32 s10, $0x1;
	s10 =	sld [smem:$0x3F9F];
	_ =	sdelay $0x3  }
0x37: {  	[smem:$0x3F9F] =	sst s10  }
0x38: {  	s10 =	sld [smem:$0x3FA0]  }
0x39: {  	_ = 	snop;
	(pc) =	sbr.ind lr, $3  }
0x3a: {  	_ = 	snop  }
0x3b: {  	_ = 	snop  }
0x3c: {  	p2 =	seq.s32 s10, $0x1;
	s10 =	sld [smem:$0x3F9F]  }
0x3d: {  	_ =	shalt  }
0x3e: {  	_ =	shalt  }
0x3f: {  	_ =	shalt  }
0x40: {  	_ =	shalt  }
0x41: {  	_ =	shalt  }
0x42: {  	_ =	shalt  }
0x43: {  	_ =	shalt  }
0x44: {  	_ =	shalt  }
0x45: {  	_ =	shalt  }
0x46: {  	_ =	shalt  }
0x47: {  	_ =	shalt  }
0x48: {  	_ =	shalt  }
0x49: {  	_ =	shalt  }
0x4a: {  	_ =	shalt  }
0x4b: {  	_ =	shalt  }
0x4c: {  	_ =	shalt  }
0x4d: {  	_ =	shalt  }
0x4e: {  	_ =	shalt  }
0x4f: {  	_ =	shalt  }
0x50: {  	_ =	shalt  }
0x51: {  	_ =	shalt  }
0x52: {  	_ =	shalt  }
0x53: {  	_ =	shalt  }
0x54: {  	_ =	shalt  }
0x55: {  	_ =	shalt  }
0x56: {  	_ =	shalt  }
0x57: {  	_ =	shalt  }
0x58: {  	_ =	shalt  }
0x59: {  	_ =	shalt  }
0x5a: {  	_ =	shalt  }
0x5b: {  	_ =	shalt  }
0x5c: {  	_ =	shalt  }
0x5d: {  	_ =	shalt  }
0x5e: {  	_ =	shalt  }
0x5f: {  	_ =	shalt  }
0x60: {  	_ =	shalt  }
0x61: {  	_ =	shalt  }
0x62: {  	_ =	shalt  }
0x63: {  	_ =	shalt  }
0x64: {  	_ =	shalt  }
0x65: {  	_ =	shalt  }
0x66: {  	_ =	shalt  }
0x67: {  	_ =	shalt  }
0x68: {  	_ =	shalt  }
0x69: {  	_ =	shalt  }
0x6a: {  	_ =	shalt  }
0x6b: {  	_ =	shalt  }
0x6c: {  	_ =	shalt  }
0x6d: {  	_ =	shalt  }
0x6e: {  	_ =	shalt  }
0x6f: {  	_ =	shalt  }
0x70: {  	_ =	shalt  }
0x71: {  	_ =	shalt  }
0x72: {  	_ =	shalt  }
0x73: {  	_ =	shalt  }
0x74: {  	_ =	shalt  }
0x75: {  	_ =	shalt  }
0x76: {  	_ =	shalt  }
0x77: {  	_ =	shalt  }
0x78: {  	_ =	shalt  }
0x79: {  	_ =	shalt  }
0x7a: {  	_ =	shalt  }
0x7b: {  	_ =	shalt  }
0x7c: {  	_ =	shalt  }
0x7d: {  	_ =	shalt  }
0x7e: {  	_ =	shalt  }
0x7f: {  	_ =	shalt  }
0x80: {  	_ =	shalt  }
0x81: {  	_ =	shalt  }
0x82: {  	_ =	shalt  }
0x83: {  	_ =	shalt  }
0x84: {  	_ =	shalt  }
0x85: {  	_ =	shalt  }
0x86: {  	_ =	shalt  }
0x87: {  	_ =	shalt  }
.Lfunc_end0:
.L_simem_size_0:
called_computation.2_lowered:
.L_overlay_start_0:
0x88: {  	s2 =	sld [smem:$0x3FD9]  }
0x89: {  	s3 =	sld [smem:$0x3FFE];
	_ =	sdelay $0x1  }
0x8a: {  	s1 =	srdreg.scid  }
0x8b: {  	s0 =	sand.u32 $0x1, s1  }
0x8c: {  	s16 =	sshll.u32 s0, $0xA;
	s2 =	sadd.s32 s3, s2  }
0x8d: {  	s2 =	sadd.s32 s2, s16  }
0x8e: {  	[smem:$0x3FAB] =	sst s2  }
0x8f: {  	_ = 	snop  }
0x90: {  	(tm) =	ssettm $0x1  }
0x91: {  	s17 =	sld [smem:$0x3FFB];
	_ =	sdelay $0x3  }
0x92: {  	_ =	strace s17  }
0x93: {  	s2 =	sld [smem:$0x3FFC];
	_ =	sdelay $0x3  }
0x94: {  	_ =	strace s2  }
0x95: {  	s2 =	sld [smem:$0x3FFD];
	_ =	sdelay $0x3  }
0x96: {  	_ =	strace s2  }
0x97: {  	_ =	strace $0x8FFFFFFF  }
0x98: {  	s18 =	sld [smem:$0x3FDB];
	_ =	sdelay $0x1  }
0x99: {  	s19 =	simm.s32 $_scs_section_size  }
0x9a: {  	s4 =	simm.s32 $_size__tile_overlayer_lowered;
	s5 =	simm.s32 $_tile_overlayer_lowered  }
0x9b: {  	s22 =	simm.s32 $0x1BFF;
	s21 =	sshll.u32 s5, $0x1;
	s2 =	sadd.s32 s19, s18  }
0x9c: {  	s6 =	simm.s32 $0x0;
	s20 =	sshll.u32 s4, $0x1;
	s4 =	sadd.s32 s21, s2  }
0x9d: {  	[timem:s6], [sflag:s22] =	dma.local [hbm:s4], s20  }
0x9e: {  	_ =	swait.ge [sflag:s22], s20  }
0x9f: {  	s3 =	ssub.s32 $0x0, s20;
	[sflag:s22] =	ssyncset.done $0x0  }
0xa0: {  	[sflag:s22] =	ssyncadd.s32 s3;
	_ =	sdelay $0x1  }
0xa1: {  	s23 =	simm.s32 $0x1B8B  }
0xa2: {  	_ =	swait.ge [sflag:s23], $0x1  }
0xa3: {  	[sflag:s23] =	ssyncset.done $0x0  }
0xa4: {  	s25 =	simm.s32 $0x1B8E;
	s24 =	sld [smem:$0x3FFE];
	[sflag:s23] =	ssyncadd.s32 $0xFFFFFFFF  }
0xa5: {  	s26 =	simm.s32 $execute0_lowered;
	[smem:$0x3FD2] =	sst s25  }
0xa6: {  	s4 =	sshll.u32 s26, $0x1;
	_ =	strace $0x8000004C;
	[dreg:$0x1] =	wrdreg $0xFFFFFFFF  }
0xa7: {  	s28 =	simm.s32 $_size_execute0_lowered;
	s2 =	sadd.s32 s2, s4;
	[dreg:$0x0] =	wrdreg $0x0  }
0xa8: {  	s4 =	sshll.u32 s28, $0x1;
	[dreg:$0x2] =	wrdreg s2  }
0xa9: {  	[dreg:$0x3] =	wrdreg s4  }
0xaa: {  	[dreg:$0x4] =	wrdreg $0xC0  }
0xab: {  	_ =	task [dreg:s6], $0x5FFFF  }
0xac: {  	[dreg:$0x1] =	wrdreg $0xFFFFFFFF  }
0xad: {  	[dreg:$0x0] =	wrdreg $0x60  }
0xae: {  	[dreg:$0x2] =	wrdreg s24  }
0xaf: {  	[dreg:$0x3] =	wrdreg $0xB0000  }
0xb0: {  	[dreg:$0x4] =	wrdreg $0x9  }
0xb1: {  	_ =	task.clear_ibuf [dreg:s6], $0x5FFFF;
	_ =	strace $0x9000004C  }
0xb2: {  	s29 =	simm.s32 $0x9;
	_ =	strace $0x8000004E  }
0xb3: {  	_ =	swait.ge [sflag:s29], $0x1  }
0xb4: {  	[sflag:s29] =	ssyncadd.s32 $0xFFFFFFFF  }
0xb5: {  	_ =	strace $0x9000004E  }
0xb6: {  	_ =	sfence  }
0xb7: {  	s30 =	sld [smem:$0x0];
	_ =	sdelay $0x2  }
0xb8: {  	s31 =	sshll.u32 s1, $0xD;
	s1 =	sshrl.u32 s1, $0x2  }
0xb9: {  	s3 =	sand.u32 $0x4000, s31;
	s1 =	sadd.s32 s1, s30  }
0xba: {  	s0 =	sor.u32 s3, s0;
	s1 =	sshll.u32 s1, $0x11  }
0xbb: {  	s0 =	sor.u32 s1, s0  }
0xbc: {  	s0 =	sadd.s32 $0x8F2B, s0  }
0xbd: {  	[sflag:s0] =	ssyncadd.remote.s32 $0x1  }
0xbe: {  	_ =	sfence.sel $0xFFFF  }
0xbf: {  	[dreg:$0x0] =	wrdreg $0xFFFFFFFF;
	(pc) =	sbr.abs _section_cstart, $3  }
0xc0: {  	[dreg:$0x1] =	wrdreg $0xFFFFFFFF  }
0xc1: {  	_ =	task.clear_ibuf [dreg:s6], $0x2FFFF;
	_ =	strace $0x9FFFFFFF  }
0xc2: {  	(tm) =	ssettm $0x7FFFFFFF  }
0xc3: {  	_ =	shalt  }
tec
execute0_lowered:
.L_overlay_start_1:
0x0: {  	(tag) =	ssettag $0x1  }
0x1: {  	s9 =	stileid.u32  }
0x2: {  	s1 =	srdreg.scid;
	s3 =	smul.u32 $0x2800, s9  }
0x3: {  	s1 =	sand.u32 $0x1, s1;
	s6 =	smul.u32 $0x50000, s9  }
0x4: {  	s0 =	rddreg [dreg:$0x0];
	s5 =	smul.u32 $0x28000, s1  }
0x5: {  	s2 =	rddreg [dreg:$0x1];
	s15 =	sshrl.u32 s6, $0x2  }
0x6: {  	s4 =	simm.s32 $0x0;
	s3 =	sadd.s32 s3, s5;
	s5 =	sadd.s32 s15, s2  }
0x7: {  	[smem:$0x7FF] =	sst s4;
	s17 =	sadd.s32 $0x800, s5  }
0x8: {  	_ =	strace $0x8000004D;
	s18 =	sadd.s32 $0x1000, s5;
	[dreg:$0x3] =	wrdreg s17  }
0x9: {  	s19 =	sadd.s32 $0x1800, s5;
	[dreg:$0x4] =	wrdreg s18  }
0xa: {  	s20 =	sadd.s32 $0x2000, s5;
	[dreg:$0x5] =	wrdreg s19  }
0xb: {  	s28 =	simm.s32 $0x50;
	s21 =	sadd.s32 $0x2800, s5;
	[dreg:$0x6] =	wrdreg s20  }
0xc: {  	s4 =	sadd.s32 $0x4600, s0;
	s22 =	sadd.s32 $0x3000, s5;
	[dreg:$0x7] =	wrdreg s21  }
0xd: {  	s7 =	sadd.s32 $0xC3E00, s0;
	s23 =	sadd.s32 $0x3800, s5;
	[dreg:$0x8] =	wrdreg s22  }
0xe: {  	s8 =	ssub.s32 $0x2, s1;
	s24 =	sadd.s32 $0x4000, s5;
	[dreg:$0x9] =	wrdreg s23  }
0xf: {  	s16 =	sshrl.u32 s8, $0x1;
	s25 =	sadd.s32 $0x4800, s5;
	[dreg:$0xa] =	wrdreg s24  }
0x10: {  	s0 =	sadd.s32 s3, s0;
	s26 =	sadd.s32 $0x5000, s5;
	[dreg:$0xb] =	wrdreg s25  }
0x11: {  	s3 =	ssub.s32 s8, s16;
	s8 =	sadd.s32 $0x5800, s5;
	[dreg:$0xc] =	wrdreg s26  }
0x12: {  	s29 =	simm.s32 $0x8000;
	s10 =	sadd.s32 $0x6000, s5;
	[dreg:$0xd] =	wrdreg s8  }
0x13: {  	s11 =	sshll.u32 s9, $0xC;
	s12 =	sadd.s32 $0x6800, s5;
	[dreg:$0xe] =	wrdreg s10  }
0x14: {  	s1 =	sshll.u32 s1, $0x10;
	s13 =	sadd.s32 $0x7000, s5;
	[dreg:$0xf] =	wrdreg s12  }
0x15: {  	s15 =	sadd.s32 s11, s7;
	s14 =	sadd.s32 $0x7800, s5;
	[dreg:$0x10] =	wrdreg s13  }
0x16: {  	s1 =	sor.u32 s11, s1;
	s6 =	sadd.s32 $0x20000, s15;
	[dreg:$0x11] =	wrdreg s14  }
0x17: {  	s21 =	sadd.s32 s7, s1;
	[dreg:$0x12] =	wrdreg s6;
	s1 =	sadd.s32 $0x20800, s15  }
0x18: {  	s30 =	simm.s32 $0x1;
	s0 =	sadd.s32 $0x54600, s0;
	[dreg:$0x13] =	wrdreg s1  }
0x19: {  	s31 =	simm.s32 $0x0;
	s16 =	smax.u32 s3, $0x1;
	[dreg:$0x14] =	wrdreg s0  }
0x1a: {  	s9 =	sadd.s32 $0xD800, s5;
	s17 =	sadd.s32 $0x8000, s5;
	[dreg:$0x15] =	wrdreg s16  }
0x1b: {  	s11 =	sadd.s32 $0xE800, s5;
	s18 =	sadd.s32 $0x8800, s5;
	[dreg:$0x16] =	wrdreg s17  }
0x1c: {  	s19 =	sadd.s32 $0x9000, s5;
	s20 =	sadd.s32 $0x9800, s5;
	[dreg:$0x17] =	wrdreg s18  }
0x1d: {  	s22 =	sadd.s32 $0xA000, s5;
	s23 =	sadd.s32 $0xA800, s5;
	[dreg:$0x18] =	wrdreg s19  }
0x1e: {  	s24 =	sadd.s32 $0xB000, s5;
	s25 =	sadd.s32 $0xB800, s5;
	[dreg:$0x19] =	wrdreg s20  }
0x1f: {  	s26 =	sadd.s32 $0xC000, s5;
	s7 =	sadd.s32 $0xC800, s5;
	[dreg:$0x1a] =	wrdreg s22  }
0x20: {  	s8 =	sadd.s32 $0xD000, s5;
	s10 =	sadd.s32 $0xE000, s5;
	[dreg:$0x1b] =	wrdreg s23  }
0x21: {  	s12 =	sadd.s32 $0xF000, s5;
	s13 =	sadd.s32 $0xF800, s5;
	[dreg:$0x1c] =	wrdreg s24  }
0x22: {  	s14 =	sadd.s32 $0x10000, s5;
	s15 =	sadd.s32 $0x10800, s5;
	[dreg:$0x1d] =	wrdreg s25  }
0x23: {  	[dreg:$0x1e] =	wrdreg s26;
	s16 =	sadd.s32 $0x11000, s5;
	s17 =	sadd.s32 $0x11800, s5  }
0x24: {  	s18 =	sadd.s32 $0x12000, s5;
	s19 =	sadd.s32 $0x12800, s5;
	s20 =	sadd.s32 $0x13000, s5  }
0x25: {  	s22 =	sadd.s32 $0x13800, s5;
	s6 =	smov.u32 s21;
	s23 =	sadd.s32 $0x800, s21  }
0x26: {  	v0 =	vimm.f32 $0.0e+00;
	s24 =	simm.s32 $0xA800;
	s25 =	simm.s32 $0x2;
	s26 =	simm.s32 $0x4000  }
.LBB2_1:
0x27: {  	s1 =	simm.s32 $0x0  }
0x28: {  	s0 =	sand.u32 $0x1E00, s1  }
0x29: {  	s21 =	sand.u32 $0x70, s1;
	s0 =	sshrl.u32 s0, $0x2  }
0x2a: {  	s1 =	simm.s32 $0x40;
	s0 =	sor.u32 s21, s0;
	s21 =	simm.s32 $0x0  }
.LBB2_2:
0x2b: {  	p0 =	sne.s32 s1, $0x1FC0  }
0x2c: {  	[tilespmem:s0+$0xA800] =	vst v0;
	s21 =	sadd.s32 $0x10, s21;
	s0 =	smov.u32 s1;
	s1 =	sadd.s32 $0x40, s1  }
.Ltmp0:
0x2d: {  	(pc) =	sbr.rel @p0 .LBB2_2-.Ltmp0, $4  }
0x2e: {  	_ = 	snop  }
0x2f: {  	s0 =	sand.u32 $0x1E00, s0  }
0x30: {  	s3 =	sand.u32 $0x70, s21;
	s0 =	sshrl.u32 s0, $0x2  }
0x31: {  	s0 =	sor.u32 s3, s0  }
0x32: {  	[tilespmem:s0+$0xA800] =	vst v0  }
0x33: {  	[spmem:s5] =	stream.linear.scatter [tilespmem:s24], [sflag:$0x2], $0x800, $0x38;
	[tilespmem:$0x1F000] =	vst v63  }
0x34: {  	_ =	swait.ge [sflag:s25], $0x800  }
0x35: {  	[sflag:s25] =	ssyncset.done $0x0  }
0x36: {  	s21 =	rddreg [dreg:$0x3];
	[sflag:s25] =	ssyncadd.s32 $0xFFFFF800  }
0x37: {  	[spmem:s21] =	stream.linear.scatter [tilespmem:s24], [sflag:$0x2], $0x800, $0x38;
	[tilespmem:$0x1F000] =	vst v63  }
0x38: {  	_ =	swait.ge [sflag:s25], $0x800  }
0x39: {  	[sflag:s25] =	ssyncset.done $0x0  }
0x3a: {  	s1 =	rddreg [dreg:$0x4];
	[sflag:s25] =	ssyncadd.s32 $0xFFFFF800  }
0x3b: {  	[spmem:s1] =	stream.linear.scatter [tilespmem:s24], [sflag:$0x2], $0x800, $0x38;
	[tilespmem:$0x1F000] =	vst v63  }
0x3c: {  	_ =	swait.ge [sflag:s25], $0x800  }
0x3d: {  	[sflag:s25] =	ssyncset.done $0x0  }
0x3e: {  	s3 =	rddreg [dreg:$0x5];
	[sflag:s25] =	ssyncadd.s32 $0xFFFFF800  }
0x3f: {  	[spmem:s3] =	stream.linear.scatter [tilespmem:s24], [sflag:$0x2], $0x800, $0x38;
	[tilespmem:$0x1F000] =	vst v63  }
0x40: {  	_ =	swait.ge [sflag:s25], $0x800  }
0x41: {  	[sflag:s25] =	ssyncset.done $0x0  }
0x42: {  	s21 =	rddreg [dreg:$0x6];
	[sflag:s25] =	ssyncadd.s32 $0xFFFFF800  }
0x43: {  	[spmem:s21] =	stream.linear.scatter [tilespmem:s24], [sflag:$0x2], $0x800, $0x38;
	[tilespmem:$0x1F000] =	vst v63  }
0x44: {  	_ =	swait.ge [sflag:s25], $0x800  }
0x45: {  	[sflag:s25] =	ssyncset.done $0x0  }
0x46: {  	s1 =	rddreg [dreg:$0x7];
	[sflag:s25] =	ssyncadd.s32 $0xFFFFF800  }
0x47: {  	[spmem:s1] =	stream.linear.scatter [tilespmem:s24], [sflag:$0x2], $0x800, $0x38;
	[tilespmem:$0x1F000] =	vst v63  }
0x48: {  	_ =	swait.ge [sflag:s25], $0x800  }
0x49: {  	[sflag:s25] =	ssyncset.done $0x0  }
0x4a: {  	s3 =	rddreg [dreg:$0x8];
	[sflag:s25] =	ssyncadd.s32 $0xFFFFF800  }
0x4b: {  	[spmem:s3] =	stream.linear.scatter [tilespmem:s24], [sflag:$0x2], $0x800, $0x38;
	[tilespmem:$0x1F000] =	vst v63  }
0x4c: {  	_ =	swait.ge [sflag:s25], $0x800  }
0x4d: {  	[sflag:s25] =	ssyncset.done $0x0  }
0x4e: {  	s21 =	rddreg [dreg:$0x9];
	[sflag:s25] =	ssyncadd.s32 $0xFFFFF800  }
0x4f: {  	[spmem:s21] =	stream.linear.scatter [tilespmem:s24], [sflag:$0x2], $0x800, $0x38;
	[tilespmem:$0x1F000] =	vst v63  }
0x50: {  	_ =	swait.ge [sflag:s25], $0x800  }
0x51: {  	[sflag:s25] =	ssyncset.done $0x0  }
0x52: {  	s1 =	rddreg [dreg:$0xa];
	[sflag:s25] =	ssyncadd.s32 $0xFFFFF800  }
0x53: {  	[spmem:s1] =	stream.linear.scatter [tilespmem:s24], [sflag:$0x2], $0x800, $0x38;
	[tilespmem:$0x1F000] =	vst v63  }
0x54: {  	_ =	swait.ge [sflag:s25], $0x800  }
0x55: {  	[sflag:s25] =	ssyncset.done $0x0  }
0x56: {  	s3 =	rddreg [dreg:$0xb];
	[sflag:s25] =	ssyncadd.s32 $0xFFFFF800  }
0x57: {  	[spmem:s3] =	stream.linear.scatter [tilespmem:s24], [sflag:$0x2], $0x800, $0x38;
	[tilespmem:$0x1F000] =	vst v63  }
0x58: {  	_ =	swait.ge [sflag:s25], $0x800  }
0x59: {  	[sflag:s25] =	ssyncset.done $0x0  }
0x5a: {  	s21 =	rddreg [dreg:$0xc];
	[sflag:s25] =	ssyncadd.s32 $0xFFFFF800  }
0x5b: {  	[spmem:s21] =	stream.linear.scatter [tilespmem:s24], [sflag:$0x2], $0x800, $0x38;
	[tilespmem:$0x1F000] =	vst v63  }
0x5c: {  	_ =	swait.ge [sflag:s25], $0x800  }
0x5d: {  	[sflag:s25] =	ssyncset.done $0x0  }
0x5e: {  	s1 =	rddreg [dreg:$0xd];
	[sflag:s25] =	ssyncadd.s32 $0xFFFFF800  }
0x5f: {  	[spmem:s1] =	stream.linear.scatter [tilespmem:s24], [sflag:$0x2], $0x800, $0x38;
	[tilespmem:$0x1F000] =	vst v63  }
0x60: {  	_ =	swait.ge [sflag:s25], $0x800  }
0x61: {  	[sflag:s25] =	ssyncset.done $0x0  }
0x62: {  	s3 =	rddreg [dreg:$0xe];
	[sflag:s25] =	ssyncadd.s32 $0xFFFFF800  }
0x63: {  	[spmem:s3] =	stream.linear.scatter [tilespmem:s24], [sflag:$0x2], $0x800, $0x38;
	[tilespmem:$0x1F000] =	vst v63  }
0x64: {  	_ =	swait.ge [sflag:s25], $0x800  }
0x65: {  	[sflag:s25] =	ssyncset.done $0x0  }
0x66: {  	s21 =	rddreg [dreg:$0xf];
	[sflag:s25] =	ssyncadd.s32 $0xFFFFF800  }
0x67: {  	[spmem:s21] =	stream.linear.scatter [tilespmem:s24], [sflag:$0x2], $0x800, $0x38;
	[tilespmem:$0x1F000] =	vst v63  }
0x68: {  	_ =	swait.ge [sflag:s25], $0x800  }
0x69: {  	[sflag:s25] =	ssyncset.done $0x0  }
0x6a: {  	s1 =	rddreg [dreg:$0x10];
	[sflag:s25] =	ssyncadd.s32 $0xFFFFF800  }
0x6b: {  	[spmem:s1] =	stream.linear.scatter [tilespmem:s24], [sflag:$0x2], $0x800, $0x38;
	[tilespmem:$0x1F000] =	vst v63  }
0x6c: {  	_ =	swait.ge [sflag:s25], $0x800  }
0x6d: {  	[sflag:s25] =	ssyncset.done $0x0  }
0x6e: {  	s3 =	rddreg [dreg:$0x11];
	[sflag:s25] =	ssyncadd.s32 $0xFFFFF800  }
0x6f: {  	[spmem:s3] =	stream.linear.scatter [tilespmem:s24], [sflag:$0x2], $0x800, $0x38;
	[tilespmem:$0x1F000] =	vst v63  }
0x70: {  	_ =	swait.ge [sflag:s25], $0x800  }
0x71: {  	[sflag:s25] =	ssyncset.done $0x0  }
0x72: {  	s21 =	rddreg [dreg:$0x16];
	[sflag:s25] =	ssyncadd.s32 $0xFFFFF800  }
0x73: {  	[spmem:s21] =	stream.linear.scatter [tilespmem:s24], [sflag:$0x2], $0x800, $0x38;
	[tilespmem:$0x1F000] =	vst v63  }
0x74: {  	_ =	swait.ge [sflag:s25], $0x800  }
0x75: {  	[sflag:s25] =	ssyncset.done $0x0  }
0x76: {  	s1 =	rddreg [dreg:$0x17];
	[sflag:s25] =	ssyncadd.s32 $0xFFFFF800  }
0x77: {  	[spmem:s1] =	stream.linear.scatter [tilespmem:s24], [sflag:$0x2], $0x800, $0x38;
	[tilespmem:$0x1F000] =	vst v63  }
0x78: {  	_ =	swait.ge [sflag:s25], $0x800  }
0x79: {  	[sflag:s25] =	ssyncset.done $0x0  }
0x7a: {  	s3 =	rddreg [dreg:$0x18];
	[sflag:s25] =	ssyncadd.s32 $0xFFFFF800  }
0x7b: {  	[spmem:s3] =	stream.linear.scatter [tilespmem:s24], [sflag:$0x2], $0x800, $0x38;
	[tilespmem:$0x1F000] =	vst v63  }
0x7c: {  	_ =	swait.ge [sflag:s25], $0x800  }
0x7d: {  	[sflag:s25] =	ssyncset.done $0x0  }
0x7e: {  	s21 =	rddreg [dreg:$0x19];
	[sflag:s25] =	ssyncadd.s32 $0xFFFFF800  }
0x7f: {  	[spmem:s21] =	stream.linear.scatter [tilespmem:s24], [sflag:$0x2], $0x800, $0x38;
	[tilespmem:$0x1F000] =	vst v63  }
0x80: {  	_ =	swait.ge [sflag:s25], $0x800  }
0x81: {  	[sflag:s25] =	ssyncset.done $0x0  }
0x82: {  	s1 =	rddreg [dreg:$0x1a];
	[sflag:s25] =	ssyncadd.s32 $0xFFFFF800  }
0x83: {  	[spmem:s1] =	stream.linear.scatter [tilespmem:s24], [sflag:$0x2], $0x800, $0x38;
	[tilespmem:$0x1F000] =	vst v63  }
0x84: {  	_ =	swait.ge [sflag:s25], $0x800  }
0x85: {  	[sflag:s25] =	ssyncset.done $0x0  }
0x86: {  	s3 =	rddreg [dreg:$0x1b];
	[sflag:s25] =	ssyncadd.s32 $0xFFFFF800  }
0x87: {  	[spmem:s3] =	stream.linear.scatter [tilespmem:s24], [sflag:$0x2], $0x800, $0x38;
	[tilespmem:$0x1F000] =	vst v63  }
0x88: {  	_ =	swait.ge [sflag:s25], $0x800  }
0x89: {  	[sflag:s25] =	ssyncset.done $0x0  }
0x8a: {  	s21 =	rddreg [dreg:$0x1c];
	[sflag:s25] =	ssyncadd.s32 $0xFFFFF800  }
0x8b: {  	[spmem:s21] =	stream.linear.scatter [tilespmem:s24], [sflag:$0x2], $0x800, $0x38;
	[tilespmem:$0x1F000] =	vst v63  }
0x8c: {  	_ =	swait.ge [sflag:s25], $0x800  }
0x8d: {  	[sflag:s25] =	ssyncset.done $0x0  }
0x8e: {  	s1 =	rddreg [dreg:$0x1d];
	[sflag:s25] =	ssyncadd.s32 $0xFFFFF800  }
0x8f: {  	[spmem:s1] =	stream.linear.scatter [tilespmem:s24], [sflag:$0x2], $0x800, $0x38;
	[tilespmem:$0x1F000] =	vst v63  }
0x90: {  	_ =	swait.ge [sflag:s25], $0x800  }
0x91: {  	[sflag:s25] =	ssyncset.done $0x0  }
0x92: {  	s3 =	rddreg [dreg:$0x1e];
	[sflag:s25] =	ssyncadd.s32 $0xFFFFF800  }
0x93: {  	[spmem:s3] =	stream.linear.scatter [tilespmem:s24], [sflag:$0x2], $0x800, $0x38;
	[tilespmem:$0x1F000] =	vst v63  }
0x94: {  	_ =	swait.ge [sflag:s25], $0x800  }
0x95: {  	[sflag:s25] =	ssyncset.done $0x0  }
0x96: {  	[sflag:s25] =	ssyncadd.s32 $0xFFFFF800  }
0x97: {  	[spmem:s7] =	stream.linear.scatter [tilespmem:s24], [sflag:$0x2], $0x800, $0x38;
	[tilespmem:$0x1F000] =	vst v63  }
0x98: {  	_ =	swait.ge [sflag:s25], $0x800  }
0x99: {  	[sflag:s25] =	ssyncset.done $0x0  }
0x9a: {  	[sflag:s25] =	ssyncadd.s32 $0xFFFFF800  }
0x9b: {  	[spmem:s8] =	stream.linear.scatter [tilespmem:s24], [sflag:$0x2], $0x800, $0x38;
	[tilespmem:$0x1F000] =	vst v63  }
0x9c: {  	_ =	swait.ge [sflag:s25], $0x800  }
0x9d: {  	[sflag:s25] =	ssyncset.done $0x0  }
0x9e: {  	[sflag:s25] =	ssyncadd.s32 $0xFFFFF800  }
0x9f: {  	[spmem:s9] =	stream.linear.scatter [tilespmem:s24], [sflag:$0x2], $0x800, $0x38;
	[tilespmem:$0x1F000] =	vst v63  }
0xa0: {  	_ =	swait.ge [sflag:s25], $0x800  }
0xa1: {  	[sflag:s25] =	ssyncset.done $0x0  }
0xa2: {  	[sflag:s25] =	ssyncadd.s32 $0xFFFFF800  }
0xa3: {  	[spmem:s10] =	stream.linear.scatter [tilespmem:s24], [sflag:$0x2], $0x800, $0x38;
	[tilespmem:$0x1F000] =	vst v63  }
0xa4: {  	_ =	swait.ge [sflag:s25], $0x800  }
0xa5: {  	[sflag:s25] =	ssyncset.done $0x0  }
0xa6: {  	[sflag:s25] =	ssyncadd.s32 $0xFFFFF800  }
0xa7: {  	[spmem:s11] =	stream.linear.scatter [tilespmem:s24], [sflag:$0x2], $0x800, $0x38;
	[tilespmem:$0x1F000] =	vst v63  }
0xa8: {  	_ =	swait.ge [sflag:s25], $0x800  }
0xa9: {  	[sflag:s25] =	ssyncset.done $0x0  }
0xaa: {  	[sflag:s25] =	ssyncadd.s32 $0xFFFFF800  }
0xab: {  	[spmem:s12] =	stream.linear.scatter [tilespmem:s24], [sflag:$0x2], $0x800, $0x38;
	[tilespmem:$0x1F000] =	vst v63  }
0xac: {  	_ =	swait.ge [sflag:s25], $0x800  }
0xad: {  	[sflag:s25] =	ssyncset.done $0x0  }
0xae: {  	[sflag:s25] =	ssyncadd.s32 $0xFFFFF800  }
0xaf: {  	[spmem:s13] =	stream.linear.scatter [tilespmem:s24], [sflag:$0x2], $0x800, $0x38;
	[tilespmem:$0x1F000] =	vst v63  }
0xb0: {  	_ =	swait.ge [sflag:s25], $0x800  }
0xb1: {  	[sflag:s25] =	ssyncset.done $0x0  }
0xb2: {  	[sflag:s25] =	ssyncadd.s32 $0xFFFFF800  }
0xb3: {  	[spmem:s14] =	stream.linear.scatter [tilespmem:s24], [sflag:$0x2], $0x800, $0x38;
	[tilespmem:$0x1F000] =	vst v63  }
0xb4: {  	_ =	swait.ge [sflag:s25], $0x800  }
0xb5: {  	[sflag:s25] =	ssyncset.done $0x0  }
0xb6: {  	[sflag:s25] =	ssyncadd.s32 $0xFFFFF800  }
0xb7: {  	[spmem:s15] =	stream.linear.scatter [tilespmem:s24], [sflag:$0x2], $0x800, $0x38;
	[tilespmem:$0x1F000] =	vst v63  }
0xb8: {  	_ =	swait.ge [sflag:s25], $0x800  }
0xb9: {  	[sflag:s25] =	ssyncset.done $0x0  }
0xba: {  	[sflag:s25] =	ssyncadd.s32 $0xFFFFF800  }
0xbb: {  	[spmem:s16] =	stream.linear.scatter [tilespmem:s24], [sflag:$0x2], $0x800, $0x38;
	[tilespmem:$0x1F000] =	vst v63  }
0xbc: {  	_ =	swait.ge [sflag:s25], $0x800  }
0xbd: {  	[sflag:s25] =	ssyncset.done $0x0  }
0xbe: {  	[sflag:s25] =	ssyncadd.s32 $0xFFFFF800  }
0xbf: {  	[spmem:s17] =	stream.linear.scatter [tilespmem:s24], [sflag:$0x2], $0x800, $0x38;
	[tilespmem:$0x1F000] =	vst v63  }
0xc0: {  	_ =	swait.ge [sflag:s25], $0x800  }
0xc1: {  	[sflag:s25] =	ssyncset.done $0x0  }
0xc2: {  	[sflag:s25] =	ssyncadd.s32 $0xFFFFF800  }
0xc3: {  	[spmem:s18] =	stream.linear.scatter [tilespmem:s24], [sflag:$0x2], $0x800, $0x38;
	[tilespmem:$0x1F000] =	vst v63  }
0xc4: {  	_ =	swait.ge [sflag:s25], $0x800  }
0xc5: {  	[sflag:s25] =	ssyncset.done $0x0  }
0xc6: {  	[sflag:s25] =	ssyncadd.s32 $0xFFFFF800  }
0xc7: {  	[spmem:s19] =	stream.linear.scatter [tilespmem:s24], [sflag:$0x2], $0x800, $0x38;
	[tilespmem:$0x1F000] =	vst v63  }
0xc8: {  	_ =	swait.ge [sflag:s25], $0x800  }
0xc9: {  	[sflag:s25] =	ssyncset.done $0x0  }
0xca: {  	[sflag:s25] =	ssyncadd.s32 $0xFFFFF800  }
0xcb: {  	[spmem:s20] =	stream.linear.scatter [tilespmem:s24], [sflag:$0x2], $0x800, $0x38;
	[tilespmem:$0x1F000] =	vst v63  }
0xcc: {  	_ =	swait.ge [sflag:s25], $0x800  }
0xcd: {  	[sflag:s25] =	ssyncset.done $0x0  }
0xce: {  	[sflag:s25] =	ssyncadd.s32 $0xFFFFF800  }
0xcf: {  	[spmem:s22] =	stream.linear.scatter [tilespmem:s24], [sflag:$0x2], $0x800, $0x38;
	[tilespmem:$0x1F000] =	vst v63  }
0xd0: {  	_ =	swait.ge [sflag:s25], $0x800  }
0xd1: {  	[sflag:s25] =	ssyncset.done $0x0  }
0xd2: {  	[sflag:s25] =	ssyncadd.s32 $0xFFFFF800  }
0xd3: {  	s21 =	simm.s32 $0x0;
	[bflag:$0x0] =	sbarrier.arrive $0xFFFF  }
0xd4: {  	[tilespmem:s21], [sflag:$0x2] =	stream.linear.gather [hbm4b:s6+s21], $0x3E80, $0x38;
	[tilespmem:$0x1F000] =	vst v63  }
0xd5: {  	_ =	swait.ge [sflag:s25], $0x3E80  }
0xd6: {  	[sflag:s25] =	ssyncset.done $0x0  }
0xd7: {  	s1 =	rddreg [dreg:$0x12];
	[sflag:s25] =	ssyncadd.s32 $0xFFFFC180  }
0xd8: {  	[tilespmem:s26], [sflag:$0x2] =	stream.linear.gather [hbm4b:s1+s21], $0x3E80, $0x38;
	[tilespmem:$0x1F000] =	vst v63  }
0xd9: {  	_ =	swait.ge [sflag:s25], $0x3E80  }
0xda: {  	[sflag:s25] =	ssyncset.done $0x0  }
0xdb: {  	s3 =	simm.s32 $0x0;
	[sflag:s25] =	ssyncadd.s32 $0xFFFFC180  }
0xdc: {  	[tilespmem:s29], [sflag:$0x1] =	stream.indirect.gather [hbm4b:s4+s28], $0x80, s3, s28, $0xb8;
	[tilespmem:$0x1F000] =	vst v63  }
0xdd: {  	_ =	swait.ge [sflag:s30], $0x2800  }
0xde: {  	[sflag:s30] =	ssyncset.done $0x0  }
0xdf: {  	s21 =	simm.s32 $0x4000;
	[sflag:s30] =	ssyncadd.s32 $0xFFFFD800  }
0xe0: {  	[spmem:s2] =	stream.indirect.scatter.add.f32 [tilespmem:s29], [sflag:$0x2], $0x80, s21, s28, $0xb8;
	[tilespmem:$0x1F000] =	vst v63  }
0xe1: {  	_ =	swait.ge [sflag:s25], $0x2800  }
0xe2: {  	s1 =	simm.s32 $0x200;
	s21 =	simm.s32 $0x400;
	[sflag:s25] =	ssyncset.done $0x0  }
.LBB2_4:
0xe3: {  	s0 =	sshra.s32 s1, $0x2  }
0xe4: {  	[sflag:s25] =	ssyncadd.s32 $0xFFFFD800;
	s1 =	smov.u32 s21;
	s3 =	sadd.s32 $0x200, s21  }
0xe5: {  	[tilespmem:s29], [sflag:$0x1] =	stream.indirect.gather [hbm4b:s4+s28], $0x80, s0, s28, $0xb8;
	[tilespmem:$0x1F000] =	vst v63  }
0xe6: {  	p0 =	sne.s32 s21, $0xF800;
	_ =	swait.ge [sflag:s30], $0x2800  }
.Ltmp1:
0xe7: {  	[sflag:s30] =	ssyncset.done $0x0;
	(pc) =	sbr.rel @p0 .LBB2_4-.Ltmp1, $4  }
0xe8: {  	s0 =	sadd.s32 $0x4000, s0;
	[sflag:s30] =	ssyncadd.s32 $0xFFFFD800  }
0xe9: {  	[spmem:s2] =	stream.indirect.scatter.add.f32 [tilespmem:s29], [sflag:$0x2], $0x80, s0, s28, $0xb8;
	[tilespmem:$0x1F000] =	vst v63  }
0xea: {  	_ =	swait.ge [sflag:s25], $0x2800  }
0xeb: {  	s21 =	smov.u32 s3;
	[sflag:s25] =	ssyncset.done $0x0  }
0xec: {  	s0 =	sshra.s32 s1, $0x2;
	[sflag:s25] =	ssyncadd.s32 $0xFFFFD800  }
0xed: {  	[tilespmem:s29], [sflag:$0x1] =	stream.indirect.gather [hbm4b:s4+s28], $0x80, s0, s28, $0xb8;
	[tilespmem:$0x1F000] =	vst v63  }
0xee: {  	_ =	swait.ge [sflag:s30], $0x2800  }
0xef: {  	[sflag:s30] =	ssyncset.done $0x0  }
0xf0: {  	s0 =	sadd.s32 $0x4000, s0;
	[sflag:s30] =	ssyncadd.s32 $0xFFFFD800  }
0xf1: {  	[spmem:s2] =	stream.indirect.scatter.add.f32 [tilespmem:s29], [sflag:$0x2], $0x80, s0, s28, $0xb8;
	[tilespmem:$0x1F000] =	vst v63  }
0xf2: {  	_ =	swait.ge [sflag:s25], $0x2800  }
0xf3: {  	[sflag:s25] =	ssyncset.done $0x0  }
0xf4: {  	s3 =	simm.s32 $0x0;
	[sflag:s25] =	ssyncadd.s32 $0xFFFFD800  }
0xf5: {  	[tilespmem:s3], [sflag:$0x2] =	stream.linear.gather [hbm4b:s23+s3], $0x3E80, $0x38;
	[tilespmem:$0x1F000] =	vst v63  }
0xf6: {  	_ =	swait.ge [sflag:s25], $0x3E80  }
0xf7: {  	[sflag:s25] =	ssyncset.done $0x0  }
0xf8: {  	s21 =	rddreg [dreg:$0x13];
	[sflag:s25] =	ssyncadd.s32 $0xFFFFC180  }
0xf9: {  	[tilespmem:s26], [sflag:$0x2] =	stream.linear.gather [hbm4b:s21+s3], $0x3E80, $0x38;
	[tilespmem:$0x1F000] =	vst v63  }
0xfa: {  	_ =	swait.ge [sflag:s25], $0x3E80  }
0xfb: {  	[sflag:s25] =	ssyncset.done $0x0  }
0xfc: {  	s3 =	simm.s32 $0x0;
	[sflag:s25] =	ssyncadd.s32 $0xFFFFC180  }
0xfd: {  	[tilespmem:s29], [sflag:$0x1] =	stream.indirect.gather [hbm4b:s4+s28], $0x80, s3, s28, $0xb8;
	[tilespmem:$0x1F000] =	vst v63  }
0xfe: {  	_ =	swait.ge [sflag:s30], $0x2800  }
0xff: {  	[sflag:s30] =	ssyncset.done $0x0  }
0x100: {  	s21 =	simm.s32 $0x4000;
	[sflag:s30] =	ssyncadd.s32 $0xFFFFD800  }
0x101: {  	[spmem:s2] =	stream.indirect.scatter.add.f32 [tilespmem:s29], [sflag:$0x2], $0x80, s21, s28, $0xb8;
	[tilespmem:$0x1F000] =	vst v63  }
0x102: {  	_ =	swait.ge [sflag:s25], $0x2800  }
0x103: {  	s1 =	simm.s32 $0x200;
	s21 =	simm.s32 $0x400;
	[sflag:s25] =	ssyncset.done $0x0  }
.LBB2_6:
0x104: {  	s0 =	sshra.s32 s1, $0x2  }
0x105: {  	[sflag:s25] =	ssyncadd.s32 $0xFFFFD800;
	s1 =	smov.u32 s21;
	s3 =	sadd.s32 $0x200, s21  }
0x106: {  	[tilespmem:s29], [sflag:$0x1] =	stream.indirect.gather [hbm4b:s4+s28], $0x80, s0, s28, $0xb8;
	[tilespmem:$0x1F000] =	vst v63  }
0x107: {  	p0 =	sne.s32 s21, $0xF800;
	_ =	swait.ge [sflag:s30], $0x2800  }
.Ltmp2:
0x108: {  	[sflag:s30] =	ssyncset.done $0x0;
	(pc) =	sbr.rel @p0 .LBB2_6-.Ltmp2, $4  }
0x109: {  	s0 =	sadd.s32 $0x4000, s0;
	[sflag:s30] =	ssyncadd.s32 $0xFFFFD800  }
0x10a: {  	[spmem:s2] =	stream.indirect.scatter.add.f32 [tilespmem:s29], [sflag:$0x2], $0x80, s0, s28, $0xb8;
	[tilespmem:$0x1F000] =	vst v63  }
0x10b: {  	_ =	swait.ge [sflag:s25], $0x2800  }
0x10c: {  	s21 =	smov.u32 s3;
	[sflag:s25] =	ssyncset.done $0x0  }
0x10d: {  	s0 =	sshra.s32 s1, $0x2;
	[sflag:s25] =	ssyncadd.s32 $0xFFFFD800  }
0x10e: {  	[tilespmem:s29], [sflag:$0x1] =	stream.indirect.gather [hbm4b:s4+s28], $0x80, s0, s28, $0xb8;
	[tilespmem:$0x1F000] =	vst v63  }
0x10f: {  	_ =	swait.ge [sflag:s30], $0x2800  }
0x110: {  	[sflag:s30] =	ssyncset.done $0x0  }
0x111: {  	s0 =	sadd.s32 $0x4000, s0;
	[sflag:s30] =	ssyncadd.s32 $0xFFFFD800  }
0x112: {  	[spmem:s2] =	stream.indirect.scatter.add.f32 [tilespmem:s29], [sflag:$0x2], $0x80, s0, s28, $0xb8;
	[tilespmem:$0x1F000] =	vst v63  }
0x113: {  	_ =	swait.ge [sflag:s25], $0x2800  }
0x114: {  	[sflag:s25] =	ssyncset.done $0x0  }
0x115: {  	s3 =	stileid.u32;
	[sflag:s25] =	ssyncadd.s32 $0xFFFFD800  }
0x116: {  	s0 =	sshll.u32 s3, $0x6;
	[bflag:$0x0] =	sbarrier.arrive $0xFFFF  }
0x117: {  	s21 =	sshrl.u32 s5, $0x3;
	s0 =	sor.u32 $0x1C02, s0;
	s3 =	rddreg [dreg:$0x14]  }
0x118: {  	[hbm:s3], [sflag:s0] =	dma.local [spmem:s21], $0x2800  }
0x119: {  	_ =	swait.ge [sflag:s25], $0x2800  }
0x11a: {  	s31 =	sadd.s32 $0x1, s31;
	s21 =	rddreg [dreg:$0x15]  }
0x11b: {  	p0 =	sne.s32 s31, s21  }
.Ltmp3:
0x11c: {  	_ = 	snop;
	(pc) =	sbr.rel @p0 .LBB2_1-.Ltmp3, $3  }
0x11d: {  	_ =	sdelay $0x1  }
0x11e: {  	[sflag:s25] =	ssyncset.done $0x0  }
0x11f: {  	[sflag:s25] =	ssyncadd.s32 $0xFFFFD800  }
0x120: {  	_ =	sfence.sel $0x180000  }
0x121: {  	[bflag:$0x0] =	sbarrier.arrive $0xFFFF  }
0x122: {  	_ =	strace $0x9000004D  }
0x123: {  	s0 =	stileid.u32;
	[bflag:$0x2] =	sbarrier.arrive $0xFFFF  }
0x124: {  	p0 =	sne.s32 s0, $0x0;
	s0 =	rddreg [dreg:$0x2]  }
0x125: {  	s0 =	sadd.s32 @!p0 $0x100000, s0  }
0x126: {  	[sflag:s0] =	ssyncadd.tile.s32 @!p0 $0x1;
	_ =	shalt  }
.Lfunc_end2:
_tile_overlayer_lowered:
.L_overlay_start_2:
0x127: {  	(tag) =	ssettag $0x2  }
0x128: {  	s0 =	rddreg [dreg:$0x0];
	s2 =	stileid.u32  }
0x129: {  	s1 =	rddreg [dreg:$0x1];
	p0 =	sne.s32 s2, $0x0  }
0x12a: {  	s3 =	rddreg [dreg:$0x2];
	[bflag:$0x3] =	sbarrier.arrive $0xFFFF;
	s2 =	simm.s32 @!p0 $0x1C02  }
0x12b: {  	[timem:s3], [sflag:s2] =	dma.local @!p0 [hbm:s0], s1  }
0x12c: {  	s0 =	simm.s32 @!p0 $0x2  }
0x12d: {  	_ =	swait.ge @!p0 [sflag:s0], s1  }
0x12e: {  	s1 =	ssub.s32 @!p0 $0x0, s1;
	[sflag:s0] =	ssyncset.done @!p0 $0x0  }
0x12f: {  	[sflag:s0] =	ssyncadd.s32 @!p0 s1  }
0x130: {  	[bflag:$0x3] =	sbarrier.arrive $0xFFFF  }
0x131: {  	_ =	shalt  }

// kernel: kernel.8.cloned.1.call-start
scs
__scs_entry_jumppad:
0x0: {  	(pc) =	sbr.rel $0x88, $3  }
0x1: {  	(tag) =	ssettag $0x0;
	lr =	simm.s32 $0x1  }
0x2: {  	[smem:$0x3F84] =	sst lr;
	_ =	strace $0xD0000000  }
0x3: {  	_ = 	snop  }
0x4: {  	_ = 	snop  }
0x5: {  	_ = 	snop  }
0x6: {  	_ = 	snop  }
0x7: {  	_ = 	snop  }
__scs_overlays_trampoline_lowered:
0x8: {  	[smem:$0x3F93] =	sst s0  }
0x9: {  	[smem:$0x3F94] =	sst s1  }
0xa: {  	[smem:$0x3F95] =	sst s2  }
0xb: {  	[smem:$0x3F96] =	sst s3  }
0xc: {  	[smem:$0x3F97] =	sst s4  }
0xd: {  	[smem:$0x3F98] =	sst s5  }
0xe: {  	[smem:$0x3F99] =	sst s6  }
0xf: {  	[smem:$0x3F9A] =	sst s7  }
0x10: {  	[smem:$0x3F9B] =	sst s8  }
0x11: {  	[smem:$0x3F9C] =	sst s9;
	s0 =	simm.s32 @!p0 $0x0  }
0x12: {  	s1 =	sld [smem:$0x3F82];
	s0 =	simm.s32 @p0 $0x1  }
0x13: {  	[smem:$0x3F9D] =	sst s0;
	s0 =	simm.s32 @!p1 $0x0  }
0x14: {  	s2 =	sld [smem:$0x3F81];
	s0 =	simm.s32 @p1 $0x1  }
0x15: {  	[smem:$0x3F9E] =	sst s0;
	s0 =	simm.s32 @!p2 $0x0  }
0x16: {  	s3 =	sld [smem:$0x3FDB];
	s0 =	simm.s32 @p2 $0x1  }
0x17: {  	s4 =	simm.s32 $0x1BF5;
	[smem:$0x3FA0] =	sst s0  }
0x18: {  	s0 =	sld [smem:$0x3F83];
	_ =	swait.ge [sflag:s4], $0x0  }
0x19: {  	s7 =	sld [smem:$0x3F84]  }
0x1a: {  	s8 =	sadd.s32 $0xFFFFE003, lr  }
0x1b: {  	s9 =	sadd.s32 $0xFFFFFEF7, lr;
	s5 =	simm.s32 $0xFFFFFFFF;
	p2 =	slt.u32 s8, $0xFFFFF086  }
0x1c: {  	p1 =	slt.u32 s9, $0xF7A;
	s5 =	simm.s32 @!p2 $0x0  }
0x1d: {  	s5 =	simm.s32 @p1 $0x1;
	p0 =	seq.s32 s7, s2  }
0x1e: {  	s7 =	smul.u32 @!p0 $0xF7A, s2;
	p2 =	seq.s32 @!p0 s5, $0x0  }
0x1f: {  	s9 =	smul.u32 $0xF7A, s1;
	s8 =	simm.s32 @!p0 $0x1BF5;
	p2 =	por !p2, p0  }
0x20: {  	[sflag:s8] =	ssyncset.s32 @!p0 $0xFFFFF086;
	s6 =	sadd.s32 @!p0 s3, s7;
	s7 =	simm.s32 @!p0 $0x108  }
0x21: {  	s3 =	sadd.s32 s3, s9;
	s6 =	sadd.s32 @!p0 $0x88, s6;
	s7 =	simm.s32 @p2 $0x1082  }
0x22: {  	[simem:s7], [sflag:s8] =	dma.local @!p0 [hbm:s6], $0xF7A  }
0x23: {  	s9 =	sor.u32 $0xD0000000, s2;
	s6 =	simm.s32 $0x108;
	_ =	swait.ge @!p0 [sflag:s8], $0x0  }
0x24: {  	s3 =	sadd.s32 $0x88, s3;
	s6 =	simm.s32 @!p1 $0x1082;
	[sflag:s4] =	ssyncset.s32 $0xFFFFF086  }
0x25: {  	[simem:s6], [sflag:s4] =	dma.local [hbm:s3], $0xF7A  }
0x26: {  	[smem:$0x3F84] =	sst s1;
	(tag) =	ssettag s2;
	_ =	strace s9  }
0x27: {  	s1 =	sld [smem:$0x3F94]  }
0x28: {  	s2 =	sld [smem:$0x3F95]  }
0x29: {  	s4 =	sld [smem:$0x3F97]  }
0x2a: {  	p0 =	seq.s32 s5, $0x0;
	s5 =	sld [smem:$0x3F98]  }
0x2b: {  	s6 =	sld [smem:$0x3F99]  }
0x2c: {  	s7 =	sld [smem:$0x3F9A]  }
0x2d: {  	s3 =	simm.s32 $0x108;
	s8 =	sld [smem:$0x3F9B]  }
0x2e: {  	s3 =	simm.s32 @!p0 $0x1082;
	s9 =	sld [smem:$0x3F9C]  }
0x2f: {  	lr =	sadd.s32 s0, s3;
	s0 =	sld [smem:$0x3F93]  }
0x30: {  	s3 =	sld [smem:$0x3F96]  }
0x31: {  	[smem:$0x3F9F] =	sst s10  }
0x32: {  	s10 =	sld [smem:$0x3F9D];
	_ =	sdelay $0x3  }
0x33: {  	p0 =	seq.s32 s10, $0x1;
	s10 =	sld [smem:$0x3F9F];
	_ =	sdelay $0x3  }
0x34: {  	[smem:$0x3F9F] =	sst s10  }
0x35: {  	s10 =	sld [smem:$0x3F9E];
	_ =	sdelay $0x3  }
0x36: {  	p1 =	seq.s32 s10, $0x1;
	s10 =	sld [smem:$0x3F9F];
	_ =	sdelay $0x3  }
0x37: {  	[smem:$0x3F9F] =	sst s10  }
0x38: {  	s10 =	sld [smem:$0x3FA0]  }
0x39: {  	_ = 	snop;
	(pc) =	sbr.ind lr, $3  }
0x3a: {  	_ = 	snop  }
0x3b: {  	_ = 	snop  }
0x3c: {  	p2 =	seq.s32 s10, $0x1;
	s10 =	sld [smem:$0x3F9F]  }
0x3d: {  	_ =	shalt  }
0x3e: {  	_ =	shalt  }
0x3f: {  	_ =	shalt  }
0x40: {  	_ =	shalt  }
0x41: {  	_ =	shalt  }
0x42: {  	_ =	shalt  }
0x43: {  	_ =	shalt  }
0x44: {  	_ =	shalt  }
0x45: {  	_ =	shalt  }
0x46: {  	_ =	shalt  }
0x47: {  	_ =	shalt  }
0x48: {  	_ =	shalt  }
0x49: {  	_ =	shalt  }
0x4a: {  	_ =	shalt  }
0x4b: {  	_ =	shalt  }
0x4c: {  	_ =	shalt  }
0x4d: {  	_ =	shalt  }
0x4e: {  	_ =	shalt  }
0x4f: {  	_ =	shalt  }
0x50: {  	_ =	shalt  }
0x51: {  	_ =	shalt  }
0x52: {  	_ =	shalt  }
0x53: {  	_ =	shalt  }
0x54: {  	_ =	shalt  }
0x55: {  	_ =	shalt  }
0x56: {  	_ =	shalt  }
0x57: {  	_ =	shalt  }
0x58: {  	_ =	shalt  }
0x59: {  	_ =	shalt  }
0x5a: {  	_ =	shalt  }
0x5b: {  	_ =	shalt  }
0x5c: {  	_ =	shalt  }
0x5d: {  	_ =	shalt  }
0x5e: {  	_ =	shalt  }
0x5f: {  	_ =	shalt  }
0x60: {  	_ =	shalt  }
0x61: {  	_ =	shalt  }
0x62: {  	_ =	shalt  }
0x63: {  	_ =	shalt  }
0x64: {  	_ =	shalt  }
0x65: {  	_ =	shalt  }
0x66: {  	_ =	shalt  }
0x67: {  	_ =	shalt  }
0x68: {  	_ =	shalt  }
0x69: {  	_ =	shalt  }
0x6a: {  	_ =	shalt  }
0x6b: {  	_ =	shalt  }
0x6c: {  	_ =	shalt  }
0x6d: {  	_ =	shalt  }
0x6e: {  	_ =	shalt  }
0x6f: {  	_ =	shalt  }
0x70: {  	_ =	shalt  }
0x71: {  	_ =	shalt  }
0x72: {  	_ =	shalt  }
0x73: {  	_ =	shalt  }
0x74: {  	_ =	shalt  }
0x75: {  	_ =	shalt  }
0x76: {  	_ =	shalt  }
0x77: {  	_ =	shalt  }
0x78: {  	_ =	shalt  }
0x79: {  	_ =	shalt  }
0x7a: {  	_ =	shalt  }
0x7b: {  	_ =	shalt  }
0x7c: {  	_ =	shalt  }
0x7d: {  	_ =	shalt  }
0x7e: {  	_ =	shalt  }
0x7f: {  	_ =	shalt  }
0x80: {  	_ =	shalt  }
0x81: {  	_ =	shalt  }
0x82: {  	_ =	shalt  }
0x83: {  	_ =	shalt  }
0x84: {  	_ =	shalt  }
0x85: {  	_ =	shalt  }
0x86: {  	_ =	shalt  }
0x87: {  	_ =	shalt  }
.Lfunc_end0:
.L_simem_size_0:
called_computation_lowered:
.L_overlay_start_0:
0x88: {  	s2 =	sld [smem:$0x3FD9]  }
0x89: {  	s3 =	sld [smem:$0x3FFE];
	_ =	sdelay $0x1  }
0x8a: {  	s1 =	srdreg.scid  }
0x8b: {  	s0 =	sand.u32 $0x1, s1  }
0x8c: {  	s17 =	sshll.u32 s0, $0xA;
	s2 =	sadd.s32 s3, s2  }
0x8d: {  	s2 =	sadd.s32 s2, s17  }
0x8e: {  	[smem:$0x3FAB] =	sst s2  }
0x8f: {  	_ = 	snop  }
0x90: {  	s2 =	sld [smem:$0x3FC9];
	(tm) =	ssettm $0x1  }
0x91: {  	s18 =	sld [smem:$0x3FFB];
	_ =	sdelay $0x3  }
0x92: {  	_ =	strace s18  }
0x93: {  	s3 =	sld [smem:$0x3FFC];
	_ =	sdelay $0x3  }
0x94: {  	_ =	strace s3  }
0x95: {  	s3 =	sld [smem:$0x3FFD];
	_ =	sdelay $0x3  }
0x96: {  	_ =	strace s3  }
0x97: {  	_ =	strace $0x8FFFFFFF  }
0x98: {  	s19 =	sld [smem:$0x3FDB];
	_ =	sdelay $0x1  }
0x99: {  	s4 =	simm.s32 $_scs_section_size  }
0x9a: {  	s5 =	simm.s32 $_size__tile_overlayer_lowered;
	s6 =	simm.s32 $_tile_overlayer_lowered  }
0x9b: {  	s22 =	simm.s32 $0x1BFF;
	s21 =	sshll.u32 s6, $0x1;
	s3 =	sadd.s32 s4, s19  }
0x9c: {  	s7 =	simm.s32 $0x0;
	s20 =	sshll.u32 s5, $0x1;
	s5 =	sadd.s32 s21, s3  }
0x9d: {  	[timem:s7], [sflag:s22] =	dma.local [hbm:s5], s20  }
0x9e: {  	_ =	swait.ge [sflag:s22], s20  }
0x9f: {  	s4 =	ssub.s32 $0x0, s20;
	[sflag:s22] =	ssyncset.done $0x0  }
0xa0: {  	[sflag:s22] =	ssyncadd.s32 s4;
	_ =	sdelay $0x1  }
0xa1: {  	s23 =	simm.s32 $0x1B8B  }
0xa2: {  	_ =	swait.ge [sflag:s23], $0x1  }
0xa3: {  	[sflag:s23] =	ssyncset.done $0x0  }
0xa4: {  	s25 =	simm.s32 $0x1B8E;
	s24 =	sld [smem:$0x3FFE];
	[sflag:s23] =	ssyncadd.s32 $0xFFFFFFFF  }
0xa5: {  	s26 =	simm.s32 $execute0_lowered;
	[smem:$0x3FD2] =	sst s25  }
0xa6: {  	s5 =	sshll.u32 s26, $0x1;
	_ =	strace $0x80000046;
	[dreg:$0x1] =	wrdreg $0xFFFFFFFF  }
0xa7: {  	s28 =	simm.s32 $_size_execute0_lowered;
	s3 =	sadd.s32 s3, s5;
	[dreg:$0x0] =	wrdreg $0x0  }
0xa8: {  	s5 =	sshll.u32 s28, $0x1;
	[dreg:$0x2] =	wrdreg s3  }
0xa9: {  	[dreg:$0x3] =	wrdreg s5  }
0xaa: {  	[dreg:$0x4] =	wrdreg $0xC0  }
0xab: {  	_ =	task [dreg:s7], $0x5FFFF  }
0xac: {  	[dreg:$0x1] =	wrdreg $0xFFFFFFFF  }
0xad: {  	[dreg:$0x0] =	wrdreg $0x60  }
0xae: {  	[dreg:$0x2] =	wrdreg s2  }
0xaf: {  	[dreg:$0x3] =	wrdreg s24  }
0xb0: {  	[dreg:$0x4] =	wrdreg $0xB0000  }
0xb1: {  	[dreg:$0x5] =	wrdreg $0x9  }
0xb2: {  	_ =	task.clear_ibuf [dreg:s7], $0x6FFFF;
	_ =	strace $0x90000046  }
0xb3: {  	s29 =	simm.s32 $0x9;
	_ =	strace $0x80000048  }
0xb4: {  	_ =	swait.ge [sflag:s29], $0x1  }
0xb5: {  	[sflag:s29] =	ssyncadd.s32 $0xFFFFFFFF  }
0xb6: {  	_ =	strace $0x90000048  }
0xb7: {  	_ =	sfence  }
0xb8: {  	s30 =	sld [smem:$0x0];
	_ =	sdelay $0x2  }
0xb9: {  	s31 =	sshll.u32 s1, $0xD;
	s1 =	sshrl.u32 s1, $0x2  }
0xba: {  	s3 =	sand.u32 $0x4000, s31;
	s1 =	sadd.s32 s1, s30  }
0xbb: {  	s0 =	sor.u32 s3, s0;
	s1 =	sshll.u32 s1, $0x11  }
0xbc: {  	s0 =	sor.u32 s1, s0  }
0xbd: {  	s0 =	sadd.s32 $0x8F2B, s0  }
0xbe: {  	[sflag:s0] =	ssyncadd.remote.s32 $0x1  }
0xbf: {  	_ =	sfence.sel $0xFFFF  }
0xc0: {  	[dreg:$0x0] =	wrdreg $0xFFFFFFFF;
	(pc) =	sbr.abs _section_cstart, $3  }
0xc1: {  	[dreg:$0x1] =	wrdreg $0xFFFFFFFF  }
0xc2: {  	_ =	task.clear_ibuf [dreg:s7], $0x2FFFF;
	_ =	strace $0x9FFFFFFF  }
0xc3: {  	(tm) =	ssettm $0x7FFFFFFF  }
tec
execute0_lowered:
.L_overlay_start_1:
0x0: {  	(tag) =	ssettag $0x1  }
0x1: {  	s0 =	rddreg [dreg:$0x1]  }
0x2: {  	s3 =	rddreg [dreg:$0x2]  }
0x3: {  	s2 =	srdreg.scid;
	s8 =	stileid.u32  }
0x4: {  	s9 =	simm.s32 $0x0;
	s2 =	sand.u32 $0x1, s2;
	s28 =	smul.u32 $0x50000, s8  }
0x5: {  	s4 =	smul.u32 $0x2800, s8;
	s6 =	sshll.u32 s8, $0xB;
	s5 =	sshll.u32 s2, $0xF  }
0x6: {  	[smem:$0x7FF] =	sst s9;
	s5 =	sor.u32 s6, s5;
	s30 =	sshrl.u32 s28, $0x2  }
0x7: {  	s7 =	smul.u32 $0x28000, s2;
	s29 =	sadd.s32 s5, s0;
	s5 =	sadd.s32 s30, s3  }
0x8: {  	s1 =	rddreg [dreg:$0x0];
	_ =	strace $0x80000047;
	s6 =	sadd.s32 $0x800, s5  }
0x9: {  	s4 =	sadd.s32 s4, s7;
	s7 =	sadd.s32 $0x1000, s5;
	[dreg:$0x4] =	wrdreg s6  }
0xa: {  	s9 =	sadd.s32 $0x1800, s5;
	[dreg:$0x5] =	wrdreg s7  }
0xb: {  	s10 =	sadd.s32 $0x2000, s5;
	[dreg:$0x6] =	wrdreg s9  }
0xc: {  	s11 =	sadd.s32 $0x2800, s5;
	[dreg:$0x7] =	wrdreg s10  }
0xd: {  	s12 =	sadd.s32 $0x3000, s5;
	[dreg:$0x8] =	wrdreg s11  }
0xe: {  	s13 =	sadd.s32 $0x3800, s5;
	[dreg:$0x9] =	wrdreg s12  }
0xf: {  	s14 =	sadd.s32 $0x4000, s5;
	[dreg:$0xa] =	wrdreg s13  }
0x10: {  	s15 =	sadd.s32 $0x4800, s5;
	[dreg:$0xb] =	wrdreg s14  }
0x11: {  	s16 =	sadd.s32 $0x5000, s5;
	[dreg:$0xc] =	wrdreg s15  }
0x12: {  	s17 =	sadd.s32 $0x5800, s5;
	[dreg:$0xd] =	wrdreg s16  }
0x13: {  	s18 =	sadd.s32 $0x6000, s5;
	[dreg:$0xe] =	wrdreg s17  }
0x14: {  	s19 =	sadd.s32 $0x6800, s5;
	[dreg:$0xf] =	wrdreg s18  }
0x15: {  	s20 =	sadd.s32 $0x7000, s5;
	[dreg:$0x10] =	wrdreg s19  }
0x16: {  	s21 =	sadd.s32 $0x7800, s5;
	[dreg:$0x11] =	wrdreg s20  }
0x17: {  	s2 =	ssub.s32 $0x2, s2;
	s22 =	sadd.s32 $0x8000, s5;
	[dreg:$0x12] =	wrdreg s21  }
0x18: {  	s31 =	sshrl.u32 s2, $0x1;
	s23 =	sadd.s32 $0x4600, s29;
	[dreg:$0x13] =	wrdreg s22  }
0x19: {  	s2 =	ssub.s32 s2, s31;
	s24 =	sadd.s32 $0x14600, s29;
	[dreg:$0x14] =	wrdreg s23  }
0x1a: {  	s25 =	smax.u32 s2, $0x1;
	[dreg:$0x15] =	wrdreg s24  }
0x1b: {  	s26 =	sadd.s32 $0x8800, s5;
	[dreg:$0x17] =	wrdreg s25  }
0x1c: {  	s0 =	sadd.s32 s4, s0;
	s28 =	sadd.s32 $0x9000, s5;
	[dreg:$0x18] =	wrdreg s26  }
0x1d: {  	s29 =	sadd.s32 $0x9800, s5;
	s30 =	sadd.s32 $0xA000, s5;
	[dreg:$0x19] =	wrdreg s28  }
0x1e: {  	s31 =	sadd.s32 $0xA800, s5;
	s2 =	sadd.s32 $0xB800, s5;
	[dreg:$0x1a] =	wrdreg s29  }
0x1f: {  	s4 =	sadd.s32 $0xC000, s5;
	s8 =	sadd.s32 $0xD800, s5;
	[dreg:$0x1b] =	wrdreg s30  }
0x20: {  	s0 =	sadd.s32 $0x73E00, s0;
	[dreg:$0x1c] =	wrdreg s31;
	s6 =	sadd.s32 $0xC800, s5  }
0x21: {  	s7 =	sadd.s32 $0xD000, s5;
	s9 =	sadd.s32 $0xE000, s5;
	s10 =	sadd.s32 $0xE800, s5  }
0x22: {  	s11 =	sadd.s32 $0xF000, s5;
	s12 =	sadd.s32 $0xF800, s5;
	s13 =	sadd.s32 $0x10000, s5  }
0x23: {  	s14 =	sadd.s32 $0x10800, s5;
	s15 =	sadd.s32 $0x11000, s5;
	s16 =	sadd.s32 $0x11800, s5  }
0x24: {  	s17 =	sadd.s32 $0x12000, s5;
	s18 =	sadd.s32 $0x12800, s5;
	s19 =	sadd.s32 $0x13000, s5  }
0x25: {  	s20 =	sadd.s32 $0x13800, s5;
	s21 =	simm.s32 $0xA800;
	s22 =	simm.s32 $0x2  }
0x26: {  	s23 =	simm.s32 $0x50;
	s24 =	simm.s32 $0x8000;
	s25 =	simm.s32 $0x1  }
0x27: {  	v0 =	vimm.f32 $0.0e+00;
	s26 =	simm.s32 $0x0;
	[dreg:$0x16] =	wrdreg s0;
	s0 =	sadd.s32 $0xB000, s5  }
.LBB2_1:
0x28: {  	s29 =	simm.s32 $0x0  }
0x29: {  	s28 =	sand.u32 $0x1E00, s29  }
0x2a: {  	s29 =	sand.u32 $0x70, s29;
	s30 =	sshrl.u32 s28, $0x2  }
0x2b: {  	s28 =	simm.s32 $0x40;
	s30 =	sor.u32 s29, s30;
	s29 =	simm.s32 $0x0  }
.LBB2_2:
0x2c: {  	p0 =	sne.s32 s28, $0x1FC0  }
0x2d: {  	[tilespmem:s30+$0xA800] =	vst v0;
	s29 =	sadd.s32 $0x10, s29;
	s30 =	smov.u32 s28;
	s28 =	sadd.s32 $0x40, s28  }
.Ltmp0:
0x2e: {  	(pc) =	sbr.rel @p0 .LBB2_2-.Ltmp0, $4  }
0x2f: {  	_ = 	snop  }
0x30: {  	s30 =	sand.u32 $0x1E00, s30  }
0x31: {  	s31 =	sand.u32 $0x70, s29;
	s30 =	sshrl.u32 s30, $0x2  }
0x32: {  	s30 =	sor.u32 s31, s30  }
0x33: {  	[tilespmem:s30+$0xA800] =	vst v0  }
0x34: {  	[spmem:s5] =	stream.linear.scatter [tilespmem:s21], [sflag:$0x2], $0x800, $0x38;
	[tilespmem:$0x1F000] =	vst v63  }
0x35: {  	_ =	swait.ge [sflag:s22], $0x800  }
0x36: {  	[sflag:s22] =	ssyncset.done $0x0  }
0x37: {  	s28 =	rddreg [dreg:$0x4];
	[sflag:s22] =	ssyncadd.s32 $0xFFFFF800  }
0x38: {  	[spmem:s28] =	stream.linear.scatter [tilespmem:s21], [sflag:$0x2], $0x800, $0x38;
	[tilespmem:$0x1F000] =	vst v63  }
0x39: {  	_ =	swait.ge [sflag:s22], $0x800  }
0x3a: {  	[sflag:s22] =	ssyncset.done $0x0  }
0x3b: {  	s28 =	rddreg [dreg:$0x5];
	[sflag:s22] =	ssyncadd.s32 $0xFFFFF800  }
0x3c: {  	[spmem:s28] =	stream.linear.scatter [tilespmem:s21], [sflag:$0x2], $0x800, $0x38;
	[tilespmem:$0x1F000] =	vst v63  }
0x3d: {  	_ =	swait.ge [sflag:s22], $0x800  }
0x3e: {  	[sflag:s22] =	ssyncset.done $0x0  }
0x3f: {  	s28 =	rddreg [dreg:$0x6];
	[sflag:s22] =	ssyncadd.s32 $0xFFFFF800  }
0x40: {  	[spmem:s28] =	stream.linear.scatter [tilespmem:s21], [sflag:$0x2], $0x800, $0x38;
	[tilespmem:$0x1F000] =	vst v63  }
0x41: {  	_ =	swait.ge [sflag:s22], $0x800  }
0x42: {  	[sflag:s22] =	ssyncset.done $0x0  }
0x43: {  	s28 =	rddreg [dreg:$0x7];
	[sflag:s22] =	ssyncadd.s32 $0xFFFFF800  }
0x44: {  	[spmem:s28] =	stream.linear.scatter [tilespmem:s21], [sflag:$0x2], $0x800, $0x38;
	[tilespmem:$0x1F000] =	vst v63  }
0x45: {  	_ =	swait.ge [sflag:s22], $0x800  }
0x46: {  	[sflag:s22] =	ssyncset.done $0x0  }
0x47: {  	s28 =	rddreg [dreg:$0x8];
	[sflag:s22] =	ssyncadd.s32 $0xFFFFF800  }
0x48: {  	[spmem:s28] =	stream.linear.scatter [tilespmem:s21], [sflag:$0x2], $0x800, $0x38;
	[tilespmem:$0x1F000] =	vst v63  }
0x49: {  	_ =	swait.ge [sflag:s22], $0x800  }
0x4a: {  	[sflag:s22] =	ssyncset.done $0x0  }
0x4b: {  	s28 =	rddreg [dreg:$0x9];
	[sflag:s22] =	ssyncadd.s32 $0xFFFFF800  }
0x4c: {  	[spmem:s28] =	stream.linear.scatter [tilespmem:s21], [sflag:$0x2], $0x800, $0x38;
	[tilespmem:$0x1F000] =	vst v63  }
0x4d: {  	_ =	swait.ge [sflag:s22], $0x800  }
0x4e: {  	[sflag:s22] =	ssyncset.done $0x0  }
0x4f: {  	s28 =	rddreg [dreg:$0xa];
	[sflag:s22] =	ssyncadd.s32 $0xFFFFF800  }
0x50: {  	[spmem:s28] =	stream.linear.scatter [tilespmem:s21], [sflag:$0x2], $0x800, $0x38;
	[tilespmem:$0x1F000] =	vst v63  }
0x51: {  	_ =	swait.ge [sflag:s22], $0x800  }
0x52: {  	[sflag:s22] =	ssyncset.done $0x0  }
0x53: {  	s28 =	rddreg [dreg:$0xb];
	[sflag:s22] =	ssyncadd.s32 $0xFFFFF800  }
0x54: {  	[spmem:s28] =	stream.linear.scatter [tilespmem:s21], [sflag:$0x2], $0x800, $0x38;
	[tilespmem:$0x1F000] =	vst v63  }
0x55: {  	_ =	swait.ge [sflag:s22], $0x800  }
0x56: {  	[sflag:s22] =	ssyncset.done $0x0  }
0x57: {  	s28 =	rddreg [dreg:$0xc];
	[sflag:s22] =	ssyncadd.s32 $0xFFFFF800  }
0x58: {  	[spmem:s28] =	stream.linear.scatter [tilespmem:s21], [sflag:$0x2], $0x800, $0x38;
	[tilespmem:$0x1F000] =	vst v63  }
0x59: {  	_ =	swait.ge [sflag:s22], $0x800  }
0x5a: {  	[sflag:s22] =	ssyncset.done $0x0  }
0x5b: {  	s28 =	rddreg [dreg:$0xd];
	[sflag:s22] =	ssyncadd.s32 $0xFFFFF800  }
0x5c: {  	[spmem:s28] =	stream.linear.scatter [tilespmem:s21], [sflag:$0x2], $0x800, $0x38;
	[tilespmem:$0x1F000] =	vst v63  }
0x5d: {  	_ =	swait.ge [sflag:s22], $0x800  }
0x5e: {  	[sflag:s22] =	ssyncset.done $0x0  }
0x5f: {  	s28 =	rddreg [dreg:$0xe];
	[sflag:s22] =	ssyncadd.s32 $0xFFFFF800  }
0x60: {  	[spmem:s28] =	stream.linear.scatter [tilespmem:s21], [sflag:$0x2], $0x800, $0x38;
	[tilespmem:$0x1F000] =	vst v63  }
0x61: {  	_ =	swait.ge [sflag:s22], $0x800  }
0x62: {  	[sflag:s22] =	ssyncset.done $0x0  }
0x63: {  	s28 =	rddreg [dreg:$0xf];
	[sflag:s22] =	ssyncadd.s32 $0xFFFFF800  }
0x64: {  	[spmem:s28] =	stream.linear.scatter [tilespmem:s21], [sflag:$0x2], $0x800, $0x38;
	[tilespmem:$0x1F000] =	vst v63  }
0x65: {  	_ =	swait.ge [sflag:s22], $0x800  }
0x66: {  	[sflag:s22] =	ssyncset.done $0x0  }
0x67: {  	s28 =	rddreg [dreg:$0x10];
	[sflag:s22] =	ssyncadd.s32 $0xFFFFF800  }
0x68: {  	[spmem:s28] =	stream.linear.scatter [tilespmem:s21], [sflag:$0x2], $0x800, $0x38;
	[tilespmem:$0x1F000] =	vst v63  }
0x69: {  	_ =	swait.ge [sflag:s22], $0x800  }
0x6a: {  	[sflag:s22] =	ssyncset.done $0x0  }
0x6b: {  	s28 =	rddreg [dreg:$0x11];
	[sflag:s22] =	ssyncadd.s32 $0xFFFFF800  }
0x6c: {  	[spmem:s28] =	stream.linear.scatter [tilespmem:s21], [sflag:$0x2], $0x800, $0x38;
	[tilespmem:$0x1F000] =	vst v63  }
0x6d: {  	_ =	swait.ge [sflag:s22], $0x800  }
0x6e: {  	[sflag:s22] =	ssyncset.done $0x0  }
0x6f: {  	s28 =	rddreg [dreg:$0x12];
	[sflag:s22] =	ssyncadd.s32 $0xFFFFF800  }
0x70: {  	[spmem:s28] =	stream.linear.scatter [tilespmem:s21], [sflag:$0x2], $0x800, $0x38;
	[tilespmem:$0x1F000] =	vst v63  }
0x71: {  	_ =	swait.ge [sflag:s22], $0x800  }
0x72: {  	[sflag:s22] =	ssyncset.done $0x0  }
0x73: {  	s28 =	rddreg [dreg:$0x13];
	[sflag:s22] =	ssyncadd.s32 $0xFFFFF800  }
0x74: {  	[spmem:s28] =	stream.linear.scatter [tilespmem:s21], [sflag:$0x2], $0x800, $0x38;
	[tilespmem:$0x1F000] =	vst v63  }
0x75: {  	_ =	swait.ge [sflag:s22], $0x800  }
0x76: {  	[sflag:s22] =	ssyncset.done $0x0  }
0x77: {  	s28 =	rddreg [dreg:$0x18];
	[sflag:s22] =	ssyncadd.s32 $0xFFFFF800  }
0x78: {  	[spmem:s28] =	stream.linear.scatter [tilespmem:s21], [sflag:$0x2], $0x800, $0x38;
	[tilespmem:$0x1F000] =	vst v63  }
0x79: {  	_ =	swait.ge [sflag:s22], $0x800  }
0x7a: {  	[sflag:s22] =	ssyncset.done $0x0  }
0x7b: {  	s28 =	rddreg [dreg:$0x19];
	[sflag:s22] =	ssyncadd.s32 $0xFFFFF800  }
0x7c: {  	[spmem:s28] =	stream.linear.scatter [tilespmem:s21], [sflag:$0x2], $0x800, $0x38;
	[tilespmem:$0x1F000] =	vst v63  }
0x7d: {  	_ =	swait.ge [sflag:s22], $0x800  }
0x7e: {  	[sflag:s22] =	ssyncset.done $0x0  }
0x7f: {  	s28 =	rddreg [dreg:$0x1a];
	[sflag:s22] =	ssyncadd.s32 $0xFFFFF800  }
0x80: {  	[spmem:s28] =	stream.linear.scatter [tilespmem:s21], [sflag:$0x2], $0x800, $0x38;
	[tilespmem:$0x1F000] =	vst v63  }
0x81: {  	_ =	swait.ge [sflag:s22], $0x800  }
0x82: {  	[sflag:s22] =	ssyncset.done $0x0  }
0x83: {  	s28 =	rddreg [dreg:$0x1b];
	[sflag:s22] =	ssyncadd.s32 $0xFFFFF800  }
0x84: {  	[spmem:s28] =	stream.linear.scatter [tilespmem:s21], [sflag:$0x2], $0x800, $0x38;
	[tilespmem:$0x1F000] =	vst v63  }
0x85: {  	_ =	swait.ge [sflag:s22], $0x800  }
0x86: {  	[sflag:s22] =	ssyncset.done $0x0  }
0x87: {  	s28 =	rddreg [dreg:$0x1c];
	[sflag:s22] =	ssyncadd.s32 $0xFFFFF800  }
0x88: {  	[spmem:s28] =	stream.linear.scatter [tilespmem:s21], [sflag:$0x2], $0x800, $0x38;
	[tilespmem:$0x1F000] =	vst v63  }
0x89: {  	_ =	swait.ge [sflag:s22], $0x800  }
0x8a: {  	[sflag:s22] =	ssyncset.done $0x0  }
0x8b: {  	[sflag:s22] =	ssyncadd.s32 $0xFFFFF800  }
0x8c: {  	[spmem:s0] =	stream.linear.scatter [tilespmem:s21], [sflag:$0x2], $0x800, $0x38;
	[tilespmem:$0x1F000] =	vst v63  }
0x8d: {  	_ =	swait.ge [sflag:s22], $0x800  }
0x8e: {  	[sflag:s22] =	ssyncset.done $0x0  }
0x8f: {  	[sflag:s22] =	ssyncadd.s32 $0xFFFFF800  }
0x90: {  	[spmem:s2] =	stream.linear.scatter [tilespmem:s21], [sflag:$0x2], $0x800, $0x38;
	[tilespmem:$0x1F000] =	vst v63  }
0x91: {  	_ =	swait.ge [sflag:s22], $0x800  }
0x92: {  	[sflag:s22] =	ssyncset.done $0x0  }
0x93: {  	[sflag:s22] =	ssyncadd.s32 $0xFFFFF800  }
0x94: {  	[spmem:s4] =	stream.linear.scatter [tilespmem:s21], [sflag:$0x2], $0x800, $0x38;
	[tilespmem:$0x1F000] =	vst v63  }
0x95: {  	_ =	swait.ge [sflag:s22], $0x800  }
0x96: {  	[sflag:s22] =	ssyncset.done $0x0  }
0x97: {  	[sflag:s22] =	ssyncadd.s32 $0xFFFFF800  }
0x98: {  	[spmem:s6] =	stream.linear.scatter [tilespmem:s21], [sflag:$0x2], $0x800, $0x38;
	[tilespmem:$0x1F000] =	vst v63  }
0x99: {  	_ =	swait.ge [sflag:s22], $0x800  }
0x9a: {  	[sflag:s22] =	ssyncset.done $0x0  }
0x9b: {  	[sflag:s22] =	ssyncadd.s32 $0xFFFFF800  }
0x9c: {  	[spmem:s7] =	stream.linear.scatter [tilespmem:s21], [sflag:$0x2], $0x800, $0x38;
	[tilespmem:$0x1F000] =	vst v63  }
0x9d: {  	_ =	swait.ge [sflag:s22], $0x800  }
0x9e: {  	[sflag:s22] =	ssyncset.done $0x0  }
0x9f: {  	[sflag:s22] =	ssyncadd.s32 $0xFFFFF800  }
0xa0: {  	[spmem:s8] =	stream.linear.scatter [tilespmem:s21], [sflag:$0x2], $0x800, $0x38;
	[tilespmem:$0x1F000] =	vst v63  }
0xa1: {  	_ =	swait.ge [sflag:s22], $0x800  }
0xa2: {  	[sflag:s22] =	ssyncset.done $0x0  }
0xa3: {  	[sflag:s22] =	ssyncadd.s32 $0xFFFFF800  }
0xa4: {  	[spmem:s9] =	stream.linear.scatter [tilespmem:s21], [sflag:$0x2], $0x800, $0x38;
	[tilespmem:$0x1F000] =	vst v63  }
0xa5: {  	_ =	swait.ge [sflag:s22], $0x800  }
0xa6: {  	[sflag:s22] =	ssyncset.done $0x0  }
0xa7: {  	[sflag:s22] =	ssyncadd.s32 $0xFFFFF800  }
0xa8: {  	[spmem:s10] =	stream.linear.scatter [tilespmem:s21], [sflag:$0x2], $0x800, $0x38;
	[tilespmem:$0x1F000] =	vst v63  }
0xa9: {  	_ =	swait.ge [sflag:s22], $0x800  }
0xaa: {  	[sflag:s22] =	ssyncset.done $0x0  }
0xab: {  	[sflag:s22] =	ssyncadd.s32 $0xFFFFF800  }
0xac: {  	[spmem:s11] =	stream.linear.scatter [tilespmem:s21], [sflag:$0x2], $0x800, $0x38;
	[tilespmem:$0x1F000] =	vst v63  }
0xad: {  	_ =	swait.ge [sflag:s22], $0x800  }
0xae: {  	[sflag:s22] =	ssyncset.done $0x0  }
0xaf: {  	[sflag:s22] =	ssyncadd.s32 $0xFFFFF800  }
0xb0: {  	[spmem:s12] =	stream.linear.scatter [tilespmem:s21], [sflag:$0x2], $0x800, $0x38;
	[tilespmem:$0x1F000] =	vst v63  }
0xb1: {  	_ =	swait.ge [sflag:s22], $0x800  }
0xb2: {  	[sflag:s22] =	ssyncset.done $0x0  }
0xb3: {  	[sflag:s22] =	ssyncadd.s32 $0xFFFFF800  }
0xb4: {  	[spmem:s13] =	stream.linear.scatter [tilespmem:s21], [sflag:$0x2], $0x800, $0x38;
	[tilespmem:$0x1F000] =	vst v63  }
0xb5: {  	_ =	swait.ge [sflag:s22], $0x800  }
0xb6: {  	[sflag:s22] =	ssyncset.done $0x0  }
0xb7: {  	[sflag:s22] =	ssyncadd.s32 $0xFFFFF800  }
0xb8: {  	[spmem:s14] =	stream.linear.scatter [tilespmem:s21], [sflag:$0x2], $0x800, $0x38;
	[tilespmem:$0x1F000] =	vst v63  }
0xb9: {  	_ =	swait.ge [sflag:s22], $0x800  }
0xba: {  	[sflag:s22] =	ssyncset.done $0x0  }
0xbb: {  	[sflag:s22] =	ssyncadd.s32 $0xFFFFF800  }
0xbc: {  	[spmem:s15] =	stream.linear.scatter [tilespmem:s21], [sflag:$0x2], $0x800, $0x38;
	[tilespmem:$0x1F000] =	vst v63  }
0xbd: {  	_ =	swait.ge [sflag:s22], $0x800  }
0xbe: {  	[sflag:s22] =	ssyncset.done $0x0  }
0xbf: {  	[sflag:s22] =	ssyncadd.s32 $0xFFFFF800  }
0xc0: {  	[spmem:s16] =	stream.linear.scatter [tilespmem:s21], [sflag:$0x2], $0x800, $0x38;
	[tilespmem:$0x1F000] =	vst v63  }
0xc1: {  	_ =	swait.ge [sflag:s22], $0x800  }
0xc2: {  	[sflag:s22] =	ssyncset.done $0x0  }
0xc3: {  	[sflag:s22] =	ssyncadd.s32 $0xFFFFF800  }
0xc4: {  	[spmem:s17] =	stream.linear.scatter [tilespmem:s21], [sflag:$0x2], $0x800, $0x38;
	[tilespmem:$0x1F000] =	vst v63  }
0xc5: {  	_ =	swait.ge [sflag:s22], $0x800  }
0xc6: {  	[sflag:s22] =	ssyncset.done $0x0  }
0xc7: {  	[sflag:s22] =	ssyncadd.s32 $0xFFFFF800  }
0xc8: {  	[spmem:s18] =	stream.linear.scatter [tilespmem:s21], [sflag:$0x2], $0x800, $0x38;
	[tilespmem:$0x1F000] =	vst v63  }
0xc9: {  	_ =	swait.ge [sflag:s22], $0x800  }
0xca: {  	[sflag:s22] =	ssyncset.done $0x0  }
0xcb: {  	[sflag:s22] =	ssyncadd.s32 $0xFFFFF800  }
0xcc: {  	[spmem:s19] =	stream.linear.scatter [tilespmem:s21], [sflag:$0x2], $0x800, $0x38;
	[tilespmem:$0x1F000] =	vst v63  }
0xcd: {  	_ =	swait.ge [sflag:s22], $0x800  }
0xce: {  	[sflag:s22] =	ssyncset.done $0x0  }
0xcf: {  	[sflag:s22] =	ssyncadd.s32 $0xFFFFF800  }
0xd0: {  	[spmem:s20] =	stream.linear.scatter [tilespmem:s21], [sflag:$0x2], $0x800, $0x38;
	[tilespmem:$0x1F000] =	vst v63  }
0xd1: {  	_ =	swait.ge [sflag:s22], $0x800  }
0xd2: {  	[sflag:s22] =	ssyncset.done $0x0  }
0xd3: {  	[sflag:s22] =	ssyncadd.s32 $0xFFFFF800  }
0xd4: {  	[bflag:$0x0] =	sbarrier.arrive $0xFFFF  }
0xd5: {  	s28 =	simm.s32 $0x0;
	s29 =	rddreg [dreg:$0x14]  }
0xd6: {  	[tilespmem:s28], [sflag:$0x2] =	stream.linear.gather [hbm4b:s29+s28], $0x3E80, $0x38;
	[tilespmem:$0x1F000] =	vst v63  }
0xd7: {  	_ =	swait.ge [sflag:s22], $0x3E80  }
0xd8: {  	[sflag:s22] =	ssyncset.done $0x0  }
0xd9: {  	s31 =	simm.s32 $0x4000;
	s29 =	rddreg [dreg:$0x15];
	[sflag:s22] =	ssyncadd.s32 $0xFFFFC180  }
0xda: {  	[tilespmem:s31], [sflag:$0x2] =	stream.linear.gather [hbm4b:s29+s28], $0x3E80, $0x38;
	[tilespmem:$0x1F000] =	vst v63  }
0xdb: {  	_ =	swait.ge [sflag:s22], $0x3E80  }
0xdc: {  	[sflag:s22] =	ssyncset.done $0x0  }
0xdd: {  	s28 =	simm.s32 $0x0;
	[sflag:s22] =	ssyncadd.s32 $0xFFFFC180  }
0xde: {  	[tilespmem:s24], [sflag:$0x1] =	stream.indirect.gather [hbm4b:s1+s23], $0x80, s28, s23, $0xb8;
	[tilespmem:$0x1F000] =	vst v63  }
0xdf: {  	_ =	swait.ge [sflag:s25], $0x2800  }
0xe0: {  	[sflag:s25] =	ssyncset.done $0x0  }
0xe1: {  	s28 =	simm.s32 $0x4000;
	[sflag:s25] =	ssyncadd.s32 $0xFFFFD800  }
0xe2: {  	[spmem:s3] =	stream.indirect.scatter.add.f32 [tilespmem:s24], [sflag:$0x2], $0x80, s28, s23, $0xb8;
	[tilespmem:$0x1F000] =	vst v63  }
0xe3: {  	_ =	swait.ge [sflag:s22], $0x2800  }
0xe4: {  	s29 =	simm.s32 $0x400;
	s28 =	simm.s32 $0x200;
	[sflag:s22] =	ssyncset.done $0x0  }
.LBB2_4:
0xe5: {  	s30 =	sshra.s32 s28, $0x2  }
0xe6: {  	[sflag:s22] =	ssyncadd.s32 $0xFFFFD800;
	s28 =	smov.u32 s29;
	s31 =	sadd.s32 $0x200, s29  }
0xe7: {  	[tilespmem:s24], [sflag:$0x1] =	stream.indirect.gather [hbm4b:s1+s23], $0x80, s30, s23, $0xb8;
	[tilespmem:$0x1F000] =	vst v63  }
0xe8: {  	p0 =	sne.s32 s29, $0xF800;
	_ =	swait.ge [sflag:s25], $0x2800  }
.Ltmp1:
0xe9: {  	[sflag:s25] =	ssyncset.done $0x0;
	(pc) =	sbr.rel @p0 .LBB2_4-.Ltmp1, $4  }
0xea: {  	s29 =	sadd.s32 $0x4000, s30;
	[sflag:s25] =	ssyncadd.s32 $0xFFFFD800  }
0xeb: {  	[spmem:s3] =	stream.indirect.scatter.add.f32 [tilespmem:s24], [sflag:$0x2], $0x80, s29, s23, $0xb8;
	[tilespmem:$0x1F000] =	vst v63  }
0xec: {  	_ =	swait.ge [sflag:s22], $0x2800  }
0xed: {  	s29 =	smov.u32 s31;
	[sflag:s22] =	ssyncset.done $0x0  }
0xee: {  	s28 =	sshra.s32 s28, $0x2;
	[sflag:s22] =	ssyncadd.s32 $0xFFFFD800  }
0xef: {  	[tilespmem:s24], [sflag:$0x1] =	stream.indirect.gather [hbm4b:s1+s23], $0x80, s28, s23, $0xb8;
	[tilespmem:$0x1F000] =	vst v63  }
0xf0: {  	_ =	swait.ge [sflag:s25], $0x2800  }
0xf1: {  	[sflag:s25] =	ssyncset.done $0x0  }
0xf2: {  	s28 =	sadd.s32 $0x4000, s28;
	[sflag:s25] =	ssyncadd.s32 $0xFFFFD800  }
0xf3: {  	[spmem:s3] =	stream.indirect.scatter.add.f32 [tilespmem:s24], [sflag:$0x2], $0x80, s28, s23, $0xb8;
	[tilespmem:$0x1F000] =	vst v63  }
0xf4: {  	_ =	swait.ge [sflag:s22], $0x2800  }
0xf5: {  	[sflag:s22] =	ssyncset.done $0x0  }
0xf6: {  	s30 =	stileid.u32;
	[sflag:s22] =	ssyncadd.s32 $0xFFFFD800  }
0xf7: {  	s28 =	sshll.u32 s30, $0x6;
	[bflag:$0x0] =	sbarrier.arrive $0xFFFF  }
0xf8: {  	s29 =	sshrl.u32 s5, $0x3;
	s28 =	sor.u32 $0x1C02, s28;
	s30 =	rddreg [dreg:$0x16]  }
0xf9: {  	[hbm:s30], [sflag:s28] =	dma.local [spmem:s29], $0x2800  }
0xfa: {  	_ =	swait.ge [sflag:s22], $0x2800  }
0xfb: {  	s26 =	sadd.s32 $0x1, s26;
	s31 =	rddreg [dreg:$0x17]  }
0xfc: {  	p0 =	sne.s32 s26, s31  }
.Ltmp2:
0xfd: {  	_ = 	snop;
	(pc) =	sbr.rel @p0 .LBB2_1-.Ltmp2, $3  }
0xfe: {  	_ =	sdelay $0x1  }
0xff: {  	[sflag:s22] =	ssyncset.done $0x0  }
0x100: {  	[sflag:s22] =	ssyncadd.s32 $0xFFFFD800  }
0x101: {  	_ =	sfence.sel $0x180000  }
0x102: {  	[bflag:$0x0] =	sbarrier.arrive $0xFFFF  }
0x103: {  	_ =	strace $0x90000047  }
0x104: {  	s0 =	stileid.u32;
	[bflag:$0x2] =	sbarrier.arrive $0xFFFF  }
0x105: {  	p0 =	sne.s32 s0, $0x0;
	s0 =	rddreg [dreg:$0x3]  }
0x106: {  	s0 =	sadd.s32 @!p0 $0x100000, s0  }
0x107: {  	[sflag:s0] =	ssyncadd.tile.s32 @!p0 $0x1;
	_ =	shalt  }
.Lfunc_end2:
_tile_overlayer_lowered:
.L_overlay_start_2:
0x108: {  	(tag) =	ssettag $0x2  }
0x109: {  	s0 =	rddreg [dreg:$0x0];
	s2 =	stileid.u32  }
0x10a: {  	s1 =	rddreg [dreg:$0x1];
	p0 =	sne.s32 s2, $0x0  }
0x10b: {  	s3 =	rddreg [dreg:$0x2];
	[bflag:$0x3] =	sbarrier.arrive $0xFFFF;
	s2 =	simm.s32 @!p0 $0x1C02  }
0x10c: {  	[timem:s3], [sflag:s2] =	dma.local @!p0 [hbm:s0], s1  }
0x10d: {  	s0 =	simm.s32 @!p0 $0x2  }
0x10e: {  	_ =	swait.ge @!p0 [sflag:s0], s1  }
0x10f: {  	s1 =	ssub.s32 @!p0 $0x0, s1;
	[sflag:s0] =	ssyncset.done @!p0 $0x0  }
0x110: {  	[sflag:s0] =	ssyncadd.s32 @!p0 s1  }
0x111: {  	[bflag:$0x3] =	sbarrier.arrive $0xFFFF  }
0x112: {  	_ =	shalt  }

</sc_bundles>
